<compile_context>
chip_gen: v7x
topology: tpu7x:2x2x1
jax: 0.10.2.dev20260603
libtpu: 0.0.44.dev20260713+nightly
codegen_flags: <defaults>
</compile_context>

<pallas_src>
import functools

import jax
import jax.numpy as jnp
from jax import lax
from jax.experimental import pallas as pl
from jax.experimental.pallas import tpu as pltpu
from jax.experimental.pallas import tpu_sc as plsc

S, D, E, K, H = 2048, 768, 8, 2, 3072
BLK = 256
NBLK = S * K // BLK + E
NPAD = NBLK * BLK
NW = 32
TPW = S // NW

_NEG_INF = float("-inf")


def _routing_kernel(x_ref, gw_ref, noise_ref, w0_ref, w1_ref, pos0_ref,
                    pos1_ref, be_ref, nb_ref):
    logits = jax.lax.dot_general(
        x_ref[...], gw_ref[...],
        dimension_numbers=(((1,), (1,)), ((), ())),
        preferred_element_type=jnp.float32,
    )
    ln = logits + noise_ref[...]
    iota_e = lax.broadcasted_iota(jnp.int32, (S, E), 1)
    m0 = jnp.max(ln, axis=1, keepdims=True)
    e0 = jnp.min(jnp.where(ln == m0, iota_e, E), axis=1, keepdims=True)
    sel0 = iota_e == e0
    ln1 = jnp.where(sel0, _NEG_INF, ln)
    m1 = jnp.max(ln1, axis=1, keepdims=True)
    e1 = jnp.min(jnp.where(ln1 == m1, iota_e, E), axis=1, keepdims=True)
    sel1 = iota_e == e1
    t = jnp.exp(m1 - m0)
    w0_ref[...] = 1.0 / (1.0 + t)
    w1_ref[...] = t / (1.0 + t)

    mask = jnp.where(sel0 | sel1, 1.0, 0.0)
    r_iota = lax.broadcasted_iota(jnp.int32, (S, S), 0)
    c_iota = lax.broadcasted_iota(jnp.int32, (S, S), 1)
    slt = jnp.where(c_iota < r_iota, 1.0, 0.0)
    ranks = jax.lax.dot_general(
        slt, mask, (((1,), (0,)), ((), ())),
        preferred_element_type=jnp.float32)
    counts = jnp.sum(mask, axis=0, keepdims=True)
    ci = counts.astype(jnp.int32)
    pci = ((ci + (BLK - 1)) // BLK) * BLK
    ei = lax.broadcasted_iota(jnp.int32, (E, E), 0)
    ej = lax.broadcasted_iota(jnp.int32, (E, E), 1)
    ltE = jnp.where(ei < ej, 1.0, 0.0)
    po = jax.lax.dot_general(
        pci.astype(jnp.float32), ltE, (((1,), (0,)), ((), ())),
        preferred_element_type=jnp.float32)
    pos0f = jnp.sum(jnp.where(sel0, po + ranks, 0.0), axis=1, keepdims=True)
    pos1f = jnp.sum(jnp.where(sel1, po + ranks, 0.0), axis=1, keepdims=True)
    pos0_ref[...] = pos0f.astype(jnp.int32)
    pos1_ref[...] = pos1f.astype(jnp.int32)

    nb = jnp.sum(pci, axis=1, keepdims=True) // BLK
    nb_ref[...] = nb
    bidx = lax.broadcasted_iota(jnp.int32, (NBLK, 1), 0)
    bclamp = jnp.minimum(bidx, nb - 1)
    start_row = (bclamp * BLK).astype(jnp.float32)
    po_b = jnp.broadcast_to(po, (NBLK, E))
    be = jnp.sum(jnp.where(po_b <= start_row, 1, 0), axis=1,
                 keepdims=True) - 1
    be_ref[...] = be.astype(jnp.int32)


RPW = NPAD // NW
GCH = RPW // 3


TPS = S // 16


def _sc_dispatch_kernel(x_hbm, pos0_hbm, pos1_hbm, w0_hbm, w1_hbm,
                        xg_hbm, wg_hbm,
                        p0v, p1v, idv, wav, tv, wgv, xv0, xv1,
                        tokspm, wgspm, sem0, sem1):
    c_id = lax.axis_index("c")
    s_id = lax.axis_index("s")
    tbase = s_id * TPS
    pltpu.sync_copy(pos0_hbm.at[pl.ds(tbase, TPS)], p0v)
    pltpu.sync_copy(pos1_hbm.at[pl.ds(tbase, TPS)], p1v)
    for c in range(TPS // 16):
        idv[pl.ds(c * 16, 16)] = (
            lax.broadcasted_iota(jnp.int32, (16,), 0) + (tbase + c * 16))
    pltpu.sync_copy(idv, tokspm.at[p0v])
    pltpu.sync_copy(idv, tokspm.at[p1v])
    pltpu.sync_copy(w0_hbm.at[pl.ds(tbase, TPS)], wav)
    pltpu.sync_copy(wav, wgspm.at[p0v])
    pltpu.sync_copy(w1_hbm.at[pl.ds(tbase, TPS)], wav)
    pltpu.sync_copy(wav, wgspm.at[p1v])
    plsc.subcore_barrier()
    wid = s_id * 2 + c_id
    rbase = wid * RPW
    pltpu.sync_copy(tokspm.at[pl.ds(rbase, RPW)], tv)
    pltpu.sync_copy(wgspm.at[pl.ds(rbase, RPW)], wgv)
    pltpu.sync_copy(wgv, wg_hbm.at[pl.ds(rbase, RPW)])
    for c in range(RPW // 16):
        sl = pl.ds(c * 16, 16)
        tv[sl] = jnp.bitwise_and(tv[sl], S - 1)
    cp0 = pltpu.async_copy(x_hbm.at[tv.at[pl.ds(0, GCH)]], xv0, sem0)
    cp1 = pltpu.async_copy(x_hbm.at[tv.at[pl.ds(GCH, GCH)]], xv1, sem1)
    cp0.wait()
    pltpu.sync_copy(xv0, xg_hbm.at[pl.ds(rbase, GCH)])
    cp2 = pltpu.async_copy(x_hbm.at[tv.at[pl.ds(2 * GCH, GCH)]], xv0, sem0)
    cp1.wait()
    pltpu.sync_copy(xv1, xg_hbm.at[pl.ds(rbase + GCH, GCH)])
    cp2.wait()
    pltpu.sync_copy(xv0, xg_hbm.at[pl.ds(rbase + 2 * GCH, GCH)])


HH = H // 2


def _ffn_kernel(be_ref, nb_ref, xg_ref, wg_ref, W1_ref, b1_ref, W2_ref,
                b2_ref, Wp_ref, bp_ref, yg_ref):
    hf = pl.program_id(0)
    b = pl.program_id(1)
    changed = jnp.logical_or(
        b == 0, be_ref[b] != be_ref[jnp.maximum(b - 1, 0)])
    del changed
    active = b < nb_ref[0]

    @pl.when(active)
    def _():
        xb = xg_ref[...]
        h1 = jax.lax.dot_general(
            xb, W1_ref[0], (((1,), (1,)), ((), ())),
            preferred_element_type=jnp.float32) + b1_ref[0]
        h2 = jax.lax.dot_general(
            xb, W2_ref[0], (((1,), (1,)), ((), ())),
            preferred_element_type=jnp.float32) + b2_ref[0]
        h = h1 * (h2 * jax.nn.sigmoid(h2))
        y = jax.lax.dot_general(
            h, Wp_ref[0], (((1,), (1,)), ((), ())),
            preferred_element_type=jnp.float32)
        y = y + jnp.where(hf == 0, 1.0, 0.0) * bp_ref[0]
        yg_ref[0] = y * wg_ref[...]


def _sc_combine_kernel(yg_hbm, pos0_hbm, pos1_hbm, out_hbm,
                       p0v, p1v, y0v, y1v, sem0, sem1):
    wid = lax.axis_index("s") * 2 + lax.axis_index("c")
    base = wid * TPW
    pltpu.sync_copy(pos0_hbm.at[pl.ds(base, TPW)], p0v)
    pltpu.sync_copy(pos1_hbm.at[pl.ds(base, TPW)], p1v)

    def _acc(r, carry):
        for c in range(D // 16):
            sl = pl.ds(c * 16, 16)
            y0v[r, sl] = y0v[r, sl] + y1v[r, sl]
        return carry

    cp0 = pltpu.async_copy(yg_hbm.at[p0v], y0v, sem0)
    cp1 = pltpu.async_copy(yg_hbm.at[p1v], y1v, sem1)
    cp0.wait()
    cp1.wait()
    lax.fori_loop(0, TPW, _acc, 0)
    for c in range(TPW // 16):
        sl = pl.ds(c * 16, 16)
        p0v[sl] = p0v[sl] + NPAD
        p1v[sl] = p1v[sl] + NPAD
    cp0 = pltpu.async_copy(yg_hbm.at[p0v], y1v, sem0)
    cp0.wait()
    lax.fori_loop(0, TPW, _acc, 0)
    cp1 = pltpu.async_copy(yg_hbm.at[p1v], y1v, sem1)
    cp1.wait()
    lax.fori_loop(0, TPW, _acc, 0)
    pltpu.sync_copy(y0v, out_hbm.at[pl.ds(base, TPW)])


@functools.lru_cache(maxsize=None)
def _sc_kernels():
    mesh = plsc.VectorSubcoreMesh(core_axis_name="c", subcore_axis_name="s")
    dispatch = pl.kernel(
        _sc_dispatch_kernel,
        out_type=[
            jax.ShapeDtypeStruct((NPAD, D), jnp.float32),
            jax.ShapeDtypeStruct((NPAD,), jnp.float32),
        ],
        mesh=mesh,
        scratch_types=[
            pltpu.VMEM((TPS,), jnp.int32),
            pltpu.VMEM((TPS,), jnp.int32),
            pltpu.VMEM((TPS,), jnp.int32),
            pltpu.VMEM((TPS,), jnp.float32),
            pltpu.VMEM((RPW,), jnp.int32),
            pltpu.VMEM((RPW,), jnp.float32),
            pltpu.VMEM((GCH, D), jnp.float32),
            pltpu.VMEM((GCH, D), jnp.float32),
            pltpu.VMEM_SHARED((NPAD,), jnp.int32),
            pltpu.VMEM_SHARED((NPAD,), jnp.float32),
            pltpu.SemaphoreType.DMA,
            pltpu.SemaphoreType.DMA,
        ],
    )
    combine = pl.kernel(
        _sc_combine_kernel,
        out_type=jax.ShapeDtypeStruct((S, D), jnp.float32),
        mesh=mesh,
        scratch_types=[
            pltpu.VMEM((TPW,), jnp.int32),
            pltpu.VMEM((TPW,), jnp.int32),
            pltpu.VMEM((TPW, D), jnp.float32),
            pltpu.VMEM((TPW, D), jnp.float32),
            pltpu.SemaphoreType.DMA,
            pltpu.SemaphoreType.DMA,
        ],
    )
    return dispatch, combine


@jax.jit
def kernel(x, gate_w, noise_w, W1, b1, W2, b2, Wp, bp):
    x_flat = x.reshape(S, D)
    noise_unit = jax.random.normal(jax.random.key(1), (1, S, E),
                                   dtype=jnp.float32)
    noise = (noise_unit * noise_w).reshape(S, E)

    w0, w1, pos0, pos1, be, nb = pl.pallas_call(
        _routing_kernel,
        out_shape=[
            jax.ShapeDtypeStruct((S, 1), jnp.float32),
            jax.ShapeDtypeStruct((S, 1), jnp.float32),
            jax.ShapeDtypeStruct((S, 1), jnp.int32),
            jax.ShapeDtypeStruct((S, 1), jnp.int32),
            jax.ShapeDtypeStruct((NBLK, 1), jnp.int32),
            jax.ShapeDtypeStruct((1, 1), jnp.int32),
        ],
    )(x_flat, gate_w, noise)

    pos0_f = pos0.reshape(S)
    pos1_f = pos1.reshape(S)
    sc_dispatch, sc_combine = _sc_kernels()
    xg, wg = sc_dispatch(x_flat, pos0_f, pos1_f, w0.reshape(S), w1.reshape(S))

    b1r = b1.reshape(E, 1, H)
    b2r = b2.reshape(E, 1, H)
    bpr = bp.reshape(E, 1, D)

    yg = pl.pallas_call(
        _ffn_kernel,
        grid_spec=pltpu.PrefetchScalarGridSpec(
            num_scalar_prefetch=2,
            grid=(2, NBLK),
            in_specs=[
                pl.BlockSpec((BLK, D), lambda h, b, be, nb: (b, 0)),
                pl.BlockSpec((BLK, 1), lambda h, b, be, nb: (b, 0)),
                pl.BlockSpec((1, HH, D), lambda h, b, be, nb: (be[b], h, 0)),
                pl.BlockSpec((1, 1, HH), lambda h, b, be, nb: (be[b], 0, h)),
                pl.BlockSpec((1, HH, D), lambda h, b, be, nb: (be[b], h, 0)),
                pl.BlockSpec((1, 1, HH), lambda h, b, be, nb: (be[b], 0, h)),
                pl.BlockSpec((1, D, HH), lambda h, b, be, nb: (be[b], 0, h)),
                pl.BlockSpec((1, 1, D), lambda h, b, be, nb: (be[b], 0, 0)),
            ],
            out_specs=pl.BlockSpec((1, BLK, D), lambda h, b, be, nb: (h, b, 0)),
        ),
        out_shape=jax.ShapeDtypeStruct((2, NPAD, D), jnp.float32),
    )(be.reshape(NBLK), nb.reshape(1), xg, wg.reshape(NPAD, 1), W1, b1r,
      W2, b2r, Wp, bpr)

    out = sc_combine(yg.reshape(2 * NPAD, D), pos0_f, pos1_f)
    return out.reshape(1, S, D)

# --- scband reference (transcript-rebuilt; emitter-appended) ---
"""Pipeline reference for scband-mo-e-35184372088964 (READ-ONLY COPY).

The authoritative reference and input builder live on the scoring server;
editing this copy changes nothing except your own understanding.
"""

import jax, jax.numpy as jnp
import numpy as np

B, S, D, E, K, H = 1, 2048, 768, 8, 2, 3072


def setup_inputs(seed: int = 0) -> dict:
    key = jax.random.key(seed)
    ks = jax.random.split(key, 8)
    x = jax.random.normal(ks[0], (B, S, D), dtype=jnp.float32)
    gate_w = jax.random.normal(ks[1], (E, D), dtype=jnp.float32) * (1.0 / np.sqrt(D))
    noise_w = jnp.zeros((E,), dtype=jnp.float32)
    W1 = jax.random.normal(ks[2], (E, H, D), dtype=jnp.float32) * 0.02
    b1 = jnp.zeros((E, H), dtype=jnp.float32)
    W2 = jax.random.normal(ks[3], (E, H, D), dtype=jnp.float32) * 0.02
    b2 = jnp.zeros((E, H), dtype=jnp.float32)
    Wp = jax.random.normal(ks[4], (E, D, H), dtype=jnp.float32) * 0.02
    bp = jnp.zeros((E, D), dtype=jnp.float32)
    return {"x": x, "gate_w": gate_w, "noise_w": noise_w, "W1": W1, "b1": b1, "W2": W2, "b2": b2, "Wp": Wp, "bp": bp}


def reference(x, gate_w, noise_w, W1, b1, W2, b2, Wp, bp):
    # TopKMoEGate: noisy top-k gating (noise_weight initialized to zeros -> deterministic)
    logits = jnp.einsum('bsd,ed->bse', x, gate_w)
    noise_unit = jax.random.normal(jax.random.key(1), logits.shape, dtype=jnp.float32)
    ln = logits + noise_unit * 1.0 * noise_w
    top_v, top_i = jax.lax.top_k(ln, K)
    # scatter top-k logits into -inf tensor, then softmax -> sparse gate probs
    sel_mask = jax.nn.one_hot(top_i, E, dtype=jnp.float32).sum(axis=-2) > 0
    sparse_logits = jnp.where(sel_mask, ln, -jnp.inf)
    probs = jax.nn.softmax(sparse_logits, axis=-1)

    x_flat = x.reshape(-1, D)
    probs_flat = probs.reshape(-1, E)
    mask_flat = sel_mask.reshape(-1, E)
    out = jnp.zeros_like(x_flat)
    for e in range(E):
        # ExpertMoESwiglu: ln_1(x) * silu(ln_2(x)) -> c_proj
        h = (x_flat @ W1[e].T + b1[e]) * jax.nn.silu(x_flat @ W2[e].T + b2[e])
        eo = h @ Wp[e].T + bp[e]
        w = jnp.where(mask_flat[:, e], probs_flat[:, e], 0.0)
        out = out + w[:, None] * eo
    return out.reshape(B, S, D)

if __name__ == "__main__":
    import jax
    _d = setup_inputs()
    print(jax.jit(kernel)(*tuple(_d.values())))

</pallas_src>

<mosaic_0001>
#map = affine_map<(d0, d1) -> (0, 0)>
#map1 = affine_map<(d0, d1) -> (0)>
module attributes {stable_mosaic.version = 14 : i64} {
  func.func @_sc_dispatch_kernel(%arg0: i32, %arg1: i32, %arg2: memref<2048x768xf32, #tpu.memory_space<hbm>>, %arg3: memref<2048xi32, #tpu.memory_space<hbm>>, %arg4: memref<2048xi32, #tpu.memory_space<hbm>>, %arg5: memref<2048xf32, #tpu.memory_space<hbm>>, %arg6: memref<2048xf32, #tpu.memory_space<hbm>>, %arg7: memref<6144x768xf32, #tpu.memory_space<hbm>>, %arg8: memref<6144xf32, #tpu.memory_space<hbm>>, %arg9: memref<128xi32, #tpu.memory_space<vmem>>, %arg10: memref<128xi32, #tpu.memory_space<vmem>>, %arg11: memref<128xi32, #tpu.memory_space<vmem>>, %arg12: memref<128xf32, #tpu.memory_space<vmem>>, %arg13: memref<192xi32, #tpu.memory_space<vmem>>, %arg14: memref<192xf32, #tpu.memory_space<vmem>>, %arg15: memref<64x768xf32, #tpu.memory_space<vmem>>, %arg16: memref<64x768xf32, #tpu.memory_space<vmem>>, %arg17: memref<6144xi32, #tpu.memory_space<vmem_shared>>, %arg18: memref<6144xf32, #tpu.memory_space<vmem_shared>>, %arg19: memref<!tpu.dma_semaphore, #tpu.memory_space<semaphore_mem>>, %arg20: memref<!tpu.dma_semaphore, #tpu.memory_space<semaphore_mem>>) attributes {dimension_semantics = [#tpu.dimension_semantics<core_parallel>, #tpu.dimension_semantics<subcore_parallel>], iteration_bounds = array<i64: 2, 16>, scalar_prefetch = 0 : i64, scratch_operands = 12 : i64, tpu.core_type = #tpu.core_type<sc_vector_subcore>, window_params = [{transform_indices = #map}, {transform_indices = #map1}, {transform_indices = #map1}, {transform_indices = #map1}, {transform_indices = #map1}, {transform_indices = #map}, {transform_indices = #map1}]} {
    %mul3A = arith.constant 128 : i32
    %mul3A_0 = arith.muli %arg1, %mul3A : i32
    "tpu.region"() ({
      %run_scoped3A = tpu.sem_alloc : memref<!tpu.dma_semaphore, #tpu.memory_space<semaphore_mem>>
      %dma_start3A_225 = tpu.memref_slice %arg3[%mul3A_0] : memref<2048xi32, #tpu.memory_space<hbm>> -> memref<128xi32, #tpu.memory_space<hbm>>
      %dma_start3A_226 = tpu.memref_slice %arg3[%mul3A_0] : memref<2048xi32, #tpu.memory_space<hbm>> -> memref<128xi32, #tpu.memory_space<hbm>>
      tpu.enqueue_dma source(%dma_start3A_226 : memref<128xi32, #tpu.memory_space<hbm>>) target(%arg9 : memref<128xi32, #tpu.memory_space<vmem>>) target_semaphore(%run_scoped3A : memref<!tpu.dma_semaphore, #tpu.memory_space<semaphore_mem>>)
      %dma_wait3A_227 = tpu.memref_slice %arg3[%mul3A_0] : memref<2048xi32, #tpu.memory_space<hbm>> -> memref<128xi32, #tpu.memory_space<hbm>>
      %dma_wait3A_228 = tpu.memref_slice %arg3[%mul3A_0] : memref<2048xi32, #tpu.memory_space<hbm>> -> memref<128xi32, #tpu.memory_space<hbm>>
      tpu.wait_dma2 semaphore(%run_scoped3A : memref<!tpu.dma_semaphore, #tpu.memory_space<semaphore_mem>>) src(%dma_wait3A_228 : memref<128xi32, #tpu.memory_space<hbm>>) dst(%arg9 : memref<128xi32, #tpu.memory_space<vmem>>)
      tpu.yield
    }) : () -> ()
    "tpu.region"() ({
      %run_scoped3A = tpu.sem_alloc : memref<!tpu.dma_semaphore, #tpu.memory_space<semaphore_mem>>
      %dma_start3A_225 = tpu.memref_slice %arg4[%mul3A_0] : memref<2048xi32, #tpu.memory_space<hbm>> -> memref<128xi32, #tpu.memory_space<hbm>>
      %dma_start3A_226 = tpu.memref_slice %arg4[%mul3A_0] : memref<2048xi32, #tpu.memory_space<hbm>> -> memref<128xi32, #tpu.memory_space<hbm>>
      tpu.enqueue_dma source(%dma_start3A_226 : memref<128xi32, #tpu.memory_space<hbm>>) target(%arg10 : memref<128xi32, #tpu.memory_space<vmem>>) target_semaphore(%run_scoped3A : memref<!tpu.dma_semaphore, #tpu.memory_space<semaphore_mem>>)
      %dma_wait3A_227 = tpu.memref_slice %arg4[%mul3A_0] : memref<2048xi32, #tpu.memory_space<hbm>> -> memref<128xi32, #tpu.memory_space<hbm>>
      %dma_wait3A_228 = tpu.memref_slice %arg4[%mul3A_0] : memref<2048xi32, #tpu.memory_space<hbm>> -> memref<128xi32, #tpu.memory_space<hbm>>
      tpu.wait_dma2 semaphore(%run_scoped3A : memref<!tpu.dma_semaphore, #tpu.memory_space<semaphore_mem>>) src(%dma_wait3A_228 : memref<128xi32, #tpu.memory_space<hbm>>) dst(%arg10 : memref<128xi32, #tpu.memory_space<vmem>>)
      tpu.yield
    }) : () -> ()
    %iota3A = tpu.iota {dimensions = array<i32: 0>} : vector<16xi32>
    %add3A = arith.constant 0 : i32
    %add3A_1 = arith.addi %mul3A_0, %add3A : i32
    %add3A_2 = vector.broadcast %add3A_1 : i32 to vector<16xi32>
    %add3A_3 = arith.addi %iota3A, %add3A_2 : vector<16xi32>
    %swap3A = arith.constant 0 : index
    %swap3A_4 = tpu.vector_load %arg11[%swap3A] {strides = array<i32>} : memref<128xi32, #tpu.memory_space<vmem>>, vector<16xi32>,
    %swap3A_5 = vector.shape_cast %swap3A_4 : vector<16xi32> to vector<16xi32>
    %swap3A_6 = vector.shape_cast %add3A_3 : vector<16xi32> to vector<16xi32>
    tpu.vector_store %arg11[%swap3A], %swap3A_6 {strides = array<i32>} : memref<128xi32, #tpu.memory_space<vmem>>, vector<16xi32>,
    %iota3A_7 = tpu.iota {dimensions = array<i32: 0>} : vector<16xi32>
    %add3A_8 = arith.constant 16 : i32
    %add3A_9 = arith.addi %mul3A_0, %add3A_8 : i32
    %add3A_10 = vector.broadcast %add3A_9 : i32 to vector<16xi32>
    %add3A_11 = arith.addi %iota3A_7, %add3A_10 : vector<16xi32>
    %swap3A_12 = arith.constant 16 : index
    %swap3A_13 = tpu.vector_load %arg11[%swap3A_12] {strides = array<i32>} : memref<128xi32, #tpu.memory_space<vmem>>, vector<16xi32>,
    %swap3A_14 = vector.shape_cast %swap3A_13 : vector<16xi32> to vector<16xi32>
    %swap3A_15 = vector.shape_cast %add3A_11 : vector<16xi32> to vector<16xi32>
    tpu.vector_store %arg11[%swap3A_12], %swap3A_15 {strides = array<i32>} : memref<128xi32, #tpu.memory_space<vmem>>, vector<16xi32>,
    %iota3A_16 = tpu.iota {dimensions = array<i32: 0>} : vector<16xi32>
    %add3A_17 = arith.constant 32 : i32
    %add3A_18 = arith.addi %mul3A_0, %add3A_17 : i32
    %add3A_19 = vector.broadcast %add3A_18 : i32 to vector<16xi32>
    %add3A_20 = arith.addi %iota3A_16, %add3A_19 : vector<16xi32>
    %swap3A_21 = arith.constant 32 : index
    %swap3A_22 = tpu.vector_load %arg11[%swap3A_21] {strides = array<i32>} : memref<128xi32, #tpu.memory_space<vmem>>, vector<16xi32>,
    %swap3A_23 = vector.shape_cast %swap3A_22 : vector<16xi32> to vector<16xi32>
    %swap3A_24 = vector.shape_cast %add3A_20 : vector<16xi32> to vector<16xi32>
    tpu.vector_store %arg11[%swap3A_21], %swap3A_24 {strides = array<i32>} : memref<128xi32, #tpu.memory_space<vmem>>, vector<16xi32>,
    %iota3A_25 = tpu.iota {dimensions = array<i32: 0>} : vector<16xi32>
    %add3A_26 = arith.constant 48 : i32
    %add3A_27 = arith.addi %mul3A_0, %add3A_26 : i32
    %add3A_28 = vector.broadcast %add3A_27 : i32 to vector<16xi32>
    %add3A_29 = arith.addi %iota3A_25, %add3A_28 : vector<16xi32>
    %swap3A_30 = arith.constant 48 : index
    %swap3A_31 = tpu.vector_load %arg11[%swap3A_30] {strides = array<i32>} : memref<128xi32, #tpu.memory_space<vmem>>, vector<16xi32>,
    %swap3A_32 = vector.shape_cast %swap3A_31 : vector<16xi32> to vector<16xi32>
    %swap3A_33 = vector.shape_cast %add3A_29 : vector<16xi32> to vector<16xi32>
    tpu.vector_store %arg11[%swap3A_30], %swap3A_33 {strides = array<i32>} : memref<128xi32, #tpu.memory_space<vmem>>, vector<16xi32>,
    %iota3A_34 = tpu.iota {dimensions = array<i32: 0>} : vector<16xi32>
    %add3A_35 = arith.constant 64 : i32
    %add3A_36 = arith.addi %mul3A_0, %add3A_35 : i32
    %add3A_37 = vector.broadcast %add3A_36 : i32 to vector<16xi32>
    %add3A_38 = arith.addi %iota3A_34, %add3A_37 : vector<16xi32>
    %swap3A_39 = arith.constant 64 : index
    %swap3A_40 = tpu.vector_load %arg11[%swap3A_39] {strides = array<i32>} : memref<128xi32, #tpu.memory_space<vmem>>, vector<16xi32>,
    %swap3A_41 = vector.shape_cast %swap3A_40 : vector<16xi32> to vector<16xi32>
    %swap3A_42 = vector.shape_cast %add3A_38 : vector<16xi32> to vector<16xi32>
    tpu.vector_store %arg11[%swap3A_39], %swap3A_42 {strides = array<i32>} : memref<128xi32, #tpu.memory_space<vmem>>, vector<16xi32>,
    %iota3A_43 = tpu.iota {dimensions = array<i32: 0>} : vector<16xi32>
    %add3A_44 = arith.constant 80 : i32
    %add3A_45 = arith.addi %mul3A_0, %add3A_44 : i32
    %add3A_46 = vector.broadcast %add3A_45 : i32 to vector<16xi32>
    %add3A_47 = arith.addi %iota3A_43, %add3A_46 : vector<16xi32>
    %swap3A_48 = arith.constant 80 : index
    %swap3A_49 = tpu.vector_load %arg11[%swap3A_48] {strides = array<i32>} : memref<128xi32, #tpu.memory_space<vmem>>, vector<16xi32>,
    %swap3A_50 = vector.shape_cast %swap3A_49 : vector<16xi32> to vector<16xi32>
    %swap3A_51 = vector.shape_cast %add3A_47 : vector<16xi32> to vector<16xi32>
    tpu.vector_store %arg11[%swap3A_48], %swap3A_51 {strides = array<i32>} : memref<128xi32, #tpu.memory_space<vmem>>, vector<16xi32>,
    %iota3A_52 = tpu.iota {dimensions = array<i32: 0>} : vector<16xi32>
    %add3A_53 = arith.constant 96 : i32
    %add3A_54 = arith.addi %mul3A_0, %add3A_53 : i32
    %add3A_55 = vector.broadcast %add3A_54 : i32 to vector<16xi32>
    %add3A_56 = arith.addi %iota3A_52, %add3A_55 : vector<16xi32>
    %swap3A_57 = arith.constant 96 : index
    %swap3A_58 = tpu.vector_load %arg11[%swap3A_57] {strides = array<i32>} : memref<128xi32, #tpu.memory_space<vmem>>, vector<16xi32>,
    %swap3A_59 = vector.shape_cast %swap3A_58 : vector<16xi32> to vector<16xi32>
    %swap3A_60 = vector.shape_cast %add3A_56 : vector<16xi32> to vector<16xi32>
    tpu.vector_store %arg11[%swap3A_57], %swap3A_60 {strides = array<i32>} : memref<128xi32, #tpu.memory_space<vmem>>, vector<16xi32>,
    %iota3A_61 = tpu.iota {dimensions = array<i32: 0>} : vector<16xi32>
    %add3A_62 = arith.constant 112 : i32
    %add3A_63 = arith.addi %mul3A_0, %add3A_62 : i32
    %add3A_64 = vector.broadcast %add3A_63 : i32 to vector<16xi32>
    %add3A_65 = arith.addi %iota3A_61, %add3A_64 : vector<16xi32>
    %swap3A_66 = arith.constant 112 : index
    %swap3A_67 = tpu.vector_load %arg11[%swap3A_66] {strides = array<i32>} : memref<128xi32, #tpu.memory_space<vmem>>, vector<16xi32>,
    %swap3A_68 = vector.shape_cast %swap3A_67 : vector<16xi32> to vector<16xi32>
    %swap3A_69 = vector.shape_cast %add3A_65 : vector<16xi32> to vector<16xi32>
    tpu.vector_store %arg11[%swap3A_66], %swap3A_69 {strides = array<i32>} : memref<128xi32, #tpu.memory_space<vmem>>, vector<16xi32>,
    "tpu.region"() ({
      %run_scoped3A = tpu.sem_alloc : memref<!tpu.dma_semaphore, #tpu.memory_space<semaphore_mem>>
      %dma_start3A_225 = arith.constant 0 : i32
      %dma_start3A_226 = tpu.memref_slice %arg17[%dma_start3A_225] : memref<6144xi32, #tpu.memory_space<vmem_shared>> -> memref<6144xi32, #tpu.memory_space<vmem_shared>>
      tpu.enqueue_indirect_dma source(%arg11 : memref<128xi32, #tpu.memory_space<vmem>>) target(%dma_start3A_226 : memref<6144xi32, #tpu.memory_space<vmem_shared>>) offsets(%arg9 : memref<128xi32, #tpu.memory_space<vmem>>) semaphore(%run_scoped3A : memref<!tpu.dma_semaphore, #tpu.memory_space<semaphore_mem>>)
      %dma_wait3A_227 = arith.constant 0 : i32
      %dma_wait3A_228 = tpu.memref_slice %arg17[%dma_wait3A_227] : memref<6144xi32, #tpu.memory_space<vmem_shared>> -> memref<6144xi32, #tpu.memory_space<vmem_shared>>
      tpu.wait_indirect_dma semaphore(%run_scoped3A : memref<!tpu.dma_semaphore, #tpu.memory_space<semaphore_mem>>) src(%arg11 : memref<128xi32, #tpu.memory_space<vmem>>) dst(%dma_wait3A_228 : memref<6144xi32, #tpu.memory_space<vmem_shared>>)
      tpu.yield
    }) : () -> ()
    "tpu.region"() ({
      %run_scoped3A = tpu.sem_alloc : memref<!tpu.dma_semaphore, #tpu.memory_space<semaphore_mem>>
      %dma_start3A_225 = arith.constant 0 : i32
      %dma_start3A_226 = tpu.memref_slice %arg17[%dma_start3A_225] : memref<6144xi32, #tpu.memory_space<vmem_shared>> -> memref<6144xi32, #tpu.memory_space<vmem_shared>>
      tpu.enqueue_indirect_dma source(%arg11 : memref<128xi32, #tpu.memory_space<vmem>>) target(%dma_start3A_226 : memref<6144xi32, #tpu.memory_space<vmem_shared>>) offsets(%arg10 : memref<128xi32, #tpu.memory_space<vmem>>) semaphore(%run_scoped3A : memref<!tpu.dma_semaphore, #tpu.memory_space<semaphore_mem>>)
      %dma_wait3A_227 = arith.constant 0 : i32
      %dma_wait3A_228 = tpu.memref_slice %arg17[%dma_wait3A_227] : memref<6144xi32, #tpu.memory_space<vmem_shared>> -> memref<6144xi32, #tpu.memory_space<vmem_shared>>
      tpu.wait_indirect_dma semaphore(%run_scoped3A : memref<!tpu.dma_semaphore, #tpu.memory_space<semaphore_mem>>) src(%arg11 : memref<128xi32, #tpu.memory_space<vmem>>) dst(%dma_wait3A_228 : memref<6144xi32, #tpu.memory_space<vmem_shared>>)
      tpu.yield
    }) : () -> ()
    "tpu.region"() ({
      %run_scoped3A = tpu.sem_alloc : memref<!tpu.dma_semaphore, #tpu.memory_space<semaphore_mem>>
      %dma_start3A_225 = tpu.memref_slice %arg5[%mul3A_0] : memref<2048xf32, #tpu.memory_space<hbm>> -> memref<128xf32, #tpu.memory_space<hbm>>
      %dma_start3A_226 = tpu.memref_slice %arg5[%mul3A_0] : memref<2048xf32, #tpu.memory_space<hbm>> -> memref<128xf32, #tpu.memory_space<hbm>>
      tpu.enqueue_dma source(%dma_start3A_226 : memref<128xf32, #tpu.memory_space<hbm>>) target(%arg12 : memref<128xf32, #tpu.memory_space<vmem>>) target_semaphore(%run_scoped3A : memref<!tpu.dma_semaphore, #tpu.memory_space<semaphore_mem>>)
      %dma_wait3A_227 = tpu.memref_slice %arg5[%mul3A_0] : memref<2048xf32, #tpu.memory_space<hbm>> -> memref<128xf32, #tpu.memory_space<hbm>>
      %dma_wait3A_228 = tpu.memref_slice %arg5[%mul3A_0] : memref<2048xf32, #tpu.memory_space<hbm>> -> memref<128xf32, #tpu.memory_space<hbm>>
      tpu.wait_dma2 semaphore(%run_scoped3A : memref<!tpu.dma_semaphore, #tpu.memory_space<semaphore_mem>>) src(%dma_wait3A_228 : memref<128xf32, #tpu.memory_space<hbm>>) dst(%arg12 : memref<128xf32, #tpu.memory_space<vmem>>)
      tpu.yield
    }) : () -> ()
    "tpu.region"() ({
      %run_scoped3A = tpu.sem_alloc : memref<!tpu.dma_semaphore, #tpu.memory_space<semaphore_mem>>
      %dma_start3A_225 = arith.constant 0 : i32
      %dma_start3A_226 = tpu.memref_slice %arg18[%dma_start3A_225] : memref<6144xf32, #tpu.memory_space<vmem_shared>> -> memref<6144xf32, #tpu.memory_space<vmem_shared>>
      tpu.enqueue_indirect_dma source(%arg12 : memref<128xf32, #tpu.memory_space<vmem>>) target(%dma_start3A_226 : memref<6144xf32, #tpu.memory_space<vmem_shared>>) offsets(%arg9 : memref<128xi32, #tpu.memory_space<vmem>>) semaphore(%run_scoped3A : memref<!tpu.dma_semaphore, #tpu.memory_space<semaphore_mem>>)
      %dma_wait3A_227 = arith.constant 0 : i32
      %dma_wait3A_228 = tpu.memref_slice %arg18[%dma_wait3A_227] : memref<6144xf32, #tpu.memory_space<vmem_shared>> -> memref<6144xf32, #tpu.memory_space<vmem_shared>>
      tpu.wait_indirect_dma semaphore(%run_scoped3A : memref<!tpu.dma_semaphore, #tpu.memory_space<semaphore_mem>>) src(%arg12 : memref<128xf32, #tpu.memory_space<vmem>>) dst(%dma_wait3A_228 : memref<6144xf32, #tpu.memory_space<vmem_shared>>)
      tpu.yield
    }) : () -> ()
    "tpu.region"() ({
      %run_scoped3A = tpu.sem_alloc : memref<!tpu.dma_semaphore, #tpu.memory_space<semaphore_mem>>
      %dma_start3A_225 = tpu.memref_slice %arg6[%mul3A_0] : memref<2048xf32, #tpu.memory_space<hbm>> -> memref<128xf32, #tpu.memory_space<hbm>>
      %dma_start3A_226 = tpu.memref_slice %arg6[%mul3A_0] : memref<2048xf32, #tpu.memory_space<hbm>> -> memref<128xf32, #tpu.memory_space<hbm>>
      tpu.enqueue_dma source(%dma_start3A_226 : memref<128xf32, #tpu.memory_space<hbm>>) target(%arg12 : memref<128xf32, #tpu.memory_space<vmem>>) target_semaphore(%run_scoped3A : memref<!tpu.dma_semaphore, #tpu.memory_space<semaphore_mem>>)
      %dma_wait3A_227 = tpu.memref_slice %arg6[%mul3A_0] : memref<2048xf32, #tpu.memory_space<hbm>> -> memref<128xf32, #tpu.memory_space<hbm>>
      %dma_wait3A_228 = tpu.memref_slice %arg6[%mul3A_0] : memref<2048xf32, #tpu.memory_space<hbm>> -> memref<128xf32, #tpu.memory_space<hbm>>
      tpu.wait_dma2 semaphore(%run_scoped3A : memref<!tpu.dma_semaphore, #tpu.memory_space<semaphore_mem>>) src(%dma_wait3A_228 : memref<128xf32, #tpu.memory_space<hbm>>) dst(%arg12 : memref<128xf32, #tpu.memory_space<vmem>>)
      tpu.yield
    }) : () -> ()
    "tpu.region"() ({
      %run_scoped3A = tpu.sem_alloc : memref<!tpu.dma_semaphore, #tpu.memory_space<semaphore_mem>>
      %dma_start3A_225 = arith.constant 0 : i32
      %dma_start3A_226 = tpu.memref_slice %arg18[%dma_start3A_225] : memref<6144xf32, #tpu.memory_space<vmem_shared>> -> memref<6144xf32, #tpu.memory_space<vmem_shared>>
      tpu.enqueue_indirect_dma source(%arg12 : memref<128xf32, #tpu.memory_space<vmem>>) target(%dma_start3A_226 : memref<6144xf32, #tpu.memory_space<vmem_shared>>) offsets(%arg10 : memref<128xi32, #tpu.memory_space<vmem>>) semaphore(%run_scoped3A : memref<!tpu.dma_semaphore, #tpu.memory_space<semaphore_mem>>)
      %dma_wait3A_227 = arith.constant 0 : i32
      %dma_wait3A_228 = tpu.memref_slice %arg18[%dma_wait3A_227] : memref<6144xf32, #tpu.memory_space<vmem_shared>> -> memref<6144xf32, #tpu.memory_space<vmem_shared>>
      tpu.wait_indirect_dma semaphore(%run_scoped3A : memref<!tpu.dma_semaphore, #tpu.memory_space<semaphore_mem>>) src(%arg12 : memref<128xf32, #tpu.memory_space<vmem>>) dst(%dma_wait3A_228 : memref<6144xf32, #tpu.memory_space<vmem_shared>>)
      tpu.yield
    }) : () -> ()
    %barrier3A = arith.constant 0 : index
    tpu.barrier barrier_id(%barrier3A)
    %mul3A_70 = arith.constant 2 : i32
    %mul3A_71 = arith.muli %arg1, %mul3A_70 : i32
    %add3A_72 = arith.addi %mul3A_71, %arg0 : i32
    %mul3A_73 = arith.constant 192 : i32
    %mul3A_74 = arith.muli %add3A_72, %mul3A_73 : i32
    "tpu.region"() ({
      %run_scoped3A = tpu.sem_alloc : memref<!tpu.dma_semaphore, #tpu.memory_space<semaphore_mem>>
      %dma_start3A_225 = tpu.memref_slice %arg17[%mul3A_74] : memref<6144xi32, #tpu.memory_space<vmem_shared>> -> memref<192xi32, #tpu.memory_space<vmem_shared>>
      %dma_start3A_226 = tpu.memref_slice %arg17[%mul3A_74] : memref<6144xi32, #tpu.memory_space<vmem_shared>> -> memref<192xi32, #tpu.memory_space<vmem_shared>>
      tpu.enqueue_dma source(%dma_start3A_226 : memref<192xi32, #tpu.memory_space<vmem_shared>>) target(%arg13 : memref<192xi32, #tpu.memory_space<vmem>>) target_semaphore(%run_scoped3A : memref<!tpu.dma_semaphore, #tpu.memory_space<semaphore_mem>>)
      %dma_wait3A_227 = tpu.memref_slice %arg17[%mul3A_74] : memref<6144xi32, #tpu.memory_space<vmem_shared>> -> memref<192xi32, #tpu.memory_space<vmem_shared>>
      %dma_wait3A_228 = tpu.memref_slice %arg17[%mul3A_74] : memref<6144xi32, #tpu.memory_space<vmem_shared>> -> memref<192xi32, #tpu.memory_space<vmem_shared>>
      tpu.wait_dma2 semaphore(%run_scoped3A : memref<!tpu.dma_semaphore, #tpu.memory_space<semaphore_mem>>) src(%dma_wait3A_228 : memref<192xi32, #tpu.memory_space<vmem_shared>>) dst(%arg13 : memref<192xi32, #tpu.memory_space<vmem>>)
      tpu.yield
    }) : () -> ()
    "tpu.region"() ({
      %run_scoped3A = tpu.sem_alloc : memref<!tpu.dma_semaphore, #tpu.memory_space<semaphore_mem>>
      %dma_start3A_225 = tpu.memref_slice %arg18[%mul3A_74] : memref<6144xf32, #tpu.memory_space<vmem_shared>> -> memref<192xf32, #tpu.memory_space<vmem_shared>>
      %dma_start3A_226 = tpu.memref_slice %arg18[%mul3A_74] : memref<6144xf32, #tpu.memory_space<vmem_shared>> -> memref<192xf32, #tpu.memory_space<vmem_shared>>
      tpu.enqueue_dma source(%dma_start3A_226 : memref<192xf32, #tpu.memory_space<vmem_shared>>) target(%arg14 : memref<192xf32, #tpu.memory_space<vmem>>) target_semaphore(%run_scoped3A : memref<!tpu.dma_semaphore, #tpu.memory_space<semaphore_mem>>)
      %dma_wait3A_227 = tpu.memref_slice %arg18[%mul3A_74] : memref<6144xf32, #tpu.memory_space<vmem_shared>> -> memref<192xf32, #tpu.memory_space<vmem_shared>>
      %dma_wait3A_228 = tpu.memref_slice %arg18[%mul3A_74] : memref<6144xf32, #tpu.memory_space<vmem_shared>> -> memref<192xf32, #tpu.memory_space<vmem_shared>>
      tpu.wait_dma2 semaphore(%run_scoped3A : memref<!tpu.dma_semaphore, #tpu.memory_space<semaphore_mem>>) src(%dma_wait3A_228 : memref<192xf32, #tpu.memory_space<vmem_shared>>) dst(%arg14 : memref<192xf32, #tpu.memory_space<vmem>>)
      tpu.yield
    }) : () -> ()
    "tpu.region"() ({
      %run_scoped3A = tpu.sem_alloc : memref<!tpu.dma_semaphore, #tpu.memory_space<semaphore_mem>>
      %dma_start3A_225 = tpu.memref_slice %arg8[%mul3A_74] : memref<6144xf32, #tpu.memory_space<hbm>> -> memref<192xf32, #tpu.memory_space<hbm>>
      %dma_start3A_226 = tpu.memref_slice %arg8[%mul3A_74] : memref<6144xf32, #tpu.memory_space<hbm>> -> memref<192xf32, #tpu.memory_space<hbm>>
      tpu.enqueue_dma source(%arg14 : memref<192xf32, #tpu.memory_space<vmem>>) target(%dma_start3A_226 : memref<192xf32, #tpu.memory_space<hbm>>) target_semaphore(%run_scoped3A : memref<!tpu.dma_semaphore, #tpu.memory_space<semaphore_mem>>)
      %dma_wait3A_227 = tpu.memref_slice %arg8[%mul3A_74] : memref<6144xf32, #tpu.memory_space<hbm>> -> memref<192xf32, #tpu.memory_space<hbm>>
      %dma_wait3A_228 = tpu.memref_slice %arg8[%mul3A_74] : memref<6144xf32, #tpu.memory_space<hbm>> -> memref<192xf32, #tpu.memory_space<hbm>>
      tpu.wait_dma2 semaphore(%run_scoped3A : memref<!tpu.dma_semaphore, #tpu.memory_space<semaphore_mem>>) src(%arg14 : memref<192xf32, #tpu.memory_space<vmem>>) dst(%dma_wait3A_228 : memref<192xf32, #tpu.memory_space<hbm>>)
      tpu.yield
    }) : () -> ()
    %get3A = arith.constant 0 : index
    %get3A_75 = tpu.vector_load %arg13[%get3A] {strides = array<i32>} : memref<192xi32, #tpu.memory_space<vmem>>, vector<16xi32>,
    %get3A_76 = vector.shape_cast %get3A_75 : vector<16xi32> to vector<16xi32>
    %and3A = arith.constant 2047 : i32
    %and3A_77 = vector.broadcast %and3A : i32 to vector<16xi32>
    %and3A_78 = arith.andi %get3A_76, %and3A_77 : vector<16xi32>
    %swap3A_79 = arith.constant 0 : index
    %swap3A_80 = tpu.vector_load %arg13[%swap3A_79] {strides = array<i32>} : memref<192xi32, #tpu.memory_space<vmem>>, vector<16xi32>,
    %swap3A_81 = vector.shape_cast %swap3A_80 : vector<16xi32> to vector<16xi32>
    %swap3A_82 = vector.shape_cast %and3A_78 : vector<16xi32> to vector<16xi32>
    tpu.vector_store %arg13[%swap3A_79], %swap3A_82 {strides = array<i32>} : memref<192xi32, #tpu.memory_space<vmem>>, vector<16xi32>,
    %get3A_83 = arith.constant 16 : index
    %get3A_84 = tpu.vector_load %arg13[%get3A_83] {strides = array<i32>} : memref<192xi32, #tpu.memory_space<vmem>>, vector<16xi32>,
    %get3A_85 = vector.shape_cast %get3A_84 : vector<16xi32> to vector<16xi32>
    %and3A_86 = arith.constant 2047 : i32
    %and3A_87 = vector.broadcast %and3A_86 : i32 to vector<16xi32>
    %and3A_88 = arith.andi %get3A_85, %and3A_87 : vector<16xi32>
    %swap3A_89 = arith.constant 16 : index
    %swap3A_90 = tpu.vector_load %arg13[%swap3A_89] {strides = array<i32>} : memref<192xi32, #tpu.memory_space<vmem>>, vector<16xi32>,
    %swap3A_91 = vector.shape_cast %swap3A_90 : vector<16xi32> to vector<16xi32>
    %swap3A_92 = vector.shape_cast %and3A_88 : vector<16xi32> to vector<16xi32>
    tpu.vector_store %arg13[%swap3A_89], %swap3A_92 {strides = array<i32>} : memref<192xi32, #tpu.memory_space<vmem>>, vector<16xi32>,
    %get3A_93 = arith.constant 32 : index
    %get3A_94 = tpu.vector_load %arg13[%get3A_93] {strides = array<i32>} : memref<192xi32, #tpu.memory_space<vmem>>, vector<16xi32>,
    %get3A_95 = vector.shape_cast %get3A_94 : vector<16xi32> to vector<16xi32>
    %and3A_96 = arith.constant 2047 : i32
    %and3A_97 = vector.broadcast %and3A_96 : i32 to vector<16xi32>
    %and3A_98 = arith.andi %get3A_95, %and3A_97 : vector<16xi32>
    %swap3A_99 = arith.constant 32 : index
    %swap3A_100 = tpu.vector_load %arg13[%swap3A_99] {strides = array<i32>} : memref<192xi32, #tpu.memory_space<vmem>>, vector<16xi32>,
    %swap3A_101 = vector.shape_cast %swap3A_100 : vector<16xi32> to vector<16xi32>
    %swap3A_102 = vector.shape_cast %and3A_98 : vector<16xi32> to vector<16xi32>
    tpu.vector_store %arg13[%swap3A_99], %swap3A_102 {strides = array<i32>} : memref<192xi32, #tpu.memory_space<vmem>>, vector<16xi32>,
    %get3A_103 = arith.constant 48 : index
    %get3A_104 = tpu.vector_load %arg13[%get3A_103] {strides = array<i32>} : memref<192xi32, #tpu.memory_space<vmem>>, vector<16xi32>,
    %get3A_105 = vector.shape_cast %get3A_104 : vector<16xi32> to vector<16xi32>
    %and3A_106 = arith.constant 2047 : i32
    %and3A_107 = vector.broadcast %and3A_106 : i32 to vector<16xi32>
    %and3A_108 = arith.andi %get3A_105, %and3A_107 : vector<16xi32>
    %swap3A_109 = arith.constant 48 : index
    %swap3A_110 = tpu.vector_load %arg13[%swap3A_109] {strides = array<i32>} : memref<192xi32, #tpu.memory_space<vmem>>, vector<16xi32>,
    %swap3A_111 = vector.shape_cast %swap3A_110 : vector<16xi32> to vector<16xi32>
    %swap3A_112 = vector.shape_cast %and3A_108 : vector<16xi32> to vector<16xi32>
    tpu.vector_store %arg13[%swap3A_109], %swap3A_112 {strides = array<i32>} : memref<192xi32, #tpu.memory_space<vmem>>, vector<16xi32>,
    %get3A_113 = arith.constant 64 : index
    %get3A_114 = tpu.vector_load %arg13[%get3A_113] {strides = array<i32>} : memref<192xi32, #tpu.memory_space<vmem>>, vector<16xi32>,
    %get3A_115 = vector.shape_cast %get3A_114 : vector<16xi32> to vector<16xi32>
    %and3A_116 = arith.constant 2047 : i32
    %and3A_117 = vector.broadcast %and3A_116 : i32 to vector<16xi32>
    %and3A_118 = arith.andi %get3A_115, %and3A_117 : vector<16xi32>
    %swap3A_119 = arith.constant 64 : index
    %swap3A_120 = tpu.vector_load %arg13[%swap3A_119] {strides = array<i32>} : memref<192xi32, #tpu.memory_space<vmem>>, vector<16xi32>,
    %swap3A_121 = vector.shape_cast %swap3A_120 : vector<16xi32> to vector<16xi32>
    %swap3A_122 = vector.shape_cast %and3A_118 : vector<16xi32> to vector<16xi32>
    tpu.vector_store %arg13[%swap3A_119], %swap3A_122 {strides = array<i32>} : memref<192xi32, #tpu.memory_space<vmem>>, vector<16xi32>,
    %get3A_123 = arith.constant 80 : index
    %get3A_124 = tpu.vector_load %arg13[%get3A_123] {strides = array<i32>} : memref<192xi32, #tpu.memory_space<vmem>>, vector<16xi32>,
    %get3A_125 = vector.shape_cast %get3A_124 : vector<16xi32> to vector<16xi32>
    %and3A_126 = arith.constant 2047 : i32
    %and3A_127 = vector.broadcast %and3A_126 : i32 to vector<16xi32>
    %and3A_128 = arith.andi %get3A_125, %and3A_127 : vector<16xi32>
    %swap3A_129 = arith.constant 80 : index
    %swap3A_130 = tpu.vector_load %arg13[%swap3A_129] {strides = array<i32>} : memref<192xi32, #tpu.memory_space<vmem>>, vector<16xi32>,
    %swap3A_131 = vector.shape_cast %swap3A_130 : vector<16xi32> to vector<16xi32>
    %swap3A_132 = vector.shape_cast %and3A_128 : vector<16xi32> to vector<16xi32>
    tpu.vector_store %arg13[%swap3A_129], %swap3A_132 {strides = array<i32>} : memref<192xi32, #tpu.memory_space<vmem>>, vector<16xi32>,
    %get3A_133 = arith.constant 96 : index
    %get3A_134 = tpu.vector_load %arg13[%get3A_133] {strides = array<i32>} : memref<192xi32, #tpu.memory_space<vmem>>, vector<16xi32>,
    %get3A_135 = vector.shape_cast %get3A_134 : vector<16xi32> to vector<16xi32>
    %and3A_136 = arith.constant 2047 : i32
    %and3A_137 = vector.broadcast %and3A_136 : i32 to vector<16xi32>
    %and3A_138 = arith.andi %get3A_135, %and3A_137 : vector<16xi32>
    %swap3A_139 = arith.constant 96 : index
    %swap3A_140 = tpu.vector_load %arg13[%swap3A_139] {strides = array<i32>} : memref<192xi32, #tpu.memory_space<vmem>>, vector<16xi32>,
    %swap3A_141 = vector.shape_cast %swap3A_140 : vector<16xi32> to vector<16xi32>
    %swap3A_142 = vector.shape_cast %and3A_138 : vector<16xi32> to vector<16xi32>
    tpu.vector_store %arg13[%swap3A_139], %swap3A_142 {strides = array<i32>} : memref<192xi32, #tpu.memory_space<vmem>>, vector<16xi32>,
    %get3A_143 = arith.constant 112 : index
    %get3A_144 = tpu.vector_load %arg13[%get3A_143] {strides = array<i32>} : memref<192xi32, #tpu.memory_space<vmem>>, vector<16xi32>,
    %get3A_145 = vector.shape_cast %get3A_144 : vector<16xi32> to vector<16xi32>
    %and3A_146 = arith.constant 2047 : i32
    %and3A_147 = vector.broadcast %and3A_146 : i32 to vector<16xi32>
    %and3A_148 = arith.andi %get3A_145, %and3A_147 : vector<16xi32>
    %swap3A_149 = arith.constant 112 : index
    %swap3A_150 = tpu.vector_load %arg13[%swap3A_149] {strides = array<i32>} : memref<192xi32, #tpu.memory_space<vmem>>, vector<16xi32>,
    %swap3A_151 = vector.shape_cast %swap3A_150 : vector<16xi32> to vector<16xi32>
    %swap3A_152 = vector.shape_cast %and3A_148 : vector<16xi32> to vector<16xi32>
    tpu.vector_store %arg13[%swap3A_149], %swap3A_152 {strides = array<i32>} : memref<192xi32, #tpu.memory_space<vmem>>, vector<16xi32>,
    %get3A_153 = arith.constant 128 : index
    %get3A_154 = tpu.vector_load %arg13[%get3A_153] {strides = array<i32>} : memref<192xi32, #tpu.memory_space<vmem>>, vector<16xi32>,
    %get3A_155 = vector.shape_cast %get3A_154 : vector<16xi32> to vector<16xi32>
    %and3A_156 = arith.constant 2047 : i32
    %and3A_157 = vector.broadcast %and3A_156 : i32 to vector<16xi32>
    %and3A_158 = arith.andi %get3A_155, %and3A_157 : vector<16xi32>
    %swap3A_159 = arith.constant 128 : index
    %swap3A_160 = tpu.vector_load %arg13[%swap3A_159] {strides = array<i32>} : memref<192xi32, #tpu.memory_space<vmem>>, vector<16xi32>,
    %swap3A_161 = vector.shape_cast %swap3A_160 : vector<16xi32> to vector<16xi32>
    %swap3A_162 = vector.shape_cast %and3A_158 : vector<16xi32> to vector<16xi32>
    tpu.vector_store %arg13[%swap3A_159], %swap3A_162 {strides = array<i32>} : memref<192xi32, #tpu.memory_space<vmem>>, vector<16xi32>,
    %get3A_163 = arith.constant 144 : index
    %get3A_164 = tpu.vector_load %arg13[%get3A_163] {strides = array<i32>} : memref<192xi32, #tpu.memory_space<vmem>>, vector<16xi32>,
    %get3A_165 = vector.shape_cast %get3A_164 : vector<16xi32> to vector<16xi32>
    %and3A_166 = arith.constant 2047 : i32
    %and3A_167 = vector.broadcast %and3A_166 : i32 to vector<16xi32>
    %and3A_168 = arith.andi %get3A_165, %and3A_167 : vector<16xi32>
    %swap3A_169 = arith.constant 144 : index
    %swap3A_170 = tpu.vector_load %arg13[%swap3A_169] {strides = array<i32>} : memref<192xi32, #tpu.memory_space<vmem>>, vector<16xi32>,
    %swap3A_171 = vector.shape_cast %swap3A_170 : vector<16xi32> to vector<16xi32>
    %swap3A_172 = vector.shape_cast %and3A_168 : vector<16xi32> to vector<16xi32>
    tpu.vector_store %arg13[%swap3A_169], %swap3A_172 {strides = array<i32>} : memref<192xi32, #tpu.memory_space<vmem>>, vector<16xi32>,
    %get3A_173 = arith.constant 160 : index
    %get3A_174 = tpu.vector_load %arg13[%get3A_173] {strides = array<i32>} : memref<192xi32, #tpu.memory_space<vmem>>, vector<16xi32>,
    %get3A_175 = vector.shape_cast %get3A_174 : vector<16xi32> to vector<16xi32>
    %and3A_176 = arith.constant 2047 : i32
    %and3A_177 = vector.broadcast %and3A_176 : i32 to vector<16xi32>
    %and3A_178 = arith.andi %get3A_175, %and3A_177 : vector<16xi32>
    %swap3A_179 = arith.constant 160 : index
    %swap3A_180 = tpu.vector_load %arg13[%swap3A_179] {strides = array<i32>} : memref<192xi32, #tpu.memory_space<vmem>>, vector<16xi32>,
    %swap3A_181 = vector.shape_cast %swap3A_180 : vector<16xi32> to vector<16xi32>
    %swap3A_182 = vector.shape_cast %and3A_178 : vector<16xi32> to vector<16xi32>
    tpu.vector_store %arg13[%swap3A_179], %swap3A_182 {strides = array<i32>} : memref<192xi32, #tpu.memory_space<vmem>>, vector<16xi32>,
    %get3A_183 = arith.constant 176 : index
    %get3A_184 = tpu.vector_load %arg13[%get3A_183] {strides = array<i32>} : memref<192xi32, #tpu.memory_space<vmem>>, vector<16xi32>,
    %get3A_185 = vector.shape_cast %get3A_184 : vector<16xi32> to vector<16xi32>
    %and3A_186 = arith.constant 2047 : i32
    %and3A_187 = vector.broadcast %and3A_186 : i32 to vector<16xi32>
    %and3A_188 = arith.andi %get3A_185, %and3A_187 : vector<16xi32>
    %swap3A_189 = arith.constant 176 : index
    %swap3A_190 = tpu.vector_load %arg13[%swap3A_189] {strides = array<i32>} : memref<192xi32, #tpu.memory_space<vmem>>, vector<16xi32>,
    %swap3A_191 = vector.shape_cast %swap3A_190 : vector<16xi32> to vector<16xi32>
    %swap3A_192 = vector.shape_cast %and3A_188 : vector<16xi32> to vector<16xi32>
    tpu.vector_store %arg13[%swap3A_189], %swap3A_192 {strides = array<i32>} : memref<192xi32, #tpu.memory_space<vmem>>, vector<16xi32>,
    %dma_start3A = arith.constant 0 : i32
    %dma_start3A_193 = tpu.memref_slice %arg13[%dma_start3A] : memref<192xi32, #tpu.memory_space<vmem>> -> memref<64xi32, #tpu.memory_space<vmem>>
    %dma_start3A_194 = arith.constant 0 : i32
    %dma_start3A_195 = arith.constant 0 : i32
    %dma_start3A_196 = tpu.memref_slice %arg2[%dma_start3A_194, %dma_start3A_195] : memref<2048x768xf32, #tpu.memory_space<hbm>> -> memref<2048x768xf32, #tpu.memory_space<hbm>>
    tpu.enqueue_indirect_dma source(%dma_start3A_196 : memref<2048x768xf32, #tpu.memory_space<hbm>>) target(%arg15 : memref<64x768xf32, #tpu.memory_space<vmem>>) offsets(%dma_start3A_193 : memref<64xi32, #tpu.memory_space<vmem>>) semaphore(%arg19 : memref<!tpu.dma_semaphore, #tpu.memory_space<semaphore_mem>>)
    %dma_start3A_197 = arith.constant 64 : i32
    %dma_start3A_198 = tpu.memref_slice %arg13[%dma_start3A_197] : memref<192xi32, #tpu.memory_space<vmem>> -> memref<64xi32, #tpu.memory_space<vmem>>
    %dma_start3A_199 = arith.constant 0 : i32
    %dma_start3A_200 = arith.constant 0 : i32
    %dma_start3A_201 = tpu.memref_slice %arg2[%dma_start3A_199, %dma_start3A_200] : memref<2048x768xf32, #tpu.memory_space<hbm>> -> memref<2048x768xf32, #tpu.memory_space<hbm>>
    tpu.enqueue_indirect_dma source(%dma_start3A_201 : memref<2048x768xf32, #tpu.memory_space<hbm>>) target(%arg16 : memref<64x768xf32, #tpu.memory_space<vmem>>) offsets(%dma_start3A_198 : memref<64xi32, #tpu.memory_space<vmem>>) semaphore(%arg20 : memref<!tpu.dma_semaphore, #tpu.memory_space<semaphore_mem>>)
    %dma_wait3A = arith.constant 0 : i32
    %dma_wait3A_202 = tpu.memref_slice %arg13[%dma_wait3A] : memref<192xi32, #tpu.memory_space<vmem>> -> memref<64xi32, #tpu.memory_space<vmem>>
    %dma_wait3A_203 = arith.constant 0 : i32
    %dma_wait3A_204 = arith.constant 0 : i32
    %dma_wait3A_205 = tpu.memref_slice %arg2[%dma_wait3A_203, %dma_wait3A_204] : memref<2048x768xf32, #tpu.memory_space<hbm>> -> memref<2048x768xf32, #tpu.memory_space<hbm>>
    tpu.wait_indirect_dma semaphore(%arg19 : memref<!tpu.dma_semaphore, #tpu.memory_space<semaphore_mem>>) src(%dma_wait3A_205 : memref<2048x768xf32, #tpu.memory_space<hbm>>) dst(%arg15 : memref<64x768xf32, #tpu.memory_space<vmem>>)
    "tpu.region"() ({
      %run_scoped3A = tpu.sem_alloc : memref<!tpu.dma_semaphore, #tpu.memory_space<semaphore_mem>>
      %dma_start3A_225 = arith.constant 0 : i32
      %dma_start3A_226 = tpu.memref_slice %arg7[%mul3A_74, %dma_start3A_225] : memref<6144x768xf32, #tpu.memory_space<hbm>> -> memref<64x768xf32, #tpu.memory_space<hbm>>
      %dma_start3A_227 = arith.constant 0 : i32
      %dma_start3A_228 = tpu.memref_slice %arg7[%mul3A_74, %dma_start3A_227] : memref<6144x768xf32, #tpu.memory_space<hbm>> -> memref<64x768xf32, #tpu.memory_space<hbm>>
      tpu.enqueue_dma source(%arg15 : memref<64x768xf32, #tpu.memory_space<vmem>>) target(%dma_start3A_228 : memref<64x768xf32, #tpu.memory_space<hbm>>) target_semaphore(%run_scoped3A : memref<!tpu.dma_semaphore, #tpu.memory_space<semaphore_mem>>)
      %dma_wait3A_229 = arith.constant 0 : i32
      %dma_wait3A_230 = tpu.memref_slice %arg7[%mul3A_74, %dma_wait3A_229] : memref<6144x768xf32, #tpu.memory_space<hbm>> -> memref<64x768xf32, #tpu.memory_space<hbm>>
      %dma_wait3A_231 = arith.constant 0 : i32
      %dma_wait3A_232 = tpu.memref_slice %arg7[%mul3A_74, %dma_wait3A_231] : memref<6144x768xf32, #tpu.memory_space<hbm>> -> memref<64x768xf32, #tpu.memory_space<hbm>>
      tpu.wait_dma2 semaphore(%run_scoped3A : memref<!tpu.dma_semaphore, #tpu.memory_space<semaphore_mem>>) src(%arg15 : memref<64x768xf32, #tpu.memory_space<vmem>>) dst(%dma_wait3A_232 : memref<64x768xf32, #tpu.memory_space<hbm>>)
      tpu.yield
    }) : () -> ()
    %dma_start3A_206 = arith.constant 128 : i32
    %dma_start3A_207 = tpu.memref_slice %arg13[%dma_start3A_206] : memref<192xi32, #tpu.memory_space<vmem>> -> memref<64xi32, #tpu.memory_space<vmem>>
    %dma_start3A_208 = arith.constant 0 : i32
    %dma_start3A_209 = arith.constant 0 : i32
    %dma_start3A_210 = tpu.memref_slice %arg2[%dma_start3A_208, %dma_start3A_209] : memref<2048x768xf32, #tpu.memory_space<hbm>> -> memref<2048x768xf32, #tpu.memory_space<hbm>>
    tpu.enqueue_indirect_dma source(%dma_start3A_210 : memref<2048x768xf32, #tpu.memory_space<hbm>>) target(%arg15 : memref<64x768xf32, #tpu.memory_space<vmem>>) offsets(%dma_start3A_207 : memref<64xi32, #tpu.memory_space<vmem>>) semaphore(%arg19 : memref<!tpu.dma_semaphore, #tpu.memory_space<semaphore_mem>>)
    %dma_wait3A_211 = arith.constant 64 : i32
    %dma_wait3A_212 = tpu.memref_slice %arg13[%dma_wait3A_211] : memref<192xi32, #tpu.memory_space<vmem>> -> memref<64xi32, #tpu.memory_space<vmem>>
    %dma_wait3A_213 = arith.constant 0 : i32
    %dma_wait3A_214 = arith.constant 0 : i32
    %dma_wait3A_215 = tpu.memref_slice %arg2[%dma_wait3A_213, %dma_wait3A_214] : memref<2048x768xf32, #tpu.memory_space<hbm>> -> memref<2048x768xf32, #tpu.memory_space<hbm>>
    tpu.wait_indirect_dma semaphore(%arg20 : memref<!tpu.dma_semaphore, #tpu.memory_space<semaphore_mem>>) src(%dma_wait3A_215 : memref<2048x768xf32, #tpu.memory_space<hbm>>) dst(%arg16 : memref<64x768xf32, #tpu.memory_space<vmem>>)
    %add3A_216 = arith.constant 64 : i32
    %add3A_217 = arith.addi %mul3A_74, %add3A_216 : i32
    "tpu.region"() ({
      %run_scoped3A = tpu.sem_alloc : memref<!tpu.dma_semaphore, #tpu.memory_space<semaphore_mem>>
      %dma_start3A_225 = arith.constant 0 : i32
      %dma_start3A_226 = tpu.memref_slice %arg7[%add3A_217, %dma_start3A_225] : memref<6144x768xf32, #tpu.memory_space<hbm>> -> memref<64x768xf32, #tpu.memory_space<hbm>>
      %dma_start3A_227 = arith.constant 0 : i32
      %dma_start3A_228 = tpu.memref_slice %arg7[%add3A_217, %dma_start3A_227] : memref<6144x768xf32, #tpu.memory_space<hbm>> -> memref<64x768xf32, #tpu.memory_space<hbm>>
      tpu.enqueue_dma source(%arg16 : memref<64x768xf32, #tpu.memory_space<vmem>>) target(%dma_start3A_228 : memref<64x768xf32, #tpu.memory_space<hbm>>) target_semaphore(%run_scoped3A : memref<!tpu.dma_semaphore, #tpu.memory_space<semaphore_mem>>)
      %dma_wait3A_229 = arith.constant 0 : i32
      %dma_wait3A_230 = tpu.memref_slice %arg7[%add3A_217, %dma_wait3A_229] : memref<6144x768xf32, #tpu.memory_space<hbm>> -> memref<64x768xf32, #tpu.memory_space<hbm>>
      %dma_wait3A_231 = arith.constant 0 : i32
      %dma_wait3A_232 = tpu.memref_slice %arg7[%add3A_217, %dma_wait3A_231] : memref<6144x768xf32, #tpu.memory_space<hbm>> -> memref<64x768xf32, #tpu.memory_space<hbm>>
      tpu.wait_dma2 semaphore(%run_scoped3A : memref<!tpu.dma_semaphore, #tpu.memory_space<semaphore_mem>>) src(%arg16 : memref<64x768xf32, #tpu.memory_space<vmem>>) dst(%dma_wait3A_232 : memref<64x768xf32, #tpu.memory_space<hbm>>)
      tpu.yield
    }) : () -> ()
    %dma_wait3A_218 = arith.constant 128 : i32
    %dma_wait3A_219 = tpu.memref_slice %arg13[%dma_wait3A_218] : memref<192xi32, #tpu.memory_space<vmem>> -> memref<64xi32, #tpu.memory_space<vmem>>
    %dma_wait3A_220 = arith.constant 0 : i32
    %dma_wait3A_221 = arith.constant 0 : i32
    %dma_wait3A_222 = tpu.memref_slice %arg2[%dma_wait3A_220, %dma_wait3A_221] : memref<2048x768xf32, #tpu.memory_space<hbm>> -> memref<2048x768xf32, #tpu.memory_space<hbm>>
    tpu.wait_indirect_dma semaphore(%arg19 : memref<!tpu.dma_semaphore, #tpu.memory_space<semaphore_mem>>) src(%dma_wait3A_222 : memref<2048x768xf32, #tpu.memory_space<hbm>>) dst(%arg15 : memref<64x768xf32, #tpu.memory_space<vmem>>)
    %add3A_223 = arith.constant 128 : i32
    %add3A_224 = arith.addi %mul3A_74, %add3A_223 : i32
    "tpu.region"() ({
      %run_scoped3A = tpu.sem_alloc : memref<!tpu.dma_semaphore, #tpu.memory_space<semaphore_mem>>
      %dma_start3A_225 = arith.constant 0 : i32
      %dma_start3A_226 = tpu.memref_slice %arg7[%add3A_224, %dma_start3A_225] : memref<6144x768xf32, #tpu.memory_space<hbm>> -> memref<64x768xf32, #tpu.memory_space<hbm>>
      %dma_start3A_227 = arith.constant 0 : i32
      %dma_start3A_228 = tpu.memref_slice %arg7[%add3A_224, %dma_start3A_227] : memref<6144x768xf32, #tpu.memory_space<hbm>> -> memref<64x768xf32, #tpu.memory_space<hbm>>
      tpu.enqueue_dma source(%arg15 : memref<64x768xf32, #tpu.memory_space<vmem>>) target(%dma_start3A_228 : memref<64x768xf32, #tpu.memory_space<hbm>>) target_semaphore(%run_scoped3A : memref<!tpu.dma_semaphore, #tpu.memory_space<semaphore_mem>>)
      %dma_wait3A_229 = arith.constant 0 : i32
      %dma_wait3A_230 = tpu.memref_slice %arg7[%add3A_224, %dma_wait3A_229] : memref<6144x768xf32, #tpu.memory_space<hbm>> -> memref<64x768xf32, #tpu.memory_space<hbm>>
      %dma_wait3A_231 = arith.constant 0 : i32
      %dma_wait3A_232 = tpu.memref_slice %arg7[%add3A_224, %dma_wait3A_231] : memref<6144x768xf32, #tpu.memory_space<hbm>> -> memref<64x768xf32, #tpu.memory_space<hbm>>
      tpu.wait_dma2 semaphore(%run_scoped3A : memref<!tpu.dma_semaphore, #tpu.memory_space<semaphore_mem>>) src(%arg15 : memref<64x768xf32, #tpu.memory_space<vmem>>) dst(%dma_wait3A_232 : memref<64x768xf32, #tpu.memory_space<hbm>>)
      tpu.yield
    }) : () -> ()
    return
  }
}

#map = affine_map<(d0, d1) -> (0, 0)>
#map1 = affine_map<(d0, d1) -> (0)>
module attributes {stable_mosaic.version = 14 : i64} {
  func.func @_sc_combine_kernel(%arg0: i32, %arg1: i32, %arg2: memref<12288x768xf32, #tpu.memory_space<hbm>>, %arg3: memref<2048xi32, #tpu.memory_space<hbm>>, %arg4: memref<2048xi32, #tpu.memory_space<hbm>>, %arg5: memref<2048x768xf32, #tpu.memory_space<hbm>>, %arg6: memref<64xi32, #tpu.memory_space<vmem>>, %arg7: memref<64xi32, #tpu.memory_space<vmem>>, %arg8: memref<64x768xf32, #tpu.memory_space<vmem>>, %arg9: memref<64x768xf32, #tpu.memory_space<vmem>>, %arg10: memref<!tpu.dma_semaphore, #tpu.memory_space<semaphore_mem>>, %arg11: memref<!tpu.dma_semaphore, #tpu.memory_space<semaphore_mem>>) attributes {dimension_semantics = [#tpu.dimension_semantics<core_parallel>, #tpu.dimension_semantics<subcore_parallel>], iteration_bounds = array<i64: 2, 16>, scalar_prefetch = 0 : i64, scratch_operands = 6 : i64, tpu.core_type = #tpu.core_type<sc_vector_subcore>, window_params = [{transform_indices = #map}, {transform_indices = #map1}, {transform_indices = #map1}, {transform_indices = #map}]} {
    %mul3A = arith.constant 2 : i32
    %mul3A_0 = arith.muli %arg1, %mul3A : i32
    %add3A = arith.addi %mul3A_0, %arg0 : i32
    %mul3A_1 = arith.constant 64 : i32
    %mul3A_2 = arith.muli %add3A, %mul3A_1 : i32
    "tpu.region"() ({
      %run_scoped3A = tpu.sem_alloc : memref<!tpu.dma_semaphore, #tpu.memory_space<semaphore_mem>>
      %dma_start3A_120 = tpu.memref_slice %arg3[%mul3A_2] : memref<2048xi32, #tpu.memory_space<hbm>> -> memref<64xi32, #tpu.memory_space<hbm>>
      %dma_start3A_121 = tpu.memref_slice %arg3[%mul3A_2] : memref<2048xi32, #tpu.memory_space<hbm>> -> memref<64xi32, #tpu.memory_space<hbm>>
      tpu.enqueue_dma source(%dma_start3A_121 : memref<64xi32, #tpu.memory_space<hbm>>) target(%arg6 : memref<64xi32, #tpu.memory_space<vmem>>) target_semaphore(%run_scoped3A : memref<!tpu.dma_semaphore, #tpu.memory_space<semaphore_mem>>)
      %dma_wait3A_122 = tpu.memref_slice %arg3[%mul3A_2] : memref<2048xi32, #tpu.memory_space<hbm>> -> memref<64xi32, #tpu.memory_space<hbm>>
      %dma_wait3A_123 = tpu.memref_slice %arg3[%mul3A_2] : memref<2048xi32, #tpu.memory_space<hbm>> -> memref<64xi32, #tpu.memory_space<hbm>>
      tpu.wait_dma2 semaphore(%run_scoped3A : memref<!tpu.dma_semaphore, #tpu.memory_space<semaphore_mem>>) src(%dma_wait3A_123 : memref<64xi32, #tpu.memory_space<hbm>>) dst(%arg6 : memref<64xi32, #tpu.memory_space<vmem>>)
      tpu.yield
    }) : () -> ()
    "tpu.region"() ({
      %run_scoped3A = tpu.sem_alloc : memref<!tpu.dma_semaphore, #tpu.memory_space<semaphore_mem>>
      %dma_start3A_120 = tpu.memref_slice %arg4[%mul3A_2] : memref<2048xi32, #tpu.memory_space<hbm>> -> memref<64xi32, #tpu.memory_space<hbm>>
      %dma_start3A_121 = tpu.memref_slice %arg4[%mul3A_2] : memref<2048xi32, #tpu.memory_space<hbm>> -> memref<64xi32, #tpu.memory_space<hbm>>
      tpu.enqueue_dma source(%dma_start3A_121 : memref<64xi32, #tpu.memory_space<hbm>>) target(%arg7 : memref<64xi32, #tpu.memory_space<vmem>>) target_semaphore(%run_scoped3A : memref<!tpu.dma_semaphore, #tpu.memory_space<semaphore_mem>>)
      %dma_wait3A_122 = tpu.memref_slice %arg4[%mul3A_2] : memref<2048xi32, #tpu.memory_space<hbm>> -> memref<64xi32, #tpu.memory_space<hbm>>
      %dma_wait3A_123 = tpu.memref_slice %arg4[%mul3A_2] : memref<2048xi32, #tpu.memory_space<hbm>> -> memref<64xi32, #tpu.memory_space<hbm>>
      tpu.wait_dma2 semaphore(%run_scoped3A : memref<!tpu.dma_semaphore, #tpu.memory_space<semaphore_mem>>) src(%dma_wait3A_123 : memref<64xi32, #tpu.memory_space<hbm>>) dst(%arg7 : memref<64xi32, #tpu.memory_space<vmem>>)
      tpu.yield
    }) : () -> ()
    %dma_start3A = arith.constant 0 : i32
    %dma_start3A_3 = arith.constant 0 : i32
    %dma_start3A_4 = tpu.memref_slice %arg2[%dma_start3A, %dma_start3A_3] : memref<12288x768xf32, #tpu.memory_space<hbm>> -> memref<12288x768xf32, #tpu.memory_space<hbm>>
    tpu.enqueue_indirect_dma source(%dma_start3A_4 : memref<12288x768xf32, #tpu.memory_space<hbm>>) target(%arg8 : memref<64x768xf32, #tpu.memory_space<vmem>>) offsets(%arg6 : memref<64xi32, #tpu.memory_space<vmem>>) semaphore(%arg10 : memref<!tpu.dma_semaphore, #tpu.memory_space<semaphore_mem>>)
    %dma_start3A_5 = arith.constant 0 : i32
    %dma_start3A_6 = arith.constant 0 : i32
    %dma_start3A_7 = tpu.memref_slice %arg2[%dma_start3A_5, %dma_start3A_6] : memref<12288x768xf32, #tpu.memory_space<hbm>> -> memref<12288x768xf32, #tpu.memory_space<hbm>>
    tpu.enqueue_indirect_dma source(%dma_start3A_7 : memref<12288x768xf32, #tpu.memory_space<hbm>>) target(%arg9 : memref<64x768xf32, #tpu.memory_space<vmem>>) offsets(%arg7 : memref<64xi32, #tpu.memory_space<vmem>>) semaphore(%arg11 : memref<!tpu.dma_semaphore, #tpu.memory_space<semaphore_mem>>)
    %dma_wait3A = arith.constant 0 : i32
    %dma_wait3A_8 = arith.constant 0 : i32
    %dma_wait3A_9 = tpu.memref_slice %arg2[%dma_wait3A, %dma_wait3A_8] : memref<12288x768xf32, #tpu.memory_space<hbm>> -> memref<12288x768xf32, #tpu.memory_space<hbm>>
    tpu.wait_indirect_dma semaphore(%arg10 : memref<!tpu.dma_semaphore, #tpu.memory_space<semaphore_mem>>) src(%dma_wait3A_9 : memref<12288x768xf32, #tpu.memory_space<hbm>>) dst(%arg8 : memref<64x768xf32, #tpu.memory_space<vmem>>)
    %dma_wait3A_10 = arith.constant 0 : i32
    %dma_wait3A_11 = arith.constant 0 : i32
    %dma_wait3A_12 = tpu.memref_slice %arg2[%dma_wait3A_10, %dma_wait3A_11] : memref<12288x768xf32, #tpu.memory_space<hbm>> -> memref<12288x768xf32, #tpu.memory_space<hbm>>
    tpu.wait_indirect_dma semaphore(%arg11 : memref<!tpu.dma_semaphore, #tpu.memory_space<semaphore_mem>>) src(%dma_wait3A_12 : memref<12288x768xf32, #tpu.memory_space<hbm>>) dst(%arg9 : memref<64x768xf32, #tpu.memory_space<vmem>>)
    %scan3A = arith.constant 0 : i32
    %scan3A_13 = arith.constant 0 : i32
    %scan3A_14 = arith.constant 64 : i32
    %scan3A_15 = arith.addi %scan3A_13, %scan3A_14 : i32
    %scan3A_16 = arith.constant 1 : i32
    scf.for %scan3A_120 = %scan3A_13 to %scan3A_15 step %scan3A_16  : i32 {
      %get3A_121 = arith.index_cast %scan3A_120 : i32 to index
      %get3A_122 = arith.constant 0 : index
      %get3A_123 = tpu.vector_load %arg8[%get3A_121, %get3A_122] {strides = array<i32>} : memref<64x768xf32, #tpu.memory_space<vmem>>, vector<1x16xf32>,
      %get3A_124 = vector.shape_cast %get3A_123 : vector<1x16xf32> to vector<16xf32>
      %get3A_125 = arith.index_cast %scan3A_120 : i32 to index
      %get3A_126 = arith.constant 0 : index
      %get3A_127 = tpu.vector_load %arg9[%get3A_125, %get3A_126] {strides = array<i32>} : memref<64x768xf32, #tpu.memory_space<vmem>>, vector<1x16xf32>,
      %get3A_128 = vector.shape_cast %get3A_127 : vector<1x16xf32> to vector<16xf32>
      %add3A_129 = arith.addf %get3A_124, %get3A_128 : vector<16xf32>
      %swap3A_130 = arith.index_cast %scan3A_120 : i32 to index
      %swap3A_131 = arith.constant 0 : index
      %swap3A_132 = tpu.vector_load %arg8[%swap3A_130, %swap3A_131] {strides = array<i32>} : memref<64x768xf32, #tpu.memory_space<vmem>>, vector<1x16xf32>,
      %swap3A_133 = vector.shape_cast %swap3A_132 : vector<1x16xf32> to vector<16xf32>
      %swap3A_134 = vector.shape_cast %add3A_129 : vector<16xf32> to vector<1x16xf32>
      tpu.vector_store %arg8[%swap3A_130, %swap3A_131], %swap3A_134 {strides = array<i32>} : memref<64x768xf32, #tpu.memory_space<vmem>>, vector<1x16xf32>,
      %get3A_135 = arith.index_cast %scan3A_120 : i32 to index
      %get3A_136 = arith.constant 16 : index
      %get3A_137 = tpu.vector_load %arg8[%get3A_135, %get3A_136] {strides = array<i32>} : memref<64x768xf32, #tpu.memory_space<vmem>>, vector<1x16xf32>,
      %get3A_138 = vector.shape_cast %get3A_137 : vector<1x16xf32> to vector<16xf32>
      %get3A_139 = arith.index_cast %scan3A_120 : i32 to index
      %get3A_140 = arith.constant 16 : index
      %get3A_141 = tpu.vector_load %arg9[%get3A_139, %get3A_140] {strides = array<i32>} : memref<64x768xf32, #tpu.memory_space<vmem>>, vector<1x16xf32>,
      %get3A_142 = vector.shape_cast %get3A_141 : vector<1x16xf32> to vector<16xf32>
      %add3A_143 = arith.addf %get3A_138, %get3A_142 : vector<16xf32>
      %swap3A_144 = arith.index_cast %scan3A_120 : i32 to index
      %swap3A_145 = arith.constant 16 : index
      %swap3A_146 = tpu.vector_load %arg8[%swap3A_144, %swap3A_145] {strides = array<i32>} : memref<64x768xf32, #tpu.memory_space<vmem>>, vector<1x16xf32>,
      %swap3A_147 = vector.shape_cast %swap3A_146 : vector<1x16xf32> to vector<16xf32>
      %swap3A_148 = vector.shape_cast %add3A_143 : vector<16xf32> to vector<1x16xf32>
      tpu.vector_store %arg8[%swap3A_144, %swap3A_145], %swap3A_148 {strides = array<i32>} : memref<64x768xf32, #tpu.memory_space<vmem>>, vector<1x16xf32>,
      %get3A_149 = arith.index_cast %scan3A_120 : i32 to index
      %get3A_150 = arith.constant 32 : index
      %get3A_151 = tpu.vector_load %arg8[%get3A_149, %get3A_150] {strides = array<i32>} : memref<64x768xf32, #tpu.memory_space<vmem>>, vector<1x16xf32>,
      %get3A_152 = vector.shape_cast %get3A_151 : vector<1x16xf32> to vector<16xf32>
      %get3A_153 = arith.index_cast %scan3A_120 : i32 to index
      %get3A_154 = arith.constant 32 : index
      %get3A_155 = tpu.vector_load %arg9[%get3A_153, %get3A_154] {strides = array<i32>} : memref<64x768xf32, #tpu.memory_space<vmem>>, vector<1x16xf32>,
      %get3A_156 = vector.shape_cast %get3A_155 : vector<1x16xf32> to vector<16xf32>
      %add3A_157 = arith.addf %get3A_152, %get3A_156 : vector<16xf32>
      %swap3A_158 = arith.index_cast %scan3A_120 : i32 to index
      %swap3A_159 = arith.constant 32 : index
      %swap3A_160 = tpu.vector_load %arg8[%swap3A_158, %swap3A_159] {strides = array<i32>} : memref<64x768xf32, #tpu.memory_space<vmem>>, vector<1x16xf32>,
      %swap3A_161 = vector.shape_cast %swap3A_160 : vector<1x16xf32> to vector<16xf32>
      %swap3A_162 = vector.shape_cast %add3A_157 : vector<16xf32> to vector<1x16xf32>
      tpu.vector_store %arg8[%swap3A_158, %swap3A_159], %swap3A_162 {strides = array<i32>} : memref<64x768xf32, #tpu.memory_space<vmem>>, vector<1x16xf32>,
      %get3A_163 = arith.index_cast %scan3A_120 : i32 to index
      %get3A_164 = arith.constant 48 : index
      %get3A_165 = tpu.vector_load %arg8[%get3A_163, %get3A_164] {strides = array<i32>} : memref<64x768xf32, #tpu.memory_space<vmem>>, vector<1x16xf32>,
      %get3A_166 = vector.shape_cast %get3A_165 : vector<1x16xf32> to vector<16xf32>
      %get3A_167 = arith.index_cast %scan3A_120 : i32 to index
      %get3A_168 = arith.constant 48 : index
      %get3A_169 = tpu.vector_load %arg9[%get3A_167, %get3A_168] {strides = array<i32>} : memref<64x768xf32, #tpu.memory_space<vmem>>, vector<1x16xf32>,
      %get3A_170 = vector.shape_cast %get3A_169 : vector<1x16xf32> to vector<16xf32>
      %add3A_171 = arith.addf %get3A_166, %get3A_170 : vector<16xf32>
      %swap3A_172 = arith.index_cast %scan3A_120 : i32 to index
      %swap3A_173 = arith.constant 48 : index
      %swap3A_174 = tpu.vector_load %arg8[%swap3A_172, %swap3A_173] {strides = array<i32>} : memref<64x768xf32, #tpu.memory_space<vmem>>, vector<1x16xf32>,
      %swap3A_175 = vector.shape_cast %swap3A_174 : vector<1x16xf32> to vector<16xf32>
      %swap3A_176 = vector.shape_cast %add3A_171 : vector<16xf32> to vector<1x16xf32>
      tpu.vector_store %arg8[%swap3A_172, %swap3A_173], %swap3A_176 {strides = array<i32>} : memref<64x768xf32, #tpu.memory_space<vmem>>, vector<1x16xf32>,
      %get3A_177 = arith.index_cast %scan3A_120 : i32 to index
      %get3A_178 = arith.constant 64 : index
      %get3A_179 = tpu.vector_load %arg8[%get3A_177, %get3A_178] {strides = array<i32>} : memref<64x768xf32, #tpu.memory_space<vmem>>, vector<1x16xf32>,
      %get3A_180 = vector.shape_cast %get3A_179 : vector<1x16xf32> to vector<16xf32>
      %get3A_181 = arith.index_cast %scan3A_120 : i32 to index
      %get3A_182 = arith.constant 64 : index
      %get3A_183 = tpu.vector_load %arg9[%get3A_181, %get3A_182] {strides = array<i32>} : memref<64x768xf32, #tpu.memory_space<vmem>>, vector<1x16xf32>,
      %get3A_184 = vector.shape_cast %get3A_183 : vector<1x16xf32> to vector<16xf32>
      %add3A_185 = arith.addf %get3A_180, %get3A_184 : vector<16xf32>
      %swap3A_186 = arith.index_cast %scan3A_120 : i32 to index
      %swap3A_187 = arith.constant 64 : index
      %swap3A_188 = tpu.vector_load %arg8[%swap3A_186, %swap3A_187] {strides = array<i32>} : memref<64x768xf32, #tpu.memory_space<vmem>>, vector<1x16xf32>,
      %swap3A_189 = vector.shape_cast %swap3A_188 : vector<1x16xf32> to vector<16xf32>
      %swap3A_190 = vector.shape_cast %add3A_185 : vector<16xf32> to vector<1x16xf32>
      tpu.vector_store %arg8[%swap3A_186, %swap3A_187], %swap3A_190 {strides = array<i32>} : memref<64x768xf32, #tpu.memory_space<vmem>>, vector<1x16xf32>,
      %get3A_191 = arith.index_cast %scan3A_120 : i32 to index
      %get3A_192 = arith.constant 80 : index
      %get3A_193 = tpu.vector_load %arg8[%get3A_191, %get3A_192] {strides = array<i32>} : memref<64x768xf32, #tpu.memory_space<vmem>>, vector<1x16xf32>,
      %get3A_194 = vector.shape_cast %get3A_193 : vector<1x16xf32> to vector<16xf32>
      %get3A_195 = arith.index_cast %scan3A_120 : i32 to index
      %get3A_196 = arith.constant 80 : index
      %get3A_197 = tpu.vector_load %arg9[%get3A_195, %get3A_196] {strides = array<i32>} : memref<64x768xf32, #tpu.memory_space<vmem>>, vector<1x16xf32>,
      %get3A_198 = vector.shape_cast %get3A_197 : vector<1x16xf32> to vector<16xf32>
      %add3A_199 = arith.addf %get3A_194, %get3A_198 : vector<16xf32>
      %swap3A_200 = arith.index_cast %scan3A_120 : i32 to index
      %swap3A_201 = arith.constant 80 : index
      %swap3A_202 = tpu.vector_load %arg8[%swap3A_200, %swap3A_201] {strides = array<i32>} : memref<64x768xf32, #tpu.memory_space<vmem>>, vector<1x16xf32>,
      %swap3A_203 = vector.shape_cast %swap3A_202 : vector<1x16xf32> to vector<16xf32>
      %swap3A_204 = vector.shape_cast %add3A_199 : vector<16xf32> to vector<1x16xf32>
      tpu.vector_store %arg8[%swap3A_200, %swap3A_201], %swap3A_204 {strides = array<i32>} : memref<64x768xf32, #tpu.memory_space<vmem>>, vector<1x16xf32>,
      %get3A_205 = arith.index_cast %scan3A_120 : i32 to index
      %get3A_206 = arith.constant 96 : index
      %get3A_207 = tpu.vector_load %arg8[%get3A_205, %get3A_206] {strides = array<i32>} : memref<64x768xf32, #tpu.memory_space<vmem>>, vector<1x16xf32>,
      %get3A_208 = vector.shape_cast %get3A_207 : vector<1x16xf32> to vector<16xf32>
      %get3A_209 = arith.index_cast %scan3A_120 : i32 to index
      %get3A_210 = arith.constant 96 : index
      %get3A_211 = tpu.vector_load %arg9[%get3A_209, %get3A_210] {strides = array<i32>} : memref<64x768xf32, #tpu.memory_space<vmem>>, vector<1x16xf32>,
      %get3A_212 = vector.shape_cast %get3A_211 : vector<1x16xf32> to vector<16xf32>
      %add3A_213 = arith.addf %get3A_208, %get3A_212 : vector<16xf32>
      %swap3A_214 = arith.index_cast %scan3A_120 : i32 to index
      %swap3A_215 = arith.constant 96 : index
      %swap3A_216 = tpu.vector_load %arg8[%swap3A_214, %swap3A_215] {strides = array<i32>} : memref<64x768xf32, #tpu.memory_space<vmem>>, vector<1x16xf32>,
      %swap3A_217 = vector.shape_cast %swap3A_216 : vector<1x16xf32> to vector<16xf32>
      %swap3A_218 = vector.shape_cast %add3A_213 : vector<16xf32> to vector<1x16xf32>
      tpu.vector_store %arg8[%swap3A_214, %swap3A_215], %swap3A_218 {strides = array<i32>} : memref<64x768xf32, #tpu.memory_space<vmem>>, vector<1x16xf32>,
      %get3A_219 = arith.index_cast %scan3A_120 : i32 to index
      %get3A_220 = arith.constant 112 : index
      %get3A_221 = tpu.vector_load %arg8[%get3A_219, %get3A_220] {strides = array<i32>} : memref<64x768xf32, #tpu.memory_space<vmem>>, vector<1x16xf32>,
      %get3A_222 = vector.shape_cast %get3A_221 : vector<1x16xf32> to vector<16xf32>
      %get3A_223 = arith.index_cast %scan3A_120 : i32 to index
      %get3A_224 = arith.constant 112 : index
      %get3A_225 = tpu.vector_load %arg9[%get3A_223, %get3A_224] {strides = array<i32>} : memref<64x768xf32, #tpu.memory_space<vmem>>, vector<1x16xf32>,
      %get3A_226 = vector.shape_cast %get3A_225 : vector<1x16xf32> to vector<16xf32>
      %add3A_227 = arith.addf %get3A_222, %get3A_226 : vector<16xf32>
      %swap3A_228 = arith.index_cast %scan3A_120 : i32 to index
      %swap3A_229 = arith.constant 112 : index
      %swap3A_230 = tpu.vector_load %arg8[%swap3A_228, %swap3A_229] {strides = array<i32>} : memref<64x768xf32, #tpu.memory_space<vmem>>, vector<1x16xf32>,
      %swap3A_231 = vector.shape_cast %swap3A_230 : vector<1x16xf32> to vector<16xf32>
      %swap3A_232 = vector.shape_cast %add3A_227 : vector<16xf32> to vector<1x16xf32>
      tpu.vector_store %arg8[%swap3A_228, %swap3A_229], %swap3A_232 {strides = array<i32>} : memref<64x768xf32, #tpu.memory_space<vmem>>, vector<1x16xf32>,
      %get3A_233 = arith.index_cast %scan3A_120 : i32 to index
      %get3A_234 = arith.constant 128 : index
      %get3A_235 = tpu.vector_load %arg8[%get3A_233, %get3A_234] {strides = array<i32>} : memref<64x768xf32, #tpu.memory_space<vmem>>, vector<1x16xf32>,
      %get3A_236 = vector.shape_cast %get3A_235 : vector<1x16xf32> to vector<16xf32>
      %get3A_237 = arith.index_cast %scan3A_120 : i32 to index
      %get3A_238 = arith.constant 128 : index
      %get3A_239 = tpu.vector_load %arg9[%get3A_237, %get3A_238] {strides = array<i32>} : memref<64x768xf32, #tpu.memory_space<vmem>>, vector<1x16xf32>,
      %get3A_240 = vector.shape_cast %get3A_239 : vector<1x16xf32> to vector<16xf32>
      %add3A_241 = arith.addf %get3A_236, %get3A_240 : vector<16xf32>
      %swap3A_242 = arith.index_cast %scan3A_120 : i32 to index
      %swap3A_243 = arith.constant 128 : index
      %swap3A_244 = tpu.vector_load %arg8[%swap3A_242, %swap3A_243] {strides = array<i32>} : memref<64x768xf32, #tpu.memory_space<vmem>>, vector<1x16xf32>,
      %swap3A_245 = vector.shape_cast %swap3A_244 : vector<1x16xf32> to vector<16xf32>
      %swap3A_246 = vector.shape_cast %add3A_241 : vector<16xf32> to vector<1x16xf32>
      tpu.vector_store %arg8[%swap3A_242, %swap3A_243], %swap3A_246 {strides = array<i32>} : memref<64x768xf32, #tpu.memory_space<vmem>>, vector<1x16xf32>,
      %get3A_247 = arith.index_cast %scan3A_120 : i32 to index
      %get3A_248 = arith.constant 144 : index
      %get3A_249 = tpu.vector_load %arg8[%get3A_247, %get3A_248] {strides = array<i32>} : memref<64x768xf32, #tpu.memory_space<vmem>>, vector<1x16xf32>,
      %get3A_250 = vector.shape_cast %get3A_249 : vector<1x16xf32> to vector<16xf32>
      %get3A_251 = arith.index_cast %scan3A_120 : i32 to index
      %get3A_252 = arith.constant 144 : index
      %get3A_253 = tpu.vector_load %arg9[%get3A_251, %get3A_252] {strides = array<i32>} : memref<64x768xf32, #tpu.memory_space<vmem>>, vector<1x16xf32>,
      %get3A_254 = vector.shape_cast %get3A_253 : vector<1x16xf32> to vector<16xf32>
      %add3A_255 = arith.addf %get3A_250, %get3A_254 : vector<16xf32>
      %swap3A_256 = arith.index_cast %scan3A_120 : i32 to index
      %swap3A_257 = arith.constant 144 : index
      %swap3A_258 = tpu.vector_load %arg8[%swap3A_256, %swap3A_257] {strides = array<i32>} : memref<64x768xf32, #tpu.memory_space<vmem>>, vector<1x16xf32>,
      %swap3A_259 = vector.shape_cast %swap3A_258 : vector<1x16xf32> to vector<16xf32>
      %swap3A_260 = vector.shape_cast %add3A_255 : vector<16xf32> to vector<1x16xf32>
      tpu.vector_store %arg8[%swap3A_256, %swap3A_257], %swap3A_260 {strides = array<i32>} : memref<64x768xf32, #tpu.memory_space<vmem>>, vector<1x16xf32>,
      %get3A_261 = arith.index_cast %scan3A_120 : i32 to index
      %get3A_262 = arith.constant 160 : index
      %get3A_263 = tpu.vector_load %arg8[%get3A_261, %get3A_262] {strides = array<i32>} : memref<64x768xf32, #tpu.memory_space<vmem>>, vector<1x16xf32>,
      %get3A_264 = vector.shape_cast %get3A_263 : vector<1x16xf32> to vector<16xf32>
      %get3A_265 = arith.index_cast %scan3A_120 : i32 to index
      %get3A_266 = arith.constant 160 : index
      %get3A_267 = tpu.vector_load %arg9[%get3A_265, %get3A_266] {strides = array<i32>} : memref<64x768xf32, #tpu.memory_space<vmem>>, vector<1x16xf32>,
      %get3A_268 = vector.shape_cast %get3A_267 : vector<1x16xf32> to vector<16xf32>
      %add3A_269 = arith.addf %get3A_264, %get3A_268 : vector<16xf32>
      %swap3A_270 = arith.index_cast %scan3A_120 : i32 to index
      %swap3A_271 = arith.constant 160 : index
      %swap3A_272 = tpu.vector_load %arg8[%swap3A_270, %swap3A_271] {strides = array<i32>} : memref<64x768xf32, #tpu.memory_space<vmem>>, vector<1x16xf32>,
      %swap3A_273 = vector.shape_cast %swap3A_272 : vector<1x16xf32> to vector<16xf32>
      %swap3A_274 = vector.shape_cast %add3A_269 : vector<16xf32> to vector<1x16xf32>
      tpu.vector_store %arg8[%swap3A_270, %swap3A_271], %swap3A_274 {strides = array<i32>} : memref<64x768xf32, #tpu.memory_space<vmem>>, vector<1x16xf32>,
      %get3A_275 = arith.index_cast %scan3A_120 : i32 to index
      %get3A_276 = arith.constant 176 : index
      %get3A_277 = tpu.vector_load %arg8[%get3A_275, %get3A_276] {strides = array<i32>} : memref<64x768xf32, #tpu.memory_space<vmem>>, vector<1x16xf32>,
      %get3A_278 = vector.shape_cast %get3A_277 : vector<1x16xf32> to vector<16xf32>
      %get3A_279 = arith.index_cast %scan3A_120 : i32 to index
      %get3A_280 = arith.constant 176 : index
      %get3A_281 = tpu.vector_load %arg9[%get3A_279, %get3A_280] {strides = array<i32>} : memref<64x768xf32, #tpu.memory_space<vmem>>, vector<1x16xf32>,
      %get3A_282 = vector.shape_cast %get3A_281 : vector<1x16xf32> to vector<16xf32>
      %add3A_283 = arith.addf %get3A_278, %get3A_282 : vector<16xf32>
      %swap3A_284 = arith.index_cast %scan3A_120 : i32 to index
      %swap3A_285 = arith.constant 176 : index
      %swap3A_286 = tpu.vector_load %arg8[%swap3A_284, %swap3A_285] {strides = array<i32>} : memref<64x768xf32, #tpu.memory_space<vmem>>, vector<1x16xf32>,
      %swap3A_287 = vector.shape_cast %swap3A_286 : vector<1x16xf32> to vector<16xf32>
      %swap3A_288 = vector.shape_cast %add3A_283 : vector<16xf32> to vector<1x16xf32>
      tpu.vector_store %arg8[%swap3A_284, %swap3A_285], %swap3A_288 {strides = array<i32>} : memref<64x768xf32, #tpu.memory_space<vmem>>, vector<1x16xf32>,
      %get3A_289 = arith.index_cast %scan3A_120 : i32 to index
      %get3A_290 = arith.constant 192 : index
      %get3A_291 = tpu.vector_load %arg8[%get3A_289, %get3A_290] {strides = array<i32>} : memref<64x768xf32, #tpu.memory_space<vmem>>, vector<1x16xf32>,
      %get3A_292 = vector.shape_cast %get3A_291 : vector<1x16xf32> to vector<16xf32>
      %get3A_293 = arith.index_cast %scan3A_120 : i32 to index
      %get3A_294 = arith.constant 192 : index
      %get3A_295 = tpu.vector_load %arg9[%get3A_293, %get3A_294] {strides = array<i32>} : memref<64x768xf32, #tpu.memory_space<vmem>>, vector<1x16xf32>,
      %get3A_296 = vector.shape_cast %get3A_295 : vector<1x16xf32> to vector<16xf32>
      %add3A_297 = arith.addf %get3A_292, %get3A_296 : vector<16xf32>
      %swap3A_298 = arith.index_cast %scan3A_120 : i32 to index
      %swap3A_299 = arith.constant 192 : index
      %swap3A_300 = tpu.vector_load %arg8[%swap3A_298, %swap3A_299] {strides = array<i32>} : memref<64x768xf32, #tpu.memory_space<vmem>>, vector<1x16xf32>,
      %swap3A_301 = vector.shape_cast %swap3A_300 : vector<1x16xf32> to vector<16xf32>
      %swap3A_302 = vector.shape_cast %add3A_297 : vector<16xf32> to vector<1x16xf32>
      tpu.vector_store %arg8[%swap3A_298, %swap3A_299], %swap3A_302 {strides = array<i32>} : memref<64x768xf32, #tpu.memory_space<vmem>>, vector<1x16xf32>,
      %get3A_303 = arith.index_cast %scan3A_120 : i32 to index
      %get3A_304 = arith.constant 208 : index
      %get3A_305 = tpu.vector_load %arg8[%get3A_303, %get3A_304] {strides = array<i32>} : memref<64x768xf32, #tpu.memory_space<vmem>>, vector<1x16xf32>,
      %get3A_306 = vector.shape_cast %get3A_305 : vector<1x16xf32> to vector<16xf32>
      %get3A_307 = arith.index_cast %scan3A_120 : i32 to index
      %get3A_308 = arith.constant 208 : index
      %get3A_309 = tpu.vector_load %arg9[%get3A_307, %get3A_308] {strides = array<i32>} : memref<64x768xf32, #tpu.memory_space<vmem>>, vector<1x16xf32>,
      %get3A_310 = vector.shape_cast %get3A_309 : vector<1x16xf32> to vector<16xf32>
      %add3A_311 = arith.addf %get3A_306, %get3A_310 : vector<16xf32>
      %swap3A_312 = arith.index_cast %scan3A_120 : i32 to index
      %swap3A_313 = arith.constant 208 : index
      %swap3A_314 = tpu.vector_load %arg8[%swap3A_312, %swap3A_313] {strides = array<i32>} : memref<64x768xf32, #tpu.memory_space<vmem>>, vector<1x16xf32>,
      %swap3A_315 = vector.shape_cast %swap3A_314 : vector<1x16xf32> to vector<16xf32>
      %swap3A_316 = vector.shape_cast %add3A_311 : vector<16xf32> to vector<1x16xf32>
      tpu.vector_store %arg8[%swap3A_312, %swap3A_313], %swap3A_316 {strides = array<i32>} : memref<64x768xf32, #tpu.memory_space<vmem>>, vector<1x16xf32>,
      %get3A_317 = arith.index_cast %scan3A_120 : i32 to index
      %get3A_318 = arith.constant 224 : index
      %get3A_319 = tpu.vector_load %arg8[%get3A_317, %get3A_318] {strides = array<i32>} : memref<64x768xf32, #tpu.memory_space<vmem>>, vector<1x16xf32>,
      %get3A_320 = vector.shape_cast %get3A_319 : vector<1x16xf32> to vector<16xf32>
      %get3A_321 = arith.index_cast %scan3A_120 : i32 to index
      %get3A_322 = arith.constant 224 : index
      %get3A_323 = tpu.vector_load %arg9[%get3A_321, %get3A_322] {strides = array<i32>} : memref<64x768xf32, #tpu.memory_space<vmem>>, vector<1x16xf32>,
      %get3A_324 = vector.shape_cast %get3A_323 : vector<1x16xf32> to vector<16xf32>
      %add3A_325 = arith.addf %get3A_320, %get3A_324 : vector<16xf32>
      %swap3A_326 = arith.index_cast %scan3A_120 : i32 to index
      %swap3A_327 = arith.constant 224 : index
      %swap3A_328 = tpu.vector_load %arg8[%swap3A_326, %swap3A_327] {strides = array<i32>} : memref<64x768xf32, #tpu.memory_space<vmem>>, vector<1x16xf32>,
      %swap3A_329 = vector.shape_cast %swap3A_328 : vector<1x16xf32> to vector<16xf32>
      %swap3A_330 = vector.shape_cast %add3A_325 : vector<16xf32> to vector<1x16xf32>
      tpu.vector_store %arg8[%swap3A_326, %swap3A_327], %swap3A_330 {strides = array<i32>} : memref<64x768xf32, #tpu.memory_space<vmem>>, vector<1x16xf32>,
      %get3A_331 = arith.index_cast %scan3A_120 : i32 to index
      %get3A_332 = arith.constant 240 : index
      %get3A_333 = tpu.vector_load %arg8[%get3A_331, %get3A_332] {strides = array<i32>} : memref<64x768xf32, #tpu.memory_space<vmem>>, vector<1x16xf32>,
      %get3A_334 = vector.shape_cast %get3A_333 : vector<1x16xf32> to vector<16xf32>
      %get3A_335 = arith.index_cast %scan3A_120 : i32 to index
      %get3A_336 = arith.constant 240 : index
      %get3A_337 = tpu.vector_load %arg9[%get3A_335, %get3A_336] {strides = array<i32>} : memref<64x768xf32, #tpu.memory_space<vmem>>, vector<1x16xf32>,
      %get3A_338 = vector.shape_cast %get3A_337 : vector<1x16xf32> to vector<16xf32>
      %add3A_339 = arith.addf %get3A_334, %get3A_338 : vector<16xf32>
      %swap3A_340 = arith.index_cast %scan3A_120 : i32 to index
      %swap3A_341 = arith.constant 240 : index
      %swap3A_342 = tpu.vector_load %arg8[%swap3A_340, %swap3A_341] {strides = array<i32>} : memref<64x768xf32, #tpu.memory_space<vmem>>, vector<1x16xf32>,
      %swap3A_343 = vector.shape_cast %swap3A_342 : vector<1x16xf32> to vector<16xf32>
      %swap3A_344 = vector.shape_cast %add3A_339 : vector<16xf32> to vector<1x16xf32>
      tpu.vector_store %arg8[%swap3A_340, %swap3A_341], %swap3A_344 {strides = array<i32>} : memref<64x768xf32, #tpu.memory_space<vmem>>, vector<1x16xf32>,
      %get3A_345 = arith.index_cast %scan3A_120 : i32 to index
      %get3A_346 = arith.constant 256 : index
      %get3A_347 = tpu.vector_load %arg8[%get3A_345, %get3A_346] {strides = array<i32>} : memref<64x768xf32, #tpu.memory_space<vmem>>, vector<1x16xf32>,
      %get3A_348 = vector.shape_cast %get3A_347 : vector<1x16xf32> to vector<16xf32>
      %get3A_349 = arith.index_cast %scan3A_120 : i32 to index
      %get3A_350 = arith.constant 256 : index
      %get3A_351 = tpu.vector_load %arg9[%get3A_349, %get3A_350] {strides = array<i32>} : memref<64x768xf32, #tpu.memory_space<vmem>>, vector<1x16xf32>,
      %get3A_352 = vector.shape_cast %get3A_351 : vector<1x16xf32> to vector<16xf32>
      %add3A_353 = arith.addf %get3A_348, %get3A_352 : vector<16xf32>
      %swap3A_354 = arith.index_cast %scan3A_120 : i32 to index
      %swap3A_355 = arith.constant 256 : index
      %swap3A_356 = tpu.vector_load %arg8[%swap3A_354, %swap3A_355] {strides = array<i32>} : memref<64x768xf32, #tpu.memory_space<vmem>>, vector<1x16xf32>,
      %swap3A_357 = vector.shape_cast %swap3A_356 : vector<1x16xf32> to vector<16xf32>
      %swap3A_358 = vector.shape_cast %add3A_353 : vector<16xf32> to vector<1x16xf32>
      tpu.vector_store %arg8[%swap3A_354, %swap3A_355], %swap3A_358 {strides = array<i32>} : memref<64x768xf32, #tpu.memory_space<vmem>>, vector<1x16xf32>,
      %get3A_359 = arith.index_cast %scan3A_120 : i32 to index
      %get3A_360 = arith.constant 272 : index
      %get3A_361 = tpu.vector_load %arg8[%get3A_359, %get3A_360] {strides = array<i32>} : memref<64x768xf32, #tpu.memory_space<vmem>>, vector<1x16xf32>,
      %get3A_362 = vector.shape_cast %get3A_361 : vector<1x16xf32> to vector<16xf32>
      %get3A_363 = arith.index_cast %scan3A_120 : i32 to index
      %get3A_364 = arith.constant 272 : index
      %get3A_365 = tpu.vector_load %arg9[%get3A_363, %get3A_364] {strides = array<i32>} : memref<64x768xf32, #tpu.memory_space<vmem>>, vector<1x16xf32>,
      %get3A_366 = vector.shape_cast %get3A_365 : vector<1x16xf32> to vector<16xf32>
      %add3A_367 = arith.addf %get3A_362, %get3A_366 : vector<16xf32>
      %swap3A_368 = arith.index_cast %scan3A_120 : i32 to index
      %swap3A_369 = arith.constant 272 : index
      %swap3A_370 = tpu.vector_load %arg8[%swap3A_368, %swap3A_369] {strides = array<i32>} : memref<64x768xf32, #tpu.memory_space<vmem>>, vector<1x16xf32>,
      %swap3A_371 = vector.shape_cast %swap3A_370 : vector<1x16xf32> to vector<16xf32>
      %swap3A_372 = vector.shape_cast %add3A_367 : vector<16xf32> to vector<1x16xf32>
      tpu.vector_store %arg8[%swap3A_368, %swap3A_369], %swap3A_372 {strides = array<i32>} : memref<64x768xf32, #tpu.memory_space<vmem>>, vector<1x16xf32>,
      %get3A_373 = arith.index_cast %scan3A_120 : i32 to index
      %get3A_374 = arith.constant 288 : index
      %get3A_375 = tpu.vector_load %arg8[%get3A_373, %get3A_374] {strides = array<i32>} : memref<64x768xf32, #tpu.memory_space<vmem>>, vector<1x16xf32>,
      %get3A_376 = vector.shape_cast %get3A_375 : vector<1x16xf32> to vector<16xf32>
      %get3A_377 = arith.index_cast %scan3A_120 : i32 to index
      %get3A_378 = arith.constant 288 : index
      %get3A_379 = tpu.vector_load %arg9[%get3A_377, %get3A_378] {strides = array<i32>} : memref<64x768xf32, #tpu.memory_space<vmem>>, vector<1x16xf32>,
      %get3A_380 = vector.shape_cast %get3A_379 : vector<1x16xf32> to vector<16xf32>
      %add3A_381 = arith.addf %get3A_376, %get3A_380 : vector<16xf32>
      %swap3A_382 = arith.index_cast %scan3A_120 : i32 to index
      %swap3A_383 = arith.constant 288 : index
      %swap3A_384 = tpu.vector_load %arg8[%swap3A_382, %swap3A_383] {strides = array<i32>} : memref<64x768xf32, #tpu.memory_space<vmem>>, vector<1x16xf32>,
      %swap3A_385 = vector.shape_cast %swap3A_384 : vector<1x16xf32> to vector<16xf32>
      %swap3A_386 = vector.shape_cast %add3A_381 : vector<16xf32> to vector<1x16xf32>
      tpu.vector_store %arg8[%swap3A_382, %swap3A_383], %swap3A_386 {strides = array<i32>} : memref<64x768xf32, #tpu.memory_space<vmem>>, vector<1x16xf32>,
      %get3A_387 = arith.index_cast %scan3A_120 : i32 to index
      %get3A_388 = arith.constant 304 : index
      %get3A_389 = tpu.vector_load %arg8[%get3A_387, %get3A_388] {strides = array<i32>} : memref<64x768xf32, #tpu.memory_space<vmem>>, vector<1x16xf32>,
      %get3A_390 = vector.shape_cast %get3A_389 : vector<1x16xf32> to vector<16xf32>
      %get3A_391 = arith.index_cast %scan3A_120 : i32 to index
      %get3A_392 = arith.constant 304 : index
      %get3A_393 = tpu.vector_load %arg9[%get3A_391, %get3A_392] {strides = array<i32>} : memref<64x768xf32, #tpu.memory_space<vmem>>, vector<1x16xf32>,
      %get3A_394 = vector.shape_cast %get3A_393 : vector<1x16xf32> to vector<16xf32>
      %add3A_395 = arith.addf %get3A_390, %get3A_394 : vector<16xf32>
      %swap3A_396 = arith.index_cast %scan3A_120 : i32 to index
      %swap3A_397 = arith.constant 304 : index
      %swap3A_398 = tpu.vector_load %arg8[%swap3A_396, %swap3A_397] {strides = array<i32>} : memref<64x768xf32, #tpu.memory_space<vmem>>, vector<1x16xf32>,
      %swap3A_399 = vector.shape_cast %swap3A_398 : vector<1x16xf32> to vector<16xf32>
      %swap3A_400 = vector.shape_cast %add3A_395 : vector<16xf32> to vector<1x16xf32>
      tpu.vector_store %arg8[%swap3A_396, %swap3A_397], %swap3A_400 {strides = array<i32>} : memref<64x768xf32, #tpu.memory_space<vmem>>, vector<1x16xf32>,
      %get3A_401 = arith.index_cast %scan3A_120 : i32 to index
      %get3A_402 = arith.constant 320 : index
      %get3A_403 = tpu.vector_load %arg8[%get3A_401, %get3A_402] {strides = array<i32>} : memref<64x768xf32, #tpu.memory_space<vmem>>, vector<1x16xf32>,
      %get3A_404 = vector.shape_cast %get3A_403 : vector<1x16xf32> to vector<16xf32>
      %get3A_405 = arith.index_cast %scan3A_120 : i32 to index
      %get3A_406 = arith.constant 320 : index
      %get3A_407 = tpu.vector_load %arg9[%get3A_405, %get3A_406] {strides = array<i32>} : memref<64x768xf32, #tpu.memory_space<vmem>>, vector<1x16xf32>,
      %get3A_408 = vector.shape_cast %get3A_407 : vector<1x16xf32> to vector<16xf32>
      %add3A_409 = arith.addf %get3A_404, %get3A_408 : vector<16xf32>
      %swap3A_410 = arith.index_cast %scan3A_120 : i32 to index
      %swap3A_411 = arith.constant 320 : index
      %swap3A_412 = tpu.vector_load %arg8[%swap3A_410, %swap3A_411] {strides = array<i32>} : memref<64x768xf32, #tpu.memory_space<vmem>>, vector<1x16xf32>,
      %swap3A_413 = vector.shape_cast %swap3A_412 : vector<1x16xf32> to vector<16xf32>
      %swap3A_414 = vector.shape_cast %add3A_409 : vector<16xf32> to vector<1x16xf32>
      tpu.vector_store %arg8[%swap3A_410, %swap3A_411], %swap3A_414 {strides = array<i32>} : memref<64x768xf32, #tpu.memory_space<vmem>>, vector<1x16xf32>,
      %get3A_415 = arith.index_cast %scan3A_120 : i32 to index
      %get3A_416 = arith.constant 336 : index
      %get3A_417 = tpu.vector_load %arg8[%get3A_415, %get3A_416] {strides = array<i32>} : memref<64x768xf32, #tpu.memory_space<vmem>>, vector<1x16xf32>,
      %get3A_418 = vector.shape_cast %get3A_417 : vector<1x16xf32> to vector<16xf32>
      %get3A_419 = arith.index_cast %scan3A_120 : i32 to index
      %get3A_420 = arith.constant 336 : index
      %get3A_421 = tpu.vector_load %arg9[%get3A_419, %get3A_420] {strides = array<i32>} : memref<64x768xf32, #tpu.memory_space<vmem>>, vector<1x16xf32>,
      %get3A_422 = vector.shape_cast %get3A_421 : vector<1x16xf32> to vector<16xf32>
      %add3A_423 = arith.addf %get3A_418, %get3A_422 : vector<16xf32>
      %swap3A_424 = arith.index_cast %scan3A_120 : i32 to index
      %swap3A_425 = arith.constant 336 : index
      %swap3A_426 = tpu.vector_load %arg8[%swap3A_424, %swap3A_425] {strides = array<i32>} : memref<64x768xf32, #tpu.memory_space<vmem>>, vector<1x16xf32>,
      %swap3A_427 = vector.shape_cast %swap3A_426 : vector<1x16xf32> to vector<16xf32>
      %swap3A_428 = vector.shape_cast %add3A_423 : vector<16xf32> to vector<1x16xf32>
      tpu.vector_store %arg8[%swap3A_424, %swap3A_425], %swap3A_428 {strides = array<i32>} : memref<64x768xf32, #tpu.memory_space<vmem>>, vector<1x16xf32>,
      %get3A_429 = arith.index_cast %scan3A_120 : i32 to index
      %get3A_430 = arith.constant 352 : index
      %get3A_431 = tpu.vector_load %arg8[%get3A_429, %get3A_430] {strides = array<i32>} : memref<64x768xf32, #tpu.memory_space<vmem>>, vector<1x16xf32>,
      %get3A_432 = vector.shape_cast %get3A_431 : vector<1x16xf32> to vector<16xf32>
      %get3A_433 = arith.index_cast %scan3A_120 : i32 to index
      %get3A_434 = arith.constant 352 : index
      %get3A_435 = tpu.vector_load %arg9[%get3A_433, %get3A_434] {strides = array<i32>} : memref<64x768xf32, #tpu.memory_space<vmem>>, vector<1x16xf32>,
      %get3A_436 = vector.shape_cast %get3A_435 : vector<1x16xf32> to vector<16xf32>
      %add3A_437 = arith.addf %get3A_432, %get3A_436 : vector<16xf32>
      %swap3A_438 = arith.index_cast %scan3A_120 : i32 to index
      %swap3A_439 = arith.constant 352 : index
      %swap3A_440 = tpu.vector_load %arg8[%swap3A_438, %swap3A_439] {strides = array<i32>} : memref<64x768xf32, #tpu.memory_space<vmem>>, vector<1x16xf32>,
      %swap3A_441 = vector.shape_cast %swap3A_440 : vector<1x16xf32> to vector<16xf32>
      %swap3A_442 = vector.shape_cast %add3A_437 : vector<16xf32> to vector<1x16xf32>
      tpu.vector_store %arg8[%swap3A_438, %swap3A_439], %swap3A_442 {strides = array<i32>} : memref<64x768xf32, #tpu.memory_space<vmem>>, vector<1x16xf32>,
      %get3A_443 = arith.index_cast %scan3A_120 : i32 to index
      %get3A_444 = arith.constant 368 : index
      %get3A_445 = tpu.vector_load %arg8[%get3A_443, %get3A_444] {strides = array<i32>} : memref<64x768xf32, #tpu.memory_space<vmem>>, vector<1x16xf32>,
      %get3A_446 = vector.shape_cast %get3A_445 : vector<1x16xf32> to vector<16xf32>
      %get3A_447 = arith.index_cast %scan3A_120 : i32 to index
      %get3A_448 = arith.constant 368 : index
      %get3A_449 = tpu.vector_load %arg9[%get3A_447, %get3A_448] {strides = array<i32>} : memref<64x768xf32, #tpu.memory_space<vmem>>, vector<1x16xf32>,
      %get3A_450 = vector.shape_cast %get3A_449 : vector<1x16xf32> to vector<16xf32>
      %add3A_451 = arith.addf %get3A_446, %get3A_450 : vector<16xf32>
      %swap3A_452 = arith.index_cast %scan3A_120 : i32 to index
      %swap3A_453 = arith.constant 368 : index
      %swap3A_454 = tpu.vector_load %arg8[%swap3A_452, %swap3A_453] {strides = array<i32>} : memref<64x768xf32, #tpu.memory_space<vmem>>, vector<1x16xf32>,
      %swap3A_455 = vector.shape_cast %swap3A_454 : vector<1x16xf32> to vector<16xf32>
      %swap3A_456 = vector.shape_cast %add3A_451 : vector<16xf32> to vector<1x16xf32>
      tpu.vector_store %arg8[%swap3A_452, %swap3A_453], %swap3A_456 {strides = array<i32>} : memref<64x768xf32, #tpu.memory_space<vmem>>, vector<1x16xf32>,
      %get3A_457 = arith.index_cast %scan3A_120 : i32 to index
      %get3A_458 = arith.constant 384 : index
      %get3A_459 = tpu.vector_load %arg8[%get3A_457, %get3A_458] {strides = array<i32>} : memref<64x768xf32, #tpu.memory_space<vmem>>, vector<1x16xf32>,
      %get3A_460 = vector.shape_cast %get3A_459 : vector<1x16xf32> to vector<16xf32>
      %get3A_461 = arith.index_cast %scan3A_120 : i32 to index
      %get3A_462 = arith.constant 384 : index
      %get3A_463 = tpu.vector_load %arg9[%get3A_461, %get3A_462] {strides = array<i32>} : memref<64x768xf32, #tpu.memory_space<vmem>>, vector<1x16xf32>,
      %get3A_464 = vector.shape_cast %get3A_463 : vector<1x16xf32> to vector<16xf32>
      %add3A_465 = arith.addf %get3A_460, %get3A_464 : vector<16xf32>
      %swap3A_466 = arith.index_cast %scan3A_120 : i32 to index
      %swap3A_467 = arith.constant 384 : index
      %swap3A_468 = tpu.vector_load %arg8[%swap3A_466, %swap3A_467] {strides = array<i32>} : memref<64x768xf32, #tpu.memory_space<vmem>>, vector<1x16xf32>,
      %swap3A_469 = vector.shape_cast %swap3A_468 : vector<1x16xf32> to vector<16xf32>
      %swap3A_470 = vector.shape_cast %add3A_465 : vector<16xf32> to vector<1x16xf32>
      tpu.vector_store %arg8[%swap3A_466, %swap3A_467], %swap3A_470 {strides = array<i32>} : memref<64x768xf32, #tpu.memory_space<vmem>>, vector<1x16xf32>,
      %get3A_471 = arith.index_cast %scan3A_120 : i32 to index
      %get3A_472 = arith.constant 400 : index
      %get3A_473 = tpu.vector_load %arg8[%get3A_471, %get3A_472] {strides = array<i32>} : memref<64x768xf32, #tpu.memory_space<vmem>>, vector<1x16xf32>,
      %get3A_474 = vector.shape_cast %get3A_473 : vector<1x16xf32> to vector<16xf32>
      %get3A_475 = arith.index_cast %scan3A_120 : i32 to index
      %get3A_476 = arith.constant 400 : index
      %get3A_477 = tpu.vector_load %arg9[%get3A_475, %get3A_476] {strides = array<i32>} : memref<64x768xf32, #tpu.memory_space<vmem>>, vector<1x16xf32>,
      %get3A_478 = vector.shape_cast %get3A_477 : vector<1x16xf32> to vector<16xf32>
      %add3A_479 = arith.addf %get3A_474, %get3A_478 : vector<16xf32>
      %swap3A_480 = arith.index_cast %scan3A_120 : i32 to index
      %swap3A_481 = arith.constant 400 : index
      %swap3A_482 = tpu.vector_load %arg8[%swap3A_480, %swap3A_481] {strides = array<i32>} : memref<64x768xf32, #tpu.memory_space<vmem>>, vector<1x16xf32>,
      %swap3A_483 = vector.shape_cast %swap3A_482 : vector<1x16xf32> to vector<16xf32>
      %swap3A_484 = vector.shape_cast %add3A_479 : vector<16xf32> to vector<1x16xf32>
      tpu.vector_store %arg8[%swap3A_480, %swap3A_481], %swap3A_484 {strides = array<i32>} : memref<64x768xf32, #tpu.memory_space<vmem>>, vector<1x16xf32>,
      %get3A_485 = arith.index_cast %scan3A_120 : i32 to index
      %get3A_486 = arith.constant 416 : index
      %get3A_487 = tpu.vector_load %arg8[%get3A_485, %get3A_486] {strides = array<i32>} : memref<64x768xf32, #tpu.memory_space<vmem>>, vector<1x16xf32>,
      %get3A_488 = vector.shape_cast %get3A_487 : vector<1x16xf32> to vector<16xf32>
      %get3A_489 = arith.index_cast %scan3A_120 : i32 to index
      %get3A_490 = arith.constant 416 : index
      %get3A_491 = tpu.vector_load %arg9[%get3A_489, %get3A_490] {strides = array<i32>} : memref<64x768xf32, #tpu.memory_space<vmem>>, vector<1x16xf32>,
      %get3A_492 = vector.shape_cast %get3A_491 : vector<1x16xf32> to vector<16xf32>
      %add3A_493 = arith.addf %get3A_488, %get3A_492 : vector<16xf32>
      %swap3A_494 = arith.index_cast %scan3A_120 : i32 to index
      %swap3A_495 = arith.constant 416 : index
      %swap3A_496 = tpu.vector_load %arg8[%swap3A_494, %swap3A_495] {strides = array<i32>} : memref<64x768xf32, #tpu.memory_space<vmem>>, vector<1x16xf32>,
      %swap3A_497 = vector.shape_cast %swap3A_496 : vector<1x16xf32> to vector<16xf32>
      %swap3A_498 = vector.shape_cast %add3A_493 : vector<16xf32> to vector<1x16xf32>
      tpu.vector_store %arg8[%swap3A_494, %swap3A_495], %swap3A_498 {strides = array<i32>} : memref<64x768xf32, #tpu.memory_space<vmem>>, vector<1x16xf32>,
      %get3A_499 = arith.index_cast %scan3A_120 : i32 to index
      %get3A_500 = arith.constant 432 : index
      %get3A_501 = tpu.vector_load %arg8[%get3A_499, %get3A_500] {strides = array<i32>} : memref<64x768xf32, #tpu.memory_space<vmem>>, vector<1x16xf32>,
      %get3A_502 = vector.shape_cast %get3A_501 : vector<1x16xf32> to vector<16xf32>
      %get3A_503 = arith.index_cast %scan3A_120 : i32 to index
      %get3A_504 = arith.constant 432 : index
      %get3A_505 = tpu.vector_load %arg9[%get3A_503, %get3A_504] {strides = array<i32>} : memref<64x768xf32, #tpu.memory_space<vmem>>, vector<1x16xf32>,
      %get3A_506 = vector.shape_cast %get3A_505 : vector<1x16xf32> to vector<16xf32>
      %add3A_507 = arith.addf %get3A_502, %get3A_506 : vector<16xf32>
      %swap3A_508 = arith.index_cast %scan3A_120 : i32 to index
      %swap3A_509 = arith.constant 432 : index
      %swap3A_510 = tpu.vector_load %arg8[%swap3A_508, %swap3A_509] {strides = array<i32>} : memref<64x768xf32, #tpu.memory_space<vmem>>, vector<1x16xf32>,
      %swap3A_511 = vector.shape_cast %swap3A_510 : vector<1x16xf32> to vector<16xf32>
      %swap3A_512 = vector.shape_cast %add3A_507 : vector<16xf32> to vector<1x16xf32>
      tpu.vector_store %arg8[%swap3A_508, %swap3A_509], %swap3A_512 {strides = array<i32>} : memref<64x768xf32, #tpu.memory_space<vmem>>, vector<1x16xf32>,
      %get3A_513 = arith.index_cast %scan3A_120 : i32 to index
      %get3A_514 = arith.constant 448 : index
      %get3A_515 = tpu.vector_load %arg8[%get3A_513, %get3A_514] {strides = array<i32>} : memref<64x768xf32, #tpu.memory_space<vmem>>, vector<1x16xf32>,
      %get3A_516 = vector.shape_cast %get3A_515 : vector<1x16xf32> to vector<16xf32>
      %get3A_517 = arith.index_cast %scan3A_120 : i32 to index
      %get3A_518 = arith.constant 448 : index
      %get3A_519 = tpu.vector_load %arg9[%get3A_517, %get3A_518] {strides = array<i32>} : memref<64x768xf32, #tpu.memory_space<vmem>>, vector<1x16xf32>,
      %get3A_520 = vector.shape_cast %get3A_519 : vector<1x16xf32> to vector<16xf32>
      %add3A_521 = arith.addf %get3A_516, %get3A_520 : vector<16xf32>
      %swap3A_522 = arith.index_cast %scan3A_120 : i32 to index
      %swap3A_523 = arith.constant 448 : index
      %swap3A_524 = tpu.vector_load %arg8[%swap3A_522, %swap3A_523] {strides = array<i32>} : memref<64x768xf32, #tpu.memory_space<vmem>>, vector<1x16xf32>,
      %swap3A_525 = vector.shape_cast %swap3A_524 : vector<1x16xf32> to vector<16xf32>
      %swap3A_526 = vector.shape_cast %add3A_521 : vector<16xf32> to vector<1x16xf32>
      tpu.vector_store %arg8[%swap3A_522, %swap3A_523], %swap3A_526 {strides = array<i32>} : memref<64x768xf32, #tpu.memory_space<vmem>>, vector<1x16xf32>,
      %get3A_527 = arith.index_cast %scan3A_120 : i32 to index
      %get3A_528 = arith.constant 464 : index
      %get3A_529 = tpu.vector_load %arg8[%get3A_527, %get3A_528] {strides = array<i32>} : memref<64x768xf32, #tpu.memory_space<vmem>>, vector<1x16xf32>,
      %get3A_530 = vector.shape_cast %get3A_529 : vector<1x16xf32> to vector<16xf32>
      %get3A_531 = arith.index_cast %scan3A_120 : i32 to index
      %get3A_532 = arith.constant 464 : index
      %get3A_533 = tpu.vector_load %arg9[%get3A_531, %get3A_532] {strides = array<i32>} : memref<64x768xf32, #tpu.memory_space<vmem>>, vector<1x16xf32>,
      %get3A_534 = vector.shape_cast %get3A_533 : vector<1x16xf32> to vector<16xf32>
      %add3A_535 = arith.addf %get3A_530, %get3A_534 : vector<16xf32>
      %swap3A_536 = arith.index_cast %scan3A_120 : i32 to index
      %swap3A_537 = arith.constant 464 : index
      %swap3A_538 = tpu.vector_load %arg8[%swap3A_536, %swap3A_537] {strides = array<i32>} : memref<64x768xf32, #tpu.memory_space<vmem>>, vector<1x16xf32>,
      %swap3A_539 = vector.shape_cast %swap3A_538 : vector<1x16xf32> to vector<16xf32>
      %swap3A_540 = vector.shape_cast %add3A_535 : vector<16xf32> to vector<1x16xf32>
      tpu.vector_store %arg8[%swap3A_536, %swap3A_537], %swap3A_540 {strides = array<i32>} : memref<64x768xf32, #tpu.memory_space<vmem>>, vector<1x16xf32>,
      %get3A_541 = arith.index_cast %scan3A_120 : i32 to index
      %get3A_542 = arith.constant 480 : index
      %get3A_543 = tpu.vector_load %arg8[%get3A_541, %get3A_542] {strides = array<i32>} : memref<64x768xf32, #tpu.memory_space<vmem>>, vector<1x16xf32>,
      %get3A_544 = vector.shape_cast %get3A_543 : vector<1x16xf32> to vector<16xf32>
      %get3A_545 = arith.index_cast %scan3A_120 : i32 to index
      %get3A_546 = arith.constant 480 : index
      %get3A_547 = tpu.vector_load %arg9[%get3A_545, %get3A_546] {strides = array<i32>} : memref<64x768xf32, #tpu.memory_space<vmem>>, vector<1x16xf32>,
      %get3A_548 = vector.shape_cast %get3A_547 : vector<1x16xf32> to vector<16xf32>
      %add3A_549 = arith.addf %get3A_544, %get3A_548 : vector<16xf32>
      %swap3A_550 = arith.index_cast %scan3A_120 : i32 to index
      %swap3A_551 = arith.constant 480 : index
      %swap3A_552 = tpu.vector_load %arg8[%swap3A_550, %swap3A_551] {strides = array<i32>} : memref<64x768xf32, #tpu.memory_space<vmem>>, vector<1x16xf32>,
      %swap3A_553 = vector.shape_cast %swap3A_552 : vector<1x16xf32> to vector<16xf32>
      %swap3A_554 = vector.shape_cast %add3A_549 : vector<16xf32> to vector<1x16xf32>
      tpu.vector_store %arg8[%swap3A_550, %swap3A_551], %swap3A_554 {strides = array<i32>} : memref<64x768xf32, #tpu.memory_space<vmem>>, vector<1x16xf32>,
      %get3A_555 = arith.index_cast %scan3A_120 : i32 to index
      %get3A_556 = arith.constant 496 : index
      %get3A_557 = tpu.vector_load %arg8[%get3A_555, %get3A_556] {strides = array<i32>} : memref<64x768xf32, #tpu.memory_space<vmem>>, vector<1x16xf32>,
      %get3A_558 = vector.shape_cast %get3A_557 : vector<1x16xf32> to vector<16xf32>
      %get3A_559 = arith.index_cast %scan3A_120 : i32 to index
      %get3A_560 = arith.constant 496 : index
      %get3A_561 = tpu.vector_load %arg9[%get3A_559, %get3A_560] {strides = array<i32>} : memref<64x768xf32, #tpu.memory_space<vmem>>, vector<1x16xf32>,
      %get3A_562 = vector.shape_cast %get3A_561 : vector<1x16xf32> to vector<16xf32>
      %add3A_563 = arith.addf %get3A_558, %get3A_562 : vector<16xf32>
      %swap3A_564 = arith.index_cast %scan3A_120 : i32 to index
      %swap3A_565 = arith.constant 496 : index
      %swap3A_566 = tpu.vector_load %arg8[%swap3A_564, %swap3A_565] {strides = array<i32>} : memref<64x768xf32, #tpu.memory_space<vmem>>, vector<1x16xf32>,
      %swap3A_567 = vector.shape_cast %swap3A_566 : vector<1x16xf32> to vector<16xf32>
      %swap3A_568 = vector.shape_cast %add3A_563 : vector<16xf32> to vector<1x16xf32>
      tpu.vector_store %arg8[%swap3A_564, %swap3A_565], %swap3A_568 {strides = array<i32>} : memref<64x768xf32, #tpu.memory_space<vmem>>, vector<1x16xf32>,
      %get3A_569 = arith.index_cast %scan3A_120 : i32 to index
      %get3A_570 = arith.constant 512 : index
      %get3A_571 = tpu.vector_load %arg8[%get3A_569, %get3A_570] {strides = array<i32>} : memref<64x768xf32, #tpu.memory_space<vmem>>, vector<1x16xf32>,
      %get3A_572 = vector.shape_cast %get3A_571 : vector<1x16xf32> to vector<16xf32>
      %get3A_573 = arith.index_cast %scan3A_120 : i32 to index
      %get3A_574 = arith.constant 512 : index
      %get3A_575 = tpu.vector_load %arg9[%get3A_573, %get3A_574] {strides = array<i32>} : memref<64x768xf32, #tpu.memory_space<vmem>>, vector<1x16xf32>,
      %get3A_576 = vector.shape_cast %get3A_575 : vector<1x16xf32> to vector<16xf32>
      %add3A_577 = arith.addf %get3A_572, %get3A_576 : vector<16xf32>
      %swap3A_578 = arith.index_cast %scan3A_120 : i32 to index
      %swap3A_579 = arith.constant 512 : index
      %swap3A_580 = tpu.vector_load %arg8[%swap3A_578, %swap3A_579] {strides = array<i32>} : memref<64x768xf32, #tpu.memory_space<vmem>>, vector<1x16xf32>,
      %swap3A_581 = vector.shape_cast %swap3A_580 : vector<1x16xf32> to vector<16xf32>
      %swap3A_582 = vector.shape_cast %add3A_577 : vector<16xf32> to vector<1x16xf32>
      tpu.vector_store %arg8[%swap3A_578, %swap3A_579], %swap3A_582 {strides = array<i32>} : memref<64x768xf32, #tpu.memory_space<vmem>>, vector<1x16xf32>,
      %get3A_583 = arith.index_cast %scan3A_120 : i32 to index
      %get3A_584 = arith.constant 528 : index
      %get3A_585 = tpu.vector_load %arg8[%get3A_583, %get3A_584] {strides = array<i32>} : memref<64x768xf32, #tpu.memory_space<vmem>>, vector<1x16xf32>,
      %get3A_586 = vector.shape_cast %get3A_585 : vector<1x16xf32> to vector<16xf32>
      %get3A_587 = arith.index_cast %scan3A_120 : i32 to index
      %get3A_588 = arith.constant 528 : index
      %get3A_589 = tpu.vector_load %arg9[%get3A_587, %get3A_588] {strides = array<i32>} : memref<64x768xf32, #tpu.memory_space<vmem>>, vector<1x16xf32>,
      %get3A_590 = vector.shape_cast %get3A_589 : vector<1x16xf32> to vector<16xf32>
      %add3A_591 = arith.addf %get3A_586, %get3A_590 : vector<16xf32>
      %swap3A_592 = arith.index_cast %scan3A_120 : i32 to index
      %swap3A_593 = arith.constant 528 : index
      %swap3A_594 = tpu.vector_load %arg8[%swap3A_592, %swap3A_593] {strides = array<i32>} : memref<64x768xf32, #tpu.memory_space<vmem>>, vector<1x16xf32>,
      %swap3A_595 = vector.shape_cast %swap3A_594 : vector<1x16xf32> to vector<16xf32>
      %swap3A_596 = vector.shape_cast %add3A_591 : vector<16xf32> to vector<1x16xf32>
      tpu.vector_store %arg8[%swap3A_592, %swap3A_593], %swap3A_596 {strides = array<i32>} : memref<64x768xf32, #tpu.memory_space<vmem>>, vector<1x16xf32>,
      %get3A_597 = arith.index_cast %scan3A_120 : i32 to index
      %get3A_598 = arith.constant 544 : index
      %get3A_599 = tpu.vector_load %arg8[%get3A_597, %get3A_598] {strides = array<i32>} : memref<64x768xf32, #tpu.memory_space<vmem>>, vector<1x16xf32>,
      %get3A_600 = vector.shape_cast %get3A_599 : vector<1x16xf32> to vector<16xf32>
      %get3A_601 = arith.index_cast %scan3A_120 : i32 to index
      %get3A_602 = arith.constant 544 : index
      %get3A_603 = tpu.vector_load %arg9[%get3A_601, %get3A_602] {strides = array<i32>} : memref<64x768xf32, #tpu.memory_space<vmem>>, vector<1x16xf32>,
      %get3A_604 = vector.shape_cast %get3A_603 : vector<1x16xf32> to vector<16xf32>
      %add3A_605 = arith.addf %get3A_600, %get3A_604 : vector<16xf32>
      %swap3A_606 = arith.index_cast %scan3A_120 : i32 to index
      %swap3A_607 = arith.constant 544 : index
      %swap3A_608 = tpu.vector_load %arg8[%swap3A_606, %swap3A_607] {strides = array<i32>} : memref<64x768xf32, #tpu.memory_space<vmem>>, vector<1x16xf32>,
      %swap3A_609 = vector.shape_cast %swap3A_608 : vector<1x16xf32> to vector<16xf32>
      %swap3A_610 = vector.shape_cast %add3A_605 : vector<16xf32> to vector<1x16xf32>
      tpu.vector_store %arg8[%swap3A_606, %swap3A_607], %swap3A_610 {strides = array<i32>} : memref<64x768xf32, #tpu.memory_space<vmem>>, vector<1x16xf32>,
      %get3A_611 = arith.index_cast %scan3A_120 : i32 to index
      %get3A_612 = arith.constant 560 : index
      %get3A_613 = tpu.vector_load %arg8[%get3A_611, %get3A_612] {strides = array<i32>} : memref<64x768xf32, #tpu.memory_space<vmem>>, vector<1x16xf32>,
      %get3A_614 = vector.shape_cast %get3A_613 : vector<1x16xf32> to vector<16xf32>
      %get3A_615 = arith.index_cast %scan3A_120 : i32 to index
      %get3A_616 = arith.constant 560 : index
      %get3A_617 = tpu.vector_load %arg9[%get3A_615, %get3A_616] {strides = array<i32>} : memref<64x768xf32, #tpu.memory_space<vmem>>, vector<1x16xf32>,
      %get3A_618 = vector.shape_cast %get3A_617 : vector<1x16xf32> to vector<16xf32>
      %add3A_619 = arith.addf %get3A_614, %get3A_618 : vector<16xf32>
      %swap3A_620 = arith.index_cast %scan3A_120 : i32 to index
      %swap3A_621 = arith.constant 560 : index
      %swap3A_622 = tpu.vector_load %arg8[%swap3A_620, %swap3A_621] {strides = array<i32>} : memref<64x768xf32, #tpu.memory_space<vmem>>, vector<1x16xf32>,
      %swap3A_623 = vector.shape_cast %swap3A_622 : vector<1x16xf32> to vector<16xf32>
      %swap3A_624 = vector.shape_cast %add3A_619 : vector<16xf32> to vector<1x16xf32>
      tpu.vector_store %arg8[%swap3A_620, %swap3A_621], %swap3A_624 {strides = array<i32>} : memref<64x768xf32, #tpu.memory_space<vmem>>, vector<1x16xf32>,
      %get3A_625 = arith.index_cast %scan3A_120 : i32 to index
      %get3A_626 = arith.constant 576 : index
      %get3A_627 = tpu.vector_load %arg8[%get3A_625, %get3A_626] {strides = array<i32>} : memref<64x768xf32, #tpu.memory_space<vmem>>, vector<1x16xf32>,
      %get3A_628 = vector.shape_cast %get3A_627 : vector<1x16xf32> to vector<16xf32>
      %get3A_629 = arith.index_cast %scan3A_120 : i32 to index
      %get3A_630 = arith.constant 576 : index
      %get3A_631 = tpu.vector_load %arg9[%get3A_629, %get3A_630] {strides = array<i32>} : memref<64x768xf32, #tpu.memory_space<vmem>>, vector<1x16xf32>,
      %get3A_632 = vector.shape_cast %get3A_631 : vector<1x16xf32> to vector<16xf32>
      %add3A_633 = arith.addf %get3A_628, %get3A_632 : vector<16xf32>
      %swap3A_634 = arith.index_cast %scan3A_120 : i32 to index
      %swap3A_635 = arith.constant 576 : index
      %swap3A_636 = tpu.vector_load %arg8[%swap3A_634, %swap3A_635] {strides = array<i32>} : memref<64x768xf32, #tpu.memory_space<vmem>>, vector<1x16xf32>,
      %swap3A_637 = vector.shape_cast %swap3A_636 : vector<1x16xf32> to vector<16xf32>
      %swap3A_638 = vector.shape_cast %add3A_633 : vector<16xf32> to vector<1x16xf32>
      tpu.vector_store %arg8[%swap3A_634, %swap3A_635], %swap3A_638 {strides = array<i32>} : memref<64x768xf32, #tpu.memory_space<vmem>>, vector<1x16xf32>,
      %get3A_639 = arith.index_cast %scan3A_120 : i32 to index
      %get3A_640 = arith.constant 592 : index
      %get3A_641 = tpu.vector_load %arg8[%get3A_639, %get3A_640] {strides = array<i32>} : memref<64x768xf32, #tpu.memory_space<vmem>>, vector<1x16xf32>,
      %get3A_642 = vector.shape_cast %get3A_641 : vector<1x16xf32> to vector<16xf32>
      %get3A_643 = arith.index_cast %scan3A_120 : i32 to index
      %get3A_644 = arith.constant 592 : index
      %get3A_645 = tpu.vector_load %arg9[%get3A_643, %get3A_644] {strides = array<i32>} : memref<64x768xf32, #tpu.memory_space<vmem>>, vector<1x16xf32>,
      %get3A_646 = vector.shape_cast %get3A_645 : vector<1x16xf32> to vector<16xf32>
      %add3A_647 = arith.addf %get3A_642, %get3A_646 : vector<16xf32>
      %swap3A_648 = arith.index_cast %scan3A_120 : i32 to index
      %swap3A_649 = arith.constant 592 : index
      %swap3A_650 = tpu.vector_load %arg8[%swap3A_648, %swap3A_649] {strides = array<i32>} : memref<64x768xf32, #tpu.memory_space<vmem>>, vector<1x16xf32>,
      %swap3A_651 = vector.shape_cast %swap3A_650 : vector<1x16xf32> to vector<16xf32>
      %swap3A_652 = vector.shape_cast %add3A_647 : vector<16xf32> to vector<1x16xf32>
      tpu.vector_store %arg8[%swap3A_648, %swap3A_649], %swap3A_652 {strides = array<i32>} : memref<64x768xf32, #tpu.memory_space<vmem>>, vector<1x16xf32>,
      %get3A_653 = arith.index_cast %scan3A_120 : i32 to index
      %get3A_654 = arith.constant 608 : index
      %get3A_655 = tpu.vector_load %arg8[%get3A_653, %get3A_654] {strides = array<i32>} : memref<64x768xf32, #tpu.memory_space<vmem>>, vector<1x16xf32>,
      %get3A_656 = vector.shape_cast %get3A_655 : vector<1x16xf32> to vector<16xf32>
      %get3A_657 = arith.index_cast %scan3A_120 : i32 to index
      %get3A_658 = arith.constant 608 : index
      %get3A_659 = tpu.vector_load %arg9[%get3A_657, %get3A_658] {strides = array<i32>} : memref<64x768xf32, #tpu.memory_space<vmem>>, vector<1x16xf32>,
      %get3A_660 = vector.shape_cast %get3A_659 : vector<1x16xf32> to vector<16xf32>
      %add3A_661 = arith.addf %get3A_656, %get3A_660 : vector<16xf32>
      %swap3A_662 = arith.index_cast %scan3A_120 : i32 to index
      %swap3A_663 = arith.constant 608 : index
      %swap3A_664 = tpu.vector_load %arg8[%swap3A_662, %swap3A_663] {strides = array<i32>} : memref<64x768xf32, #tpu.memory_space<vmem>>, vector<1x16xf32>,
      %swap3A_665 = vector.shape_cast %swap3A_664 : vector<1x16xf32> to vector<16xf32>
      %swap3A_666 = vector.shape_cast %add3A_661 : vector<16xf32> to vector<1x16xf32>
      tpu.vector_store %arg8[%swap3A_662, %swap3A_663], %swap3A_666 {strides = array<i32>} : memref<64x768xf32, #tpu.memory_space<vmem>>, vector<1x16xf32>,
      %get3A_667 = arith.index_cast %scan3A_120 : i32 to index
      %get3A_668 = arith.constant 624 : index
      %get3A_669 = tpu.vector_load %arg8[%get3A_667, %get3A_668] {strides = array<i32>} : memref<64x768xf32, #tpu.memory_space<vmem>>, vector<1x16xf32>,
      %get3A_670 = vector.shape_cast %get3A_669 : vector<1x16xf32> to vector<16xf32>
      %get3A_671 = arith.index_cast %scan3A_120 : i32 to index
      %get3A_672 = arith.constant 624 : index
      %get3A_673 = tpu.vector_load %arg9[%get3A_671, %get3A_672] {strides = array<i32>} : memref<64x768xf32, #tpu.memory_space<vmem>>, vector<1x16xf32>,
      %get3A_674 = vector.shape_cast %get3A_673 : vector<1x16xf32> to vector<16xf32>
      %add3A_675 = arith.addf %get3A_670, %get3A_674 : vector<16xf32>
      %swap3A_676 = arith.index_cast %scan3A_120 : i32 to index
      %swap3A_677 = arith.constant 624 : index
      %swap3A_678 = tpu.vector_load %arg8[%swap3A_676, %swap3A_677] {strides = array<i32>} : memref<64x768xf32, #tpu.memory_space<vmem>>, vector<1x16xf32>,
      %swap3A_679 = vector.shape_cast %swap3A_678 : vector<1x16xf32> to vector<16xf32>
      %swap3A_680 = vector.shape_cast %add3A_675 : vector<16xf32> to vector<1x16xf32>
      tpu.vector_store %arg8[%swap3A_676, %swap3A_677], %swap3A_680 {strides = array<i32>} : memref<64x768xf32, #tpu.memory_space<vmem>>, vector<1x16xf32>,
      %get3A_681 = arith.index_cast %scan3A_120 : i32 to index
      %get3A_682 = arith.constant 640 : index
      %get3A_683 = tpu.vector_load %arg8[%get3A_681, %get3A_682] {strides = array<i32>} : memref<64x768xf32, #tpu.memory_space<vmem>>, vector<1x16xf32>,
      %get3A_684 = vector.shape_cast %get3A_683 : vector<1x16xf32> to vector<16xf32>
      %get3A_685 = arith.index_cast %scan3A_120 : i32 to index
      %get3A_686 = arith.constant 640 : index
      %get3A_687 = tpu.vector_load %arg9[%get3A_685, %get3A_686] {strides = array<i32>} : memref<64x768xf32, #tpu.memory_space<vmem>>, vector<1x16xf32>,
      %get3A_688 = vector.shape_cast %get3A_687 : vector<1x16xf32> to vector<16xf32>
      %add3A_689 = arith.addf %get3A_684, %get3A_688 : vector<16xf32>
      %swap3A_690 = arith.index_cast %scan3A_120 : i32 to index
      %swap3A_691 = arith.constant 640 : index
      %swap3A_692 = tpu.vector_load %arg8[%swap3A_690, %swap3A_691] {strides = array<i32>} : memref<64x768xf32, #tpu.memory_space<vmem>>, vector<1x16xf32>,
      %swap3A_693 = vector.shape_cast %swap3A_692 : vector<1x16xf32> to vector<16xf32>
      %swap3A_694 = vector.shape_cast %add3A_689 : vector<16xf32> to vector<1x16xf32>
      tpu.vector_store %arg8[%swap3A_690, %swap3A_691], %swap3A_694 {strides = array<i32>} : memref<64x768xf32, #tpu.memory_space<vmem>>, vector<1x16xf32>,
      %get3A_695 = arith.index_cast %scan3A_120 : i32 to index
      %get3A_696 = arith.constant 656 : index
      %get3A_697 = tpu.vector_load %arg8[%get3A_695, %get3A_696] {strides = array<i32>} : memref<64x768xf32, #tpu.memory_space<vmem>>, vector<1x16xf32>,
      %get3A_698 = vector.shape_cast %get3A_697 : vector<1x16xf32> to vector<16xf32>
      %get3A_699 = arith.index_cast %scan3A_120 : i32 to index
      %get3A_700 = arith.constant 656 : index
      %get3A_701 = tpu.vector_load %arg9[%get3A_699, %get3A_700] {strides = array<i32>} : memref<64x768xf32, #tpu.memory_space<vmem>>, vector<1x16xf32>,
      %get3A_702 = vector.shape_cast %get3A_701 : vector<1x16xf32> to vector<16xf32>
      %add3A_703 = arith.addf %get3A_698, %get3A_702 : vector<16xf32>
      %swap3A_704 = arith.index_cast %scan3A_120 : i32 to index
      %swap3A_705 = arith.constant 656 : index
      %swap3A_706 = tpu.vector_load %arg8[%swap3A_704, %swap3A_705] {strides = array<i32>} : memref<64x768xf32, #tpu.memory_space<vmem>>, vector<1x16xf32>,
      %swap3A_707 = vector.shape_cast %swap3A_706 : vector<1x16xf32> to vector<16xf32>
      %swap3A_708 = vector.shape_cast %add3A_703 : vector<16xf32> to vector<1x16xf32>
      tpu.vector_store %arg8[%swap3A_704, %swap3A_705], %swap3A_708 {strides = array<i32>} : memref<64x768xf32, #tpu.memory_space<vmem>>, vector<1x16xf32>,
      %get3A_709 = arith.index_cast %scan3A_120 : i32 to index
      %get3A_710 = arith.constant 672 : index
      %get3A_711 = tpu.vector_load %arg8[%get3A_709, %get3A_710] {strides = array<i32>} : memref<64x768xf32, #tpu.memory_space<vmem>>, vector<1x16xf32>,
      %get3A_712 = vector.shape_cast %get3A_711 : vector<1x16xf32> to vector<16xf32>
      %get3A_713 = arith.index_cast %scan3A_120 : i32 to index
      %get3A_714 = arith.constant 672 : index
      %get3A_715 = tpu.vector_load %arg9[%get3A_713, %get3A_714] {strides = array<i32>} : memref<64x768xf32, #tpu.memory_space<vmem>>, vector<1x16xf32>,
      %get3A_716 = vector.shape_cast %get3A_715 : vector<1x16xf32> to vector<16xf32>
      %add3A_717 = arith.addf %get3A_712, %get3A_716 : vector<16xf32>
      %swap3A_718 = arith.index_cast %scan3A_120 : i32 to index
      %swap3A_719 = arith.constant 672 : index
      %swap3A_720 = tpu.vector_load %arg8[%swap3A_718, %swap3A_719] {strides = array<i32>} : memref<64x768xf32, #tpu.memory_space<vmem>>, vector<1x16xf32>,
      %swap3A_721 = vector.shape_cast %swap3A_720 : vector<1x16xf32> to vector<16xf32>
      %swap3A_722 = vector.shape_cast %add3A_717 : vector<16xf32> to vector<1x16xf32>
      tpu.vector_store %arg8[%swap3A_718, %swap3A_719], %swap3A_722 {strides = array<i32>} : memref<64x768xf32, #tpu.memory_space<vmem>>, vector<1x16xf32>,
      %get3A_723 = arith.index_cast %scan3A_120 : i32 to index
      %get3A_724 = arith.constant 688 : index
      %get3A_725 = tpu.vector_load %arg8[%get3A_723, %get3A_724] {strides = array<i32>} : memref<64x768xf32, #tpu.memory_space<vmem>>, vector<1x16xf32>,
      %get3A_726 = vector.shape_cast %get3A_725 : vector<1x16xf32> to vector<16xf32>
      %get3A_727 = arith.index_cast %scan3A_120 : i32 to index
      %get3A_728 = arith.constant 688 : index
      %get3A_729 = tpu.vector_load %arg9[%get3A_727, %get3A_728] {strides = array<i32>} : memref<64x768xf32, #tpu.memory_space<vmem>>, vector<1x16xf32>,
      %get3A_730 = vector.shape_cast %get3A_729 : vector<1x16xf32> to vector<16xf32>
      %add3A_731 = arith.addf %get3A_726, %get3A_730 : vector<16xf32>
      %swap3A_732 = arith.index_cast %scan3A_120 : i32 to index
      %swap3A_733 = arith.constant 688 : index
      %swap3A_734 = tpu.vector_load %arg8[%swap3A_732, %swap3A_733] {strides = array<i32>} : memref<64x768xf32, #tpu.memory_space<vmem>>, vector<1x16xf32>,
      %swap3A_735 = vector.shape_cast %swap3A_734 : vector<1x16xf32> to vector<16xf32>
      %swap3A_736 = vector.shape_cast %add3A_731 : vector<16xf32> to vector<1x16xf32>
      tpu.vector_store %arg8[%swap3A_732, %swap3A_733], %swap3A_736 {strides = array<i32>} : memref<64x768xf32, #tpu.memory_space<vmem>>, vector<1x16xf32>,
      %get3A_737 = arith.index_cast %scan3A_120 : i32 to index
      %get3A_738 = arith.constant 704 : index
      %get3A_739 = tpu.vector_load %arg8[%get3A_737, %get3A_738] {strides = array<i32>} : memref<64x768xf32, #tpu.memory_space<vmem>>, vector<1x16xf32>,
      %get3A_740 = vector.shape_cast %get3A_739 : vector<1x16xf32> to vector<16xf32>
      %get3A_741 = arith.index_cast %scan3A_120 : i32 to index
      %get3A_742 = arith.constant 704 : index
      %get3A_743 = tpu.vector_load %arg9[%get3A_741, %get3A_742] {strides = array<i32>} : memref<64x768xf32, #tpu.memory_space<vmem>>, vector<1x16xf32>,
      %get3A_744 = vector.shape_cast %get3A_743 : vector<1x16xf32> to vector<16xf32>
      %add3A_745 = arith.addf %get3A_740, %get3A_744 : vector<16xf32>
      %swap3A_746 = arith.index_cast %scan3A_120 : i32 to index
      %swap3A_747 = arith.constant 704 : index
      %swap3A_748 = tpu.vector_load %arg8[%swap3A_746, %swap3A_747] {strides = array<i32>} : memref<64x768xf32, #tpu.memory_space<vmem>>, vector<1x16xf32>,
      %swap3A_749 = vector.shape_cast %swap3A_748 : vector<1x16xf32> to vector<16xf32>
      %swap3A_750 = vector.shape_cast %add3A_745 : vector<16xf32> to vector<1x16xf32>
      tpu.vector_store %arg8[%swap3A_746, %swap3A_747], %swap3A_750 {strides = array<i32>} : memref<64x768xf32, #tpu.memory_space<vmem>>, vector<1x16xf32>,
      %get3A_751 = arith.index_cast %scan3A_120 : i32 to index
      %get3A_752 = arith.constant 720 : index
      %get3A_753 = tpu.vector_load %arg8[%get3A_751, %get3A_752] {strides = array<i32>} : memref<64x768xf32, #tpu.memory_space<vmem>>, vector<1x16xf32>,
      %get3A_754 = vector.shape_cast %get3A_753 : vector<1x16xf32> to vector<16xf32>
      %get3A_755 = arith.index_cast %scan3A_120 : i32 to index
      %get3A_756 = arith.constant 720 : index
      %get3A_757 = tpu.vector_load %arg9[%get3A_755, %get3A_756] {strides = array<i32>} : memref<64x768xf32, #tpu.memory_space<vmem>>, vector<1x16xf32>,
      %get3A_758 = vector.shape_cast %get3A_757 : vector<1x16xf32> to vector<16xf32>
      %add3A_759 = arith.addf %get3A_754, %get3A_758 : vector<16xf32>
      %swap3A_760 = arith.index_cast %scan3A_120 : i32 to index
      %swap3A_761 = arith.constant 720 : index
      %swap3A_762 = tpu.vector_load %arg8[%swap3A_760, %swap3A_761] {strides = array<i32>} : memref<64x768xf32, #tpu.memory_space<vmem>>, vector<1x16xf32>,
      %swap3A_763 = vector.shape_cast %swap3A_762 : vector<1x16xf32> to vector<16xf32>
      %swap3A_764 = vector.shape_cast %add3A_759 : vector<16xf32> to vector<1x16xf32>
      tpu.vector_store %arg8[%swap3A_760, %swap3A_761], %swap3A_764 {strides = array<i32>} : memref<64x768xf32, #tpu.memory_space<vmem>>, vector<1x16xf32>,
      %get3A_765 = arith.index_cast %scan3A_120 : i32 to index
      %get3A_766 = arith.constant 736 : index
      %get3A_767 = tpu.vector_load %arg8[%get3A_765, %get3A_766] {strides = array<i32>} : memref<64x768xf32, #tpu.memory_space<vmem>>, vector<1x16xf32>,
      %get3A_768 = vector.shape_cast %get3A_767 : vector<1x16xf32> to vector<16xf32>
      %get3A_769 = arith.index_cast %scan3A_120 : i32 to index
      %get3A_770 = arith.constant 736 : index
      %get3A_771 = tpu.vector_load %arg9[%get3A_769, %get3A_770] {strides = array<i32>} : memref<64x768xf32, #tpu.memory_space<vmem>>, vector<1x16xf32>,
      %get3A_772 = vector.shape_cast %get3A_771 : vector<1x16xf32> to vector<16xf32>
      %add3A_773 = arith.addf %get3A_768, %get3A_772 : vector<16xf32>
      %swap3A_774 = arith.index_cast %scan3A_120 : i32 to index
      %swap3A_775 = arith.constant 736 : index
      %swap3A_776 = tpu.vector_load %arg8[%swap3A_774, %swap3A_775] {strides = array<i32>} : memref<64x768xf32, #tpu.memory_space<vmem>>, vector<1x16xf32>,
      %swap3A_777 = vector.shape_cast %swap3A_776 : vector<1x16xf32> to vector<16xf32>
      %swap3A_778 = vector.shape_cast %add3A_773 : vector<16xf32> to vector<1x16xf32>
      tpu.vector_store %arg8[%swap3A_774, %swap3A_775], %swap3A_778 {strides = array<i32>} : memref<64x768xf32, #tpu.memory_space<vmem>>, vector<1x16xf32>,
      %get3A_779 = arith.index_cast %scan3A_120 : i32 to index
      %get3A_780 = arith.constant 752 : index
      %get3A_781 = tpu.vector_load %arg8[%get3A_779, %get3A_780] {strides = array<i32>} : memref<64x768xf32, #tpu.memory_space<vmem>>, vector<1x16xf32>,
      %get3A_782 = vector.shape_cast %get3A_781 : vector<1x16xf32> to vector<16xf32>
      %get3A_783 = arith.index_cast %scan3A_120 : i32 to index
      %get3A_784 = arith.constant 752 : index
      %get3A_785 = tpu.vector_load %arg9[%get3A_783, %get3A_784] {strides = array<i32>} : memref<64x768xf32, #tpu.memory_space<vmem>>, vector<1x16xf32>,
      %get3A_786 = vector.shape_cast %get3A_785 : vector<1x16xf32> to vector<16xf32>
      %add3A_787 = arith.addf %get3A_782, %get3A_786 : vector<16xf32>
      %swap3A_788 = arith.index_cast %scan3A_120 : i32 to index
      %swap3A_789 = arith.constant 752 : index
      %swap3A_790 = tpu.vector_load %arg8[%swap3A_788, %swap3A_789] {strides = array<i32>} : memref<64x768xf32, #tpu.memory_space<vmem>>, vector<1x16xf32>,
      %swap3A_791 = vector.shape_cast %swap3A_790 : vector<1x16xf32> to vector<16xf32>
      %swap3A_792 = vector.shape_cast %add3A_787 : vector<16xf32> to vector<1x16xf32>
      tpu.vector_store %arg8[%swap3A_788, %swap3A_789], %swap3A_792 {strides = array<i32>} : memref<64x768xf32, #tpu.memory_space<vmem>>, vector<1x16xf32>,
    }
    %scan3A_17 = arith.constant 64 : i32
    %get3A = arith.constant 0 : index
    %get3A_18 = tpu.vector_load %arg6[%get3A] {strides = array<i32>} : memref<64xi32, #tpu.memory_space<vmem>>, vector<16xi32>,
    %get3A_19 = vector.shape_cast %get3A_18 : vector<16xi32> to vector<16xi32>
    %add3A_20 = arith.constant 6144 : i32
    %add3A_21 = vector.broadcast %add3A_20 : i32 to vector<16xi32>
    %add3A_22 = arith.addi %get3A_19, %add3A_21 : vector<16xi32>
    %swap3A = arith.constant 0 : index
    %swap3A_23 = tpu.vector_load %arg6[%swap3A] {strides = array<i32>} : memref<64xi32, #tpu.memory_space<vmem>>, vector<16xi32>,
    %swap3A_24 = vector.shape_cast %swap3A_23 : vector<16xi32> to vector<16xi32>
    %swap3A_25 = vector.shape_cast %add3A_22 : vector<16xi32> to vector<16xi32>
    tpu.vector_store %arg6[%swap3A], %swap3A_25 {strides = array<i32>} : memref<64xi32, #tpu.memory_space<vmem>>, vector<16xi32>,
    %get3A_26 = arith.constant 0 : index
    %get3A_27 = tpu.vector_load %arg7[%get3A_26] {strides = array<i32>} : memref<64xi32, #tpu.memory_space<vmem>>, vector<16xi32>,
    %get3A_28 = vector.shape_cast %get3A_27 : vector<16xi32> to vector<16xi32>
    %add3A_29 = arith.constant 6144 : i32
    %add3A_30 = vector.broadcast %add3A_29 : i32 to vector<16xi32>
    %add3A_31 = arith.addi %get3A_28, %add3A_30 : vector<16xi32>
    %swap3A_32 = arith.constant 0 : index
    %swap3A_33 = tpu.vector_load %arg7[%swap3A_32] {strides = array<i32>} : memref<64xi32, #tpu.memory_space<vmem>>, vector<16xi32>,
    %swap3A_34 = vector.shape_cast %swap3A_33 : vector<16xi32> to vector<16xi32>
    %swap3A_35 = vector.shape_cast %add3A_31 : vector<16xi32> to vector<16xi32>
    tpu.vector_store %arg7[%swap3A_32], %swap3A_35 {strides = array<i32>} : memref<64xi32, #tpu.memory_space<vmem>>, vector<16xi32>,
    %get3A_36 = arith.constant 16 : index
    %get3A_37 = tpu.vector_load %arg6[%get3A_36] {strides = array<i32>} : memref<64xi32, #tpu.memory_space<vmem>>, vector<16xi32>,
    %get3A_38 = vector.shape_cast %get3A_37 : vector<16xi32> to vector<16xi32>
    %add3A_39 = arith.constant 6144 : i32
    %add3A_40 = vector.broadcast %add3A_39 : i32 to vector<16xi32>
    %add3A_41 = arith.addi %get3A_38, %add3A_40 : vector<16xi32>
    %swap3A_42 = arith.constant 16 : index
    %swap3A_43 = tpu.vector_load %arg6[%swap3A_42] {strides = array<i32>} : memref<64xi32, #tpu.memory_space<vmem>>, vector<16xi32>,
    %swap3A_44 = vector.shape_cast %swap3A_43 : vector<16xi32> to vector<16xi32>
    %swap3A_45 = vector.shape_cast %add3A_41 : vector<16xi32> to vector<16xi32>
    tpu.vector_store %arg6[%swap3A_42], %swap3A_45 {strides = array<i32>} : memref<64xi32, #tpu.memory_space<vmem>>, vector<16xi32>,
    %get3A_46 = arith.constant 16 : index
    %get3A_47 = tpu.vector_load %arg7[%get3A_46] {strides = array<i32>} : memref<64xi32, #tpu.memory_space<vmem>>, vector<16xi32>,
    %get3A_48 = vector.shape_cast %get3A_47 : vector<16xi32> to vector<16xi32>
    %add3A_49 = arith.constant 6144 : i32
    %add3A_50 = vector.broadcast %add3A_49 : i32 to vector<16xi32>
    %add3A_51 = arith.addi %get3A_48, %add3A_50 : vector<16xi32>
    %swap3A_52 = arith.constant 16 : index
    %swap3A_53 = tpu.vector_load %arg7[%swap3A_52] {strides = array<i32>} : memref<64xi32, #tpu.memory_space<vmem>>, vector<16xi32>,
    %swap3A_54 = vector.shape_cast %swap3A_53 : vector<16xi32> to vector<16xi32>
    %swap3A_55 = vector.shape_cast %add3A_51 : vector<16xi32> to vector<16xi32>
    tpu.vector_store %arg7[%swap3A_52], %swap3A_55 {strides = array<i32>} : memref<64xi32, #tpu.memory_space<vmem>>, vector<16xi32>,
    %get3A_56 = arith.constant 32 : index
    %get3A_57 = tpu.vector_load %arg6[%get3A_56] {strides = array<i32>} : memref<64xi32, #tpu.memory_space<vmem>>, vector<16xi32>,
    %get3A_58 = vector.shape_cast %get3A_57 : vector<16xi32> to vector<16xi32>
    %add3A_59 = arith.constant 6144 : i32
    %add3A_60 = vector.broadcast %add3A_59 : i32 to vector<16xi32>
    %add3A_61 = arith.addi %get3A_58, %add3A_60 : vector<16xi32>
    %swap3A_62 = arith.constant 32 : index
    %swap3A_63 = tpu.vector_load %arg6[%swap3A_62] {strides = array<i32>} : memref<64xi32, #tpu.memory_space<vmem>>, vector<16xi32>,
    %swap3A_64 = vector.shape_cast %swap3A_63 : vector<16xi32> to vector<16xi32>
    %swap3A_65 = vector.shape_cast %add3A_61 : vector<16xi32> to vector<16xi32>
    tpu.vector_store %arg6[%swap3A_62], %swap3A_65 {strides = array<i32>} : memref<64xi32, #tpu.memory_space<vmem>>, vector<16xi32>,
    %get3A_66 = arith.constant 32 : index
    %get3A_67 = tpu.vector_load %arg7[%get3A_66] {strides = array<i32>} : memref<64xi32, #tpu.memory_space<vmem>>, vector<16xi32>,
    %get3A_68 = vector.shape_cast %get3A_67 : vector<16xi32> to vector<16xi32>
    %add3A_69 = arith.constant 6144 : i32
    %add3A_70 = vector.broadcast %add3A_69 : i32 to vector<16xi32>
    %add3A_71 = arith.addi %get3A_68, %add3A_70 : vector<16xi32>
    %swap3A_72 = arith.constant 32 : index
    %swap3A_73 = tpu.vector_load %arg7[%swap3A_72] {strides = array<i32>} : memref<64xi32, #tpu.memory_space<vmem>>, vector<16xi32>,
    %swap3A_74 = vector.shape_cast %swap3A_73 : vector<16xi32> to vector<16xi32>
    %swap3A_75 = vector.shape_cast %add3A_71 : vector<16xi32> to vector<16xi32>
    tpu.vector_store %arg7[%swap3A_72], %swap3A_75 {strides = array<i32>} : memref<64xi32, #tpu.memory_space<vmem>>, vector<16xi32>,
    %get3A_76 = arith.constant 48 : index
    %get3A_77 = tpu.vector_load %arg6[%get3A_76] {strides = array<i32>} : memref<64xi32, #tpu.memory_space<vmem>>, vector<16xi32>,
    %get3A_78 = vector.shape_cast %get3A_77 : vector<16xi32> to vector<16xi32>
    %add3A_79 = arith.constant 6144 : i32
    %add3A_80 = vector.broadcast %add3A_79 : i32 to vector<16xi32>
    %add3A_81 = arith.addi %get3A_78, %add3A_80 : vector<16xi32>
    %swap3A_82 = arith.constant 48 : index
    %swap3A_83 = tpu.vector_load %arg6[%swap3A_82] {strides = array<i32>} : memref<64xi32, #tpu.memory_space<vmem>>, vector<16xi32>,
    %swap3A_84 = vector.shape_cast %swap3A_83 : vector<16xi32> to vector<16xi32>
    %swap3A_85 = vector.shape_cast %add3A_81 : vector<16xi32> to vector<16xi32>
    tpu.vector_store %arg6[%swap3A_82], %swap3A_85 {strides = array<i32>} : memref<64xi32, #tpu.memory_space<vmem>>, vector<16xi32>,
    %get3A_86 = arith.constant 48 : index
    %get3A_87 = tpu.vector_load %arg7[%get3A_86] {strides = array<i32>} : memref<64xi32, #tpu.memory_space<vmem>>, vector<16xi32>,
    %get3A_88 = vector.shape_cast %get3A_87 : vector<16xi32> to vector<16xi32>
    %add3A_89 = arith.constant 6144 : i32
    %add3A_90 = vector.broadcast %add3A_89 : i32 to vector<16xi32>
    %add3A_91 = arith.addi %get3A_88, %add3A_90 : vector<16xi32>
    %swap3A_92 = arith.constant 48 : index
    %swap3A_93 = tpu.vector_load %arg7[%swap3A_92] {strides = array<i32>} : memref<64xi32, #tpu.memory_space<vmem>>, vector<16xi32>,
    %swap3A_94 = vector.shape_cast %swap3A_93 : vector<16xi32> to vector<16xi32>
    %swap3A_95 = vector.shape_cast %add3A_91 : vector<16xi32> to vector<16xi32>
    tpu.vector_store %arg7[%swap3A_92], %swap3A_95 {strides = array<i32>} : memref<64xi32, #tpu.memory_space<vmem>>, vector<16xi32>,
    %dma_start3A_96 = arith.constant 0 : i32
    %dma_start3A_97 = arith.constant 0 : i32
    %dma_start3A_98 = tpu.memref_slice %arg2[%dma_start3A_96, %dma_start3A_97] : memref<12288x768xf32, #tpu.memory_space<hbm>> -> memref<12288x768xf32, #tpu.memory_space<hbm>>
    tpu.enqueue_indirect_dma source(%dma_start3A_98 : memref<12288x768xf32, #tpu.memory_space<hbm>>) target(%arg9 : memref<64x768xf32, #tpu.memory_space<vmem>>) offsets(%arg6 : memref<64xi32, #tpu.memory_space<vmem>>) semaphore(%arg10 : memref<!tpu.dma_semaphore, #tpu.memory_space<semaphore_mem>>)
    %dma_wait3A_99 = arith.constant 0 : i32
    %dma_wait3A_100 = arith.constant 0 : i32
    %dma_wait3A_101 = tpu.memref_slice %arg2[%dma_wait3A_99, %dma_wait3A_100] : memref<12288x768xf32, #tpu.memory_space<hbm>> -> memref<12288x768xf32, #tpu.memory_space<hbm>>
    tpu.wait_indirect_dma semaphore(%arg10 : memref<!tpu.dma_semaphore, #tpu.memory_space<semaphore_mem>>) src(%dma_wait3A_101 : memref<12288x768xf32, #tpu.memory_space<hbm>>) dst(%arg9 : memref<64x768xf32, #tpu.memory_space<vmem>>)
    %scan3A_102 = arith.constant 0 : i32
    %scan3A_103 = arith.constant 0 : i32
    %scan3A_104 = arith.constant 64 : i32
    %scan3A_105 = arith.addi %scan3A_103, %scan3A_104 : i32
    %scan3A_106 = arith.constant 1 : i32
    scf.for %scan3A_120 = %scan3A_103 to %scan3A_105 step %scan3A_106  : i32 {
      %get3A_121 = arith.index_cast %scan3A_120 : i32 to index
      %get3A_122 = arith.constant 0 : index
      %get3A_123 = tpu.vector_load %arg8[%get3A_121, %get3A_122] {strides = array<i32>} : memref<64x768xf32, #tpu.memory_space<vmem>>, vector<1x16xf32>,
      %get3A_124 = vector.shape_cast %get3A_123 : vector<1x16xf32> to vector<16xf32>
      %get3A_125 = arith.index_cast %scan3A_120 : i32 to index
      %get3A_126 = arith.constant 0 : index
      %get3A_127 = tpu.vector_load %arg9[%get3A_125, %get3A_126] {strides = array<i32>} : memref<64x768xf32, #tpu.memory_space<vmem>>, vector<1x16xf32>,
      %get3A_128 = vector.shape_cast %get3A_127 : vector<1x16xf32> to vector<16xf32>
      %add3A_129 = arith.addf %get3A_124, %get3A_128 : vector<16xf32>
      %swap3A_130 = arith.index_cast %scan3A_120 : i32 to index
      %swap3A_131 = arith.constant 0 : index
      %swap3A_132 = tpu.vector_load %arg8[%swap3A_130, %swap3A_131] {strides = array<i32>} : memref<64x768xf32, #tpu.memory_space<vmem>>, vector<1x16xf32>,
      %swap3A_133 = vector.shape_cast %swap3A_132 : vector<1x16xf32> to vector<16xf32>
      %swap3A_134 = vector.shape_cast %add3A_129 : vector<16xf32> to vector<1x16xf32>
      tpu.vector_store %arg8[%swap3A_130, %swap3A_131], %swap3A_134 {strides = array<i32>} : memref<64x768xf32, #tpu.memory_space<vmem>>, vector<1x16xf32>,
      %get3A_135 = arith.index_cast %scan3A_120 : i32 to index
      %get3A_136 = arith.constant 16 : index
      %get3A_137 = tpu.vector_load %arg8[%get3A_135, %get3A_136] {strides = array<i32>} : memref<64x768xf32, #tpu.memory_space<vmem>>, vector<1x16xf32>,
      %get3A_138 = vector.shape_cast %get3A_137 : vector<1x16xf32> to vector<16xf32>
      %get3A_139 = arith.index_cast %scan3A_120 : i32 to index
      %get3A_140 = arith.constant 16 : index
      %get3A_141 = tpu.vector_load %arg9[%get3A_139, %get3A_140] {strides = array<i32>} : memref<64x768xf32, #tpu.memory_space<vmem>>, vector<1x16xf32>,
      %get3A_142 = vector.shape_cast %get3A_141 : vector<1x16xf32> to vector<16xf32>
      %add3A_143 = arith.addf %get3A_138, %get3A_142 : vector<16xf32>
      %swap3A_144 = arith.index_cast %scan3A_120 : i32 to index
      %swap3A_145 = arith.constant 16 : index
      %swap3A_146 = tpu.vector_load %arg8[%swap3A_144, %swap3A_145] {strides = array<i32>} : memref<64x768xf32, #tpu.memory_space<vmem>>, vector<1x16xf32>,
      %swap3A_147 = vector.shape_cast %swap3A_146 : vector<1x16xf32> to vector<16xf32>
      %swap3A_148 = vector.shape_cast %add3A_143 : vector<16xf32> to vector<1x16xf32>
      tpu.vector_store %arg8[%swap3A_144, %swap3A_145], %swap3A_148 {strides = array<i32>} : memref<64x768xf32, #tpu.memory_space<vmem>>, vector<1x16xf32>,
      %get3A_149 = arith.index_cast %scan3A_120 : i32 to index
      %get3A_150 = arith.constant 32 : index
      %get3A_151 = tpu.vector_load %arg8[%get3A_149, %get3A_150] {strides = array<i32>} : memref<64x768xf32, #tpu.memory_space<vmem>>, vector<1x16xf32>,
      %get3A_152 = vector.shape_cast %get3A_151 : vector<1x16xf32> to vector<16xf32>
      %get3A_153 = arith.index_cast %scan3A_120 : i32 to index
      %get3A_154 = arith.constant 32 : index
      %get3A_155 = tpu.vector_load %arg9[%get3A_153, %get3A_154] {strides = array<i32>} : memref<64x768xf32, #tpu.memory_space<vmem>>, vector<1x16xf32>,
      %get3A_156 = vector.shape_cast %get3A_155 : vector<1x16xf32> to vector<16xf32>
      %add3A_157 = arith.addf %get3A_152, %get3A_156 : vector<16xf32>
      %swap3A_158 = arith.index_cast %scan3A_120 : i32 to index
      %swap3A_159 = arith.constant 32 : index
      %swap3A_160 = tpu.vector_load %arg8[%swap3A_158, %swap3A_159] {strides = array<i32>} : memref<64x768xf32, #tpu.memory_space<vmem>>, vector<1x16xf32>,
      %swap3A_161 = vector.shape_cast %swap3A_160 : vector<1x16xf32> to vector<16xf32>
      %swap3A_162 = vector.shape_cast %add3A_157 : vector<16xf32> to vector<1x16xf32>
      tpu.vector_store %arg8[%swap3A_158, %swap3A_159], %swap3A_162 {strides = array<i32>} : memref<64x768xf32, #tpu.memory_space<vmem>>, vector<1x16xf32>,
      %get3A_163 = arith.index_cast %scan3A_120 : i32 to index
      %get3A_164 = arith.constant 48 : index
      %get3A_165 = tpu.vector_load %arg8[%get3A_163, %get3A_164] {strides = array<i32>} : memref<64x768xf32, #tpu.memory_space<vmem>>, vector<1x16xf32>,
      %get3A_166 = vector.shape_cast %get3A_165 : vector<1x16xf32> to vector<16xf32>
      %get3A_167 = arith.index_cast %scan3A_120 : i32 to index
      %get3A_168 = arith.constant 48 : index
      %get3A_169 = tpu.vector_load %arg9[%get3A_167, %get3A_168] {strides = array<i32>} : memref<64x768xf32, #tpu.memory_space<vmem>>, vector<1x16xf32>,
      %get3A_170 = vector.shape_cast %get3A_169 : vector<1x16xf32> to vector<16xf32>
      %add3A_171 = arith.addf %get3A_166, %get3A_170 : vector<16xf32>
      %swap3A_172 = arith.index_cast %scan3A_120 : i32 to index
      %swap3A_173 = arith.constant 48 : index
      %swap3A_174 = tpu.vector_load %arg8[%swap3A_172, %swap3A_173] {strides = array<i32>} : memref<64x768xf32, #tpu.memory_space<vmem>>, vector<1x16xf32>,
      %swap3A_175 = vector.shape_cast %swap3A_174 : vector<1x16xf32> to vector<16xf32>
      %swap3A_176 = vector.shape_cast %add3A_171 : vector<16xf32> to vector<1x16xf32>
      tpu.vector_store %arg8[%swap3A_172, %swap3A_173], %swap3A_176 {strides = array<i32>} : memref<64x768xf32, #tpu.memory_space<vmem>>, vector<1x16xf32>,
      %get3A_177 = arith.index_cast %scan3A_120 : i32 to index
      %get3A_178 = arith.constant 64 : index
      %get3A_179 = tpu.vector_load %arg8[%get3A_177, %get3A_178] {strides = array<i32>} : memref<64x768xf32, #tpu.memory_space<vmem>>, vector<1x16xf32>,
      %get3A_180 = vector.shape_cast %get3A_179 : vector<1x16xf32> to vector<16xf32>
      %get3A_181 = arith.index_cast %scan3A_120 : i32 to index
      %get3A_182 = arith.constant 64 : index
      %get3A_183 = tpu.vector_load %arg9[%get3A_181, %get3A_182] {strides = array<i32>} : memref<64x768xf32, #tpu.memory_space<vmem>>, vector<1x16xf32>,
      %get3A_184 = vector.shape_cast %get3A_183 : vector<1x16xf32> to vector<16xf32>
      %add3A_185 = arith.addf %get3A_180, %get3A_184 : vector<16xf32>
      %swap3A_186 = arith.index_cast %scan3A_120 : i32 to index
      %swap3A_187 = arith.constant 64 : index
      %swap3A_188 = tpu.vector_load %arg8[%swap3A_186, %swap3A_187] {strides = array<i32>} : memref<64x768xf32, #tpu.memory_space<vmem>>, vector<1x16xf32>,
      %swap3A_189 = vector.shape_cast %swap3A_188 : vector<1x16xf32> to vector<16xf32>
      %swap3A_190 = vector.shape_cast %add3A_185 : vector<16xf32> to vector<1x16xf32>
      tpu.vector_store %arg8[%swap3A_186, %swap3A_187], %swap3A_190 {strides = array<i32>} : memref<64x768xf32, #tpu.memory_space<vmem>>, vector<1x16xf32>,
      %get3A_191 = arith.index_cast %scan3A_120 : i32 to index
      %get3A_192 = arith.constant 80 : index
      %get3A_193 = tpu.vector_load %arg8[%get3A_191, %get3A_192] {strides = array<i32>} : memref<64x768xf32, #tpu.memory_space<vmem>>, vector<1x16xf32>,
      %get3A_194 = vector.shape_cast %get3A_193 : vector<1x16xf32> to vector<16xf32>
      %get3A_195 = arith.index_cast %scan3A_120 : i32 to index
      %get3A_196 = arith.constant 80 : index
      %get3A_197 = tpu.vector_load %arg9[%get3A_195, %get3A_196] {strides = array<i32>} : memref<64x768xf32, #tpu.memory_space<vmem>>, vector<1x16xf32>,
      %get3A_198 = vector.shape_cast %get3A_197 : vector<1x16xf32> to vector<16xf32>
      %add3A_199 = arith.addf %get3A_194, %get3A_198 : vector<16xf32>
      %swap3A_200 = arith.index_cast %scan3A_120 : i32 to index
      %swap3A_201 = arith.constant 80 : index
      %swap3A_202 = tpu.vector_load %arg8[%swap3A_200, %swap3A_201] {strides = array<i32>} : memref<64x768xf32, #tpu.memory_space<vmem>>, vector<1x16xf32>,
      %swap3A_203 = vector.shape_cast %swap3A_202 : vector<1x16xf32> to vector<16xf32>
      %swap3A_204 = vector.shape_cast %add3A_199 : vector<16xf32> to vector<1x16xf32>
      tpu.vector_store %arg8[%swap3A_200, %swap3A_201], %swap3A_204 {strides = array<i32>} : memref<64x768xf32, #tpu.memory_space<vmem>>, vector<1x16xf32>,
      %get3A_205 = arith.index_cast %scan3A_120 : i32 to index
      %get3A_206 = arith.constant 96 : index
      %get3A_207 = tpu.vector_load %arg8[%get3A_205, %get3A_206] {strides = array<i32>} : memref<64x768xf32, #tpu.memory_space<vmem>>, vector<1x16xf32>,
      %get3A_208 = vector.shape_cast %get3A_207 : vector<1x16xf32> to vector<16xf32>
      %get3A_209 = arith.index_cast %scan3A_120 : i32 to index
      %get3A_210 = arith.constant 96 : index
      %get3A_211 = tpu.vector_load %arg9[%get3A_209, %get3A_210] {strides = array<i32>} : memref<64x768xf32, #tpu.memory_space<vmem>>, vector<1x16xf32>,
      %get3A_212 = vector.shape_cast %get3A_211 : vector<1x16xf32> to vector<16xf32>
      %add3A_213 = arith.addf %get3A_208, %get3A_212 : vector<16xf32>
      %swap3A_214 = arith.index_cast %scan3A_120 : i32 to index
      %swap3A_215 = arith.constant 96 : index
      %swap3A_216 = tpu.vector_load %arg8[%swap3A_214, %swap3A_215] {strides = array<i32>} : memref<64x768xf32, #tpu.memory_space<vmem>>, vector<1x16xf32>,
      %swap3A_217 = vector.shape_cast %swap3A_216 : vector<1x16xf32> to vector<16xf32>
      %swap3A_218 = vector.shape_cast %add3A_213 : vector<16xf32> to vector<1x16xf32>
      tpu.vector_store %arg8[%swap3A_214, %swap3A_215], %swap3A_218 {strides = array<i32>} : memref<64x768xf32, #tpu.memory_space<vmem>>, vector<1x16xf32>,
      %get3A_219 = arith.index_cast %scan3A_120 : i32 to index
      %get3A_220 = arith.constant 112 : index
      %get3A_221 = tpu.vector_load %arg8[%get3A_219, %get3A_220] {strides = array<i32>} : memref<64x768xf32, #tpu.memory_space<vmem>>, vector<1x16xf32>,
      %get3A_222 = vector.shape_cast %get3A_221 : vector<1x16xf32> to vector<16xf32>
      %get3A_223 = arith.index_cast %scan3A_120 : i32 to index
      %get3A_224 = arith.constant 112 : index
      %get3A_225 = tpu.vector_load %arg9[%get3A_223, %get3A_224] {strides = array<i32>} : memref<64x768xf32, #tpu.memory_space<vmem>>, vector<1x16xf32>,
      %get3A_226 = vector.shape_cast %get3A_225 : vector<1x16xf32> to vector<16xf32>
      %add3A_227 = arith.addf %get3A_222, %get3A_226 : vector<16xf32>
      %swap3A_228 = arith.index_cast %scan3A_120 : i32 to index
      %swap3A_229 = arith.constant 112 : index
      %swap3A_230 = tpu.vector_load %arg8[%swap3A_228, %swap3A_229] {strides = array<i32>} : memref<64x768xf32, #tpu.memory_space<vmem>>, vector<1x16xf32>,
      %swap3A_231 = vector.shape_cast %swap3A_230 : vector<1x16xf32> to vector<16xf32>
      %swap3A_232 = vector.shape_cast %add3A_227 : vector<16xf32> to vector<1x16xf32>
      tpu.vector_store %arg8[%swap3A_228, %swap3A_229], %swap3A_232 {strides = array<i32>} : memref<64x768xf32, #tpu.memory_space<vmem>>, vector<1x16xf32>,
      %get3A_233 = arith.index_cast %scan3A_120 : i32 to index
      %get3A_234 = arith.constant 128 : index
      %get3A_235 = tpu.vector_load %arg8[%get3A_233, %get3A_234] {strides = array<i32>} : memref<64x768xf32, #tpu.memory_space<vmem>>, vector<1x16xf32>,
      %get3A_236 = vector.shape_cast %get3A_235 : vector<1x16xf32> to vector<16xf32>
      %get3A_237 = arith.index_cast %scan3A_120 : i32 to index
      %get3A_238 = arith.constant 128 : index
      %get3A_239 = tpu.vector_load %arg9[%get3A_237, %get3A_238] {strides = array<i32>} : memref<64x768xf32, #tpu.memory_space<vmem>>, vector<1x16xf32>,
      %get3A_240 = vector.shape_cast %get3A_239 : vector<1x16xf32> to vector<16xf32>
      %add3A_241 = arith.addf %get3A_236, %get3A_240 : vector<16xf32>
      %swap3A_242 = arith.index_cast %scan3A_120 : i32 to index
      %swap3A_243 = arith.constant 128 : index
      %swap3A_244 = tpu.vector_load %arg8[%swap3A_242, %swap3A_243] {strides = array<i32>} : memref<64x768xf32, #tpu.memory_space<vmem>>, vector<1x16xf32>,
      %swap3A_245 = vector.shape_cast %swap3A_244 : vector<1x16xf32> to vector<16xf32>
      %swap3A_246 = vector.shape_cast %add3A_241 : vector<16xf32> to vector<1x16xf32>
      tpu.vector_store %arg8[%swap3A_242, %swap3A_243], %swap3A_246 {strides = array<i32>} : memref<64x768xf32, #tpu.memory_space<vmem>>, vector<1x16xf32>,
      %get3A_247 = arith.index_cast %scan3A_120 : i32 to index
      %get3A_248 = arith.constant 144 : index
      %get3A_249 = tpu.vector_load %arg8[%get3A_247, %get3A_248] {strides = array<i32>} : memref<64x768xf32, #tpu.memory_space<vmem>>, vector<1x16xf32>,
      %get3A_250 = vector.shape_cast %get3A_249 : vector<1x16xf32> to vector<16xf32>
      %get3A_251 = arith.index_cast %scan3A_120 : i32 to index
      %get3A_252 = arith.constant 144 : index
      %get3A_253 = tpu.vector_load %arg9[%get3A_251, %get3A_252] {strides = array<i32>} : memref<64x768xf32, #tpu.memory_space<vmem>>, vector<1x16xf32>,
      %get3A_254 = vector.shape_cast %get3A_253 : vector<1x16xf32> to vector<16xf32>
      %add3A_255 = arith.addf %get3A_250, %get3A_254 : vector<16xf32>
      %swap3A_256 = arith.index_cast %scan3A_120 : i32 to index
      %swap3A_257 = arith.constant 144 : index
      %swap3A_258 = tpu.vector_load %arg8[%swap3A_256, %swap3A_257] {strides = array<i32>} : memref<64x768xf32, #tpu.memory_space<vmem>>, vector<1x16xf32>,
      %swap3A_259 = vector.shape_cast %swap3A_258 : vector<1x16xf32> to vector<16xf32>
      %swap3A_260 = vector.shape_cast %add3A_255 : vector<16xf32> to vector<1x16xf32>
      tpu.vector_store %arg8[%swap3A_256, %swap3A_257], %swap3A_260 {strides = array<i32>} : memref<64x768xf32, #tpu.memory_space<vmem>>, vector<1x16xf32>,
      %get3A_261 = arith.index_cast %scan3A_120 : i32 to index
      %get3A_262 = arith.constant 160 : index
      %get3A_263 = tpu.vector_load %arg8[%get3A_261, %get3A_262] {strides = array<i32>} : memref<64x768xf32, #tpu.memory_space<vmem>>, vector<1x16xf32>,
      %get3A_264 = vector.shape_cast %get3A_263 : vector<1x16xf32> to vector<16xf32>
      %get3A_265 = arith.index_cast %scan3A_120 : i32 to index
      %get3A_266 = arith.constant 160 : index
      %get3A_267 = tpu.vector_load %arg9[%get3A_265, %get3A_266] {strides = array<i32>} : memref<64x768xf32, #tpu.memory_space<vmem>>, vector<1x16xf32>,
      %get3A_268 = vector.shape_cast %get3A_267 : vector<1x16xf32> to vector<16xf32>
      %add3A_269 = arith.addf %get3A_264, %get3A_268 : vector<16xf32>
      %swap3A_270 = arith.index_cast %scan3A_120 : i32 to index
      %swap3A_271 = arith.constant 160 : index
      %swap3A_272 = tpu.vector_load %arg8[%swap3A_270, %swap3A_271] {strides = array<i32>} : memref<64x768xf32, #tpu.memory_space<vmem>>, vector<1x16xf32>,
      %swap3A_273 = vector.shape_cast %swap3A_272 : vector<1x16xf32> to vector<16xf32>
      %swap3A_274 = vector.shape_cast %add3A_269 : vector<16xf32> to vector<1x16xf32>
      tpu.vector_store %arg8[%swap3A_270, %swap3A_271], %swap3A_274 {strides = array<i32>} : memref<64x768xf32, #tpu.memory_space<vmem>>, vector<1x16xf32>,
      %get3A_275 = arith.index_cast %scan3A_120 : i32 to index
      %get3A_276 = arith.constant 176 : index
      %get3A_277 = tpu.vector_load %arg8[%get3A_275, %get3A_276] {strides = array<i32>} : memref<64x768xf32, #tpu.memory_space<vmem>>, vector<1x16xf32>,
      %get3A_278 = vector.shape_cast %get3A_277 : vector<1x16xf32> to vector<16xf32>
      %get3A_279 = arith.index_cast %scan3A_120 : i32 to index
      %get3A_280 = arith.constant 176 : index
      %get3A_281 = tpu.vector_load %arg9[%get3A_279, %get3A_280] {strides = array<i32>} : memref<64x768xf32, #tpu.memory_space<vmem>>, vector<1x16xf32>,
      %get3A_282 = vector.shape_cast %get3A_281 : vector<1x16xf32> to vector<16xf32>
      %add3A_283 = arith.addf %get3A_278, %get3A_282 : vector<16xf32>
      %swap3A_284 = arith.index_cast %scan3A_120 : i32 to index
      %swap3A_285 = arith.constant 176 : index
      %swap3A_286 = tpu.vector_load %arg8[%swap3A_284, %swap3A_285] {strides = array<i32>} : memref<64x768xf32, #tpu.memory_space<vmem>>, vector<1x16xf32>,
      %swap3A_287 = vector.shape_cast %swap3A_286 : vector<1x16xf32> to vector<16xf32>
      %swap3A_288 = vector.shape_cast %add3A_283 : vector<16xf32> to vector<1x16xf32>
      tpu.vector_store %arg8[%swap3A_284, %swap3A_285], %swap3A_288 {strides = array<i32>} : memref<64x768xf32, #tpu.memory_space<vmem>>, vector<1x16xf32>,
      %get3A_289 = arith.index_cast %scan3A_120 : i32 to index
      %get3A_290 = arith.constant 192 : index
      %get3A_291 = tpu.vector_load %arg8[%get3A_289, %get3A_290] {strides = array<i32>} : memref<64x768xf32, #tpu.memory_space<vmem>>, vector<1x16xf32>,
      %get3A_292 = vector.shape_cast %get3A_291 : vector<1x16xf32> to vector<16xf32>
      %get3A_293 = arith.index_cast %scan3A_120 : i32 to index
      %get3A_294 = arith.constant 192 : index
      %get3A_295 = tpu.vector_load %arg9[%get3A_293, %get3A_294] {strides = array<i32>} : memref<64x768xf32, #tpu.memory_space<vmem>>, vector<1x16xf32>,
      %get3A_296 = vector.shape_cast %get3A_295 : vector<1x16xf32> to vector<16xf32>
      %add3A_297 = arith.addf %get3A_292, %get3A_296 : vector<16xf32>
      %swap3A_298 = arith.index_cast %scan3A_120 : i32 to index
      %swap3A_299 = arith.constant 192 : index
      %swap3A_300 = tpu.vector_load %arg8[%swap3A_298, %swap3A_299] {strides = array<i32>} : memref<64x768xf32, #tpu.memory_space<vmem>>, vector<1x16xf32>,
      %swap3A_301 = vector.shape_cast %swap3A_300 : vector<1x16xf32> to vector<16xf32>
      %swap3A_302 = vector.shape_cast %add3A_297 : vector<16xf32> to vector<1x16xf32>
      tpu.vector_store %arg8[%swap3A_298, %swap3A_299], %swap3A_302 {strides = array<i32>} : memref<64x768xf32, #tpu.memory_space<vmem>>, vector<1x16xf32>,
      %get3A_303 = arith.index_cast %scan3A_120 : i32 to index
      %get3A_304 = arith.constant 208 : index
      %get3A_305 = tpu.vector_load %arg8[%get3A_303, %get3A_304] {strides = array<i32>} : memref<64x768xf32, #tpu.memory_space<vmem>>, vector<1x16xf32>,
      %get3A_306 = vector.shape_cast %get3A_305 : vector<1x16xf32> to vector<16xf32>
      %get3A_307 = arith.index_cast %scan3A_120 : i32 to index
      %get3A_308 = arith.constant 208 : index
      %get3A_309 = tpu.vector_load %arg9[%get3A_307, %get3A_308] {strides = array<i32>} : memref<64x768xf32, #tpu.memory_space<vmem>>, vector<1x16xf32>,
      %get3A_310 = vector.shape_cast %get3A_309 : vector<1x16xf32> to vector<16xf32>
      %add3A_311 = arith.addf %get3A_306, %get3A_310 : vector<16xf32>
      %swap3A_312 = arith.index_cast %scan3A_120 : i32 to index
      %swap3A_313 = arith.constant 208 : index
      %swap3A_314 = tpu.vector_load %arg8[%swap3A_312, %swap3A_313] {strides = array<i32>} : memref<64x768xf32, #tpu.memory_space<vmem>>, vector<1x16xf32>,
      %swap3A_315 = vector.shape_cast %swap3A_314 : vector<1x16xf32> to vector<16xf32>
      %swap3A_316 = vector.shape_cast %add3A_311 : vector<16xf32> to vector<1x16xf32>
      tpu.vector_store %arg8[%swap3A_312, %swap3A_313], %swap3A_316 {strides = array<i32>} : memref<64x768xf32, #tpu.memory_space<vmem>>, vector<1x16xf32>,
      %get3A_317 = arith.index_cast %scan3A_120 : i32 to index
      %get3A_318 = arith.constant 224 : index
      %get3A_319 = tpu.vector_load %arg8[%get3A_317, %get3A_318] {strides = array<i32>} : memref<64x768xf32, #tpu.memory_space<vmem>>, vector<1x16xf32>,
      %get3A_320 = vector.shape_cast %get3A_319 : vector<1x16xf32> to vector<16xf32>
      %get3A_321 = arith.index_cast %scan3A_120 : i32 to index
      %get3A_322 = arith.constant 224 : index
      %get3A_323 = tpu.vector_load %arg9[%get3A_321, %get3A_322] {strides = array<i32>} : memref<64x768xf32, #tpu.memory_space<vmem>>, vector<1x16xf32>,
      %get3A_324 = vector.shape_cast %get3A_323 : vector<1x16xf32> to vector<16xf32>
      %add3A_325 = arith.addf %get3A_320, %get3A_324 : vector<16xf32>
      %swap3A_326 = arith.index_cast %scan3A_120 : i32 to index
      %swap3A_327 = arith.constant 224 : index
      %swap3A_328 = tpu.vector_load %arg8[%swap3A_326, %swap3A_327] {strides = array<i32>} : memref<64x768xf32, #tpu.memory_space<vmem>>, vector<1x16xf32>,
      %swap3A_329 = vector.shape_cast %swap3A_328 : vector<1x16xf32> to vector<16xf32>
      %swap3A_330 = vector.shape_cast %add3A_325 : vector<16xf32> to vector<1x16xf32>
      tpu.vector_store %arg8[%swap3A_326, %swap3A_327], %swap3A_330 {strides = array<i32>} : memref<64x768xf32, #tpu.memory_space<vmem>>, vector<1x16xf32>,
      %get3A_331 = arith.index_cast %scan3A_120 : i32 to index
      %get3A_332 = arith.constant 240 : index
      %get3A_333 = tpu.vector_load %arg8[%get3A_331, %get3A_332] {strides = array<i32>} : memref<64x768xf32, #tpu.memory_space<vmem>>, vector<1x16xf32>,
      %get3A_334 = vector.shape_cast %get3A_333 : vector<1x16xf32> to vector<16xf32>
      %get3A_335 = arith.index_cast %scan3A_120 : i32 to index
      %get3A_336 = arith.constant 240 : index
      %get3A_337 = tpu.vector_load %arg9[%get3A_335, %get3A_336] {strides = array<i32>} : memref<64x768xf32, #tpu.memory_space<vmem>>, vector<1x16xf32>,
      %get3A_338 = vector.shape_cast %get3A_337 : vector<1x16xf32> to vector<16xf32>
      %add3A_339 = arith.addf %get3A_334, %get3A_338 : vector<16xf32>
      %swap3A_340 = arith.index_cast %scan3A_120 : i32 to index
      %swap3A_341 = arith.constant 240 : index
      %swap3A_342 = tpu.vector_load %arg8[%swap3A_340, %swap3A_341] {strides = array<i32>} : memref<64x768xf32, #tpu.memory_space<vmem>>, vector<1x16xf32>,
      %swap3A_343 = vector.shape_cast %swap3A_342 : vector<1x16xf32> to vector<16xf32>
      %swap3A_344 = vector.shape_cast %add3A_339 : vector<16xf32> to vector<1x16xf32>
      tpu.vector_store %arg8[%swap3A_340, %swap3A_341], %swap3A_344 {strides = array<i32>} : memref<64x768xf32, #tpu.memory_space<vmem>>, vector<1x16xf32>,
      %get3A_345 = arith.index_cast %scan3A_120 : i32 to index
      %get3A_346 = arith.constant 256 : index
      %get3A_347 = tpu.vector_load %arg8[%get3A_345, %get3A_346] {strides = array<i32>} : memref<64x768xf32, #tpu.memory_space<vmem>>, vector<1x16xf32>,
      %get3A_348 = vector.shape_cast %get3A_347 : vector<1x16xf32> to vector<16xf32>
      %get3A_349 = arith.index_cast %scan3A_120 : i32 to index
      %get3A_350 = arith.constant 256 : index
      %get3A_351 = tpu.vector_load %arg9[%get3A_349, %get3A_350] {strides = array<i32>} : memref<64x768xf32, #tpu.memory_space<vmem>>, vector<1x16xf32>,
      %get3A_352 = vector.shape_cast %get3A_351 : vector<1x16xf32> to vector<16xf32>
      %add3A_353 = arith.addf %get3A_348, %get3A_352 : vector<16xf32>
      %swap3A_354 = arith.index_cast %scan3A_120 : i32 to index
      %swap3A_355 = arith.constant 256 : index
      %swap3A_356 = tpu.vector_load %arg8[%swap3A_354, %swap3A_355] {strides = array<i32>} : memref<64x768xf32, #tpu.memory_space<vmem>>, vector<1x16xf32>,
      %swap3A_357 = vector.shape_cast %swap3A_356 : vector<1x16xf32> to vector<16xf32>
      %swap3A_358 = vector.shape_cast %add3A_353 : vector<16xf32> to vector<1x16xf32>
      tpu.vector_store %arg8[%swap3A_354, %swap3A_355], %swap3A_358 {strides = array<i32>} : memref<64x768xf32, #tpu.memory_space<vmem>>, vector<1x16xf32>,
      %get3A_359 = arith.index_cast %scan3A_120 : i32 to index
      %get3A_360 = arith.constant 272 : index
      %get3A_361 = tpu.vector_load %arg8[%get3A_359, %get3A_360] {strides = array<i32>} : memref<64x768xf32, #tpu.memory_space<vmem>>, vector<1x16xf32>,
      %get3A_362 = vector.shape_cast %get3A_361 : vector<1x16xf32> to vector<16xf32>
      %get3A_363 = arith.index_cast %scan3A_120 : i32 to index
      %get3A_364 = arith.constant 272 : index
      %get3A_365 = tpu.vector_load %arg9[%get3A_363, %get3A_364] {strides = array<i32>} : memref<64x768xf32, #tpu.memory_space<vmem>>, vector<1x16xf32>,
      %get3A_366 = vector.shape_cast %get3A_365 : vector<1x16xf32> to vector<16xf32>
      %add3A_367 = arith.addf %get3A_362, %get3A_366 : vector<16xf32>
      %swap3A_368 = arith.index_cast %scan3A_120 : i32 to index
      %swap3A_369 = arith.constant 272 : index
      %swap3A_370 = tpu.vector_load %arg8[%swap3A_368, %swap3A_369] {strides = array<i32>} : memref<64x768xf32, #tpu.memory_space<vmem>>, vector<1x16xf32>,
      %swap3A_371 = vector.shape_cast %swap3A_370 : vector<1x16xf32> to vector<16xf32>
      %swap3A_372 = vector.shape_cast %add3A_367 : vector<16xf32> to vector<1x16xf32>
      tpu.vector_store %arg8[%swap3A_368, %swap3A_369], %swap3A_372 {strides = array<i32>} : memref<64x768xf32, #tpu.memory_space<vmem>>, vector<1x16xf32>,
      %get3A_373 = arith.index_cast %scan3A_120 : i32 to index
      %get3A_374 = arith.constant 288 : index
      %get3A_375 = tpu.vector_load %arg8[%get3A_373, %get3A_374] {strides = array<i32>} : memref<64x768xf32, #tpu.memory_space<vmem>>, vector<1x16xf32>,
      %get3A_376 = vector.shape_cast %get3A_375 : vector<1x16xf32> to vector<16xf32>
      %get3A_377 = arith.index_cast %scan3A_120 : i32 to index
      %get3A_378 = arith.constant 288 : index
      %get3A_379 = tpu.vector_load %arg9[%get3A_377, %get3A_378] {strides = array<i32>} : memref<64x768xf32, #tpu.memory_space<vmem>>, vector<1x16xf32>,
      %get3A_380 = vector.shape_cast %get3A_379 : vector<1x16xf32> to vector<16xf32>
      %add3A_381 = arith.addf %get3A_376, %get3A_380 : vector<16xf32>
      %swap3A_382 = arith.index_cast %scan3A_120 : i32 to index
      %swap3A_383 = arith.constant 288 : index
      %swap3A_384 = tpu.vector_load %arg8[%swap3A_382, %swap3A_383] {strides = array<i32>} : memref<64x768xf32, #tpu.memory_space<vmem>>, vector<1x16xf32>,
      %swap3A_385 = vector.shape_cast %swap3A_384 : vector<1x16xf32> to vector<16xf32>
      %swap3A_386 = vector.shape_cast %add3A_381 : vector<16xf32> to vector<1x16xf32>
      tpu.vector_store %arg8[%swap3A_382, %swap3A_383], %swap3A_386 {strides = array<i32>} : memref<64x768xf32, #tpu.memory_space<vmem>>, vector<1x16xf32>,
      %get3A_387 = arith.index_cast %scan3A_120 : i32 to index
      %get3A_388 = arith.constant 304 : index
      %get3A_389 = tpu.vector_load %arg8[%get3A_387, %get3A_388] {strides = array<i32>} : memref<64x768xf32, #tpu.memory_space<vmem>>, vector<1x16xf32>,
      %get3A_390 = vector.shape_cast %get3A_389 : vector<1x16xf32> to vector<16xf32>
      %get3A_391 = arith.index_cast %scan3A_120 : i32 to index
      %get3A_392 = arith.constant 304 : index
      %get3A_393 = tpu.vector_load %arg9[%get3A_391, %get3A_392] {strides = array<i32>} : memref<64x768xf32, #tpu.memory_space<vmem>>, vector<1x16xf32>,
      %get3A_394 = vector.shape_cast %get3A_393 : vector<1x16xf32> to vector<16xf32>
      %add3A_395 = arith.addf %get3A_390, %get3A_394 : vector<16xf32>
      %swap3A_396 = arith.index_cast %scan3A_120 : i32 to index
      %swap3A_397 = arith.constant 304 : index
      %swap3A_398 = tpu.vector_load %arg8[%swap3A_396, %swap3A_397] {strides = array<i32>} : memref<64x768xf32, #tpu.memory_space<vmem>>, vector<1x16xf32>,
      %swap3A_399 = vector.shape_cast %swap3A_398 : vector<1x16xf32> to vector<16xf32>
      %swap3A_400 = vector.shape_cast %add3A_395 : vector<16xf32> to vector<1x16xf32>
      tpu.vector_store %arg8[%swap3A_396, %swap3A_397], %swap3A_400 {strides = array<i32>} : memref<64x768xf32, #tpu.memory_space<vmem>>, vector<1x16xf32>,
      %get3A_401 = arith.index_cast %scan3A_120 : i32 to index
      %get3A_402 = arith.constant 320 : index
      %get3A_403 = tpu.vector_load %arg8[%get3A_401, %get3A_402] {strides = array<i32>} : memref<64x768xf32, #tpu.memory_space<vmem>>, vector<1x16xf32>,
      %get3A_404 = vector.shape_cast %get3A_403 : vector<1x16xf32> to vector<16xf32>
      %get3A_405 = arith.index_cast %scan3A_120 : i32 to index
      %get3A_406 = arith.constant 320 : index
      %get3A_407 = tpu.vector_load %arg9[%get3A_405, %get3A_406] {strides = array<i32>} : memref<64x768xf32, #tpu.memory_space<vmem>>, vector<1x16xf32>,
      %get3A_408 = vector.shape_cast %get3A_407 : vector<1x16xf32> to vector<16xf32>
      %add3A_409 = arith.addf %get3A_404, %get3A_408 : vector<16xf32>
      %swap3A_410 = arith.index_cast %scan3A_120 : i32 to index
      %swap3A_411 = arith.constant 320 : index
      %swap3A_412 = tpu.vector_load %arg8[%swap3A_410, %swap3A_411] {strides = array<i32>} : memref<64x768xf32, #tpu.memory_space<vmem>>, vector<1x16xf32>,
      %swap3A_413 = vector.shape_cast %swap3A_412 : vector<1x16xf32> to vector<16xf32>
      %swap3A_414 = vector.shape_cast %add3A_409 : vector<16xf32> to vector<1x16xf32>
      tpu.vector_store %arg8[%swap3A_410, %swap3A_411], %swap3A_414 {strides = array<i32>} : memref<64x768xf32, #tpu.memory_space<vmem>>, vector<1x16xf32>,
      %get3A_415 = arith.index_cast %scan3A_120 : i32 to index
      %get3A_416 = arith.constant 336 : index
      %get3A_417 = tpu.vector_load %arg8[%get3A_415, %get3A_416] {strides = array<i32>} : memref<64x768xf32, #tpu.memory_space<vmem>>, vector<1x16xf32>,
      %get3A_418 = vector.shape_cast %get3A_417 : vector<1x16xf32> to vector<16xf32>
      %get3A_419 = arith.index_cast %scan3A_120 : i32 to index
      %get3A_420 = arith.constant 336 : index
      %get3A_421 = tpu.vector_load %arg9[%get3A_419, %get3A_420] {strides = array<i32>} : memref<64x768xf32, #tpu.memory_space<vmem>>, vector<1x16xf32>,
      %get3A_422 = vector.shape_cast %get3A_421 : vector<1x16xf32> to vector<16xf32>
      %add3A_423 = arith.addf %get3A_418, %get3A_422 : vector<16xf32>
      %swap3A_424 = arith.index_cast %scan3A_120 : i32 to index
      %swap3A_425 = arith.constant 336 : index
      %swap3A_426 = tpu.vector_load %arg8[%swap3A_424, %swap3A_425] {strides = array<i32>} : memref<64x768xf32, #tpu.memory_space<vmem>>, vector<1x16xf32>,
      %swap3A_427 = vector.shape_cast %swap3A_426 : vector<1x16xf32> to vector<16xf32>
      %swap3A_428 = vector.shape_cast %add3A_423 : vector<16xf32> to vector<1x16xf32>
      tpu.vector_store %arg8[%swap3A_424, %swap3A_425], %swap3A_428 {strides = array<i32>} : memref<64x768xf32, #tpu.memory_space<vmem>>, vector<1x16xf32>,
      %get3A_429 = arith.index_cast %scan3A_120 : i32 to index
      %get3A_430 = arith.constant 352 : index
      %get3A_431 = tpu.vector_load %arg8[%get3A_429, %get3A_430] {strides = array<i32>} : memref<64x768xf32, #tpu.memory_space<vmem>>, vector<1x16xf32>,
      %get3A_432 = vector.shape_cast %get3A_431 : vector<1x16xf32> to vector<16xf32>
      %get3A_433 = arith.index_cast %scan3A_120 : i32 to index
      %get3A_434 = arith.constant 352 : index
      %get3A_435 = tpu.vector_load %arg9[%get3A_433, %get3A_434] {strides = array<i32>} : memref<64x768xf32, #tpu.memory_space<vmem>>, vector<1x16xf32>,
      %get3A_436 = vector.shape_cast %get3A_435 : vector<1x16xf32> to vector<16xf32>
      %add3A_437 = arith.addf %get3A_432, %get3A_436 : vector<16xf32>
      %swap3A_438 = arith.index_cast %scan3A_120 : i32 to index
      %swap3A_439 = arith.constant 352 : index
      %swap3A_440 = tpu.vector_load %arg8[%swap3A_438, %swap3A_439] {strides = array<i32>} : memref<64x768xf32, #tpu.memory_space<vmem>>, vector<1x16xf32>,
      %swap3A_441 = vector.shape_cast %swap3A_440 : vector<1x16xf32> to vector<16xf32>
      %swap3A_442 = vector.shape_cast %add3A_437 : vector<16xf32> to vector<1x16xf32>
      tpu.vector_store %arg8[%swap3A_438, %swap3A_439], %swap3A_442 {strides = array<i32>} : memref<64x768xf32, #tpu.memory_space<vmem>>, vector<1x16xf32>,
      %get3A_443 = arith.index_cast %scan3A_120 : i32 to index
      %get3A_444 = arith.constant 368 : index
      %get3A_445 = tpu.vector_load %arg8[%get3A_443, %get3A_444] {strides = array<i32>} : memref<64x768xf32, #tpu.memory_space<vmem>>, vector<1x16xf32>,
      %get3A_446 = vector.shape_cast %get3A_445 : vector<1x16xf32> to vector<16xf32>
      %get3A_447 = arith.index_cast %scan3A_120 : i32 to index
      %get3A_448 = arith.constant 368 : index
      %get3A_449 = tpu.vector_load %arg9[%get3A_447, %get3A_448] {strides = array<i32>} : memref<64x768xf32, #tpu.memory_space<vmem>>, vector<1x16xf32>,
      %get3A_450 = vector.shape_cast %get3A_449 : vector<1x16xf32> to vector<16xf32>
      %add3A_451 = arith.addf %get3A_446, %get3A_450 : vector<16xf32>
      %swap3A_452 = arith.index_cast %scan3A_120 : i32 to index
      %swap3A_453 = arith.constant 368 : index
      %swap3A_454 = tpu.vector_load %arg8[%swap3A_452, %swap3A_453] {strides = array<i32>} : memref<64x768xf32, #tpu.memory_space<vmem>>, vector<1x16xf32>,
      %swap3A_455 = vector.shape_cast %swap3A_454 : vector<1x16xf32> to vector<16xf32>
      %swap3A_456 = vector.shape_cast %add3A_451 : vector<16xf32> to vector<1x16xf32>
      tpu.vector_store %arg8[%swap3A_452, %swap3A_453], %swap3A_456 {strides = array<i32>} : memref<64x768xf32, #tpu.memory_space<vmem>>, vector<1x16xf32>,
      %get3A_457 = arith.index_cast %scan3A_120 : i32 to index
      %get3A_458 = arith.constant 384 : index
      %get3A_459 = tpu.vector_load %arg8[%get3A_457, %get3A_458] {strides = array<i32>} : memref<64x768xf32, #tpu.memory_space<vmem>>, vector<1x16xf32>,
      %get3A_460 = vector.shape_cast %get3A_459 : vector<1x16xf32> to vector<16xf32>
      %get3A_461 = arith.index_cast %scan3A_120 : i32 to index
      %get3A_462 = arith.constant 384 : index
      %get3A_463 = tpu.vector_load %arg9[%get3A_461, %get3A_462] {strides = array<i32>} : memref<64x768xf32, #tpu.memory_space<vmem>>, vector<1x16xf32>,
      %get3A_464 = vector.shape_cast %get3A_463 : vector<1x16xf32> to vector<16xf32>
      %add3A_465 = arith.addf %get3A_460, %get3A_464 : vector<16xf32>
      %swap3A_466 = arith.index_cast %scan3A_120 : i32 to index
      %swap3A_467 = arith.constant 384 : index
      %swap3A_468 = tpu.vector_load %arg8[%swap3A_466, %swap3A_467] {strides = array<i32>} : memref<64x768xf32, #tpu.memory_space<vmem>>, vector<1x16xf32>,
      %swap3A_469 = vector.shape_cast %swap3A_468 : vector<1x16xf32> to vector<16xf32>
      %swap3A_470 = vector.shape_cast %add3A_465 : vector<16xf32> to vector<1x16xf32>
      tpu.vector_store %arg8[%swap3A_466, %swap3A_467], %swap3A_470 {strides = array<i32>} : memref<64x768xf32, #tpu.memory_space<vmem>>, vector<1x16xf32>,
      %get3A_471 = arith.index_cast %scan3A_120 : i32 to index
      %get3A_472 = arith.constant 400 : index
      %get3A_473 = tpu.vector_load %arg8[%get3A_471, %get3A_472] {strides = array<i32>} : memref<64x768xf32, #tpu.memory_space<vmem>>, vector<1x16xf32>,
      %get3A_474 = vector.shape_cast %get3A_473 : vector<1x16xf32> to vector<16xf32>
      %get3A_475 = arith.index_cast %scan3A_120 : i32 to index
      %get3A_476 = arith.constant 400 : index
      %get3A_477 = tpu.vector_load %arg9[%get3A_475, %get3A_476] {strides = array<i32>} : memref<64x768xf32, #tpu.memory_space<vmem>>, vector<1x16xf32>,
      %get3A_478 = vector.shape_cast %get3A_477 : vector<1x16xf32> to vector<16xf32>
      %add3A_479 = arith.addf %get3A_474, %get3A_478 : vector<16xf32>
      %swap3A_480 = arith.index_cast %scan3A_120 : i32 to index
      %swap3A_481 = arith.constant 400 : index
      %swap3A_482 = tpu.vector_load %arg8[%swap3A_480, %swap3A_481] {strides = array<i32>} : memref<64x768xf32, #tpu.memory_space<vmem>>, vector<1x16xf32>,
      %swap3A_483 = vector.shape_cast %swap3A_482 : vector<1x16xf32> to vector<16xf32>
      %swap3A_484 = vector.shape_cast %add3A_479 : vector<16xf32> to vector<1x16xf32>
      tpu.vector_store %arg8[%swap3A_480, %swap3A_481], %swap3A_484 {strides = array<i32>} : memref<64x768xf32, #tpu.memory_space<vmem>>, vector<1x16xf32>,
      %get3A_485 = arith.index_cast %scan3A_120 : i32 to index
      %get3A_486 = arith.constant 416 : index
      %get3A_487 = tpu.vector_load %arg8[%get3A_485, %get3A_486] {strides = array<i32>} : memref<64x768xf32, #tpu.memory_space<vmem>>, vector<1x16xf32>,
      %get3A_488 = vector.shape_cast %get3A_487 : vector<1x16xf32> to vector<16xf32>
      %get3A_489 = arith.index_cast %scan3A_120 : i32 to index
      %get3A_490 = arith.constant 416 : index
      %get3A_491 = tpu.vector_load %arg9[%get3A_489, %get3A_490] {strides = array<i32>} : memref<64x768xf32, #tpu.memory_space<vmem>>, vector<1x16xf32>,
      %get3A_492 = vector.shape_cast %get3A_491 : vector<1x16xf32> to vector<16xf32>
      %add3A_493 = arith.addf %get3A_488, %get3A_492 : vector<16xf32>
      %swap3A_494 = arith.index_cast %scan3A_120 : i32 to index
      %swap3A_495 = arith.constant 416 : index
      %swap3A_496 = tpu.vector_load %arg8[%swap3A_494, %swap3A_495] {strides = array<i32>} : memref<64x768xf32, #tpu.memory_space<vmem>>, vector<1x16xf32>,
      %swap3A_497 = vector.shape_cast %swap3A_496 : vector<1x16xf32> to vector<16xf32>
      %swap3A_498 = vector.shape_cast %add3A_493 : vector<16xf32> to vector<1x16xf32>
      tpu.vector_store %arg8[%swap3A_494, %swap3A_495], %swap3A_498 {strides = array<i32>} : memref<64x768xf32, #tpu.memory_space<vmem>>, vector<1x16xf32>,
      %get3A_499 = arith.index_cast %scan3A_120 : i32 to index
      %get3A_500 = arith.constant 432 : index
      %get3A_501 = tpu.vector_load %arg8[%get3A_499, %get3A_500] {strides = array<i32>} : memref<64x768xf32, #tpu.memory_space<vmem>>, vector<1x16xf32>,
      %get3A_502 = vector.shape_cast %get3A_501 : vector<1x16xf32> to vector<16xf32>
      %get3A_503 = arith.index_cast %scan3A_120 : i32 to index
      %get3A_504 = arith.constant 432 : index
      %get3A_505 = tpu.vector_load %arg9[%get3A_503, %get3A_504] {strides = array<i32>} : memref<64x768xf32, #tpu.memory_space<vmem>>, vector<1x16xf32>,
      %get3A_506 = vector.shape_cast %get3A_505 : vector<1x16xf32> to vector<16xf32>
      %add3A_507 = arith.addf %get3A_502, %get3A_506 : vector<16xf32>
      %swap3A_508 = arith.index_cast %scan3A_120 : i32 to index
      %swap3A_509 = arith.constant 432 : index
      %swap3A_510 = tpu.vector_load %arg8[%swap3A_508, %swap3A_509] {strides = array<i32>} : memref<64x768xf32, #tpu.memory_space<vmem>>, vector<1x16xf32>,
      %swap3A_511 = vector.shape_cast %swap3A_510 : vector<1x16xf32> to vector<16xf32>
      %swap3A_512 = vector.shape_cast %add3A_507 : vector<16xf32> to vector<1x16xf32>
      tpu.vector_store %arg8[%swap3A_508, %swap3A_509], %swap3A_512 {strides = array<i32>} : memref<64x768xf32, #tpu.memory_space<vmem>>, vector<1x16xf32>,
      %get3A_513 = arith.index_cast %scan3A_120 : i32 to index
      %get3A_514 = arith.constant 448 : index
      %get3A_515 = tpu.vector_load %arg8[%get3A_513, %get3A_514] {strides = array<i32>} : memref<64x768xf32, #tpu.memory_space<vmem>>, vector<1x16xf32>,
      %get3A_516 = vector.shape_cast %get3A_515 : vector<1x16xf32> to vector<16xf32>
      %get3A_517 = arith.index_cast %scan3A_120 : i32 to index
      %get3A_518 = arith.constant 448 : index
      %get3A_519 = tpu.vector_load %arg9[%get3A_517, %get3A_518] {strides = array<i32>} : memref<64x768xf32, #tpu.memory_space<vmem>>, vector<1x16xf32>,
      %get3A_520 = vector.shape_cast %get3A_519 : vector<1x16xf32> to vector<16xf32>
      %add3A_521 = arith.addf %get3A_516, %get3A_520 : vector<16xf32>
      %swap3A_522 = arith.index_cast %scan3A_120 : i32 to index
      %swap3A_523 = arith.constant 448 : index
      %swap3A_524 = tpu.vector_load %arg8[%swap3A_522, %swap3A_523] {strides = array<i32>} : memref<64x768xf32, #tpu.memory_space<vmem>>, vector<1x16xf32>,
      %swap3A_525 = vector.shape_cast %swap3A_524 : vector<1x16xf32> to vector<16xf32>
      %swap3A_526 = vector.shape_cast %add3A_521 : vector<16xf32> to vector<1x16xf32>
      tpu.vector_store %arg8[%swap3A_522, %swap3A_523], %swap3A_526 {strides = array<i32>} : memref<64x768xf32, #tpu.memory_space<vmem>>, vector<1x16xf32>,
      %get3A_527 = arith.index_cast %scan3A_120 : i32 to index
      %get3A_528 = arith.constant 464 : index
      %get3A_529 = tpu.vector_load %arg8[%get3A_527, %get3A_528] {strides = array<i32>} : memref<64x768xf32, #tpu.memory_space<vmem>>, vector<1x16xf32>,
      %get3A_530 = vector.shape_cast %get3A_529 : vector<1x16xf32> to vector<16xf32>
      %get3A_531 = arith.index_cast %scan3A_120 : i32 to index
      %get3A_532 = arith.constant 464 : index
      %get3A_533 = tpu.vector_load %arg9[%get3A_531, %get3A_532] {strides = array<i32>} : memref<64x768xf32, #tpu.memory_space<vmem>>, vector<1x16xf32>,
      %get3A_534 = vector.shape_cast %get3A_533 : vector<1x16xf32> to vector<16xf32>
      %add3A_535 = arith.addf %get3A_530, %get3A_534 : vector<16xf32>
      %swap3A_536 = arith.index_cast %scan3A_120 : i32 to index
      %swap3A_537 = arith.constant 464 : index
      %swap3A_538 = tpu.vector_load %arg8[%swap3A_536, %swap3A_537] {strides = array<i32>} : memref<64x768xf32, #tpu.memory_space<vmem>>, vector<1x16xf32>,
      %swap3A_539 = vector.shape_cast %swap3A_538 : vector<1x16xf32> to vector<16xf32>
      %swap3A_540 = vector.shape_cast %add3A_535 : vector<16xf32> to vector<1x16xf32>
      tpu.vector_store %arg8[%swap3A_536, %swap3A_537], %swap3A_540 {strides = array<i32>} : memref<64x768xf32, #tpu.memory_space<vmem>>, vector<1x16xf32>,
      %get3A_541 = arith.index_cast %scan3A_120 : i32 to index
      %get3A_542 = arith.constant 480 : index
      %get3A_543 = tpu.vector_load %arg8[%get3A_541, %get3A_542] {strides = array<i32>} : memref<64x768xf32, #tpu.memory_space<vmem>>, vector<1x16xf32>,
      %get3A_544 = vector.shape_cast %get3A_543 : vector<1x16xf32> to vector<16xf32>
      %get3A_545 = arith.index_cast %scan3A_120 : i32 to index
      %get3A_546 = arith.constant 480 : index
      %get3A_547 = tpu.vector_load %arg9[%get3A_545, %get3A_546] {strides = array<i32>} : memref<64x768xf32, #tpu.memory_space<vmem>>, vector<1x16xf32>,
      %get3A_548 = vector.shape_cast %get3A_547 : vector<1x16xf32> to vector<16xf32>
      %add3A_549 = arith.addf %get3A_544, %get3A_548 : vector<16xf32>
      %swap3A_550 = arith.index_cast %scan3A_120 : i32 to index
      %swap3A_551 = arith.constant 480 : index
      %swap3A_552 = tpu.vector_load %arg8[%swap3A_550, %swap3A_551] {strides = array<i32>} : memref<64x768xf32, #tpu.memory_space<vmem>>, vector<1x16xf32>,
      %swap3A_553 = vector.shape_cast %swap3A_552 : vector<1x16xf32> to vector<16xf32>
      %swap3A_554 = vector.shape_cast %add3A_549 : vector<16xf32> to vector<1x16xf32>
      tpu.vector_store %arg8[%swap3A_550, %swap3A_551], %swap3A_554 {strides = array<i32>} : memref<64x768xf32, #tpu.memory_space<vmem>>, vector<1x16xf32>,
      %get3A_555 = arith.index_cast %scan3A_120 : i32 to index
      %get3A_556 = arith.constant 496 : index
      %get3A_557 = tpu.vector_load %arg8[%get3A_555, %get3A_556] {strides = array<i32>} : memref<64x768xf32, #tpu.memory_space<vmem>>, vector<1x16xf32>,
      %get3A_558 = vector.shape_cast %get3A_557 : vector<1x16xf32> to vector<16xf32>
      %get3A_559 = arith.index_cast %scan3A_120 : i32 to index
      %get3A_560 = arith.constant 496 : index
      %get3A_561 = tpu.vector_load %arg9[%get3A_559, %get3A_560] {strides = array<i32>} : memref<64x768xf32, #tpu.memory_space<vmem>>, vector<1x16xf32>,
      %get3A_562 = vector.shape_cast %get3A_561 : vector<1x16xf32> to vector<16xf32>
      %add3A_563 = arith.addf %get3A_558, %get3A_562 : vector<16xf32>
      %swap3A_564 = arith.index_cast %scan3A_120 : i32 to index
      %swap3A_565 = arith.constant 496 : index
      %swap3A_566 = tpu.vector_load %arg8[%swap3A_564, %swap3A_565] {strides = array<i32>} : memref<64x768xf32, #tpu.memory_space<vmem>>, vector<1x16xf32>,
      %swap3A_567 = vector.shape_cast %swap3A_566 : vector<1x16xf32> to vector<16xf32>
      %swap3A_568 = vector.shape_cast %add3A_563 : vector<16xf32> to vector<1x16xf32>
      tpu.vector_store %arg8[%swap3A_564, %swap3A_565], %swap3A_568 {strides = array<i32>} : memref<64x768xf32, #tpu.memory_space<vmem>>, vector<1x16xf32>,
      %get3A_569 = arith.index_cast %scan3A_120 : i32 to index
      %get3A_570 = arith.constant 512 : index
      %get3A_571 = tpu.vector_load %arg8[%get3A_569, %get3A_570] {strides = array<i32>} : memref<64x768xf32, #tpu.memory_space<vmem>>, vector<1x16xf32>,
      %get3A_572 = vector.shape_cast %get3A_571 : vector<1x16xf32> to vector<16xf32>
      %get3A_573 = arith.index_cast %scan3A_120 : i32 to index
      %get3A_574 = arith.constant 512 : index
      %get3A_575 = tpu.vector_load %arg9[%get3A_573, %get3A_574] {strides = array<i32>} : memref<64x768xf32, #tpu.memory_space<vmem>>, vector<1x16xf32>,
      %get3A_576 = vector.shape_cast %get3A_575 : vector<1x16xf32> to vector<16xf32>
      %add3A_577 = arith.addf %get3A_572, %get3A_576 : vector<16xf32>
      %swap3A_578 = arith.index_cast %scan3A_120 : i32 to index
      %swap3A_579 = arith.constant 512 : index
      %swap3A_580 = tpu.vector_load %arg8[%swap3A_578, %swap3A_579] {strides = array<i32>} : memref<64x768xf32, #tpu.memory_space<vmem>>, vector<1x16xf32>,
      %swap3A_581 = vector.shape_cast %swap3A_580 : vector<1x16xf32> to vector<16xf32>
      %swap3A_582 = vector.shape_cast %add3A_577 : vector<16xf32> to vector<1x16xf32>
      tpu.vector_store %arg8[%swap3A_578, %swap3A_579], %swap3A_582 {strides = array<i32>} : memref<64x768xf32, #tpu.memory_space<vmem>>, vector<1x16xf32>,
      %get3A_583 = arith.index_cast %scan3A_120 : i32 to index
      %get3A_584 = arith.constant 528 : index
      %get3A_585 = tpu.vector_load %arg8[%get3A_583, %get3A_584] {strides = array<i32>} : memref<64x768xf32, #tpu.memory_space<vmem>>, vector<1x16xf32>,
      %get3A_586 = vector.shape_cast %get3A_585 : vector<1x16xf32> to vector<16xf32>
      %get3A_587 = arith.index_cast %scan3A_120 : i32 to index
      %get3A_588 = arith.constant 528 : index
      %get3A_589 = tpu.vector_load %arg9[%get3A_587, %get3A_588] {strides = array<i32>} : memref<64x768xf32, #tpu.memory_space<vmem>>, vector<1x16xf32>,
      %get3A_590 = vector.shape_cast %get3A_589 : vector<1x16xf32> to vector<16xf32>
      %add3A_591 = arith.addf %get3A_586, %get3A_590 : vector<16xf32>
      %swap3A_592 = arith.index_cast %scan3A_120 : i32 to index
      %swap3A_593 = arith.constant 528 : index
      %swap3A_594 = tpu.vector_load %arg8[%swap3A_592, %swap3A_593] {strides = array<i32>} : memref<64x768xf32, #tpu.memory_space<vmem>>, vector<1x16xf32>,
      %swap3A_595 = vector.shape_cast %swap3A_594 : vector<1x16xf32> to vector<16xf32>
      %swap3A_596 = vector.shape_cast %add3A_591 : vector<16xf32> to vector<1x16xf32>
      tpu.vector_store %arg8[%swap3A_592, %swap3A_593], %swap3A_596 {strides = array<i32>} : memref<64x768xf32, #tpu.memory_space<vmem>>, vector<1x16xf32>,
      %get3A_597 = arith.index_cast %scan3A_120 : i32 to index
      %get3A_598 = arith.constant 544 : index
      %get3A_599 = tpu.vector_load %arg8[%get3A_597, %get3A_598] {strides = array<i32>} : memref<64x768xf32, #tpu.memory_space<vmem>>, vector<1x16xf32>,
      %get3A_600 = vector.shape_cast %get3A_599 : vector<1x16xf32> to vector<16xf32>
      %get3A_601 = arith.index_cast %scan3A_120 : i32 to index
      %get3A_602 = arith.constant 544 : index
      %get3A_603 = tpu.vector_load %arg9[%get3A_601, %get3A_602] {strides = array<i32>} : memref<64x768xf32, #tpu.memory_space<vmem>>, vector<1x16xf32>,
      %get3A_604 = vector.shape_cast %get3A_603 : vector<1x16xf32> to vector<16xf32>
      %add3A_605 = arith.addf %get3A_600, %get3A_604 : vector<16xf32>
      %swap3A_606 = arith.index_cast %scan3A_120 : i32 to index
      %swap3A_607 = arith.constant 544 : index
      %swap3A_608 = tpu.vector_load %arg8[%swap3A_606, %swap3A_607] {strides = array<i32>} : memref<64x768xf32, #tpu.memory_space<vmem>>, vector<1x16xf32>,
      %swap3A_609 = vector.shape_cast %swap3A_608 : vector<1x16xf32> to vector<16xf32>
      %swap3A_610 = vector.shape_cast %add3A_605 : vector<16xf32> to vector<1x16xf32>
      tpu.vector_store %arg8[%swap3A_606, %swap3A_607], %swap3A_610 {strides = array<i32>} : memref<64x768xf32, #tpu.memory_space<vmem>>, vector<1x16xf32>,
      %get3A_611 = arith.index_cast %scan3A_120 : i32 to index
      %get3A_612 = arith.constant 560 : index
      %get3A_613 = tpu.vector_load %arg8[%get3A_611, %get3A_612] {strides = array<i32>} : memref<64x768xf32, #tpu.memory_space<vmem>>, vector<1x16xf32>,
      %get3A_614 = vector.shape_cast %get3A_613 : vector<1x16xf32> to vector<16xf32>
      %get3A_615 = arith.index_cast %scan3A_120 : i32 to index
      %get3A_616 = arith.constant 560 : index
      %get3A_617 = tpu.vector_load %arg9[%get3A_615, %get3A_616] {strides = array<i32>} : memref<64x768xf32, #tpu.memory_space<vmem>>, vector<1x16xf32>,
      %get3A_618 = vector.shape_cast %get3A_617 : vector<1x16xf32> to vector<16xf32>
      %add3A_619 = arith.addf %get3A_614, %get3A_618 : vector<16xf32>
      %swap3A_620 = arith.index_cast %scan3A_120 : i32 to index
      %swap3A_621 = arith.constant 560 : index
      %swap3A_622 = tpu.vector_load %arg8[%swap3A_620, %swap3A_621] {strides = array<i32>} : memref<64x768xf32, #tpu.memory_space<vmem>>, vector<1x16xf32>,
      %swap3A_623 = vector.shape_cast %swap3A_622 : vector<1x16xf32> to vector<16xf32>
      %swap3A_624 = vector.shape_cast %add3A_619 : vector<16xf32> to vector<1x16xf32>
      tpu.vector_store %arg8[%swap3A_620, %swap3A_621], %swap3A_624 {strides = array<i32>} : memref<64x768xf32, #tpu.memory_space<vmem>>, vector<1x16xf32>,
      %get3A_625 = arith.index_cast %scan3A_120 : i32 to index
      %get3A_626 = arith.constant 576 : index
      %get3A_627 = tpu.vector_load %arg8[%get3A_625, %get3A_626] {strides = array<i32>} : memref<64x768xf32, #tpu.memory_space<vmem>>, vector<1x16xf32>,
      %get3A_628 = vector.shape_cast %get3A_627 : vector<1x16xf32> to vector<16xf32>
      %get3A_629 = arith.index_cast %scan3A_120 : i32 to index
      %get3A_630 = arith.constant 576 : index
      %get3A_631 = tpu.vector_load %arg9[%get3A_629, %get3A_630] {strides = array<i32>} : memref<64x768xf32, #tpu.memory_space<vmem>>, vector<1x16xf32>,
      %get3A_632 = vector.shape_cast %get3A_631 : vector<1x16xf32> to vector<16xf32>
      %add3A_633 = arith.addf %get3A_628, %get3A_632 : vector<16xf32>
      %swap3A_634 = arith.index_cast %scan3A_120 : i32 to index
      %swap3A_635 = arith.constant 576 : index
      %swap3A_636 = tpu.vector_load %arg8[%swap3A_634, %swap3A_635] {strides = array<i32>} : memref<64x768xf32, #tpu.memory_space<vmem>>, vector<1x16xf32>,
      %swap3A_637 = vector.shape_cast %swap3A_636 : vector<1x16xf32> to vector<16xf32>
      %swap3A_638 = vector.shape_cast %add3A_633 : vector<16xf32> to vector<1x16xf32>
      tpu.vector_store %arg8[%swap3A_634, %swap3A_635], %swap3A_638 {strides = array<i32>} : memref<64x768xf32, #tpu.memory_space<vmem>>, vector<1x16xf32>,
      %get3A_639 = arith.index_cast %scan3A_120 : i32 to index
      %get3A_640 = arith.constant 592 : index
      %get3A_641 = tpu.vector_load %arg8[%get3A_639, %get3A_640] {strides = array<i32>} : memref<64x768xf32, #tpu.memory_space<vmem>>, vector<1x16xf32>,
      %get3A_642 = vector.shape_cast %get3A_641 : vector<1x16xf32> to vector<16xf32>
      %get3A_643 = arith.index_cast %scan3A_120 : i32 to index
      %get3A_644 = arith.constant 592 : index
      %get3A_645 = tpu.vector_load %arg9[%get3A_643, %get3A_644] {strides = array<i32>} : memref<64x768xf32, #tpu.memory_space<vmem>>, vector<1x16xf32>,
      %get3A_646 = vector.shape_cast %get3A_645 : vector<1x16xf32> to vector<16xf32>
      %add3A_647 = arith.addf %get3A_642, %get3A_646 : vector<16xf32>
      %swap3A_648 = arith.index_cast %scan3A_120 : i32 to index
      %swap3A_649 = arith.constant 592 : index
      %swap3A_650 = tpu.vector_load %arg8[%swap3A_648, %swap3A_649] {strides = array<i32>} : memref<64x768xf32, #tpu.memory_space<vmem>>, vector<1x16xf32>,
      %swap3A_651 = vector.shape_cast %swap3A_650 : vector<1x16xf32> to vector<16xf32>
      %swap3A_652 = vector.shape_cast %add3A_647 : vector<16xf32> to vector<1x16xf32>
      tpu.vector_store %arg8[%swap3A_648, %swap3A_649], %swap3A_652 {strides = array<i32>} : memref<64x768xf32, #tpu.memory_space<vmem>>, vector<1x16xf32>,
      %get3A_653 = arith.index_cast %scan3A_120 : i32 to index
      %get3A_654 = arith.constant 608 : index
      %get3A_655 = tpu.vector_load %arg8[%get3A_653, %get3A_654] {strides = array<i32>} : memref<64x768xf32, #tpu.memory_space<vmem>>, vector<1x16xf32>,
      %get3A_656 = vector.shape_cast %get3A_655 : vector<1x16xf32> to vector<16xf32>
      %get3A_657 = arith.index_cast %scan3A_120 : i32 to index
      %get3A_658 = arith.constant 608 : index
      %get3A_659 = tpu.vector_load %arg9[%get3A_657, %get3A_658] {strides = array<i32>} : memref<64x768xf32, #tpu.memory_space<vmem>>, vector<1x16xf32>,
      %get3A_660 = vector.shape_cast %get3A_659 : vector<1x16xf32> to vector<16xf32>
      %add3A_661 = arith.addf %get3A_656, %get3A_660 : vector<16xf32>
      %swap3A_662 = arith.index_cast %scan3A_120 : i32 to index
      %swap3A_663 = arith.constant 608 : index
      %swap3A_664 = tpu.vector_load %arg8[%swap3A_662, %swap3A_663] {strides = array<i32>} : memref<64x768xf32, #tpu.memory_space<vmem>>, vector<1x16xf32>,
      %swap3A_665 = vector.shape_cast %swap3A_664 : vector<1x16xf32> to vector<16xf32>
      %swap3A_666 = vector.shape_cast %add3A_661 : vector<16xf32> to vector<1x16xf32>
      tpu.vector_store %arg8[%swap3A_662, %swap3A_663], %swap3A_666 {strides = array<i32>} : memref<64x768xf32, #tpu.memory_space<vmem>>, vector<1x16xf32>,
      %get3A_667 = arith.index_cast %scan3A_120 : i32 to index
      %get3A_668 = arith.constant 624 : index
      %get3A_669 = tpu.vector_load %arg8[%get3A_667, %get3A_668] {strides = array<i32>} : memref<64x768xf32, #tpu.memory_space<vmem>>, vector<1x16xf32>,
      %get3A_670 = vector.shape_cast %get3A_669 : vector<1x16xf32> to vector<16xf32>
      %get3A_671 = arith.index_cast %scan3A_120 : i32 to index
      %get3A_672 = arith.constant 624 : index
      %get3A_673 = tpu.vector_load %arg9[%get3A_671, %get3A_672] {strides = array<i32>} : memref<64x768xf32, #tpu.memory_space<vmem>>, vector<1x16xf32>,
      %get3A_674 = vector.shape_cast %get3A_673 : vector<1x16xf32> to vector<16xf32>
      %add3A_675 = arith.addf %get3A_670, %get3A_674 : vector<16xf32>
      %swap3A_676 = arith.index_cast %scan3A_120 : i32 to index
      %swap3A_677 = arith.constant 624 : index
      %swap3A_678 = tpu.vector_load %arg8[%swap3A_676, %swap3A_677] {strides = array<i32>} : memref<64x768xf32, #tpu.memory_space<vmem>>, vector<1x16xf32>,
      %swap3A_679 = vector.shape_cast %swap3A_678 : vector<1x16xf32> to vector<16xf32>
      %swap3A_680 = vector.shape_cast %add3A_675 : vector<16xf32> to vector<1x16xf32>
      tpu.vector_store %arg8[%swap3A_676, %swap3A_677], %swap3A_680 {strides = array<i32>} : memref<64x768xf32, #tpu.memory_space<vmem>>, vector<1x16xf32>,
      %get3A_681 = arith.index_cast %scan3A_120 : i32 to index
      %get3A_682 = arith.constant 640 : index
      %get3A_683 = tpu.vector_load %arg8[%get3A_681, %get3A_682] {strides = array<i32>} : memref<64x768xf32, #tpu.memory_space<vmem>>, vector<1x16xf32>,
      %get3A_684 = vector.shape_cast %get3A_683 : vector<1x16xf32> to vector<16xf32>
      %get3A_685 = arith.index_cast %scan3A_120 : i32 to index
      %get3A_686 = arith.constant 640 : index
      %get3A_687 = tpu.vector_load %arg9[%get3A_685, %get3A_686] {strides = array<i32>} : memref<64x768xf32, #tpu.memory_space<vmem>>, vector<1x16xf32>,
      %get3A_688 = vector.shape_cast %get3A_687 : vector<1x16xf32> to vector<16xf32>
      %add3A_689 = arith.addf %get3A_684, %get3A_688 : vector<16xf32>
      %swap3A_690 = arith.index_cast %scan3A_120 : i32 to index
      %swap3A_691 = arith.constant 640 : index
      %swap3A_692 = tpu.vector_load %arg8[%swap3A_690, %swap3A_691] {strides = array<i32>} : memref<64x768xf32, #tpu.memory_space<vmem>>, vector<1x16xf32>,
      %swap3A_693 = vector.shape_cast %swap3A_692 : vector<1x16xf32> to vector<16xf32>
      %swap3A_694 = vector.shape_cast %add3A_689 : vector<16xf32> to vector<1x16xf32>
      tpu.vector_store %arg8[%swap3A_690, %swap3A_691], %swap3A_694 {strides = array<i32>} : memref<64x768xf32, #tpu.memory_space<vmem>>, vector<1x16xf32>,
      %get3A_695 = arith.index_cast %scan3A_120 : i32 to index
      %get3A_696 = arith.constant 656 : index
      %get3A_697 = tpu.vector_load %arg8[%get3A_695, %get3A_696] {strides = array<i32>} : memref<64x768xf32, #tpu.memory_space<vmem>>, vector<1x16xf32>,
      %get3A_698 = vector.shape_cast %get3A_697 : vector<1x16xf32> to vector<16xf32>
      %get3A_699 = arith.index_cast %scan3A_120 : i32 to index
      %get3A_700 = arith.constant 656 : index
      %get3A_701 = tpu.vector_load %arg9[%get3A_699, %get3A_700] {strides = array<i32>} : memref<64x768xf32, #tpu.memory_space<vmem>>, vector<1x16xf32>,
      %get3A_702 = vector.shape_cast %get3A_701 : vector<1x16xf32> to vector<16xf32>
      %add3A_703 = arith.addf %get3A_698, %get3A_702 : vector<16xf32>
      %swap3A_704 = arith.index_cast %scan3A_120 : i32 to index
      %swap3A_705 = arith.constant 656 : index
      %swap3A_706 = tpu.vector_load %arg8[%swap3A_704, %swap3A_705] {strides = array<i32>} : memref<64x768xf32, #tpu.memory_space<vmem>>, vector<1x16xf32>,
      %swap3A_707 = vector.shape_cast %swap3A_706 : vector<1x16xf32> to vector<16xf32>
      %swap3A_708 = vector.shape_cast %add3A_703 : vector<16xf32> to vector<1x16xf32>
      tpu.vector_store %arg8[%swap3A_704, %swap3A_705], %swap3A_708 {strides = array<i32>} : memref<64x768xf32, #tpu.memory_space<vmem>>, vector<1x16xf32>,
      %get3A_709 = arith.index_cast %scan3A_120 : i32 to index
      %get3A_710 = arith.constant 672 : index
      %get3A_711 = tpu.vector_load %arg8[%get3A_709, %get3A_710] {strides = array<i32>} : memref<64x768xf32, #tpu.memory_space<vmem>>, vector<1x16xf32>,
      %get3A_712 = vector.shape_cast %get3A_711 : vector<1x16xf32> to vector<16xf32>
      %get3A_713 = arith.index_cast %scan3A_120 : i32 to index
      %get3A_714 = arith.constant 672 : index
      %get3A_715 = tpu.vector_load %arg9[%get3A_713, %get3A_714] {strides = array<i32>} : memref<64x768xf32, #tpu.memory_space<vmem>>, vector<1x16xf32>,
      %get3A_716 = vector.shape_cast %get3A_715 : vector<1x16xf32> to vector<16xf32>
      %add3A_717 = arith.addf %get3A_712, %get3A_716 : vector<16xf32>
      %swap3A_718 = arith.index_cast %scan3A_120 : i32 to index
      %swap3A_719 = arith.constant 672 : index
      %swap3A_720 = tpu.vector_load %arg8[%swap3A_718, %swap3A_719] {strides = array<i32>} : memref<64x768xf32, #tpu.memory_space<vmem>>, vector<1x16xf32>,
      %swap3A_721 = vector.shape_cast %swap3A_720 : vector<1x16xf32> to vector<16xf32>
      %swap3A_722 = vector.shape_cast %add3A_717 : vector<16xf32> to vector<1x16xf32>
      tpu.vector_store %arg8[%swap3A_718, %swap3A_719], %swap3A_722 {strides = array<i32>} : memref<64x768xf32, #tpu.memory_space<vmem>>, vector<1x16xf32>,
      %get3A_723 = arith.index_cast %scan3A_120 : i32 to index
      %get3A_724 = arith.constant 688 : index
      %get3A_725 = tpu.vector_load %arg8[%get3A_723, %get3A_724] {strides = array<i32>} : memref<64x768xf32, #tpu.memory_space<vmem>>, vector<1x16xf32>,
      %get3A_726 = vector.shape_cast %get3A_725 : vector<1x16xf32> to vector<16xf32>
      %get3A_727 = arith.index_cast %scan3A_120 : i32 to index
      %get3A_728 = arith.constant 688 : index
      %get3A_729 = tpu.vector_load %arg9[%get3A_727, %get3A_728] {strides = array<i32>} : memref<64x768xf32, #tpu.memory_space<vmem>>, vector<1x16xf32>,
      %get3A_730 = vector.shape_cast %get3A_729 : vector<1x16xf32> to vector<16xf32>
      %add3A_731 = arith.addf %get3A_726, %get3A_730 : vector<16xf32>
      %swap3A_732 = arith.index_cast %scan3A_120 : i32 to index
      %swap3A_733 = arith.constant 688 : index
      %swap3A_734 = tpu.vector_load %arg8[%swap3A_732, %swap3A_733] {strides = array<i32>} : memref<64x768xf32, #tpu.memory_space<vmem>>, vector<1x16xf32>,
      %swap3A_735 = vector.shape_cast %swap3A_734 : vector<1x16xf32> to vector<16xf32>
      %swap3A_736 = vector.shape_cast %add3A_731 : vector<16xf32> to vector<1x16xf32>
      tpu.vector_store %arg8[%swap3A_732, %swap3A_733], %swap3A_736 {strides = array<i32>} : memref<64x768xf32, #tpu.memory_space<vmem>>, vector<1x16xf32>,
      %get3A_737 = arith.index_cast %scan3A_120 : i32 to index
      %get3A_738 = arith.constant 704 : index
      %get3A_739 = tpu.vector_load %arg8[%get3A_737, %get3A_738] {strides = array<i32>} : memref<64x768xf32, #tpu.memory_space<vmem>>, vector<1x16xf32>,
      %get3A_740 = vector.shape_cast %get3A_739 : vector<1x16xf32> to vector<16xf32>
      %get3A_741 = arith.index_cast %scan3A_120 : i32 to index
      %get3A_742 = arith.constant 704 : index
      %get3A_743 = tpu.vector_load %arg9[%get3A_741, %get3A_742] {strides = array<i32>} : memref<64x768xf32, #tpu.memory_space<vmem>>, vector<1x16xf32>,
      %get3A_744 = vector.shape_cast %get3A_743 : vector<1x16xf32> to vector<16xf32>
      %add3A_745 = arith.addf %get3A_740, %get3A_744 : vector<16xf32>
      %swap3A_746 = arith.index_cast %scan3A_120 : i32 to index
      %swap3A_747 = arith.constant 704 : index
      %swap3A_748 = tpu.vector_load %arg8[%swap3A_746, %swap3A_747] {strides = array<i32>} : memref<64x768xf32, #tpu.memory_space<vmem>>, vector<1x16xf32>,
      %swap3A_749 = vector.shape_cast %swap3A_748 : vector<1x16xf32> to vector<16xf32>
      %swap3A_750 = vector.shape_cast %add3A_745 : vector<16xf32> to vector<1x16xf32>
      tpu.vector_store %arg8[%swap3A_746, %swap3A_747], %swap3A_750 {strides = array<i32>} : memref<64x768xf32, #tpu.memory_space<vmem>>, vector<1x16xf32>,
      %get3A_751 = arith.index_cast %scan3A_120 : i32 to index
      %get3A_752 = arith.constant 720 : index
      %get3A_753 = tpu.vector_load %arg8[%get3A_751, %get3A_752] {strides = array<i32>} : memref<64x768xf32, #tpu.memory_space<vmem>>, vector<1x16xf32>,
      %get3A_754 = vector.shape_cast %get3A_753 : vector<1x16xf32> to vector<16xf32>
      %get3A_755 = arith.index_cast %scan3A_120 : i32 to index
      %get3A_756 = arith.constant 720 : index
      %get3A_757 = tpu.vector_load %arg9[%get3A_755, %get3A_756] {strides = array<i32>} : memref<64x768xf32, #tpu.memory_space<vmem>>, vector<1x16xf32>,
      %get3A_758 = vector.shape_cast %get3A_757 : vector<1x16xf32> to vector<16xf32>
      %add3A_759 = arith.addf %get3A_754, %get3A_758 : vector<16xf32>
      %swap3A_760 = arith.index_cast %scan3A_120 : i32 to index
      %swap3A_761 = arith.constant 720 : index
      %swap3A_762 = tpu.vector_load %arg8[%swap3A_760, %swap3A_761] {strides = array<i32>} : memref<64x768xf32, #tpu.memory_space<vmem>>, vector<1x16xf32>,
      %swap3A_763 = vector.shape_cast %swap3A_762 : vector<1x16xf32> to vector<16xf32>
      %swap3A_764 = vector.shape_cast %add3A_759 : vector<16xf32> to vector<1x16xf32>
      tpu.vector_store %arg8[%swap3A_760, %swap3A_761], %swap3A_764 {strides = array<i32>} : memref<64x768xf32, #tpu.memory_space<vmem>>, vector<1x16xf32>,
      %get3A_765 = arith.index_cast %scan3A_120 : i32 to index
      %get3A_766 = arith.constant 736 : index
      %get3A_767 = tpu.vector_load %arg8[%get3A_765, %get3A_766] {strides = array<i32>} : memref<64x768xf32, #tpu.memory_space<vmem>>, vector<1x16xf32>,
      %get3A_768 = vector.shape_cast %get3A_767 : vector<1x16xf32> to vector<16xf32>
      %get3A_769 = arith.index_cast %scan3A_120 : i32 to index
      %get3A_770 = arith.constant 736 : index
      %get3A_771 = tpu.vector_load %arg9[%get3A_769, %get3A_770] {strides = array<i32>} : memref<64x768xf32, #tpu.memory_space<vmem>>, vector<1x16xf32>,
      %get3A_772 = vector.shape_cast %get3A_771 : vector<1x16xf32> to vector<16xf32>
      %add3A_773 = arith.addf %get3A_768, %get3A_772 : vector<16xf32>
      %swap3A_774 = arith.index_cast %scan3A_120 : i32 to index
      %swap3A_775 = arith.constant 736 : index
      %swap3A_776 = tpu.vector_load %arg8[%swap3A_774, %swap3A_775] {strides = array<i32>} : memref<64x768xf32, #tpu.memory_space<vmem>>, vector<1x16xf32>,
      %swap3A_777 = vector.shape_cast %swap3A_776 : vector<1x16xf32> to vector<16xf32>
      %swap3A_778 = vector.shape_cast %add3A_773 : vector<16xf32> to vector<1x16xf32>
      tpu.vector_store %arg8[%swap3A_774, %swap3A_775], %swap3A_778 {strides = array<i32>} : memref<64x768xf32, #tpu.memory_space<vmem>>, vector<1x16xf32>,
      %get3A_779 = arith.index_cast %scan3A_120 : i32 to index
      %get3A_780 = arith.constant 752 : index
      %get3A_781 = tpu.vector_load %arg8[%get3A_779, %get3A_780] {strides = array<i32>} : memref<64x768xf32, #tpu.memory_space<vmem>>, vector<1x16xf32>,
      %get3A_782 = vector.shape_cast %get3A_781 : vector<1x16xf32> to vector<16xf32>
      %get3A_783 = arith.index_cast %scan3A_120 : i32 to index
      %get3A_784 = arith.constant 752 : index
      %get3A_785 = tpu.vector_load %arg9[%get3A_783, %get3A_784] {strides = array<i32>} : memref<64x768xf32, #tpu.memory_space<vmem>>, vector<1x16xf32>,
      %get3A_786 = vector.shape_cast %get3A_785 : vector<1x16xf32> to vector<16xf32>
      %add3A_787 = arith.addf %get3A_782, %get3A_786 : vector<16xf32>
      %swap3A_788 = arith.index_cast %scan3A_120 : i32 to index
      %swap3A_789 = arith.constant 752 : index
      %swap3A_790 = tpu.vector_load %arg8[%swap3A_788, %swap3A_789] {strides = array<i32>} : memref<64x768xf32, #tpu.memory_space<vmem>>, vector<1x16xf32>,
      %swap3A_791 = vector.shape_cast %swap3A_790 : vector<1x16xf32> to vector<16xf32>
      %swap3A_792 = vector.shape_cast %add3A_787 : vector<16xf32> to vector<1x16xf32>
      tpu.vector_store %arg8[%swap3A_788, %swap3A_789], %swap3A_792 {strides = array<i32>} : memref<64x768xf32, #tpu.memory_space<vmem>>, vector<1x16xf32>,
    }
    %scan3A_107 = arith.constant 64 : i32
    %dma_start3A_108 = arith.constant 0 : i32
    %dma_start3A_109 = arith.constant 0 : i32
    %dma_start3A_110 = tpu.memref_slice %arg2[%dma_start3A_108, %dma_start3A_109] : memref<12288x768xf32, #tpu.memory_space<hbm>> -> memref<12288x768xf32, #tpu.memory_space<hbm>>
    tpu.enqueue_indirect_dma source(%dma_start3A_110 : memref<12288x768xf32, #tpu.memory_space<hbm>>) target(%arg9 : memref<64x768xf32, #tpu.memory_space<vmem>>) offsets(%arg7 : memref<64xi32, #tpu.memory_space<vmem>>) semaphore(%arg11 : memref<!tpu.dma_semaphore, #tpu.memory_space<semaphore_mem>>)
    %dma_wait3A_111 = arith.constant 0 : i32
    %dma_wait3A_112 = arith.constant 0 : i32
    %dma_wait3A_113 = tpu.memref_slice %arg2[%dma_wait3A_111, %dma_wait3A_112] : memref<12288x768xf32, #tpu.memory_space<hbm>> -> memref<12288x768xf32, #tpu.memory_space<hbm>>
    tpu.wait_indirect_dma semaphore(%arg11 : memref<!tpu.dma_semaphore, #tpu.memory_space<semaphore_mem>>) src(%dma_wait3A_113 : memref<12288x768xf32, #tpu.memory_space<hbm>>) dst(%arg9 : memref<64x768xf32, #tpu.memory_space<vmem>>)
    %scan3A_114 = arith.constant 0 : i32
    %scan3A_115 = arith.constant 0 : i32
    %scan3A_116 = arith.constant 64 : i32
    %scan3A_117 = arith.addi %scan3A_115, %scan3A_116 : i32
    %scan3A_118 = arith.constant 1 : i32
    scf.for %scan3A_120 = %scan3A_115 to %scan3A_117 step %scan3A_118  : i32 {
      %get3A_121 = arith.index_cast %scan3A_120 : i32 to index
      %get3A_122 = arith.constant 0 : index
      %get3A_123 = tpu.vector_load %arg8[%get3A_121, %get3A_122] {strides = array<i32>} : memref<64x768xf32, #tpu.memory_space<vmem>>, vector<1x16xf32>,
      %get3A_124 = vector.shape_cast %get3A_123 : vector<1x16xf32> to vector<16xf32>
      %get3A_125 = arith.index_cast %scan3A_120 : i32 to index
      %get3A_126 = arith.constant 0 : index
      %get3A_127 = tpu.vector_load %arg9[%get3A_125, %get3A_126] {strides = array<i32>} : memref<64x768xf32, #tpu.memory_space<vmem>>, vector<1x16xf32>,
      %get3A_128 = vector.shape_cast %get3A_127 : vector<1x16xf32> to vector<16xf32>
      %add3A_129 = arith.addf %get3A_124, %get3A_128 : vector<16xf32>
      %swap3A_130 = arith.index_cast %scan3A_120 : i32 to index
      %swap3A_131 = arith.constant 0 : index
      %swap3A_132 = tpu.vector_load %arg8[%swap3A_130, %swap3A_131] {strides = array<i32>} : memref<64x768xf32, #tpu.memory_space<vmem>>, vector<1x16xf32>,
      %swap3A_133 = vector.shape_cast %swap3A_132 : vector<1x16xf32> to vector<16xf32>
      %swap3A_134 = vector.shape_cast %add3A_129 : vector<16xf32> to vector<1x16xf32>
      tpu.vector_store %arg8[%swap3A_130, %swap3A_131], %swap3A_134 {strides = array<i32>} : memref<64x768xf32, #tpu.memory_space<vmem>>, vector<1x16xf32>,
      %get3A_135 = arith.index_cast %scan3A_120 : i32 to index
      %get3A_136 = arith.constant 16 : index
      %get3A_137 = tpu.vector_load %arg8[%get3A_135, %get3A_136] {strides = array<i32>} : memref<64x768xf32, #tpu.memory_space<vmem>>, vector<1x16xf32>,
      %get3A_138 = vector.shape_cast %get3A_137 : vector<1x16xf32> to vector<16xf32>
      %get3A_139 = arith.index_cast %scan3A_120 : i32 to index
      %get3A_140 = arith.constant 16 : index
      %get3A_141 = tpu.vector_load %arg9[%get3A_139, %get3A_140] {strides = array<i32>} : memref<64x768xf32, #tpu.memory_space<vmem>>, vector<1x16xf32>,
      %get3A_142 = vector.shape_cast %get3A_141 : vector<1x16xf32> to vector<16xf32>
      %add3A_143 = arith.addf %get3A_138, %get3A_142 : vector<16xf32>
      %swap3A_144 = arith.index_cast %scan3A_120 : i32 to index
      %swap3A_145 = arith.constant 16 : index
      %swap3A_146 = tpu.vector_load %arg8[%swap3A_144, %swap3A_145] {strides = array<i32>} : memref<64x768xf32, #tpu.memory_space<vmem>>, vector<1x16xf32>,
      %swap3A_147 = vector.shape_cast %swap3A_146 : vector<1x16xf32> to vector<16xf32>
      %swap3A_148 = vector.shape_cast %add3A_143 : vector<16xf32> to vector<1x16xf32>
      tpu.vector_store %arg8[%swap3A_144, %swap3A_145], %swap3A_148 {strides = array<i32>} : memref<64x768xf32, #tpu.memory_space<vmem>>, vector<1x16xf32>,
      %get3A_149 = arith.index_cast %scan3A_120 : i32 to index
      %get3A_150 = arith.constant 32 : index
      %get3A_151 = tpu.vector_load %arg8[%get3A_149, %get3A_150] {strides = array<i32>} : memref<64x768xf32, #tpu.memory_space<vmem>>, vector<1x16xf32>,
      %get3A_152 = vector.shape_cast %get3A_151 : vector<1x16xf32> to vector<16xf32>
      %get3A_153 = arith.index_cast %scan3A_120 : i32 to index
      %get3A_154 = arith.constant 32 : index
      %get3A_155 = tpu.vector_load %arg9[%get3A_153, %get3A_154] {strides = array<i32>} : memref<64x768xf32, #tpu.memory_space<vmem>>, vector<1x16xf32>,
      %get3A_156 = vector.shape_cast %get3A_155 : vector<1x16xf32> to vector<16xf32>
      %add3A_157 = arith.addf %get3A_152, %get3A_156 : vector<16xf32>
      %swap3A_158 = arith.index_cast %scan3A_120 : i32 to index
      %swap3A_159 = arith.constant 32 : index
      %swap3A_160 = tpu.vector_load %arg8[%swap3A_158, %swap3A_159] {strides = array<i32>} : memref<64x768xf32, #tpu.memory_space<vmem>>, vector<1x16xf32>,
      %swap3A_161 = vector.shape_cast %swap3A_160 : vector<1x16xf32> to vector<16xf32>
      %swap3A_162 = vector.shape_cast %add3A_157 : vector<16xf32> to vector<1x16xf32>
      tpu.vector_store %arg8[%swap3A_158, %swap3A_159], %swap3A_162 {strides = array<i32>} : memref<64x768xf32, #tpu.memory_space<vmem>>, vector<1x16xf32>,
      %get3A_163 = arith.index_cast %scan3A_120 : i32 to index
      %get3A_164 = arith.constant 48 : index
      %get3A_165 = tpu.vector_load %arg8[%get3A_163, %get3A_164] {strides = array<i32>} : memref<64x768xf32, #tpu.memory_space<vmem>>, vector<1x16xf32>,
      %get3A_166 = vector.shape_cast %get3A_165 : vector<1x16xf32> to vector<16xf32>
      %get3A_167 = arith.index_cast %scan3A_120 : i32 to index
      %get3A_168 = arith.constant 48 : index
      %get3A_169 = tpu.vector_load %arg9[%get3A_167, %get3A_168] {strides = array<i32>} : memref<64x768xf32, #tpu.memory_space<vmem>>, vector<1x16xf32>,
      %get3A_170 = vector.shape_cast %get3A_169 : vector<1x16xf32> to vector<16xf32>
      %add3A_171 = arith.addf %get3A_166, %get3A_170 : vector<16xf32>
      %swap3A_172 = arith.index_cast %scan3A_120 : i32 to index
      %swap3A_173 = arith.constant 48 : index
      %swap3A_174 = tpu.vector_load %arg8[%swap3A_172, %swap3A_173] {strides = array<i32>} : memref<64x768xf32, #tpu.memory_space<vmem>>, vector<1x16xf32>,
      %swap3A_175 = vector.shape_cast %swap3A_174 : vector<1x16xf32> to vector<16xf32>
      %swap3A_176 = vector.shape_cast %add3A_171 : vector<16xf32> to vector<1x16xf32>
      tpu.vector_store %arg8[%swap3A_172, %swap3A_173], %swap3A_176 {strides = array<i32>} : memref<64x768xf32, #tpu.memory_space<vmem>>, vector<1x16xf32>,
      %get3A_177 = arith.index_cast %scan3A_120 : i32 to index
      %get3A_178 = arith.constant 64 : index
      %get3A_179 = tpu.vector_load %arg8[%get3A_177, %get3A_178] {strides = array<i32>} : memref<64x768xf32, #tpu.memory_space<vmem>>, vector<1x16xf32>,
      %get3A_180 = vector.shape_cast %get3A_179 : vector<1x16xf32> to vector<16xf32>
      %get3A_181 = arith.index_cast %scan3A_120 : i32 to index
      %get3A_182 = arith.constant 64 : index
      %get3A_183 = tpu.vector_load %arg9[%get3A_181, %get3A_182] {strides = array<i32>} : memref<64x768xf32, #tpu.memory_space<vmem>>, vector<1x16xf32>,
      %get3A_184 = vector.shape_cast %get3A_183 : vector<1x16xf32> to vector<16xf32>
      %add3A_185 = arith.addf %get3A_180, %get3A_184 : vector<16xf32>
      %swap3A_186 = arith.index_cast %scan3A_120 : i32 to index
      %swap3A_187 = arith.constant 64 : index
      %swap3A_188 = tpu.vector_load %arg8[%swap3A_186, %swap3A_187] {strides = array<i32>} : memref<64x768xf32, #tpu.memory_space<vmem>>, vector<1x16xf32>,
      %swap3A_189 = vector.shape_cast %swap3A_188 : vector<1x16xf32> to vector<16xf32>
      %swap3A_190 = vector.shape_cast %add3A_185 : vector<16xf32> to vector<1x16xf32>
      tpu.vector_store %arg8[%swap3A_186, %swap3A_187], %swap3A_190 {strides = array<i32>} : memref<64x768xf32, #tpu.memory_space<vmem>>, vector<1x16xf32>,
      %get3A_191 = arith.index_cast %scan3A_120 : i32 to index
      %get3A_192 = arith.constant 80 : index
      %get3A_193 = tpu.vector_load %arg8[%get3A_191, %get3A_192] {strides = array<i32>} : memref<64x768xf32, #tpu.memory_space<vmem>>, vector<1x16xf32>,
      %get3A_194 = vector.shape_cast %get3A_193 : vector<1x16xf32> to vector<16xf32>
      %get3A_195 = arith.index_cast %scan3A_120 : i32 to index
      %get3A_196 = arith.constant 80 : index
      %get3A_197 = tpu.vector_load %arg9[%get3A_195, %get3A_196] {strides = array<i32>} : memref<64x768xf32, #tpu.memory_space<vmem>>, vector<1x16xf32>,
      %get3A_198 = vector.shape_cast %get3A_197 : vector<1x16xf32> to vector<16xf32>
      %add3A_199 = arith.addf %get3A_194, %get3A_198 : vector<16xf32>
      %swap3A_200 = arith.index_cast %scan3A_120 : i32 to index
      %swap3A_201 = arith.constant 80 : index
      %swap3A_202 = tpu.vector_load %arg8[%swap3A_200, %swap3A_201] {strides = array<i32>} : memref<64x768xf32, #tpu.memory_space<vmem>>, vector<1x16xf32>,
      %swap3A_203 = vector.shape_cast %swap3A_202 : vector<1x16xf32> to vector<16xf32>
      %swap3A_204 = vector.shape_cast %add3A_199 : vector<16xf32> to vector<1x16xf32>
      tpu.vector_store %arg8[%swap3A_200, %swap3A_201], %swap3A_204 {strides = array<i32>} : memref<64x768xf32, #tpu.memory_space<vmem>>, vector<1x16xf32>,
      %get3A_205 = arith.index_cast %scan3A_120 : i32 to index
      %get3A_206 = arith.constant 96 : index
      %get3A_207 = tpu.vector_load %arg8[%get3A_205, %get3A_206] {strides = array<i32>} : memref<64x768xf32, #tpu.memory_space<vmem>>, vector<1x16xf32>,
      %get3A_208 = vector.shape_cast %get3A_207 : vector<1x16xf32> to vector<16xf32>
      %get3A_209 = arith.index_cast %scan3A_120 : i32 to index
      %get3A_210 = arith.constant 96 : index
      %get3A_211 = tpu.vector_load %arg9[%get3A_209, %get3A_210] {strides = array<i32>} : memref<64x768xf32, #tpu.memory_space<vmem>>, vector<1x16xf32>,
      %get3A_212 = vector.shape_cast %get3A_211 : vector<1x16xf32> to vector<16xf32>
      %add3A_213 = arith.addf %get3A_208, %get3A_212 : vector<16xf32>
      %swap3A_214 = arith.index_cast %scan3A_120 : i32 to index
      %swap3A_215 = arith.constant 96 : index
      %swap3A_216 = tpu.vector_load %arg8[%swap3A_214, %swap3A_215] {strides = array<i32>} : memref<64x768xf32, #tpu.memory_space<vmem>>, vector<1x16xf32>,
      %swap3A_217 = vector.shape_cast %swap3A_216 : vector<1x16xf32> to vector<16xf32>
      %swap3A_218 = vector.shape_cast %add3A_213 : vector<16xf32> to vector<1x16xf32>
      tpu.vector_store %arg8[%swap3A_214, %swap3A_215], %swap3A_218 {strides = array<i32>} : memref<64x768xf32, #tpu.memory_space<vmem>>, vector<1x16xf32>,
      %get3A_219 = arith.index_cast %scan3A_120 : i32 to index
      %get3A_220 = arith.constant 112 : index
      %get3A_221 = tpu.vector_load %arg8[%get3A_219, %get3A_220] {strides = array<i32>} : memref<64x768xf32, #tpu.memory_space<vmem>>, vector<1x16xf32>,
      %get3A_222 = vector.shape_cast %get3A_221 : vector<1x16xf32> to vector<16xf32>
      %get3A_223 = arith.index_cast %scan3A_120 : i32 to index
      %get3A_224 = arith.constant 112 : index
      %get3A_225 = tpu.vector_load %arg9[%get3A_223, %get3A_224] {strides = array<i32>} : memref<64x768xf32, #tpu.memory_space<vmem>>, vector<1x16xf32>,
      %get3A_226 = vector.shape_cast %get3A_225 : vector<1x16xf32> to vector<16xf32>
      %add3A_227 = arith.addf %get3A_222, %get3A_226 : vector<16xf32>
      %swap3A_228 = arith.index_cast %scan3A_120 : i32 to index
      %swap3A_229 = arith.constant 112 : index
      %swap3A_230 = tpu.vector_load %arg8[%swap3A_228, %swap3A_229] {strides = array<i32>} : memref<64x768xf32, #tpu.memory_space<vmem>>, vector<1x16xf32>,
      %swap3A_231 = vector.shape_cast %swap3A_230 : vector<1x16xf32> to vector<16xf32>
      %swap3A_232 = vector.shape_cast %add3A_227 : vector<16xf32> to vector<1x16xf32>
      tpu.vector_store %arg8[%swap3A_228, %swap3A_229], %swap3A_232 {strides = array<i32>} : memref<64x768xf32, #tpu.memory_space<vmem>>, vector<1x16xf32>,
      %get3A_233 = arith.index_cast %scan3A_120 : i32 to index
      %get3A_234 = arith.constant 128 : index
      %get3A_235 = tpu.vector_load %arg8[%get3A_233, %get3A_234] {strides = array<i32>} : memref<64x768xf32, #tpu.memory_space<vmem>>, vector<1x16xf32>,
      %get3A_236 = vector.shape_cast %get3A_235 : vector<1x16xf32> to vector<16xf32>
      %get3A_237 = arith.index_cast %scan3A_120 : i32 to index
      %get3A_238 = arith.constant 128 : index
      %get3A_239 = tpu.vector_load %arg9[%get3A_237, %get3A_238] {strides = array<i32>} : memref<64x768xf32, #tpu.memory_space<vmem>>, vector<1x16xf32>,
      %get3A_240 = vector.shape_cast %get3A_239 : vector<1x16xf32> to vector<16xf32>
      %add3A_241 = arith.addf %get3A_236, %get3A_240 : vector<16xf32>
      %swap3A_242 = arith.index_cast %scan3A_120 : i32 to index
      %swap3A_243 = arith.constant 128 : index
      %swap3A_244 = tpu.vector_load %arg8[%swap3A_242, %swap3A_243] {strides = array<i32>} : memref<64x768xf32, #tpu.memory_space<vmem>>, vector<1x16xf32>,
      %swap3A_245 = vector.shape_cast %swap3A_244 : vector<1x16xf32> to vector<16xf32>
      %swap3A_246 = vector.shape_cast %add3A_241 : vector<16xf32> to vector<1x16xf32>
      tpu.vector_store %arg8[%swap3A_242, %swap3A_243], %swap3A_246 {strides = array<i32>} : memref<64x768xf32, #tpu.memory_space<vmem>>, vector<1x16xf32>,
      %get3A_247 = arith.index_cast %scan3A_120 : i32 to index
      %get3A_248 = arith.constant 144 : index
      %get3A_249 = tpu.vector_load %arg8[%get3A_247, %get3A_248] {strides = array<i32>} : memref<64x768xf32, #tpu.memory_space<vmem>>, vector<1x16xf32>,
      %get3A_250 = vector.shape_cast %get3A_249 : vector<1x16xf32> to vector<16xf32>
      %get3A_251 = arith.index_cast %scan3A_120 : i32 to index
      %get3A_252 = arith.constant 144 : index
      %get3A_253 = tpu.vector_load %arg9[%get3A_251, %get3A_252] {strides = array<i32>} : memref<64x768xf32, #tpu.memory_space<vmem>>, vector<1x16xf32>,
      %get3A_254 = vector.shape_cast %get3A_253 : vector<1x16xf32> to vector<16xf32>
      %add3A_255 = arith.addf %get3A_250, %get3A_254 : vector<16xf32>
      %swap3A_256 = arith.index_cast %scan3A_120 : i32 to index
      %swap3A_257 = arith.constant 144 : index
      %swap3A_258 = tpu.vector_load %arg8[%swap3A_256, %swap3A_257] {strides = array<i32>} : memref<64x768xf32, #tpu.memory_space<vmem>>, vector<1x16xf32>,
      %swap3A_259 = vector.shape_cast %swap3A_258 : vector<1x16xf32> to vector<16xf32>
      %swap3A_260 = vector.shape_cast %add3A_255 : vector<16xf32> to vector<1x16xf32>
      tpu.vector_store %arg8[%swap3A_256, %swap3A_257], %swap3A_260 {strides = array<i32>} : memref<64x768xf32, #tpu.memory_space<vmem>>, vector<1x16xf32>,
      %get3A_261 = arith.index_cast %scan3A_120 : i32 to index
      %get3A_262 = arith.constant 160 : index
      %get3A_263 = tpu.vector_load %arg8[%get3A_261, %get3A_262] {strides = array<i32>} : memref<64x768xf32, #tpu.memory_space<vmem>>, vector<1x16xf32>,
      %get3A_264 = vector.shape_cast %get3A_263 : vector<1x16xf32> to vector<16xf32>
      %get3A_265 = arith.index_cast %scan3A_120 : i32 to index
      %get3A_266 = arith.constant 160 : index
      %get3A_267 = tpu.vector_load %arg9[%get3A_265, %get3A_266] {strides = array<i32>} : memref<64x768xf32, #tpu.memory_space<vmem>>, vector<1x16xf32>,
      %get3A_268 = vector.shape_cast %get3A_267 : vector<1x16xf32> to vector<16xf32>
      %add3A_269 = arith.addf %get3A_264, %get3A_268 : vector<16xf32>
      %swap3A_270 = arith.index_cast %scan3A_120 : i32 to index
      %swap3A_271 = arith.constant 160 : index
      %swap3A_272 = tpu.vector_load %arg8[%swap3A_270, %swap3A_271] {strides = array<i32>} : memref<64x768xf32, #tpu.memory_space<vmem>>, vector<1x16xf32>,
      %swap3A_273 = vector.shape_cast %swap3A_272 : vector<1x16xf32> to vector<16xf32>
      %swap3A_274 = vector.shape_cast %add3A_269 : vector<16xf32> to vector<1x16xf32>
      tpu.vector_store %arg8[%swap3A_270, %swap3A_271], %swap3A_274 {strides = array<i32>} : memref<64x768xf32, #tpu.memory_space<vmem>>, vector<1x16xf32>,
      %get3A_275 = arith.index_cast %scan3A_120 : i32 to index
      %get3A_276 = arith.constant 176 : index
      %get3A_277 = tpu.vector_load %arg8[%get3A_275, %get3A_276] {strides = array<i32>} : memref<64x768xf32, #tpu.memory_space<vmem>>, vector<1x16xf32>,
      %get3A_278 = vector.shape_cast %get3A_277 : vector<1x16xf32> to vector<16xf32>
      %get3A_279 = arith.index_cast %scan3A_120 : i32 to index
      %get3A_280 = arith.constant 176 : index
      %get3A_281 = tpu.vector_load %arg9[%get3A_279, %get3A_280] {strides = array<i32>} : memref<64x768xf32, #tpu.memory_space<vmem>>, vector<1x16xf32>,
      %get3A_282 = vector.shape_cast %get3A_281 : vector<1x16xf32> to vector<16xf32>
      %add3A_283 = arith.addf %get3A_278, %get3A_282 : vector<16xf32>
      %swap3A_284 = arith.index_cast %scan3A_120 : i32 to index
      %swap3A_285 = arith.constant 176 : index
      %swap3A_286 = tpu.vector_load %arg8[%swap3A_284, %swap3A_285] {strides = array<i32>} : memref<64x768xf32, #tpu.memory_space<vmem>>, vector<1x16xf32>,
      %swap3A_287 = vector.shape_cast %swap3A_286 : vector<1x16xf32> to vector<16xf32>
      %swap3A_288 = vector.shape_cast %add3A_283 : vector<16xf32> to vector<1x16xf32>
      tpu.vector_store %arg8[%swap3A_284, %swap3A_285], %swap3A_288 {strides = array<i32>} : memref<64x768xf32, #tpu.memory_space<vmem>>, vector<1x16xf32>,
      %get3A_289 = arith.index_cast %scan3A_120 : i32 to index
      %get3A_290 = arith.constant 192 : index
      %get3A_291 = tpu.vector_load %arg8[%get3A_289, %get3A_290] {strides = array<i32>} : memref<64x768xf32, #tpu.memory_space<vmem>>, vector<1x16xf32>,
      %get3A_292 = vector.shape_cast %get3A_291 : vector<1x16xf32> to vector<16xf32>
      %get3A_293 = arith.index_cast %scan3A_120 : i32 to index
      %get3A_294 = arith.constant 192 : index
      %get3A_295 = tpu.vector_load %arg9[%get3A_293, %get3A_294] {strides = array<i32>} : memref<64x768xf32, #tpu.memory_space<vmem>>, vector<1x16xf32>,
      %get3A_296 = vector.shape_cast %get3A_295 : vector<1x16xf32> to vector<16xf32>
      %add3A_297 = arith.addf %get3A_292, %get3A_296 : vector<16xf32>
      %swap3A_298 = arith.index_cast %scan3A_120 : i32 to index
      %swap3A_299 = arith.constant 192 : index
      %swap3A_300 = tpu.vector_load %arg8[%swap3A_298, %swap3A_299] {strides = array<i32>} : memref<64x768xf32, #tpu.memory_space<vmem>>, vector<1x16xf32>,
      %swap3A_301 = vector.shape_cast %swap3A_300 : vector<1x16xf32> to vector<16xf32>
      %swap3A_302 = vector.shape_cast %add3A_297 : vector<16xf32> to vector<1x16xf32>
      tpu.vector_store %arg8[%swap3A_298, %swap3A_299], %swap3A_302 {strides = array<i32>} : memref<64x768xf32, #tpu.memory_space<vmem>>, vector<1x16xf32>,
      %get3A_303 = arith.index_cast %scan3A_120 : i32 to index
      %get3A_304 = arith.constant 208 : index
      %get3A_305 = tpu.vector_load %arg8[%get3A_303, %get3A_304] {strides = array<i32>} : memref<64x768xf32, #tpu.memory_space<vmem>>, vector<1x16xf32>,
      %get3A_306 = vector.shape_cast %get3A_305 : vector<1x16xf32> to vector<16xf32>
      %get3A_307 = arith.index_cast %scan3A_120 : i32 to index
      %get3A_308 = arith.constant 208 : index
      %get3A_309 = tpu.vector_load %arg9[%get3A_307, %get3A_308] {strides = array<i32>} : memref<64x768xf32, #tpu.memory_space<vmem>>, vector<1x16xf32>,
      %get3A_310 = vector.shape_cast %get3A_309 : vector<1x16xf32> to vector<16xf32>
      %add3A_311 = arith.addf %get3A_306, %get3A_310 : vector<16xf32>
      %swap3A_312 = arith.index_cast %scan3A_120 : i32 to index
      %swap3A_313 = arith.constant 208 : index
      %swap3A_314 = tpu.vector_load %arg8[%swap3A_312, %swap3A_313] {strides = array<i32>} : memref<64x768xf32, #tpu.memory_space<vmem>>, vector<1x16xf32>,
      %swap3A_315 = vector.shape_cast %swap3A_314 : vector<1x16xf32> to vector<16xf32>
      %swap3A_316 = vector.shape_cast %add3A_311 : vector<16xf32> to vector<1x16xf32>
      tpu.vector_store %arg8[%swap3A_312, %swap3A_313], %swap3A_316 {strides = array<i32>} : memref<64x768xf32, #tpu.memory_space<vmem>>, vector<1x16xf32>,
      %get3A_317 = arith.index_cast %scan3A_120 : i32 to index
      %get3A_318 = arith.constant 224 : index
      %get3A_319 = tpu.vector_load %arg8[%get3A_317, %get3A_318] {strides = array<i32>} : memref<64x768xf32, #tpu.memory_space<vmem>>, vector<1x16xf32>,
      %get3A_320 = vector.shape_cast %get3A_319 : vector<1x16xf32> to vector<16xf32>
      %get3A_321 = arith.index_cast %scan3A_120 : i32 to index
      %get3A_322 = arith.constant 224 : index
      %get3A_323 = tpu.vector_load %arg9[%get3A_321, %get3A_322] {strides = array<i32>} : memref<64x768xf32, #tpu.memory_space<vmem>>, vector<1x16xf32>,
      %get3A_324 = vector.shape_cast %get3A_323 : vector<1x16xf32> to vector<16xf32>
      %add3A_325 = arith.addf %get3A_320, %get3A_324 : vector<16xf32>
      %swap3A_326 = arith.index_cast %scan3A_120 : i32 to index
      %swap3A_327 = arith.constant 224 : index
      %swap3A_328 = tpu.vector_load %arg8[%swap3A_326, %swap3A_327] {strides = array<i32>} : memref<64x768xf32, #tpu.memory_space<vmem>>, vector<1x16xf32>,
      %swap3A_329 = vector.shape_cast %swap3A_328 : vector<1x16xf32> to vector<16xf32>
      %swap3A_330 = vector.shape_cast %add3A_325 : vector<16xf32> to vector<1x16xf32>
      tpu.vector_store %arg8[%swap3A_326, %swap3A_327], %swap3A_330 {strides = array<i32>} : memref<64x768xf32, #tpu.memory_space<vmem>>, vector<1x16xf32>,
      %get3A_331 = arith.index_cast %scan3A_120 : i32 to index
      %get3A_332 = arith.constant 240 : index
      %get3A_333 = tpu.vector_load %arg8[%get3A_331, %get3A_332] {strides = array<i32>} : memref<64x768xf32, #tpu.memory_space<vmem>>, vector<1x16xf32>,
      %get3A_334 = vector.shape_cast %get3A_333 : vector<1x16xf32> to vector<16xf32>
      %get3A_335 = arith.index_cast %scan3A_120 : i32 to index
      %get3A_336 = arith.constant 240 : index
      %get3A_337 = tpu.vector_load %arg9[%get3A_335, %get3A_336] {strides = array<i32>} : memref<64x768xf32, #tpu.memory_space<vmem>>, vector<1x16xf32>,
      %get3A_338 = vector.shape_cast %get3A_337 : vector<1x16xf32> to vector<16xf32>
      %add3A_339 = arith.addf %get3A_334, %get3A_338 : vector<16xf32>
      %swap3A_340 = arith.index_cast %scan3A_120 : i32 to index
      %swap3A_341 = arith.constant 240 : index
      %swap3A_342 = tpu.vector_load %arg8[%swap3A_340, %swap3A_341] {strides = array<i32>} : memref<64x768xf32, #tpu.memory_space<vmem>>, vector<1x16xf32>,
      %swap3A_343 = vector.shape_cast %swap3A_342 : vector<1x16xf32> to vector<16xf32>
      %swap3A_344 = vector.shape_cast %add3A_339 : vector<16xf32> to vector<1x16xf32>
      tpu.vector_store %arg8[%swap3A_340, %swap3A_341], %swap3A_344 {strides = array<i32>} : memref<64x768xf32, #tpu.memory_space<vmem>>, vector<1x16xf32>,
      %get3A_345 = arith.index_cast %scan3A_120 : i32 to index
      %get3A_346 = arith.constant 256 : index
      %get3A_347 = tpu.vector_load %arg8[%get3A_345, %get3A_346] {strides = array<i32>} : memref<64x768xf32, #tpu.memory_space<vmem>>, vector<1x16xf32>,
      %get3A_348 = vector.shape_cast %get3A_347 : vector<1x16xf32> to vector<16xf32>
      %get3A_349 = arith.index_cast %scan3A_120 : i32 to index
      %get3A_350 = arith.constant 256 : index
      %get3A_351 = tpu.vector_load %arg9[%get3A_349, %get3A_350] {strides = array<i32>} : memref<64x768xf32, #tpu.memory_space<vmem>>, vector<1x16xf32>,
      %get3A_352 = vector.shape_cast %get3A_351 : vector<1x16xf32> to vector<16xf32>
      %add3A_353 = arith.addf %get3A_348, %get3A_352 : vector<16xf32>
      %swap3A_354 = arith.index_cast %scan3A_120 : i32 to index
      %swap3A_355 = arith.constant 256 : index
      %swap3A_356 = tpu.vector_load %arg8[%swap3A_354, %swap3A_355] {strides = array<i32>} : memref<64x768xf32, #tpu.memory_space<vmem>>, vector<1x16xf32>,
      %swap3A_357 = vector.shape_cast %swap3A_356 : vector<1x16xf32> to vector<16xf32>
      %swap3A_358 = vector.shape_cast %add3A_353 : vector<16xf32> to vector<1x16xf32>
      tpu.vector_store %arg8[%swap3A_354, %swap3A_355], %swap3A_358 {strides = array<i32>} : memref<64x768xf32, #tpu.memory_space<vmem>>, vector<1x16xf32>,
      %get3A_359 = arith.index_cast %scan3A_120 : i32 to index
      %get3A_360 = arith.constant 272 : index
      %get3A_361 = tpu.vector_load %arg8[%get3A_359, %get3A_360] {strides = array<i32>} : memref<64x768xf32, #tpu.memory_space<vmem>>, vector<1x16xf32>,
      %get3A_362 = vector.shape_cast %get3A_361 : vector<1x16xf32> to vector<16xf32>
      %get3A_363 = arith.index_cast %scan3A_120 : i32 to index
      %get3A_364 = arith.constant 272 : index
      %get3A_365 = tpu.vector_load %arg9[%get3A_363, %get3A_364] {strides = array<i32>} : memref<64x768xf32, #tpu.memory_space<vmem>>, vector<1x16xf32>,
      %get3A_366 = vector.shape_cast %get3A_365 : vector<1x16xf32> to vector<16xf32>
      %add3A_367 = arith.addf %get3A_362, %get3A_366 : vector<16xf32>
      %swap3A_368 = arith.index_cast %scan3A_120 : i32 to index
      %swap3A_369 = arith.constant 272 : index
      %swap3A_370 = tpu.vector_load %arg8[%swap3A_368, %swap3A_369] {strides = array<i32>} : memref<64x768xf32, #tpu.memory_space<vmem>>, vector<1x16xf32>,
      %swap3A_371 = vector.shape_cast %swap3A_370 : vector<1x16xf32> to vector<16xf32>
      %swap3A_372 = vector.shape_cast %add3A_367 : vector<16xf32> to vector<1x16xf32>
      tpu.vector_store %arg8[%swap3A_368, %swap3A_369], %swap3A_372 {strides = array<i32>} : memref<64x768xf32, #tpu.memory_space<vmem>>, vector<1x16xf32>,
      %get3A_373 = arith.index_cast %scan3A_120 : i32 to index
      %get3A_374 = arith.constant 288 : index
      %get3A_375 = tpu.vector_load %arg8[%get3A_373, %get3A_374] {strides = array<i32>} : memref<64x768xf32, #tpu.memory_space<vmem>>, vector<1x16xf32>,
      %get3A_376 = vector.shape_cast %get3A_375 : vector<1x16xf32> to vector<16xf32>
      %get3A_377 = arith.index_cast %scan3A_120 : i32 to index
      %get3A_378 = arith.constant 288 : index
      %get3A_379 = tpu.vector_load %arg9[%get3A_377, %get3A_378] {strides = array<i32>} : memref<64x768xf32, #tpu.memory_space<vmem>>, vector<1x16xf32>,
      %get3A_380 = vector.shape_cast %get3A_379 : vector<1x16xf32> to vector<16xf32>
      %add3A_381 = arith.addf %get3A_376, %get3A_380 : vector<16xf32>
      %swap3A_382 = arith.index_cast %scan3A_120 : i32 to index
      %swap3A_383 = arith.constant 288 : index
      %swap3A_384 = tpu.vector_load %arg8[%swap3A_382, %swap3A_383] {strides = array<i32>} : memref<64x768xf32, #tpu.memory_space<vmem>>, vector<1x16xf32>,
      %swap3A_385 = vector.shape_cast %swap3A_384 : vector<1x16xf32> to vector<16xf32>
      %swap3A_386 = vector.shape_cast %add3A_381 : vector<16xf32> to vector<1x16xf32>
      tpu.vector_store %arg8[%swap3A_382, %swap3A_383], %swap3A_386 {strides = array<i32>} : memref<64x768xf32, #tpu.memory_space<vmem>>, vector<1x16xf32>,
      %get3A_387 = arith.index_cast %scan3A_120 : i32 to index
      %get3A_388 = arith.constant 304 : index
      %get3A_389 = tpu.vector_load %arg8[%get3A_387, %get3A_388] {strides = array<i32>} : memref<64x768xf32, #tpu.memory_space<vmem>>, vector<1x16xf32>,
      %get3A_390 = vector.shape_cast %get3A_389 : vector<1x16xf32> to vector<16xf32>
      %get3A_391 = arith.index_cast %scan3A_120 : i32 to index
      %get3A_392 = arith.constant 304 : index
      %get3A_393 = tpu.vector_load %arg9[%get3A_391, %get3A_392] {strides = array<i32>} : memref<64x768xf32, #tpu.memory_space<vmem>>, vector<1x16xf32>,
      %get3A_394 = vector.shape_cast %get3A_393 : vector<1x16xf32> to vector<16xf32>
      %add3A_395 = arith.addf %get3A_390, %get3A_394 : vector<16xf32>
      %swap3A_396 = arith.index_cast %scan3A_120 : i32 to index
      %swap3A_397 = arith.constant 304 : index
      %swap3A_398 = tpu.vector_load %arg8[%swap3A_396, %swap3A_397] {strides = array<i32>} : memref<64x768xf32, #tpu.memory_space<vmem>>, vector<1x16xf32>,
      %swap3A_399 = vector.shape_cast %swap3A_398 : vector<1x16xf32> to vector<16xf32>
      %swap3A_400 = vector.shape_cast %add3A_395 : vector<16xf32> to vector<1x16xf32>
      tpu.vector_store %arg8[%swap3A_396, %swap3A_397], %swap3A_400 {strides = array<i32>} : memref<64x768xf32, #tpu.memory_space<vmem>>, vector<1x16xf32>,
      %get3A_401 = arith.index_cast %scan3A_120 : i32 to index
      %get3A_402 = arith.constant 320 : index
      %get3A_403 = tpu.vector_load %arg8[%get3A_401, %get3A_402] {strides = array<i32>} : memref<64x768xf32, #tpu.memory_space<vmem>>, vector<1x16xf32>,
      %get3A_404 = vector.shape_cast %get3A_403 : vector<1x16xf32> to vector<16xf32>
      %get3A_405 = arith.index_cast %scan3A_120 : i32 to index
      %get3A_406 = arith.constant 320 : index
      %get3A_407 = tpu.vector_load %arg9[%get3A_405, %get3A_406] {strides = array<i32>} : memref<64x768xf32, #tpu.memory_space<vmem>>, vector<1x16xf32>,
      %get3A_408 = vector.shape_cast %get3A_407 : vector<1x16xf32> to vector<16xf32>
      %add3A_409 = arith.addf %get3A_404, %get3A_408 : vector<16xf32>
      %swap3A_410 = arith.index_cast %scan3A_120 : i32 to index
      %swap3A_411 = arith.constant 320 : index
      %swap3A_412 = tpu.vector_load %arg8[%swap3A_410, %swap3A_411] {strides = array<i32>} : memref<64x768xf32, #tpu.memory_space<vmem>>, vector<1x16xf32>,
      %swap3A_413 = vector.shape_cast %swap3A_412 : vector<1x16xf32> to vector<16xf32>
      %swap3A_414 = vector.shape_cast %add3A_409 : vector<16xf32> to vector<1x16xf32>
      tpu.vector_store %arg8[%swap3A_410, %swap3A_411], %swap3A_414 {strides = array<i32>} : memref<64x768xf32, #tpu.memory_space<vmem>>, vector<1x16xf32>,
      %get3A_415 = arith.index_cast %scan3A_120 : i32 to index
      %get3A_416 = arith.constant 336 : index
      %get3A_417 = tpu.vector_load %arg8[%get3A_415, %get3A_416] {strides = array<i32>} : memref<64x768xf32, #tpu.memory_space<vmem>>, vector<1x16xf32>,
      %get3A_418 = vector.shape_cast %get3A_417 : vector<1x16xf32> to vector<16xf32>
      %get3A_419 = arith.index_cast %scan3A_120 : i32 to index
      %get3A_420 = arith.constant 336 : index
      %get3A_421 = tpu.vector_load %arg9[%get3A_419, %get3A_420] {strides = array<i32>} : memref<64x768xf32, #tpu.memory_space<vmem>>, vector<1x16xf32>,
      %get3A_422 = vector.shape_cast %get3A_421 : vector<1x16xf32> to vector<16xf32>
      %add3A_423 = arith.addf %get3A_418, %get3A_422 : vector<16xf32>
      %swap3A_424 = arith.index_cast %scan3A_120 : i32 to index
      %swap3A_425 = arith.constant 336 : index
      %swap3A_426 = tpu.vector_load %arg8[%swap3A_424, %swap3A_425] {strides = array<i32>} : memref<64x768xf32, #tpu.memory_space<vmem>>, vector<1x16xf32>,
      %swap3A_427 = vector.shape_cast %swap3A_426 : vector<1x16xf32> to vector<16xf32>
      %swap3A_428 = vector.shape_cast %add3A_423 : vector<16xf32> to vector<1x16xf32>
      tpu.vector_store %arg8[%swap3A_424, %swap3A_425], %swap3A_428 {strides = array<i32>} : memref<64x768xf32, #tpu.memory_space<vmem>>, vector<1x16xf32>,
      %get3A_429 = arith.index_cast %scan3A_120 : i32 to index
      %get3A_430 = arith.constant 352 : index
      %get3A_431 = tpu.vector_load %arg8[%get3A_429, %get3A_430] {strides = array<i32>} : memref<64x768xf32, #tpu.memory_space<vmem>>, vector<1x16xf32>,
      %get3A_432 = vector.shape_cast %get3A_431 : vector<1x16xf32> to vector<16xf32>
      %get3A_433 = arith.index_cast %scan3A_120 : i32 to index
      %get3A_434 = arith.constant 352 : index
      %get3A_435 = tpu.vector_load %arg9[%get3A_433, %get3A_434] {strides = array<i32>} : memref<64x768xf32, #tpu.memory_space<vmem>>, vector<1x16xf32>,
      %get3A_436 = vector.shape_cast %get3A_435 : vector<1x16xf32> to vector<16xf32>
      %add3A_437 = arith.addf %get3A_432, %get3A_436 : vector<16xf32>
      %swap3A_438 = arith.index_cast %scan3A_120 : i32 to index
      %swap3A_439 = arith.constant 352 : index
      %swap3A_440 = tpu.vector_load %arg8[%swap3A_438, %swap3A_439] {strides = array<i32>} : memref<64x768xf32, #tpu.memory_space<vmem>>, vector<1x16xf32>,
      %swap3A_441 = vector.shape_cast %swap3A_440 : vector<1x16xf32> to vector<16xf32>
      %swap3A_442 = vector.shape_cast %add3A_437 : vector<16xf32> to vector<1x16xf32>
      tpu.vector_store %arg8[%swap3A_438, %swap3A_439], %swap3A_442 {strides = array<i32>} : memref<64x768xf32, #tpu.memory_space<vmem>>, vector<1x16xf32>,
      %get3A_443 = arith.index_cast %scan3A_120 : i32 to index
      %get3A_444 = arith.constant 368 : index
      %get3A_445 = tpu.vector_load %arg8[%get3A_443, %get3A_444] {strides = array<i32>} : memref<64x768xf32, #tpu.memory_space<vmem>>, vector<1x16xf32>,
      %get3A_446 = vector.shape_cast %get3A_445 : vector<1x16xf32> to vector<16xf32>
      %get3A_447 = arith.index_cast %scan3A_120 : i32 to index
      %get3A_448 = arith.constant 368 : index
      %get3A_449 = tpu.vector_load %arg9[%get3A_447, %get3A_448] {strides = array<i32>} : memref<64x768xf32, #tpu.memory_space<vmem>>, vector<1x16xf32>,
      %get3A_450 = vector.shape_cast %get3A_449 : vector<1x16xf32> to vector<16xf32>
      %add3A_451 = arith.addf %get3A_446, %get3A_450 : vector<16xf32>
      %swap3A_452 = arith.index_cast %scan3A_120 : i32 to index
      %swap3A_453 = arith.constant 368 : index
      %swap3A_454 = tpu.vector_load %arg8[%swap3A_452, %swap3A_453] {strides = array<i32>} : memref<64x768xf32, #tpu.memory_space<vmem>>, vector<1x16xf32>,
      %swap3A_455 = vector.shape_cast %swap3A_454 : vector<1x16xf32> to vector<16xf32>
      %swap3A_456 = vector.shape_cast %add3A_451 : vector<16xf32> to vector<1x16xf32>
      tpu.vector_store %arg8[%swap3A_452, %swap3A_453], %swap3A_456 {strides = array<i32>} : memref<64x768xf32, #tpu.memory_space<vmem>>, vector<1x16xf32>,
      %get3A_457 = arith.index_cast %scan3A_120 : i32 to index
      %get3A_458 = arith.constant 384 : index
      %get3A_459 = tpu.vector_load %arg8[%get3A_457, %get3A_458] {strides = array<i32>} : memref<64x768xf32, #tpu.memory_space<vmem>>, vector<1x16xf32>,
      %get3A_460 = vector.shape_cast %get3A_459 : vector<1x16xf32> to vector<16xf32>
      %get3A_461 = arith.index_cast %scan3A_120 : i32 to index
      %get3A_462 = arith.constant 384 : index
      %get3A_463 = tpu.vector_load %arg9[%get3A_461, %get3A_462] {strides = array<i32>} : memref<64x768xf32, #tpu.memory_space<vmem>>, vector<1x16xf32>,
      %get3A_464 = vector.shape_cast %get3A_463 : vector<1x16xf32> to vector<16xf32>
      %add3A_465 = arith.addf %get3A_460, %get3A_464 : vector<16xf32>
      %swap3A_466 = arith.index_cast %scan3A_120 : i32 to index
      %swap3A_467 = arith.constant 384 : index
      %swap3A_468 = tpu.vector_load %arg8[%swap3A_466, %swap3A_467] {strides = array<i32>} : memref<64x768xf32, #tpu.memory_space<vmem>>, vector<1x16xf32>,
      %swap3A_469 = vector.shape_cast %swap3A_468 : vector<1x16xf32> to vector<16xf32>
      %swap3A_470 = vector.shape_cast %add3A_465 : vector<16xf32> to vector<1x16xf32>
      tpu.vector_store %arg8[%swap3A_466, %swap3A_467], %swap3A_470 {strides = array<i32>} : memref<64x768xf32, #tpu.memory_space<vmem>>, vector<1x16xf32>,
      %get3A_471 = arith.index_cast %scan3A_120 : i32 to index
      %get3A_472 = arith.constant 400 : index
      %get3A_473 = tpu.vector_load %arg8[%get3A_471, %get3A_472] {strides = array<i32>} : memref<64x768xf32, #tpu.memory_space<vmem>>, vector<1x16xf32>,
      %get3A_474 = vector.shape_cast %get3A_473 : vector<1x16xf32> to vector<16xf32>
      %get3A_475 = arith.index_cast %scan3A_120 : i32 to index
      %get3A_476 = arith.constant 400 : index
      %get3A_477 = tpu.vector_load %arg9[%get3A_475, %get3A_476] {strides = array<i32>} : memref<64x768xf32, #tpu.memory_space<vmem>>, vector<1x16xf32>,
      %get3A_478 = vector.shape_cast %get3A_477 : vector<1x16xf32> to vector<16xf32>
      %add3A_479 = arith.addf %get3A_474, %get3A_478 : vector<16xf32>
      %swap3A_480 = arith.index_cast %scan3A_120 : i32 to index
      %swap3A_481 = arith.constant 400 : index
      %swap3A_482 = tpu.vector_load %arg8[%swap3A_480, %swap3A_481] {strides = array<i32>} : memref<64x768xf32, #tpu.memory_space<vmem>>, vector<1x16xf32>,
      %swap3A_483 = vector.shape_cast %swap3A_482 : vector<1x16xf32> to vector<16xf32>
      %swap3A_484 = vector.shape_cast %add3A_479 : vector<16xf32> to vector<1x16xf32>
      tpu.vector_store %arg8[%swap3A_480, %swap3A_481], %swap3A_484 {strides = array<i32>} : memref<64x768xf32, #tpu.memory_space<vmem>>, vector<1x16xf32>,
      %get3A_485 = arith.index_cast %scan3A_120 : i32 to index
      %get3A_486 = arith.constant 416 : index
      %get3A_487 = tpu.vector_load %arg8[%get3A_485, %get3A_486] {strides = array<i32>} : memref<64x768xf32, #tpu.memory_space<vmem>>, vector<1x16xf32>,
      %get3A_488 = vector.shape_cast %get3A_487 : vector<1x16xf32> to vector<16xf32>
      %get3A_489 = arith.index_cast %scan3A_120 : i32 to index
      %get3A_490 = arith.constant 416 : index
      %get3A_491 = tpu.vector_load %arg9[%get3A_489, %get3A_490] {strides = array<i32>} : memref<64x768xf32, #tpu.memory_space<vmem>>, vector<1x16xf32>,
      %get3A_492 = vector.shape_cast %get3A_491 : vector<1x16xf32> to vector<16xf32>
      %add3A_493 = arith.addf %get3A_488, %get3A_492 : vector<16xf32>
      %swap3A_494 = arith.index_cast %scan3A_120 : i32 to index
      %swap3A_495 = arith.constant 416 : index
      %swap3A_496 = tpu.vector_load %arg8[%swap3A_494, %swap3A_495] {strides = array<i32>} : memref<64x768xf32, #tpu.memory_space<vmem>>, vector<1x16xf32>,
      %swap3A_497 = vector.shape_cast %swap3A_496 : vector<1x16xf32> to vector<16xf32>
      %swap3A_498 = vector.shape_cast %add3A_493 : vector<16xf32> to vector<1x16xf32>
      tpu.vector_store %arg8[%swap3A_494, %swap3A_495], %swap3A_498 {strides = array<i32>} : memref<64x768xf32, #tpu.memory_space<vmem>>, vector<1x16xf32>,
      %get3A_499 = arith.index_cast %scan3A_120 : i32 to index
      %get3A_500 = arith.constant 432 : index
      %get3A_501 = tpu.vector_load %arg8[%get3A_499, %get3A_500] {strides = array<i32>} : memref<64x768xf32, #tpu.memory_space<vmem>>, vector<1x16xf32>,
      %get3A_502 = vector.shape_cast %get3A_501 : vector<1x16xf32> to vector<16xf32>
      %get3A_503 = arith.index_cast %scan3A_120 : i32 to index
      %get3A_504 = arith.constant 432 : index
      %get3A_505 = tpu.vector_load %arg9[%get3A_503, %get3A_504] {strides = array<i32>} : memref<64x768xf32, #tpu.memory_space<vmem>>, vector<1x16xf32>,
      %get3A_506 = vector.shape_cast %get3A_505 : vector<1x16xf32> to vector<16xf32>
      %add3A_507 = arith.addf %get3A_502, %get3A_506 : vector<16xf32>
      %swap3A_508 = arith.index_cast %scan3A_120 : i32 to index
      %swap3A_509 = arith.constant 432 : index
      %swap3A_510 = tpu.vector_load %arg8[%swap3A_508, %swap3A_509] {strides = array<i32>} : memref<64x768xf32, #tpu.memory_space<vmem>>, vector<1x16xf32>,
      %swap3A_511 = vector.shape_cast %swap3A_510 : vector<1x16xf32> to vector<16xf32>
      %swap3A_512 = vector.shape_cast %add3A_507 : vector<16xf32> to vector<1x16xf32>
      tpu.vector_store %arg8[%swap3A_508, %swap3A_509], %swap3A_512 {strides = array<i32>} : memref<64x768xf32, #tpu.memory_space<vmem>>, vector<1x16xf32>,
      %get3A_513 = arith.index_cast %scan3A_120 : i32 to index
      %get3A_514 = arith.constant 448 : index
      %get3A_515 = tpu.vector_load %arg8[%get3A_513, %get3A_514] {strides = array<i32>} : memref<64x768xf32, #tpu.memory_space<vmem>>, vector<1x16xf32>,
      %get3A_516 = vector.shape_cast %get3A_515 : vector<1x16xf32> to vector<16xf32>
      %get3A_517 = arith.index_cast %scan3A_120 : i32 to index
      %get3A_518 = arith.constant 448 : index
      %get3A_519 = tpu.vector_load %arg9[%get3A_517, %get3A_518] {strides = array<i32>} : memref<64x768xf32, #tpu.memory_space<vmem>>, vector<1x16xf32>,
      %get3A_520 = vector.shape_cast %get3A_519 : vector<1x16xf32> to vector<16xf32>
      %add3A_521 = arith.addf %get3A_516, %get3A_520 : vector<16xf32>
      %swap3A_522 = arith.index_cast %scan3A_120 : i32 to index
      %swap3A_523 = arith.constant 448 : index
      %swap3A_524 = tpu.vector_load %arg8[%swap3A_522, %swap3A_523] {strides = array<i32>} : memref<64x768xf32, #tpu.memory_space<vmem>>, vector<1x16xf32>,
      %swap3A_525 = vector.shape_cast %swap3A_524 : vector<1x16xf32> to vector<16xf32>
      %swap3A_526 = vector.shape_cast %add3A_521 : vector<16xf32> to vector<1x16xf32>
      tpu.vector_store %arg8[%swap3A_522, %swap3A_523], %swap3A_526 {strides = array<i32>} : memref<64x768xf32, #tpu.memory_space<vmem>>, vector<1x16xf32>,
      %get3A_527 = arith.index_cast %scan3A_120 : i32 to index
      %get3A_528 = arith.constant 464 : index
      %get3A_529 = tpu.vector_load %arg8[%get3A_527, %get3A_528] {strides = array<i32>} : memref<64x768xf32, #tpu.memory_space<vmem>>, vector<1x16xf32>,
      %get3A_530 = vector.shape_cast %get3A_529 : vector<1x16xf32> to vector<16xf32>
      %get3A_531 = arith.index_cast %scan3A_120 : i32 to index
      %get3A_532 = arith.constant 464 : index
      %get3A_533 = tpu.vector_load %arg9[%get3A_531, %get3A_532] {strides = array<i32>} : memref<64x768xf32, #tpu.memory_space<vmem>>, vector<1x16xf32>,
      %get3A_534 = vector.shape_cast %get3A_533 : vector<1x16xf32> to vector<16xf32>
      %add3A_535 = arith.addf %get3A_530, %get3A_534 : vector<16xf32>
      %swap3A_536 = arith.index_cast %scan3A_120 : i32 to index
      %swap3A_537 = arith.constant 464 : index
      %swap3A_538 = tpu.vector_load %arg8[%swap3A_536, %swap3A_537] {strides = array<i32>} : memref<64x768xf32, #tpu.memory_space<vmem>>, vector<1x16xf32>,
      %swap3A_539 = vector.shape_cast %swap3A_538 : vector<1x16xf32> to vector<16xf32>
      %swap3A_540 = vector.shape_cast %add3A_535 : vector<16xf32> to vector<1x16xf32>
      tpu.vector_store %arg8[%swap3A_536, %swap3A_537], %swap3A_540 {strides = array<i32>} : memref<64x768xf32, #tpu.memory_space<vmem>>, vector<1x16xf32>,
      %get3A_541 = arith.index_cast %scan3A_120 : i32 to index
      %get3A_542 = arith.constant 480 : index
      %get3A_543 = tpu.vector_load %arg8[%get3A_541, %get3A_542] {strides = array<i32>} : memref<64x768xf32, #tpu.memory_space<vmem>>, vector<1x16xf32>,
      %get3A_544 = vector.shape_cast %get3A_543 : vector<1x16xf32> to vector<16xf32>
      %get3A_545 = arith.index_cast %scan3A_120 : i32 to index
      %get3A_546 = arith.constant 480 : index
      %get3A_547 = tpu.vector_load %arg9[%get3A_545, %get3A_546] {strides = array<i32>} : memref<64x768xf32, #tpu.memory_space<vmem>>, vector<1x16xf32>,
      %get3A_548 = vector.shape_cast %get3A_547 : vector<1x16xf32> to vector<16xf32>
      %add3A_549 = arith.addf %get3A_544, %get3A_548 : vector<16xf32>
      %swap3A_550 = arith.index_cast %scan3A_120 : i32 to index
      %swap3A_551 = arith.constant 480 : index
      %swap3A_552 = tpu.vector_load %arg8[%swap3A_550, %swap3A_551] {strides = array<i32>} : memref<64x768xf32, #tpu.memory_space<vmem>>, vector<1x16xf32>,
      %swap3A_553 = vector.shape_cast %swap3A_552 : vector<1x16xf32> to vector<16xf32>
      %swap3A_554 = vector.shape_cast %add3A_549 : vector<16xf32> to vector<1x16xf32>
      tpu.vector_store %arg8[%swap3A_550, %swap3A_551], %swap3A_554 {strides = array<i32>} : memref<64x768xf32, #tpu.memory_space<vmem>>, vector<1x16xf32>,
      %get3A_555 = arith.index_cast %scan3A_120 : i32 to index
      %get3A_556 = arith.constant 496 : index
      %get3A_557 = tpu.vector_load %arg8[%get3A_555, %get3A_556] {strides = array<i32>} : memref<64x768xf32, #tpu.memory_space<vmem>>, vector<1x16xf32>,
      %get3A_558 = vector.shape_cast %get3A_557 : vector<1x16xf32> to vector<16xf32>
      %get3A_559 = arith.index_cast %scan3A_120 : i32 to index
      %get3A_560 = arith.constant 496 : index
      %get3A_561 = tpu.vector_load %arg9[%get3A_559, %get3A_560] {strides = array<i32>} : memref<64x768xf32, #tpu.memory_space<vmem>>, vector<1x16xf32>,
      %get3A_562 = vector.shape_cast %get3A_561 : vector<1x16xf32> to vector<16xf32>
      %add3A_563 = arith.addf %get3A_558, %get3A_562 : vector<16xf32>
      %swap3A_564 = arith.index_cast %scan3A_120 : i32 to index
      %swap3A_565 = arith.constant 496 : index
      %swap3A_566 = tpu.vector_load %arg8[%swap3A_564, %swap3A_565] {strides = array<i32>} : memref<64x768xf32, #tpu.memory_space<vmem>>, vector<1x16xf32>,
      %swap3A_567 = vector.shape_cast %swap3A_566 : vector<1x16xf32> to vector<16xf32>
      %swap3A_568 = vector.shape_cast %add3A_563 : vector<16xf32> to vector<1x16xf32>
      tpu.vector_store %arg8[%swap3A_564, %swap3A_565], %swap3A_568 {strides = array<i32>} : memref<64x768xf32, #tpu.memory_space<vmem>>, vector<1x16xf32>,
      %get3A_569 = arith.index_cast %scan3A_120 : i32 to index
      %get3A_570 = arith.constant 512 : index
      %get3A_571 = tpu.vector_load %arg8[%get3A_569, %get3A_570] {strides = array<i32>} : memref<64x768xf32, #tpu.memory_space<vmem>>, vector<1x16xf32>,
      %get3A_572 = vector.shape_cast %get3A_571 : vector<1x16xf32> to vector<16xf32>
      %get3A_573 = arith.index_cast %scan3A_120 : i32 to index
      %get3A_574 = arith.constant 512 : index
      %get3A_575 = tpu.vector_load %arg9[%get3A_573, %get3A_574] {strides = array<i32>} : memref<64x768xf32, #tpu.memory_space<vmem>>, vector<1x16xf32>,
      %get3A_576 = vector.shape_cast %get3A_575 : vector<1x16xf32> to vector<16xf32>
      %add3A_577 = arith.addf %get3A_572, %get3A_576 : vector<16xf32>
      %swap3A_578 = arith.index_cast %scan3A_120 : i32 to index
      %swap3A_579 = arith.constant 512 : index
      %swap3A_580 = tpu.vector_load %arg8[%swap3A_578, %swap3A_579] {strides = array<i32>} : memref<64x768xf32, #tpu.memory_space<vmem>>, vector<1x16xf32>,
      %swap3A_581 = vector.shape_cast %swap3A_580 : vector<1x16xf32> to vector<16xf32>
      %swap3A_582 = vector.shape_cast %add3A_577 : vector<16xf32> to vector<1x16xf32>
      tpu.vector_store %arg8[%swap3A_578, %swap3A_579], %swap3A_582 {strides = array<i32>} : memref<64x768xf32, #tpu.memory_space<vmem>>, vector<1x16xf32>,
      %get3A_583 = arith.index_cast %scan3A_120 : i32 to index
      %get3A_584 = arith.constant 528 : index
      %get3A_585 = tpu.vector_load %arg8[%get3A_583, %get3A_584] {strides = array<i32>} : memref<64x768xf32, #tpu.memory_space<vmem>>, vector<1x16xf32>,
      %get3A_586 = vector.shape_cast %get3A_585 : vector<1x16xf32> to vector<16xf32>
      %get3A_587 = arith.index_cast %scan3A_120 : i32 to index
      %get3A_588 = arith.constant 528 : index
      %get3A_589 = tpu.vector_load %arg9[%get3A_587, %get3A_588] {strides = array<i32>} : memref<64x768xf32, #tpu.memory_space<vmem>>, vector<1x16xf32>,
      %get3A_590 = vector.shape_cast %get3A_589 : vector<1x16xf32> to vector<16xf32>
      %add3A_591 = arith.addf %get3A_586, %get3A_590 : vector<16xf32>
      %swap3A_592 = arith.index_cast %scan3A_120 : i32 to index
      %swap3A_593 = arith.constant 528 : index
      %swap3A_594 = tpu.vector_load %arg8[%swap3A_592, %swap3A_593] {strides = array<i32>} : memref<64x768xf32, #tpu.memory_space<vmem>>, vector<1x16xf32>,
      %swap3A_595 = vector.shape_cast %swap3A_594 : vector<1x16xf32> to vector<16xf32>
      %swap3A_596 = vector.shape_cast %add3A_591 : vector<16xf32> to vector<1x16xf32>
      tpu.vector_store %arg8[%swap3A_592, %swap3A_593], %swap3A_596 {strides = array<i32>} : memref<64x768xf32, #tpu.memory_space<vmem>>, vector<1x16xf32>,
      %get3A_597 = arith.index_cast %scan3A_120 : i32 to index
      %get3A_598 = arith.constant 544 : index
      %get3A_599 = tpu.vector_load %arg8[%get3A_597, %get3A_598] {strides = array<i32>} : memref<64x768xf32, #tpu.memory_space<vmem>>, vector<1x16xf32>,
      %get3A_600 = vector.shape_cast %get3A_599 : vector<1x16xf32> to vector<16xf32>
      %get3A_601 = arith.index_cast %scan3A_120 : i32 to index
      %get3A_602 = arith.constant 544 : index
      %get3A_603 = tpu.vector_load %arg9[%get3A_601, %get3A_602] {strides = array<i32>} : memref<64x768xf32, #tpu.memory_space<vmem>>, vector<1x16xf32>,
      %get3A_604 = vector.shape_cast %get3A_603 : vector<1x16xf32> to vector<16xf32>
      %add3A_605 = arith.addf %get3A_600, %get3A_604 : vector<16xf32>
      %swap3A_606 = arith.index_cast %scan3A_120 : i32 to index
      %swap3A_607 = arith.constant 544 : index
      %swap3A_608 = tpu.vector_load %arg8[%swap3A_606, %swap3A_607] {strides = array<i32>} : memref<64x768xf32, #tpu.memory_space<vmem>>, vector<1x16xf32>,
      %swap3A_609 = vector.shape_cast %swap3A_608 : vector<1x16xf32> to vector<16xf32>
      %swap3A_610 = vector.shape_cast %add3A_605 : vector<16xf32> to vector<1x16xf32>
      tpu.vector_store %arg8[%swap3A_606, %swap3A_607], %swap3A_610 {strides = array<i32>} : memref<64x768xf32, #tpu.memory_space<vmem>>, vector<1x16xf32>,
      %get3A_611 = arith.index_cast %scan3A_120 : i32 to index
      %get3A_612 = arith.constant 560 : index
      %get3A_613 = tpu.vector_load %arg8[%get3A_611, %get3A_612] {strides = array<i32>} : memref<64x768xf32, #tpu.memory_space<vmem>>, vector<1x16xf32>,
      %get3A_614 = vector.shape_cast %get3A_613 : vector<1x16xf32> to vector<16xf32>
      %get3A_615 = arith.index_cast %scan3A_120 : i32 to index
      %get3A_616 = arith.constant 560 : index
      %get3A_617 = tpu.vector_load %arg9[%get3A_615, %get3A_616] {strides = array<i32>} : memref<64x768xf32, #tpu.memory_space<vmem>>, vector<1x16xf32>,
      %get3A_618 = vector.shape_cast %get3A_617 : vector<1x16xf32> to vector<16xf32>
      %add3A_619 = arith.addf %get3A_614, %get3A_618 : vector<16xf32>
      %swap3A_620 = arith.index_cast %scan3A_120 : i32 to index
      %swap3A_621 = arith.constant 560 : index
      %swap3A_622 = tpu.vector_load %arg8[%swap3A_620, %swap3A_621] {strides = array<i32>} : memref<64x768xf32, #tpu.memory_space<vmem>>, vector<1x16xf32>,
      %swap3A_623 = vector.shape_cast %swap3A_622 : vector<1x16xf32> to vector<16xf32>
      %swap3A_624 = vector.shape_cast %add3A_619 : vector<16xf32> to vector<1x16xf32>
      tpu.vector_store %arg8[%swap3A_620, %swap3A_621], %swap3A_624 {strides = array<i32>} : memref<64x768xf32, #tpu.memory_space<vmem>>, vector<1x16xf32>,
      %get3A_625 = arith.index_cast %scan3A_120 : i32 to index
      %get3A_626 = arith.constant 576 : index
      %get3A_627 = tpu.vector_load %arg8[%get3A_625, %get3A_626] {strides = array<i32>} : memref<64x768xf32, #tpu.memory_space<vmem>>, vector<1x16xf32>,
      %get3A_628 = vector.shape_cast %get3A_627 : vector<1x16xf32> to vector<16xf32>
      %get3A_629 = arith.index_cast %scan3A_120 : i32 to index
      %get3A_630 = arith.constant 576 : index
      %get3A_631 = tpu.vector_load %arg9[%get3A_629, %get3A_630] {strides = array<i32>} : memref<64x768xf32, #tpu.memory_space<vmem>>, vector<1x16xf32>,
      %get3A_632 = vector.shape_cast %get3A_631 : vector<1x16xf32> to vector<16xf32>
      %add3A_633 = arith.addf %get3A_628, %get3A_632 : vector<16xf32>
      %swap3A_634 = arith.index_cast %scan3A_120 : i32 to index
      %swap3A_635 = arith.constant 576 : index
      %swap3A_636 = tpu.vector_load %arg8[%swap3A_634, %swap3A_635] {strides = array<i32>} : memref<64x768xf32, #tpu.memory_space<vmem>>, vector<1x16xf32>,
      %swap3A_637 = vector.shape_cast %swap3A_636 : vector<1x16xf32> to vector<16xf32>
      %swap3A_638 = vector.shape_cast %add3A_633 : vector<16xf32> to vector<1x16xf32>
      tpu.vector_store %arg8[%swap3A_634, %swap3A_635], %swap3A_638 {strides = array<i32>} : memref<64x768xf32, #tpu.memory_space<vmem>>, vector<1x16xf32>,
      %get3A_639 = arith.index_cast %scan3A_120 : i32 to index
      %get3A_640 = arith.constant 592 : index
      %get3A_641 = tpu.vector_load %arg8[%get3A_639, %get3A_640] {strides = array<i32>} : memref<64x768xf32, #tpu.memory_space<vmem>>, vector<1x16xf32>,
      %get3A_642 = vector.shape_cast %get3A_641 : vector<1x16xf32> to vector<16xf32>
      %get3A_643 = arith.index_cast %scan3A_120 : i32 to index
      %get3A_644 = arith.constant 592 : index
      %get3A_645 = tpu.vector_load %arg9[%get3A_643, %get3A_644] {strides = array<i32>} : memref<64x768xf32, #tpu.memory_space<vmem>>, vector<1x16xf32>,
      %get3A_646 = vector.shape_cast %get3A_645 : vector<1x16xf32> to vector<16xf32>
      %add3A_647 = arith.addf %get3A_642, %get3A_646 : vector<16xf32>
      %swap3A_648 = arith.index_cast %scan3A_120 : i32 to index
      %swap3A_649 = arith.constant 592 : index
      %swap3A_650 = tpu.vector_load %arg8[%swap3A_648, %swap3A_649] {strides = array<i32>} : memref<64x768xf32, #tpu.memory_space<vmem>>, vector<1x16xf32>,
      %swap3A_651 = vector.shape_cast %swap3A_650 : vector<1x16xf32> to vector<16xf32>
      %swap3A_652 = vector.shape_cast %add3A_647 : vector<16xf32> to vector<1x16xf32>
      tpu.vector_store %arg8[%swap3A_648, %swap3A_649], %swap3A_652 {strides = array<i32>} : memref<64x768xf32, #tpu.memory_space<vmem>>, vector<1x16xf32>,
      %get3A_653 = arith.index_cast %scan3A_120 : i32 to index
      %get3A_654 = arith.constant 608 : index
      %get3A_655 = tpu.vector_load %arg8[%get3A_653, %get3A_654] {strides = array<i32>} : memref<64x768xf32, #tpu.memory_space<vmem>>, vector<1x16xf32>,
      %get3A_656 = vector.shape_cast %get3A_655 : vector<1x16xf32> to vector<16xf32>
      %get3A_657 = arith.index_cast %scan3A_120 : i32 to index
      %get3A_658 = arith.constant 608 : index
      %get3A_659 = tpu.vector_load %arg9[%get3A_657, %get3A_658] {strides = array<i32>} : memref<64x768xf32, #tpu.memory_space<vmem>>, vector<1x16xf32>,
      %get3A_660 = vector.shape_cast %get3A_659 : vector<1x16xf32> to vector<16xf32>
      %add3A_661 = arith.addf %get3A_656, %get3A_660 : vector<16xf32>
      %swap3A_662 = arith.index_cast %scan3A_120 : i32 to index
      %swap3A_663 = arith.constant 608 : index
      %swap3A_664 = tpu.vector_load %arg8[%swap3A_662, %swap3A_663] {strides = array<i32>} : memref<64x768xf32, #tpu.memory_space<vmem>>, vector<1x16xf32>,
      %swap3A_665 = vector.shape_cast %swap3A_664 : vector<1x16xf32> to vector<16xf32>
      %swap3A_666 = vector.shape_cast %add3A_661 : vector<16xf32> to vector<1x16xf32>
      tpu.vector_store %arg8[%swap3A_662, %swap3A_663], %swap3A_666 {strides = array<i32>} : memref<64x768xf32, #tpu.memory_space<vmem>>, vector<1x16xf32>,
      %get3A_667 = arith.index_cast %scan3A_120 : i32 to index
      %get3A_668 = arith.constant 624 : index
      %get3A_669 = tpu.vector_load %arg8[%get3A_667, %get3A_668] {strides = array<i32>} : memref<64x768xf32, #tpu.memory_space<vmem>>, vector<1x16xf32>,
      %get3A_670 = vector.shape_cast %get3A_669 : vector<1x16xf32> to vector<16xf32>
      %get3A_671 = arith.index_cast %scan3A_120 : i32 to index
      %get3A_672 = arith.constant 624 : index
      %get3A_673 = tpu.vector_load %arg9[%get3A_671, %get3A_672] {strides = array<i32>} : memref<64x768xf32, #tpu.memory_space<vmem>>, vector<1x16xf32>,
      %get3A_674 = vector.shape_cast %get3A_673 : vector<1x16xf32> to vector<16xf32>
      %add3A_675 = arith.addf %get3A_670, %get3A_674 : vector<16xf32>
      %swap3A_676 = arith.index_cast %scan3A_120 : i32 to index
      %swap3A_677 = arith.constant 624 : index
      %swap3A_678 = tpu.vector_load %arg8[%swap3A_676, %swap3A_677] {strides = array<i32>} : memref<64x768xf32, #tpu.memory_space<vmem>>, vector<1x16xf32>,
      %swap3A_679 = vector.shape_cast %swap3A_678 : vector<1x16xf32> to vector<16xf32>
      %swap3A_680 = vector.shape_cast %add3A_675 : vector<16xf32> to vector<1x16xf32>
      tpu.vector_store %arg8[%swap3A_676, %swap3A_677], %swap3A_680 {strides = array<i32>} : memref<64x768xf32, #tpu.memory_space<vmem>>, vector<1x16xf32>,
      %get3A_681 = arith.index_cast %scan3A_120 : i32 to index
      %get3A_682 = arith.constant 640 : index
      %get3A_683 = tpu.vector_load %arg8[%get3A_681, %get3A_682] {strides = array<i32>} : memref<64x768xf32, #tpu.memory_space<vmem>>, vector<1x16xf32>,
      %get3A_684 = vector.shape_cast %get3A_683 : vector<1x16xf32> to vector<16xf32>
      %get3A_685 = arith.index_cast %scan3A_120 : i32 to index
      %get3A_686 = arith.constant 640 : index
      %get3A_687 = tpu.vector_load %arg9[%get3A_685, %get3A_686] {strides = array<i32>} : memref<64x768xf32, #tpu.memory_space<vmem>>, vector<1x16xf32>,
      %get3A_688 = vector.shape_cast %get3A_687 : vector<1x16xf32> to vector<16xf32>
      %add3A_689 = arith.addf %get3A_684, %get3A_688 : vector<16xf32>
      %swap3A_690 = arith.index_cast %scan3A_120 : i32 to index
      %swap3A_691 = arith.constant 640 : index
      %swap3A_692 = tpu.vector_load %arg8[%swap3A_690, %swap3A_691] {strides = array<i32>} : memref<64x768xf32, #tpu.memory_space<vmem>>, vector<1x16xf32>,
      %swap3A_693 = vector.shape_cast %swap3A_692 : vector<1x16xf32> to vector<16xf32>
      %swap3A_694 = vector.shape_cast %add3A_689 : vector<16xf32> to vector<1x16xf32>
      tpu.vector_store %arg8[%swap3A_690, %swap3A_691], %swap3A_694 {strides = array<i32>} : memref<64x768xf32, #tpu.memory_space<vmem>>, vector<1x16xf32>,
      %get3A_695 = arith.index_cast %scan3A_120 : i32 to index
      %get3A_696 = arith.constant 656 : index
      %get3A_697 = tpu.vector_load %arg8[%get3A_695, %get3A_696] {strides = array<i32>} : memref<64x768xf32, #tpu.memory_space<vmem>>, vector<1x16xf32>,
      %get3A_698 = vector.shape_cast %get3A_697 : vector<1x16xf32> to vector<16xf32>
      %get3A_699 = arith.index_cast %scan3A_120 : i32 to index
      %get3A_700 = arith.constant 656 : index
      %get3A_701 = tpu.vector_load %arg9[%get3A_699, %get3A_700] {strides = array<i32>} : memref<64x768xf32, #tpu.memory_space<vmem>>, vector<1x16xf32>,
      %get3A_702 = vector.shape_cast %get3A_701 : vector<1x16xf32> to vector<16xf32>
      %add3A_703 = arith.addf %get3A_698, %get3A_702 : vector<16xf32>
      %swap3A_704 = arith.index_cast %scan3A_120 : i32 to index
      %swap3A_705 = arith.constant 656 : index
      %swap3A_706 = tpu.vector_load %arg8[%swap3A_704, %swap3A_705] {strides = array<i32>} : memref<64x768xf32, #tpu.memory_space<vmem>>, vector<1x16xf32>,
      %swap3A_707 = vector.shape_cast %swap3A_706 : vector<1x16xf32> to vector<16xf32>
      %swap3A_708 = vector.shape_cast %add3A_703 : vector<16xf32> to vector<1x16xf32>
      tpu.vector_store %arg8[%swap3A_704, %swap3A_705], %swap3A_708 {strides = array<i32>} : memref<64x768xf32, #tpu.memory_space<vmem>>, vector<1x16xf32>,
      %get3A_709 = arith.index_cast %scan3A_120 : i32 to index
      %get3A_710 = arith.constant 672 : index
      %get3A_711 = tpu.vector_load %arg8[%get3A_709, %get3A_710] {strides = array<i32>} : memref<64x768xf32, #tpu.memory_space<vmem>>, vector<1x16xf32>,
      %get3A_712 = vector.shape_cast %get3A_711 : vector<1x16xf32> to vector<16xf32>
      %get3A_713 = arith.index_cast %scan3A_120 : i32 to index
      %get3A_714 = arith.constant 672 : index
      %get3A_715 = tpu.vector_load %arg9[%get3A_713, %get3A_714] {strides = array<i32>} : memref<64x768xf32, #tpu.memory_space<vmem>>, vector<1x16xf32>,
      %get3A_716 = vector.shape_cast %get3A_715 : vector<1x16xf32> to vector<16xf32>
      %add3A_717 = arith.addf %get3A_712, %get3A_716 : vector<16xf32>
      %swap3A_718 = arith.index_cast %scan3A_120 : i32 to index
      %swap3A_719 = arith.constant 672 : index
      %swap3A_720 = tpu.vector_load %arg8[%swap3A_718, %swap3A_719] {strides = array<i32>} : memref<64x768xf32, #tpu.memory_space<vmem>>, vector<1x16xf32>,
      %swap3A_721 = vector.shape_cast %swap3A_720 : vector<1x16xf32> to vector<16xf32>
      %swap3A_722 = vector.shape_cast %add3A_717 : vector<16xf32> to vector<1x16xf32>
      tpu.vector_store %arg8[%swap3A_718, %swap3A_719], %swap3A_722 {strides = array<i32>} : memref<64x768xf32, #tpu.memory_space<vmem>>, vector<1x16xf32>,
      %get3A_723 = arith.index_cast %scan3A_120 : i32 to index
      %get3A_724 = arith.constant 688 : index
      %get3A_725 = tpu.vector_load %arg8[%get3A_723, %get3A_724] {strides = array<i32>} : memref<64x768xf32, #tpu.memory_space<vmem>>, vector<1x16xf32>,
      %get3A_726 = vector.shape_cast %get3A_725 : vector<1x16xf32> to vector<16xf32>
      %get3A_727 = arith.index_cast %scan3A_120 : i32 to index
      %get3A_728 = arith.constant 688 : index
      %get3A_729 = tpu.vector_load %arg9[%get3A_727, %get3A_728] {strides = array<i32>} : memref<64x768xf32, #tpu.memory_space<vmem>>, vector<1x16xf32>,
      %get3A_730 = vector.shape_cast %get3A_729 : vector<1x16xf32> to vector<16xf32>
      %add3A_731 = arith.addf %get3A_726, %get3A_730 : vector<16xf32>
      %swap3A_732 = arith.index_cast %scan3A_120 : i32 to index
      %swap3A_733 = arith.constant 688 : index
      %swap3A_734 = tpu.vector_load %arg8[%swap3A_732, %swap3A_733] {strides = array<i32>} : memref<64x768xf32, #tpu.memory_space<vmem>>, vector<1x16xf32>,
      %swap3A_735 = vector.shape_cast %swap3A_734 : vector<1x16xf32> to vector<16xf32>
      %swap3A_736 = vector.shape_cast %add3A_731 : vector<16xf32> to vector<1x16xf32>
      tpu.vector_store %arg8[%swap3A_732, %swap3A_733], %swap3A_736 {strides = array<i32>} : memref<64x768xf32, #tpu.memory_space<vmem>>, vector<1x16xf32>,
      %get3A_737 = arith.index_cast %scan3A_120 : i32 to index
      %get3A_738 = arith.constant 704 : index
      %get3A_739 = tpu.vector_load %arg8[%get3A_737, %get3A_738] {strides = array<i32>} : memref<64x768xf32, #tpu.memory_space<vmem>>, vector<1x16xf32>,
      %get3A_740 = vector.shape_cast %get3A_739 : vector<1x16xf32> to vector<16xf32>
      %get3A_741 = arith.index_cast %scan3A_120 : i32 to index
      %get3A_742 = arith.constant 704 : index
      %get3A_743 = tpu.vector_load %arg9[%get3A_741, %get3A_742] {strides = array<i32>} : memref<64x768xf32, #tpu.memory_space<vmem>>, vector<1x16xf32>,
      %get3A_744 = vector.shape_cast %get3A_743 : vector<1x16xf32> to vector<16xf32>
      %add3A_745 = arith.addf %get3A_740, %get3A_744 : vector<16xf32>
      %swap3A_746 = arith.index_cast %scan3A_120 : i32 to index
      %swap3A_747 = arith.constant 704 : index
      %swap3A_748 = tpu.vector_load %arg8[%swap3A_746, %swap3A_747] {strides = array<i32>} : memref<64x768xf32, #tpu.memory_space<vmem>>, vector<1x16xf32>,
      %swap3A_749 = vector.shape_cast %swap3A_748 : vector<1x16xf32> to vector<16xf32>
      %swap3A_750 = vector.shape_cast %add3A_745 : vector<16xf32> to vector<1x16xf32>
      tpu.vector_store %arg8[%swap3A_746, %swap3A_747], %swap3A_750 {strides = array<i32>} : memref<64x768xf32, #tpu.memory_space<vmem>>, vector<1x16xf32>,
      %get3A_751 = arith.index_cast %scan3A_120 : i32 to index
      %get3A_752 = arith.constant 720 : index
      %get3A_753 = tpu.vector_load %arg8[%get3A_751, %get3A_752] {strides = array<i32>} : memref<64x768xf32, #tpu.memory_space<vmem>>, vector<1x16xf32>,
      %get3A_754 = vector.shape_cast %get3A_753 : vector<1x16xf32> to vector<16xf32>
      %get3A_755 = arith.index_cast %scan3A_120 : i32 to index
      %get3A_756 = arith.constant 720 : index
      %get3A_757 = tpu.vector_load %arg9[%get3A_755, %get3A_756] {strides = array<i32>} : memref<64x768xf32, #tpu.memory_space<vmem>>, vector<1x16xf32>,
      %get3A_758 = vector.shape_cast %get3A_757 : vector<1x16xf32> to vector<16xf32>
      %add3A_759 = arith.addf %get3A_754, %get3A_758 : vector<16xf32>
      %swap3A_760 = arith.index_cast %scan3A_120 : i32 to index
      %swap3A_761 = arith.constant 720 : index
      %swap3A_762 = tpu.vector_load %arg8[%swap3A_760, %swap3A_761] {strides = array<i32>} : memref<64x768xf32, #tpu.memory_space<vmem>>, vector<1x16xf32>,
      %swap3A_763 = vector.shape_cast %swap3A_762 : vector<1x16xf32> to vector<16xf32>
      %swap3A_764 = vector.shape_cast %add3A_759 : vector<16xf32> to vector<1x16xf32>
      tpu.vector_store %arg8[%swap3A_760, %swap3A_761], %swap3A_764 {strides = array<i32>} : memref<64x768xf32, #tpu.memory_space<vmem>>, vector<1x16xf32>,
      %get3A_765 = arith.index_cast %scan3A_120 : i32 to index
      %get3A_766 = arith.constant 736 : index
      %get3A_767 = tpu.vector_load %arg8[%get3A_765, %get3A_766] {strides = array<i32>} : memref<64x768xf32, #tpu.memory_space<vmem>>, vector<1x16xf32>,
      %get3A_768 = vector.shape_cast %get3A_767 : vector<1x16xf32> to vector<16xf32>
      %get3A_769 = arith.index_cast %scan3A_120 : i32 to index
      %get3A_770 = arith.constant 736 : index
      %get3A_771 = tpu.vector_load %arg9[%get3A_769, %get3A_770] {strides = array<i32>} : memref<64x768xf32, #tpu.memory_space<vmem>>, vector<1x16xf32>,
      %get3A_772 = vector.shape_cast %get3A_771 : vector<1x16xf32> to vector<16xf32>
      %add3A_773 = arith.addf %get3A_768, %get3A_772 : vector<16xf32>
      %swap3A_774 = arith.index_cast %scan3A_120 : i32 to index
      %swap3A_775 = arith.constant 736 : index
      %swap3A_776 = tpu.vector_load %arg8[%swap3A_774, %swap3A_775] {strides = array<i32>} : memref<64x768xf32, #tpu.memory_space<vmem>>, vector<1x16xf32>,
      %swap3A_777 = vector.shape_cast %swap3A_776 : vector<1x16xf32> to vector<16xf32>
      %swap3A_778 = vector.shape_cast %add3A_773 : vector<16xf32> to vector<1x16xf32>
      tpu.vector_store %arg8[%swap3A_774, %swap3A_775], %swap3A_778 {strides = array<i32>} : memref<64x768xf32, #tpu.memory_space<vmem>>, vector<1x16xf32>,
      %get3A_779 = arith.index_cast %scan3A_120 : i32 to index
      %get3A_780 = arith.constant 752 : index
      %get3A_781 = tpu.vector_load %arg8[%get3A_779, %get3A_780] {strides = array<i32>} : memref<64x768xf32, #tpu.memory_space<vmem>>, vector<1x16xf32>,
      %get3A_782 = vector.shape_cast %get3A_781 : vector<1x16xf32> to vector<16xf32>
      %get3A_783 = arith.index_cast %scan3A_120 : i32 to index
      %get3A_784 = arith.constant 752 : index
      %get3A_785 = tpu.vector_load %arg9[%get3A_783, %get3A_784] {strides = array<i32>} : memref<64x768xf32, #tpu.memory_space<vmem>>, vector<1x16xf32>,
      %get3A_786 = vector.shape_cast %get3A_785 : vector<1x16xf32> to vector<16xf32>
      %add3A_787 = arith.addf %get3A_782, %get3A_786 : vector<16xf32>
      %swap3A_788 = arith.index_cast %scan3A_120 : i32 to index
      %swap3A_789 = arith.constant 752 : index
      %swap3A_790 = tpu.vector_load %arg8[%swap3A_788, %swap3A_789] {strides = array<i32>} : memref<64x768xf32, #tpu.memory_space<vmem>>, vector<1x16xf32>,
      %swap3A_791 = vector.shape_cast %swap3A_790 : vector<1x16xf32> to vector<16xf32>
      %swap3A_792 = vector.shape_cast %add3A_787 : vector<16xf32> to vector<1x16xf32>
      tpu.vector_store %arg8[%swap3A_788, %swap3A_789], %swap3A_792 {strides = array<i32>} : memref<64x768xf32, #tpu.memory_space<vmem>>, vector<1x16xf32>,
    }
    %scan3A_119 = arith.constant 64 : i32
    "tpu.region"() ({
      %run_scoped3A = tpu.sem_alloc : memref<!tpu.dma_semaphore, #tpu.memory_space<semaphore_mem>>
      %dma_start3A_120 = arith.constant 0 : i32
      %dma_start3A_121 = tpu.memref_slice %arg5[%mul3A_2, %dma_start3A_120] : memref<2048x768xf32, #tpu.memory_space<hbm>> -> memref<64x768xf32, #tpu.memory_space<hbm>>
      %dma_start3A_122 = arith.constant 0 : i32
      %dma_start3A_123 = tpu.memref_slice %arg5[%mul3A_2, %dma_start3A_122] : memref<2048x768xf32, #tpu.memory_space<hbm>> -> memref<64x768xf32, #tpu.memory_space<hbm>>
      tpu.enqueue_dma source(%arg8 : memref<64x768xf32, #tpu.memory_space<vmem>>) target(%dma_start3A_123 : memref<64x768xf32, #tpu.memory_space<hbm>>) target_semaphore(%run_scoped3A : memref<!tpu.dma_semaphore, #tpu.memory_space<semaphore_mem>>)
      %dma_wait3A_124 = arith.constant 0 : i32
      %dma_wait3A_125 = tpu.memref_slice %arg5[%mul3A_2, %dma_wait3A_124] : memref<2048x768xf32, #tpu.memory_space<hbm>> -> memref<64x768xf32, #tpu.memory_space<hbm>>
      %dma_wait3A_126 = arith.constant 0 : i32
      %dma_wait3A_127 = tpu.memref_slice %arg5[%mul3A_2, %dma_wait3A_126] : memref<2048x768xf32, #tpu.memory_space<hbm>> -> memref<64x768xf32, #tpu.memory_space<hbm>>
      tpu.wait_dma2 semaphore(%run_scoped3A : memref<!tpu.dma_semaphore, #tpu.memory_space<semaphore_mem>>) src(%arg8 : memref<64x768xf32, #tpu.memory_space<vmem>>) dst(%dma_wait3A_127 : memref<64x768xf32, #tpu.memory_space<hbm>>)
      tpu.yield
    }) : () -> ()
    return
  }
}

module attributes {stable_mosaic.version = 14 : i64} {
  func.func @_routing_kernel(%arg0: memref<2048x768xf32, #tpu.memory_space<vmem>>, %arg1: memref<8x768xf32, #tpu.memory_space<vmem>>, %arg2: memref<2048x8xf32, #tpu.memory_space<vmem>>, %arg3: memref<2048x1xf32, #tpu.memory_space<vmem>>, %arg4: memref<2048x1xf32, #tpu.memory_space<vmem>>, %arg5: memref<2048x1xi32, #tpu.memory_space<vmem>>, %arg6: memref<2048x1xi32, #tpu.memory_space<vmem>>, %arg7: memref<24x1xi32, #tpu.memory_space<vmem>>, %arg8: memref<1x1xi32, #tpu.memory_space<vmem>>) attributes {dimension_semantics = [], scalar_prefetch = 0 : i64, scratch_operands = 0 : i64, tpu.core_type = #tpu.core_type<tc>} {
    %get3A = arith.constant 0 : index
    %get3A_0 = arith.constant 0 : index
    %get3A_1 = vector.load %arg0[%get3A, %get3A_0] : memref<2048x768xf32, #tpu.memory_space<vmem>>, vector<2048x768xf32>
    %get3A_2 = arith.constant 0 : index
    %get3A_3 = arith.constant 0 : index
    %get3A_4 = vector.load %arg1[%get3A_2, %get3A_3] : memref<8x768xf32, #tpu.memory_space<vmem>>, vector<8x768xf32>
    %dot_general3A = arith.constant dense<0.000000e+00> : vector<2048x8xf32>
    %dot_general3A_5 = tpu.matmul %get3A_1, %get3A_4, %dot_general3A {dimension_numbers = #tpu.dot_dimension_numbers<[1], [1], [0], [0], [0, 0, 1, 0], [], []>, transpose_lhs_hint = false} : vector<2048x768xf32>, vector<8x768xf32>, vector<2048x8xf32> -> vector<2048x8xf32>
    %get3A_6 = arith.constant 0 : index
    %get3A_7 = arith.constant 0 : index
    %get3A_8 = vector.load %arg2[%get3A_6, %get3A_7] : memref<2048x8xf32, #tpu.memory_space<vmem>>, vector<2048x8xf32>
    %add3A = arith.addf %dot_general3A_5, %get3A_8 : vector<2048x8xf32>
    %iota3A = tpu.iota {dimensions = array<i32: 1>} : vector<2048x8xi32>
    %reduce_max3A = arith.constant dense<0xFF800000> : vector<2048xf32>
    %reduce_max3A_9 = vector.multi_reduction <maximumf>, %add3A, %reduce_max3A [1] : vector<2048x8xf32> to vector<2048xf32>
    %broadcast_in_dim3A = vector.shape_cast %reduce_max3A_9 : vector<2048xf32> to vector<2048x1xf32>
    %eq3A = vector.broadcast %broadcast_in_dim3A : vector<2048x1xf32> to vector<2048x8xf32>
    %eq3A_10 = arith.cmpf oeq, %add3A, %eq3A : vector<2048x8xf32>
    %jit3A = arith.constant 8 : i32
    %broadcast_in_dim3A_11 = vector.broadcast %jit3A : i32 to vector<2048x8xi32>
    %select_n3A = arith.select %eq3A_10, %iota3A, %broadcast_in_dim3A_11 : vector<2048x8xi1>, vector<2048x8xi32>
    %reduce_min3A = arith.constant dense<2147483647> : vector<2048xi32>
    %reduce_min3A_12 = vector.multi_reduction <minsi>, %select_n3A, %reduce_min3A [1] : vector<2048x8xi32> to vector<2048xi32>
    %broadcast_in_dim3A_13 = vector.shape_cast %reduce_min3A_12 : vector<2048xi32> to vector<2048x1xi32>
    %eq3A_14 = vector.broadcast %broadcast_in_dim3A_13 : vector<2048x1xi32> to vector<2048x8xi32>
    %eq3A_15 = arith.cmpi eq, %iota3A, %eq3A_14 : vector<2048x8xi32>
    %jit3A_16 = arith.constant 0xFF800000 : f32
    %broadcast_in_dim3A_17 = vector.broadcast %jit3A_16 : f32 to vector<2048x8xf32>
    %select_n3A_18 = arith.select %eq3A_15, %broadcast_in_dim3A_17, %add3A : vector<2048x8xi1>, vector<2048x8xf32>
    %reduce_max3A_19 = arith.constant dense<0xFF800000> : vector<2048xf32>
    %reduce_max3A_20 = vector.multi_reduction <maximumf>, %select_n3A_18, %reduce_max3A_19 [1] : vector<2048x8xf32> to vector<2048xf32>
    %broadcast_in_dim3A_21 = vector.shape_cast %reduce_max3A_20 : vector<2048xf32> to vector<2048x1xf32>
    %eq3A_22 = vector.broadcast %broadcast_in_dim3A_21 : vector<2048x1xf32> to vector<2048x8xf32>
    %eq3A_23 = arith.cmpf oeq, %select_n3A_18, %eq3A_22 : vector<2048x8xf32>
    %jit3A_24 = arith.constant 8 : i32
    %broadcast_in_dim3A_25 = vector.broadcast %jit3A_24 : i32 to vector<2048x8xi32>
    %select_n3A_26 = arith.select %eq3A_23, %iota3A, %broadcast_in_dim3A_25 : vector<2048x8xi1>, vector<2048x8xi32>
    %reduce_min3A_27 = arith.constant dense<2147483647> : vector<2048xi32>
    %reduce_min3A_28 = vector.multi_reduction <minsi>, %select_n3A_26, %reduce_min3A_27 [1] : vector<2048x8xi32> to vector<2048xi32>
    %broadcast_in_dim3A_29 = vector.shape_cast %reduce_min3A_28 : vector<2048xi32> to vector<2048x1xi32>
    %eq3A_30 = vector.broadcast %broadcast_in_dim3A_29 : vector<2048x1xi32> to vector<2048x8xi32>
    %eq3A_31 = arith.cmpi eq, %iota3A, %eq3A_30 : vector<2048x8xi32>
    %sub3A = arith.subf %broadcast_in_dim3A_21, %broadcast_in_dim3A : vector<2048x1xf32>
    %exp3A = math.exp %sub3A : vector<2048x1xf32>
    %add3A_32 = arith.constant 1.000000e+00 : f32
    %add3A_33 = vector.broadcast %add3A_32 : f32 to vector<2048x1xf32>
    %add3A_34 = arith.addf %add3A_33, %exp3A : vector<2048x1xf32>
    %div3A = arith.constant 1.000000e+00 : f32
    %div3A_35 = vector.broadcast %div3A : f32 to vector<2048x1xf32>
    %div3A_36 = arith.divf %div3A_35, %add3A_34 : vector<2048x1xf32>
    %swap3A = arith.constant 0 : index
    %swap3A_37 = arith.constant 0 : index
    %swap3A_38 = vector.load %arg3[%swap3A, %swap3A_37] : memref<2048x1xf32, #tpu.memory_space<vmem>>, vector<2048x1xf32>
    tpu.vector_store %arg3[%swap3A, %swap3A_37], %div3A_36 {strides = array<i32>} : memref<2048x1xf32, #tpu.memory_space<vmem>>, vector<2048x1xf32>,
    %add3A_39 = arith.constant 1.000000e+00 : f32
    %add3A_40 = vector.broadcast %add3A_39 : f32 to vector<2048x1xf32>
    %add3A_41 = arith.addf %add3A_40, %exp3A : vector<2048x1xf32>
    %div3A_42 = arith.divf %exp3A, %add3A_41 : vector<2048x1xf32>
    %swap3A_43 = arith.constant 0 : index
    %swap3A_44 = arith.constant 0 : index
    %swap3A_45 = vector.load %arg4[%swap3A_43, %swap3A_44] : memref<2048x1xf32, #tpu.memory_space<vmem>>, vector<2048x1xf32>
    tpu.vector_store %arg4[%swap3A_43, %swap3A_44], %div3A_42 {strides = array<i32>} : memref<2048x1xf32, #tpu.memory_space<vmem>>, vector<2048x1xf32>,
    %or3A = arith.ori %eq3A_15, %eq3A_31 : vector<2048x8xi1>
    %jit3A_46 = arith.constant 1.000000e+00 : f32
    %jit3A_47 = arith.constant 0.000000e+00 : f32
    %broadcast_in_dim3A_48 = vector.broadcast %jit3A_46 : f32 to vector<2048x8xf32>
    %broadcast_in_dim3A_49 = vector.broadcast %jit3A_47 : f32 to vector<2048x8xf32>
    %select_n3A_50 = arith.select %or3A, %broadcast_in_dim3A_48, %broadcast_in_dim3A_49 : vector<2048x8xi1>, vector<2048x8xf32>
    %iota3A_51 = tpu.iota {dimensions = array<i32: 0>} : vector<2048x2048xi32>
    %iota3A_52 = tpu.iota {dimensions = array<i32: 1>} : vector<2048x2048xi32>
    %lt3A = arith.cmpi slt, %iota3A_52, %iota3A_51 : vector<2048x2048xi32>
    %jit3A_53 = arith.constant 1.000000e+00 : f32
    %jit3A_54 = arith.constant 0.000000e+00 : f32
    %broadcast_in_dim3A_55 = vector.broadcast %jit3A_53 : f32 to vector<2048x2048xf32>
    %broadcast_in_dim3A_56 = vector.broadcast %jit3A_54 : f32 to vector<2048x2048xf32>
    %select_n3A_57 = arith.select %lt3A, %broadcast_in_dim3A_55, %broadcast_in_dim3A_56 : vector<2048x2048xi1>, vector<2048x2048xf32>
    %dot_general3A_58 = arith.constant dense<0.000000e+00> : vector<2048x8xf32>
    %dot_general3A_59 = tpu.matmul %select_n3A_57, %select_n3A_50, %dot_general3A_58 {dimension_numbers = #tpu.dot_dimension_numbers<[1], [0], [0], [1], [0, 0, 1, 1], [], []>, transpose_lhs_hint = false} : vector<2048x2048xf32>, vector<2048x8xf32>, vector<2048x8xf32> -> vector<2048x8xf32>
    %reduce_sum3A = arith.constant dense<0.000000e+00> : vector<8xf32>
    %reduce_sum3A_60 = vector.multi_reduction <add>, %select_n3A_50, %reduce_sum3A [0] : vector<2048x8xf32> to vector<8xf32>
    %broadcast_in_dim3A_61 = vector.shape_cast %reduce_sum3A_60 : vector<8xf32> to vector<1x8xf32>
    %convert_element_type3A = arith.fptosi %broadcast_in_dim3A_61 : vector<1x8xf32> to vector<1x8xi32>
    %add3A_62 = arith.constant 255 : i32
    %add3A_63 = vector.broadcast %add3A_62 : i32 to vector<1x8xi32>
    %add3A_64 = arith.addi %convert_element_type3A, %add3A_63 : vector<1x8xi32>
    %jit3A_65 = arith.constant 256 : i32
    %div3A_66 = vector.broadcast %jit3A_65 : i32 to vector<1x8xi32>
    %div3A_67 = arith.divsi %add3A_64, %div3A_66 : vector<1x8xi32>
    %sign3A = arith.constant 0 : i32
    %sign3A_68 = vector.broadcast %sign3A : i32 to vector<1x8xi32>
    %sign3A_69 = arith.cmpi sgt, %add3A_64, %sign3A_68 : vector<1x8xi32>
    %sign3A_70 = arith.extui %sign3A_69 : vector<1x8xi1> to vector<1x8xi32>
    %sign3A_71 = arith.constant 0 : i32
    %sign3A_72 = vector.broadcast %sign3A_71 : i32 to vector<1x8xi32>
    %sign3A_73 = arith.cmpi slt, %add3A_64, %sign3A_72 : vector<1x8xi32>
    %sign3A_74 = arith.extui %sign3A_73 : vector<1x8xi1> to vector<1x8xi32>
    %sign3A_75 = arith.subi %sign3A_70, %sign3A_74 : vector<1x8xi32>
    %sign3A_76 = arith.constant 0 : i32
    %sign3A_77 = arith.cmpi sgt, %jit3A_65, %sign3A_76 : i32
    %sign3A_78 = arith.extui %sign3A_77 : i1 to i32
    %sign3A_79 = arith.constant 0 : i32
    %sign3A_80 = arith.cmpi slt, %jit3A_65, %sign3A_79 : i32
    %sign3A_81 = arith.extui %sign3A_80 : i1 to i32
    %sign3A_82 = arith.subi %sign3A_78, %sign3A_81 : i32
    %ne3A = vector.broadcast %sign3A_82 : i32 to vector<1x8xi32>
    %ne3A_83 = arith.cmpi ne, %sign3A_75, %ne3A : vector<1x8xi32>
    %rem3A = vector.broadcast %jit3A_65 : i32 to vector<1x8xi32>
    %rem3A_84 = arith.remsi %add3A_64, %rem3A : vector<1x8xi32>
    %ne3A_85 = arith.constant 0 : i32
    %ne3A_86 = vector.broadcast %ne3A_85 : i32 to vector<1x8xi32>
    %ne3A_87 = arith.cmpi ne, %rem3A_84, %ne3A_86 : vector<1x8xi32>
    %and3A = arith.andi %ne3A_83, %ne3A_87 : vector<1x8xi1>
    %sub3A_88 = arith.constant 1 : i32
    %sub3A_89 = vector.broadcast %sub3A_88 : i32 to vector<1x8xi32>
    %sub3A_90 = arith.subi %div3A_67, %sub3A_89 : vector<1x8xi32>
    %select_n3A_91 = arith.select %and3A, %sub3A_90, %div3A_67 : vector<1x8xi1>, vector<1x8xi32>
    %mul3A = arith.constant 256 : i32
    %mul3A_92 = vector.broadcast %mul3A : i32 to vector<1x8xi32>
    %mul3A_93 = arith.muli %select_n3A_91, %mul3A_92 : vector<1x8xi32>
    %iota3A_94 = tpu.iota {dimensions = array<i32: 0>} : vector<8x8xi32>
    %iota3A_95 = tpu.iota {dimensions = array<i32: 1>} : vector<8x8xi32>
    %lt3A_96 = arith.cmpi slt, %iota3A_94, %iota3A_95 : vector<8x8xi32>
    %jit3A_97 = arith.constant 1.000000e+00 : f32
    %jit3A_98 = arith.constant 0.000000e+00 : f32
    %broadcast_in_dim3A_99 = vector.broadcast %jit3A_97 : f32 to vector<8x8xf32>
    %broadcast_in_dim3A_100 = vector.broadcast %jit3A_98 : f32 to vector<8x8xf32>
    %select_n3A_101 = arith.select %lt3A_96, %broadcast_in_dim3A_99, %broadcast_in_dim3A_100 : vector<8x8xi1>, vector<8x8xf32>
    %convert_element_type3A_102 = arith.sitofp %mul3A_93 : vector<1x8xi32> to vector<1x8xf32>
    %dot_general3A_103 = arith.constant dense<0.000000e+00> : vector<1x8xf32>
    %dot_general3A_104 = tpu.matmul %convert_element_type3A_102, %select_n3A_101, %dot_general3A_103 {dimension_numbers = #tpu.dot_dimension_numbers<[1], [0], [0], [1], [0, 0, 1, 1], [], []>, transpose_lhs_hint = false} : vector<1x8xf32>, vector<8x8xf32>, vector<1x8xf32> -> vector<1x8xf32>
    %add3A_105 = vector.broadcast %dot_general3A_104 : vector<1x8xf32> to vector<2048x8xf32>
    %add3A_106 = arith.addf %add3A_105, %dot_general3A_59 : vector<2048x8xf32>
    %jit3A_107 = arith.constant 0.000000e+00 : f32
    %broadcast_in_dim3A_108 = vector.broadcast %jit3A_107 : f32 to vector<2048x8xf32>
    %select_n3A_109 = arith.select %eq3A_15, %add3A_106, %broadcast_in_dim3A_108 : vector<2048x8xi1>, vector<2048x8xf32>
    %reduce_sum3A_110 = arith.constant dense<0.000000e+00> : vector<2048xf32>
    %reduce_sum3A_111 = vector.multi_reduction <add>, %select_n3A_109, %reduce_sum3A_110 [1] : vector<2048x8xf32> to vector<2048xf32>
    %broadcast_in_dim3A_112 = vector.shape_cast %reduce_sum3A_111 : vector<2048xf32> to vector<2048x1xf32>
    %add3A_113 = vector.broadcast %dot_general3A_104 : vector<1x8xf32> to vector<2048x8xf32>
    %add3A_114 = arith.addf %add3A_113, %dot_general3A_59 : vector<2048x8xf32>
    %jit3A_115 = arith.constant 0.000000e+00 : f32
    %broadcast_in_dim3A_116 = vector.broadcast %jit3A_115 : f32 to vector<2048x8xf32>
    %select_n3A_117 = arith.select %eq3A_31, %add3A_114, %broadcast_in_dim3A_116 : vector<2048x8xi1>, vector<2048x8xf32>
    %reduce_sum3A_118 = arith.constant dense<0.000000e+00> : vector<2048xf32>
    %reduce_sum3A_119 = vector.multi_reduction <add>, %select_n3A_117, %reduce_sum3A_118 [1] : vector<2048x8xf32> to vector<2048xf32>
    %broadcast_in_dim3A_120 = vector.shape_cast %reduce_sum3A_119 : vector<2048xf32> to vector<2048x1xf32>
    %convert_element_type3A_121 = arith.fptosi %broadcast_in_dim3A_112 : vector<2048x1xf32> to vector<2048x1xi32>
    %swap3A_122 = arith.constant 0 : index
    %swap3A_123 = arith.constant 0 : index
    %swap3A_124 = vector.load %arg5[%swap3A_122, %swap3A_123] : memref<2048x1xi32, #tpu.memory_space<vmem>>, vector<2048x1xi32>
    tpu.vector_store %arg5[%swap3A_122, %swap3A_123], %convert_element_type3A_121 {strides = array<i32>} : memref<2048x1xi32, #tpu.memory_space<vmem>>, vector<2048x1xi32>,
    %convert_element_type3A_125 = arith.fptosi %broadcast_in_dim3A_120 : vector<2048x1xf32> to vector<2048x1xi32>
    %swap3A_126 = arith.constant 0 : index
    %swap3A_127 = arith.constant 0 : index
    %swap3A_128 = vector.load %arg6[%swap3A_126, %swap3A_127] : memref<2048x1xi32, #tpu.memory_space<vmem>>, vector<2048x1xi32>
    tpu.vector_store %arg6[%swap3A_126, %swap3A_127], %convert_element_type3A_125 {strides = array<i32>} : memref<2048x1xi32, #tpu.memory_space<vmem>>, vector<2048x1xi32>,
    %reduce_sum3A_129 = arith.constant dense<0> : vector<1xi32>
    %reduce_sum3A_130 = vector.multi_reduction <add>, %mul3A_93, %reduce_sum3A_129 [1] : vector<1x8xi32> to vector<1xi32>
    %broadcast_in_dim3A_131 = vector.shape_cast %reduce_sum3A_130 : vector<1xi32> to vector<1x1xi32>
    %jit3A_132 = arith.constant 256 : i32
    %div3A_133 = vector.broadcast %jit3A_132 : i32 to vector<1x1xi32>
    %div3A_134 = arith.divsi %broadcast_in_dim3A_131, %div3A_133 : vector<1x1xi32>
    %sign3A_135 = arith.constant 0 : i32
    %sign3A_136 = vector.broadcast %sign3A_135 : i32 to vector<1x1xi32>
    %sign3A_137 = arith.cmpi sgt, %broadcast_in_dim3A_131, %sign3A_136 : vector<1x1xi32>
    %sign3A_138 = arith.extui %sign3A_137 : vector<1x1xi1> to vector<1x1xi32>
    %sign3A_139 = arith.constant 0 : i32
    %sign3A_140 = vector.broadcast %sign3A_139 : i32 to vector<1x1xi32>
    %sign3A_141 = arith.cmpi slt, %broadcast_in_dim3A_131, %sign3A_140 : vector<1x1xi32>
    %sign3A_142 = arith.extui %sign3A_141 : vector<1x1xi1> to vector<1x1xi32>
    %sign3A_143 = arith.subi %sign3A_138, %sign3A_142 : vector<1x1xi32>
    %sign3A_144 = arith.constant 0 : i32
    %sign3A_145 = arith.cmpi sgt, %jit3A_132, %sign3A_144 : i32
    %sign3A_146 = arith.extui %sign3A_145 : i1 to i32
    %sign3A_147 = arith.constant 0 : i32
    %sign3A_148 = arith.cmpi slt, %jit3A_132, %sign3A_147 : i32
    %sign3A_149 = arith.extui %sign3A_148 : i1 to i32
    %sign3A_150 = arith.subi %sign3A_146, %sign3A_149 : i32
    %ne3A_151 = vector.broadcast %sign3A_150 : i32 to vector<1x1xi32>
    %ne3A_152 = arith.cmpi ne, %sign3A_143, %ne3A_151 : vector<1x1xi32>
    %rem3A_153 = vector.broadcast %jit3A_132 : i32 to vector<1x1xi32>
    %rem3A_154 = arith.remsi %broadcast_in_dim3A_131, %rem3A_153 : vector<1x1xi32>
    %ne3A_155 = arith.constant 0 : i32
    %ne3A_156 = vector.broadcast %ne3A_155 : i32 to vector<1x1xi32>
    %ne3A_157 = arith.cmpi ne, %rem3A_154, %ne3A_156 : vector<1x1xi32>
    %and3A_158 = arith.andi %ne3A_152, %ne3A_157 : vector<1x1xi1>
    %sub3A_159 = arith.constant 1 : i32
    %sub3A_160 = vector.broadcast %sub3A_159 : i32 to vector<1x1xi32>
    %sub3A_161 = arith.subi %div3A_134, %sub3A_160 : vector<1x1xi32>
    %select_n3A_162 = arith.select %and3A_158, %sub3A_161, %div3A_134 : vector<1x1xi1>, vector<1x1xi32>
    %swap3A_163 = arith.constant 0 : index
    %swap3A_164 = arith.constant 0 : index
    %swap3A_165 = vector.load %arg8[%swap3A_163, %swap3A_164] : memref<1x1xi32, #tpu.memory_space<vmem>>, vector<1x1xi32>
    tpu.vector_store %arg8[%swap3A_163, %swap3A_164], %select_n3A_162 {strides = array<i32>} : memref<1x1xi32, #tpu.memory_space<vmem>>, vector<1x1xi32>,
    %iota3A_166 = tpu.iota {dimensions = array<i32: 0>} : vector<24x1xi32>
    %sub3A_167 = arith.constant 1 : i32
    %sub3A_168 = vector.broadcast %sub3A_167 : i32 to vector<1x1xi32>
    %sub3A_169 = arith.subi %select_n3A_162, %sub3A_168 : vector<1x1xi32>
    %min3A = vector.broadcast %sub3A_169 : vector<1x1xi32> to vector<24x1xi32>
    %min3A_170 = arith.minsi %iota3A_166, %min3A : vector<24x1xi32>
    %mul3A_171 = arith.constant 256 : i32
    %mul3A_172 = vector.broadcast %mul3A_171 : i32 to vector<24x1xi32>
    %mul3A_173 = arith.muli %min3A_170, %mul3A_172 : vector<24x1xi32>
    %convert_element_type3A_174 = arith.sitofp %mul3A_173 : vector<24x1xi32> to vector<24x1xf32>
    %broadcast_in_dim3A_175 = vector.shape_cast %dot_general3A_104 : vector<1x8xf32> to vector<1x8xf32>
    %broadcast_in_dim3A_176 = vector.broadcast %broadcast_in_dim3A_175 : vector<1x8xf32> to vector<24x8xf32>
    %le3A = vector.broadcast %convert_element_type3A_174 : vector<24x1xf32> to vector<24x8xf32>
    %le3A_177 = arith.cmpf ole, %broadcast_in_dim3A_176, %le3A : vector<24x8xf32>
    %jit3A_178 = arith.constant 1 : i32
    %jit3A_179 = arith.constant 0 : i32
    %broadcast_in_dim3A_180 = vector.broadcast %jit3A_178 : i32 to vector<24x8xi32>
    %broadcast_in_dim3A_181 = vector.broadcast %jit3A_179 : i32 to vector<24x8xi32>
    %select_n3A_182 = arith.select %le3A_177, %broadcast_in_dim3A_180, %broadcast_in_dim3A_181 : vector<24x8xi1>, vector<24x8xi32>
    %reduce_sum3A_183 = arith.constant dense<0> : vector<24xi32>
    %reduce_sum3A_184 = vector.multi_reduction <add>, %select_n3A_182, %reduce_sum3A_183 [1] : vector<24x8xi32> to vector<24xi32>
    %broadcast_in_dim3A_185 = vector.shape_cast %reduce_sum3A_184 : vector<24xi32> to vector<24x1xi32>
    %sub3A_186 = arith.constant 1 : i32
    %sub3A_187 = vector.broadcast %sub3A_186 : i32 to vector<24x1xi32>
    %sub3A_188 = arith.subi %broadcast_in_dim3A_185, %sub3A_187 : vector<24x1xi32>
    %swap3A_189 = arith.constant 0 : index
    %swap3A_190 = arith.constant 0 : index
    %swap3A_191 = vector.load %arg7[%swap3A_189, %swap3A_190] : memref<24x1xi32, #tpu.memory_space<vmem>>, vector<24x1xi32>
    tpu.vector_store %arg7[%swap3A_189, %swap3A_190], %sub3A_188 {strides = array<i32>} : memref<24x1xi32, #tpu.memory_space<vmem>>, vector<24x1xi32>,
    return
  }
}

module attributes {stable_mosaic.version = 14 : i64} {
  func.func @_ffn_kernel(%arg0: i32, %arg1: i32, %arg2: memref<24xi32, #tpu.memory_space<smem>>, %arg3: memref<1xi32, #tpu.memory_space<smem>>, %arg4: memref<256x768xf32, #tpu.memory_space<vmem>>, %arg5: memref<256x1xf32, #tpu.memory_space<vmem>>, %arg6: memref<1x1536x768xf32, #tpu.memory_space<vmem>>, %arg7: memref<1x1x1536xf32, #tpu.memory_space<vmem>>, %arg8: memref<1x1536x768xf32, #tpu.memory_space<vmem>>, %arg9: memref<1x1x1536xf32, #tpu.memory_space<vmem>>, %arg10: memref<1x768x1536xf32, #tpu.memory_space<vmem>>, %arg11: memref<1x1x768xf32, #tpu.memory_space<vmem>>, %arg12: memref<1x256x768xf32, #tpu.memory_space<vmem>>) attributes {dimension_semantics = [#tpu.dimension_semantics<arbitrary>, #tpu.dimension_semantics<arbitrary>], iteration_bounds = array<i64: 2, 24>, scalar_prefetch = 2 : i64, scratch_operands = 0 : i64, tpu.core_type = #tpu.core_type<tc>, window_params = [{transform_indices = @transform_0, window_bounds = array<i64: 256, 768>}, {transform_indices = @transform_1, window_bounds = array<i64: 256, 1>}, {transform_indices = @transform_2, window_bounds = array<i64: 1, 1536, 768>}, {transform_indices = @transform_3, window_bounds = array<i64: 1, 1, 1536>}, {transform_indices = @transform_4, window_bounds = array<i64: 1, 1536, 768>}, {transform_indices = @transform_5, window_bounds = array<i64: 1, 1, 1536>}, {transform_indices = @transform_6, window_bounds = array<i64: 1, 768, 1536>}, {transform_indices = @transform_7, window_bounds = array<i64: 1, 1, 768>}, {transform_indices = @transform_8, window_bounds = array<i64: 1, 256, 768>}]} {
    %get3A = arith.constant 0 : index
    %get3A_0 = memref.load %arg3[%get3A] : memref<1xi32, #tpu.memory_space<smem>>
    %lt3A = arith.cmpi slt, %arg1, %get3A_0 : i32
    %convert_element_type3A = arith.extui %lt3A : i1 to i32
    %cond3A = arith.constant 0 : i32
    %cond3A_1 = arith.cmpi ne, %convert_element_type3A, %cond3A : i32
    scf.if %cond3A_1 {
      %get3A_2 = arith.constant 0 : index
      %get3A_3 = arith.constant 0 : index
      %get3A_4 = vector.load %arg4[%get3A_2, %get3A_3] : memref<256x768xf32, #tpu.memory_space<vmem>>, vector<256x768xf32>
      %get3A_5 = arith.constant 0 : index
      %get3A_6 = arith.constant 0 : index
      %get3A_7 = arith.constant 0 : index
      %get3A_8 = vector.load %arg6[%get3A_5, %get3A_6, %get3A_7] : memref<1x1536x768xf32, #tpu.memory_space<vmem>>, vector<1x1536x768xf32>
      %get3A_9 = vector.shape_cast %get3A_8 : vector<1x1536x768xf32> to vector<1536x768xf32>
      %dot_general3A = arith.constant dense<0.000000e+00> : vector<256x1536xf32>
      %dot_general3A_10 = tpu.matmul %get3A_4, %get3A_9, %dot_general3A {dimension_numbers = #tpu.dot_dimension_numbers<[1], [1], [0], [0], [0, 0, 1, 0], [], []>, transpose_lhs_hint = false} : vector<256x768xf32>, vector<1536x768xf32>, vector<256x1536xf32> -> vector<256x1536xf32>
      %get3A_11 = arith.constant 0 : index
      %get3A_12 = arith.constant 0 : index
      %get3A_13 = arith.constant 0 : index
      %get3A_14 = vector.load %arg7[%get3A_11, %get3A_12, %get3A_13] : memref<1x1x1536xf32, #tpu.memory_space<vmem>>, vector<1x1x1536xf32>
      %get3A_15 = vector.shape_cast %get3A_14 : vector<1x1x1536xf32> to vector<1x1536xf32>
      %add3A = vector.broadcast %get3A_15 : vector<1x1536xf32> to vector<256x1536xf32>
      %add3A_16 = arith.addf %dot_general3A_10, %add3A : vector<256x1536xf32>
      %get3A_17 = arith.constant 0 : index
      %get3A_18 = arith.constant 0 : index
      %get3A_19 = arith.constant 0 : index
      %get3A_20 = vector.load %arg8[%get3A_17, %get3A_18, %get3A_19] : memref<1x1536x768xf32, #tpu.memory_space<vmem>>, vector<1x1536x768xf32>
      %get3A_21 = vector.shape_cast %get3A_20 : vector<1x1536x768xf32> to vector<1536x768xf32>
      %dot_general3A_22 = arith.constant dense<0.000000e+00> : vector<256x1536xf32>
      %dot_general3A_23 = tpu.matmul %get3A_4, %get3A_21, %dot_general3A_22 {dimension_numbers = #tpu.dot_dimension_numbers<[1], [1], [0], [0], [0, 0, 1, 0], [], []>, transpose_lhs_hint = false} : vector<256x768xf32>, vector<1536x768xf32>, vector<256x1536xf32> -> vector<256x1536xf32>
      %get3A_24 = arith.constant 0 : index
      %get3A_25 = arith.constant 0 : index
      %get3A_26 = arith.constant 0 : index
      %get3A_27 = vector.load %arg9[%get3A_24, %get3A_25, %get3A_26] : memref<1x1x1536xf32, #tpu.memory_space<vmem>>, vector<1x1x1536xf32>
      %get3A_28 = vector.shape_cast %get3A_27 : vector<1x1x1536xf32> to vector<1x1536xf32>
      %add3A_29 = vector.broadcast %get3A_28 : vector<1x1536xf32> to vector<256x1536xf32>
      %add3A_30 = arith.addf %dot_general3A_23, %add3A_29 : vector<256x1536xf32>
      %logistic3A = arith.negf %add3A_30 : vector<256x1536xf32>
      %logistic3A_31 = math.exp %logistic3A : vector<256x1536xf32>
      %logistic3A_32 = arith.constant 1.000000e+00 : f32
      %logistic3A_33 = vector.broadcast %logistic3A_32 : f32 to vector<256x1536xf32>
      %logistic3A_34 = arith.addf %logistic3A_33, %logistic3A_31 : vector<256x1536xf32>
      %logistic3A_35 = arith.divf %logistic3A_33, %logistic3A_34 : vector<256x1536xf32>
      %mul3A = arith.mulf %add3A_30, %logistic3A_35 : vector<256x1536xf32>
      %mul3A_36 = arith.mulf %add3A_16, %mul3A : vector<256x1536xf32>
      %get3A_37 = arith.constant 0 : index
      %get3A_38 = arith.constant 0 : index
      %get3A_39 = arith.constant 0 : index
      %get3A_40 = vector.load %arg10[%get3A_37, %get3A_38, %get3A_39] : memref<1x768x1536xf32, #tpu.memory_space<vmem>>, vector<1x768x1536xf32>
      %get3A_41 = vector.shape_cast %get3A_40 : vector<1x768x1536xf32> to vector<768x1536xf32>
      %dot_general3A_42 = arith.constant dense<0.000000e+00> : vector<256x768xf32>
      %dot_general3A_43 = tpu.matmul %mul3A_36, %get3A_41, %dot_general3A_42 {dimension_numbers = #tpu.dot_dimension_numbers<[1], [1], [0], [0], [0, 0, 1, 0], [], []>, transpose_lhs_hint = false} : vector<256x1536xf32>, vector<768x1536xf32>, vector<256x768xf32> -> vector<256x768xf32>
      %eq3A = arith.constant 0 : i32
      %eq3A_44 = arith.cmpi eq, %arg0, %eq3A : i32
      %jit3A = arith.constant 1.000000e+00 : f32
      %jit3A_45 = arith.constant 0.000000e+00 : f32
      %select_n3A = arith.select %eq3A_44, %jit3A, %jit3A_45 : f32
      %get3A_46 = arith.constant 0 : index
      %get3A_47 = arith.constant 0 : index
      %get3A_48 = arith.constant 0 : index
      %get3A_49 = vector.load %arg11[%get3A_46, %get3A_47, %get3A_48] : memref<1x1x768xf32, #tpu.memory_space<vmem>>, vector<1x1x768xf32>
      %get3A_50 = vector.shape_cast %get3A_49 : vector<1x1x768xf32> to vector<1x768xf32>
      %mul3A_51 = vector.broadcast %select_n3A : f32 to vector<1x768xf32>
      %mul3A_52 = arith.mulf %mul3A_51, %get3A_50 : vector<1x768xf32>
      %add3A_53 = vector.broadcast %mul3A_52 : vector<1x768xf32> to vector<256x768xf32>
      %add3A_54 = arith.addf %dot_general3A_43, %add3A_53 : vector<256x768xf32>
      %get3A_55 = arith.constant 0 : index
      %get3A_56 = arith.constant 0 : index
      %get3A_57 = vector.load %arg5[%get3A_55, %get3A_56] : memref<256x1xf32, #tpu.memory_space<vmem>>, vector<256x1xf32>
      %mul3A_58 = vector.broadcast %get3A_57 : vector<256x1xf32> to vector<256x768xf32>
      %mul3A_59 = arith.mulf %add3A_54, %mul3A_58 : vector<256x768xf32>
      %swap3A = arith.constant 0 : index
      %swap3A_60 = arith.constant 0 : index
      %swap3A_61 = arith.constant 0 : index
      %swap3A_62 = vector.load %arg12[%swap3A, %swap3A_60, %swap3A_61] : memref<1x256x768xf32, #tpu.memory_space<vmem>>, vector<1x256x768xf32>
      %swap3A_63 = vector.shape_cast %swap3A_62 : vector<1x256x768xf32> to vector<256x768xf32>
      %swap3A_64 = vector.shape_cast %mul3A_59 : vector<256x768xf32> to vector<1x256x768xf32>
      tpu.vector_store %arg12[%swap3A, %swap3A_60, %swap3A_61], %swap3A_64 {strides = array<i32>} : memref<1x256x768xf32, #tpu.memory_space<vmem>>, vector<1x256x768xf32>,
    } else {
    }
    return
  }
  func.func @transform_0(%arg0: i32, %arg1: i32, %arg2: memref<24xi32, #tpu.memory_space<smem>>, %arg3: memref<1xi32, #tpu.memory_space<smem>>) -> (i32, i32) {
    %c0_i32 = arith.constant 0 : i32
    %c0_i32_0 = arith.constant 0 : i32
    return %arg1, %c0_i32 : i32, i32
  }
  func.func @transform_1(%arg0: i32, %arg1: i32, %arg2: memref<24xi32, #tpu.memory_space<smem>>, %arg3: memref<1xi32, #tpu.memory_space<smem>>) -> (i32, i32) {
    %c0_i32 = arith.constant 0 : i32
    %c0_i32_0 = arith.constant 0 : i32
    return %arg1, %c0_i32 : i32, i32
  }
  func.func @transform_2(%arg0: i32, %arg1: i32, %arg2: memref<24xi32, #tpu.memory_space<smem>>, %arg3: memref<1xi32, #tpu.memory_space<smem>>) -> (i32, i32, i32) {
    %get3A = arith.index_cast %arg1 : i32 to index
    %get3A_0 = memref.load %arg2[%get3A] : memref<24xi32, #tpu.memory_space<smem>>
    %c0_i32 = arith.constant 0 : i32
    %c0_i32_1 = arith.constant 0 : i32
    return %get3A_0, %arg0, %c0_i32 : i32, i32, i32
  }
  func.func @transform_3(%arg0: i32, %arg1: i32, %arg2: memref<24xi32, #tpu.memory_space<smem>>, %arg3: memref<1xi32, #tpu.memory_space<smem>>) -> (i32, i32, i32) {
    %get3A = arith.index_cast %arg1 : i32 to index
    %get3A_0 = memref.load %arg2[%get3A] : memref<24xi32, #tpu.memory_space<smem>>
    %c0_i32 = arith.constant 0 : i32
    %c0_i32_1 = arith.constant 0 : i32
    return %get3A_0, %c0_i32, %arg0 : i32, i32, i32
  }
  func.func @transform_4(%arg0: i32, %arg1: i32, %arg2: memref<24xi32, #tpu.memory_space<smem>>, %arg3: memref<1xi32, #tpu.memory_space<smem>>) -> (i32, i32, i32) {
    %get3A = arith.index_cast %arg1 : i32 to index
    %get3A_0 = memref.load %arg2[%get3A] : memref<24xi32, #tpu.memory_space<smem>>
    %c0_i32 = arith.constant 0 : i32
    %c0_i32_1 = arith.constant 0 : i32
    return %get3A_0, %arg0, %c0_i32 : i32, i32, i32
  }
  func.func @transform_5(%arg0: i32, %arg1: i32, %arg2: memref<24xi32, #tpu.memory_space<smem>>, %arg3: memref<1xi32, #tpu.memory_space<smem>>) -> (i32, i32, i32) {
    %get3A = arith.index_cast %arg1 : i32 to index
    %get3A_0 = memref.load %arg2[%get3A] : memref<24xi32, #tpu.memory_space<smem>>
    %c0_i32 = arith.constant 0 : i32
    %c0_i32_1 = arith.constant 0 : i32
    return %get3A_0, %c0_i32, %arg0 : i32, i32, i32
  }
  func.func @transform_6(%arg0: i32, %arg1: i32, %arg2: memref<24xi32, #tpu.memory_space<smem>>, %arg3: memref<1xi32, #tpu.memory_space<smem>>) -> (i32, i32, i32) {
    %get3A = arith.index_cast %arg1 : i32 to index
    %get3A_0 = memref.load %arg2[%get3A] : memref<24xi32, #tpu.memory_space<smem>>
    %c0_i32 = arith.constant 0 : i32
    %c0_i32_1 = arith.constant 0 : i32
    return %get3A_0, %c0_i32, %arg0 : i32, i32, i32
  }
  func.func @transform_7(%arg0: i32, %arg1: i32, %arg2: memref<24xi32, #tpu.memory_space<smem>>, %arg3: memref<1xi32, #tpu.memory_space<smem>>) -> (i32, i32, i32) {
    %get3A = arith.index_cast %arg1 : i32 to index
    %get3A_0 = memref.load %arg2[%get3A] : memref<24xi32, #tpu.memory_space<smem>>
    %c0_i32 = arith.constant 0 : i32
    %c0_i32_1 = arith.constant 0 : i32
    %c0_i32_2 = arith.constant 0 : i32
    return %get3A_0, %c0_i32, %c0_i32_1 : i32, i32, i32
  }
  func.func @transform_8(%arg0: i32, %arg1: i32, %arg2: memref<24xi32, #tpu.memory_space<smem>>, %arg3: memref<1xi32, #tpu.memory_space<smem>>) -> (i32, i32, i32) {
    %c0_i32 = arith.constant 0 : i32
    %c0_i32_0 = arith.constant 0 : i32
    return %arg0, %arg1, %c0_i32 : i32, i32, i32
  }
}

</mosaic_0001>

<sc_bundles>
// kernel: kernel.6.cloned.1.call-start
scs
__scs_entry_jumppad:
0x0: {  	(pc) =	sbr.rel $0x88, $3  }
0x1: {  	(tag) =	ssettag $0x0;
	lr =	simm.s32 $0x1  }
0x2: {  	[smem:$0x3F98] =	sst lr;
	_ =	strace $0xD0000000  }
0x3: {  	_ = 	snop  }
0x4: {  	_ = 	snop  }
0x5: {  	_ = 	snop  }
0x6: {  	_ = 	snop  }
0x7: {  	_ = 	snop  }
__scs_overlays_trampoline_lowered:
0x8: {  	[smem:$0x3FA7] =	sst s0  }
0x9: {  	[smem:$0x3FA8] =	sst s1  }
0xa: {  	[smem:$0x3FA9] =	sst s2  }
0xb: {  	[smem:$0x3FAA] =	sst s3  }
0xc: {  	[smem:$0x3FAB] =	sst s4  }
0xd: {  	[smem:$0x3FAC] =	sst s5  }
0xe: {  	[smem:$0x3FAD] =	sst s6  }
0xf: {  	[smem:$0x3FAE] =	sst s7  }
0x10: {  	[smem:$0x3FAF] =	sst s8  }
0x11: {  	[smem:$0x3FB0] =	sst s9;
	s0 =	simm.s32 @!p0 $0x0  }
0x12: {  	s1 =	sld [smem:$0x3F96];
	s0 =	simm.s32 @p0 $0x1  }
0x13: {  	[smem:$0x3FB1] =	sst s0;
	s0 =	simm.s32 @!p1 $0x0  }
0x14: {  	s2 =	sld [smem:$0x3F95];
	s0 =	simm.s32 @p1 $0x1  }
0x15: {  	[smem:$0x3FB2] =	sst s0;
	s0 =	simm.s32 @!p2 $0x0  }
0x16: {  	s3 =	sld [smem:$0x3FDB];
	s0 =	simm.s32 @p2 $0x1  }
0x17: {  	s4 =	simm.s32 $0x1BF5;
	[smem:$0x3FB4] =	sst s0  }
0x18: {  	s0 =	sld [smem:$0x3F97];
	_ =	swait.ge [sflag:s4], $0x0  }
0x19: {  	s7 =	sld [smem:$0x3F98]  }
0x1a: {  	s8 =	sadd.s32 $0xFFFFE003, lr  }
0x1b: {  	s9 =	sadd.s32 $0xFFFFFEF7, lr;
	s5 =	simm.s32 $0xFFFFFFFF;
	p2 =	slt.u32 s8, $0xFFFFF086  }
0x1c: {  	p1 =	slt.u32 s9, $0xF7A;
	s5 =	simm.s32 @!p2 $0x0  }
0x1d: {  	s5 =	simm.s32 @p1 $0x1;
	p0 =	seq.s32 s7, s2  }
0x1e: {  	s7 =	smul.u32 @!p0 $0xF7A, s2;
	p2 =	seq.s32 @!p0 s5, $0x0  }
0x1f: {  	s9 =	smul.u32 $0xF7A, s1;
	s8 =	simm.s32 @!p0 $0x1BF5;
	p2 =	por !p2, p0  }
0x20: {  	[sflag:s8] =	ssyncset.s32 @!p0 $0xFFFFF086;
	s6 =	sadd.s32 @!p0 s3, s7;
	s7 =	simm.s32 @!p0 $0x108  }
0x21: {  	s3 =	sadd.s32 s3, s9;
	s6 =	sadd.s32 @!p0 $0x88, s6;
	s7 =	simm.s32 @p2 $0x1082  }
0x22: {  	[simem:s7], [sflag:s8] =	dma.local @!p0 [hbm:s6], $0xF7A  }
0x23: {  	s9 =	sor.u32 $0xD0000000, s2;
	s6 =	simm.s32 $0x108;
	_ =	swait.ge @!p0 [sflag:s8], $0x0  }
0x24: {  	s3 =	sadd.s32 $0x88, s3;
	s6 =	simm.s32 @!p1 $0x1082;
	[sflag:s4] =	ssyncset.s32 $0xFFFFF086  }
0x25: {  	[simem:s6], [sflag:s4] =	dma.local [hbm:s3], $0xF7A  }
0x26: {  	[smem:$0x3F98] =	sst s1;
	(tag) =	ssettag s2;
	_ =	strace s9  }
0x27: {  	s1 =	sld [smem:$0x3FA8]  }
0x28: {  	s2 =	sld [smem:$0x3FA9]  }
0x29: {  	s4 =	sld [smem:$0x3FAB]  }
0x2a: {  	p0 =	seq.s32 s5, $0x0;
	s5 =	sld [smem:$0x3FAC]  }
0x2b: {  	s6 =	sld [smem:$0x3FAD]  }
0x2c: {  	s7 =	sld [smem:$0x3FAE]  }
0x2d: {  	s3 =	simm.s32 $0x108;
	s8 =	sld [smem:$0x3FAF]  }
0x2e: {  	s3 =	simm.s32 @!p0 $0x1082;
	s9 =	sld [smem:$0x3FB0]  }
0x2f: {  	lr =	sadd.s32 s0, s3;
	s0 =	sld [smem:$0x3FA7]  }
0x30: {  	s3 =	sld [smem:$0x3FAA]  }
0x31: {  	[smem:$0x3FB3] =	sst s10  }
0x32: {  	s10 =	sld [smem:$0x3FB1];
	_ =	sdelay $0x3  }
0x33: {  	p0 =	seq.s32 s10, $0x1;
	s10 =	sld [smem:$0x3FB3];
	_ =	sdelay $0x3  }
0x34: {  	[smem:$0x3FB3] =	sst s10  }
0x35: {  	s10 =	sld [smem:$0x3FB2];
	_ =	sdelay $0x3  }
0x36: {  	p1 =	seq.s32 s10, $0x1;
	s10 =	sld [smem:$0x3FB3];
	_ =	sdelay $0x3  }
0x37: {  	[smem:$0x3FB3] =	sst s10  }
0x38: {  	s10 =	sld [smem:$0x3FB4]  }
0x39: {  	_ = 	snop;
	(pc) =	sbr.ind lr, $3  }
0x3a: {  	_ = 	snop  }
0x3b: {  	_ = 	snop  }
0x3c: {  	p2 =	seq.s32 s10, $0x1;
	s10 =	sld [smem:$0x3FB3]  }
0x3d: {  	_ =	shalt  }
0x3e: {  	_ =	shalt  }
0x3f: {  	_ =	shalt  }
0x40: {  	_ =	shalt  }
0x41: {  	_ =	shalt  }
0x42: {  	_ =	shalt  }
0x43: {  	_ =	shalt  }
0x44: {  	_ =	shalt  }
0x45: {  	_ =	shalt  }
0x46: {  	_ =	shalt  }
0x47: {  	_ =	shalt  }
0x48: {  	_ =	shalt  }
0x49: {  	_ =	shalt  }
0x4a: {  	_ =	shalt  }
0x4b: {  	_ =	shalt  }
0x4c: {  	_ =	shalt  }
0x4d: {  	_ =	shalt  }
0x4e: {  	_ =	shalt  }
0x4f: {  	_ =	shalt  }
0x50: {  	_ =	shalt  }
0x51: {  	_ =	shalt  }
0x52: {  	_ =	shalt  }
0x53: {  	_ =	shalt  }
0x54: {  	_ =	shalt  }
0x55: {  	_ =	shalt  }
0x56: {  	_ =	shalt  }
0x57: {  	_ =	shalt  }
0x58: {  	_ =	shalt  }
0x59: {  	_ =	shalt  }
0x5a: {  	_ =	shalt  }
0x5b: {  	_ =	shalt  }
0x5c: {  	_ =	shalt  }
0x5d: {  	_ =	shalt  }
0x5e: {  	_ =	shalt  }
0x5f: {  	_ =	shalt  }
0x60: {  	_ =	shalt  }
0x61: {  	_ =	shalt  }
0x62: {  	_ =	shalt  }
0x63: {  	_ =	shalt  }
0x64: {  	_ =	shalt  }
0x65: {  	_ =	shalt  }
0x66: {  	_ =	shalt  }
0x67: {  	_ =	shalt  }
0x68: {  	_ =	shalt  }
0x69: {  	_ =	shalt  }
0x6a: {  	_ =	shalt  }
0x6b: {  	_ =	shalt  }
0x6c: {  	_ =	shalt  }
0x6d: {  	_ =	shalt  }
0x6e: {  	_ =	shalt  }
0x6f: {  	_ =	shalt  }
0x70: {  	_ =	shalt  }
0x71: {  	_ =	shalt  }
0x72: {  	_ =	shalt  }
0x73: {  	_ =	shalt  }
0x74: {  	_ =	shalt  }
0x75: {  	_ =	shalt  }
0x76: {  	_ =	shalt  }
0x77: {  	_ =	shalt  }
0x78: {  	_ =	shalt  }
0x79: {  	_ =	shalt  }
0x7a: {  	_ =	shalt  }
0x7b: {  	_ =	shalt  }
0x7c: {  	_ =	shalt  }
0x7d: {  	_ =	shalt  }
0x7e: {  	_ =	shalt  }
0x7f: {  	_ =	shalt  }
0x80: {  	_ =	shalt  }
0x81: {  	_ =	shalt  }
0x82: {  	_ =	shalt  }
0x83: {  	_ =	shalt  }
0x84: {  	_ =	shalt  }
0x85: {  	_ =	shalt  }
0x86: {  	_ =	shalt  }
0x87: {  	_ =	shalt  }
.Lfunc_end0:
.L_simem_size_0:
called_computation_lowered:
.L_overlay_start_0:
0x88: {  	s2 =	sld [smem:$0x3FD9]  }
0x89: {  	s3 =	sld [smem:$0x3FFE];
	_ =	sdelay $0x1  }
0x8a: {  	s1 =	srdreg.scid  }
0x8b: {  	s0 =	sand.u32 $0x1, s1  }
0x8c: {  	s17 =	sshll.u32 s0, $0xA;
	s2 =	sadd.s32 s3, s2  }
0x8d: {  	s2 =	sadd.s32 s2, s17  }
0x8e: {  	[smem:$0x3FBF] =	sst s2  }
0x8f: {  	_ = 	snop  }
0x90: {  	s2 =	sld [smem:$0x3FC9]  }
0x91: {  	s18 =	sld [smem:$0x3FD0];
	(tm) =	ssettm $0x1  }
0x92: {  	s4 =	sld [smem:$0x3FFB];
	_ =	sdelay $0x3  }
0x93: {  	_ =	strace s4  }
0x94: {  	s4 =	sld [smem:$0x3FFC];
	_ =	sdelay $0x3  }
0x95: {  	_ =	strace s4  }
0x96: {  	s4 =	sld [smem:$0x3FFD];
	_ =	sdelay $0x3  }
0x97: {  	_ =	strace s4  }
0x98: {  	_ =	strace $0x8FFFFFFF  }
0x99: {  	s19 =	sld [smem:$0x3FDB];
	_ =	sdelay $0x1  }
0x9a: {  	s5 =	simm.s32 $_scs_section_size  }
0x9b: {  	s6 =	simm.s32 $_size__tile_overlayer_lowered;
	s7 =	simm.s32 $_tile_overlayer_lowered  }
0x9c: {  	s22 =	simm.s32 $0x1BFF;
	s21 =	sshll.u32 s7, $0x1;
	s4 =	sadd.s32 s5, s19  }
0x9d: {  	s8 =	simm.s32 $0x0;
	s20 =	sshll.u32 s6, $0x1;
	s6 =	sadd.s32 s21, s4  }
0x9e: {  	[timem:s8], [sflag:s22] =	dma.local [hbm:s6], s20  }
0x9f: {  	_ =	swait.ge [sflag:s22], s20  }
0xa0: {  	s5 =	ssub.s32 $0x0, s20;
	[sflag:s22] =	ssyncset.done $0x0  }
0xa1: {  	[sflag:s22] =	ssyncadd.s32 s5;
	_ =	sdelay $0x1  }
0xa2: {  	s23 =	simm.s32 $0x1B8B  }
0xa3: {  	_ =	swait.ge [sflag:s23], $0x1  }
0xa4: {  	[sflag:s23] =	ssyncset.done $0x0  }
0xa5: {  	s25 =	simm.s32 $0x1B8E;
	s24 =	sld [smem:$0x3FFE];
	[sflag:s23] =	ssyncadd.s32 $0xFFFFFFFF  }
0xa6: {  	s26 =	simm.s32 $execute0_lowered;
	[smem:$0x3FD2] =	sst s25  }
0xa7: {  	s6 =	sshll.u32 s26, $0x1;
	_ =	strace $0x80000046;
	[dreg:$0x1] =	wrdreg $0xFFFFFFFF  }
0xa8: {  	s28 =	simm.s32 $_size_execute0_lowered;
	s4 =	sadd.s32 s4, s6;
	[dreg:$0x0] =	wrdreg $0x0  }
0xa9: {  	s6 =	sshll.u32 s28, $0x1;
	[dreg:$0x2] =	wrdreg s4  }
0xaa: {  	[dreg:$0x3] =	wrdreg s6  }
0xab: {  	[dreg:$0x4] =	wrdreg $0xC0  }
0xac: {  	_ =	task [dreg:s8], $0x5FFFF  }
0xad: {  	[dreg:$0x1] =	wrdreg $0xFFFFFFFF  }
0xae: {  	[dreg:$0x0] =	wrdreg $0x60  }
0xaf: {  	[dreg:$0x2] =	wrdreg s2  }
0xb0: {  	[dreg:$0x3] =	wrdreg s24  }
0xb1: {  	[dreg:$0x4] =	wrdreg s18  }
0xb2: {  	[dreg:$0x5] =	wrdreg $0x184000  }
0xb3: {  	[dreg:$0x6] =	wrdreg $0x185800  }
0xb4: {  	[dreg:$0x7] =	wrdreg $0x9  }
0xb5: {  	_ =	task.clear_ibuf [dreg:s8], $0x8FFFF;
	_ =	strace $0x90000046  }
0xb6: {  	s29 =	simm.s32 $0x9;
	_ =	strace $0x80000048  }
0xb7: {  	_ =	swait.ge [sflag:s29], $0x1  }
0xb8: {  	[sflag:s29] =	ssyncadd.s32 $0xFFFFFFFF  }
0xb9: {  	_ =	strace $0x90000048  }
0xba: {  	_ =	sfence  }
0xbb: {  	s30 =	sld [smem:$0x0];
	_ =	sdelay $0x2  }
0xbc: {  	s31 =	sshll.u32 s1, $0xD;
	s1 =	sshrl.u32 s1, $0x2  }
0xbd: {  	s3 =	sand.u32 $0x4000, s31;
	s1 =	sadd.s32 s1, s30  }
0xbe: {  	s0 =	sor.u32 s3, s0;
	s1 =	sshll.u32 s1, $0x11  }
0xbf: {  	s0 =	sor.u32 s1, s0  }
0xc0: {  	s0 =	sadd.s32 $0x8F2B, s0  }
0xc1: {  	[sflag:s0] =	ssyncadd.remote.s32 $0x1  }
0xc2: {  	_ =	sfence.sel $0xFFFF  }
0xc3: {  	[dreg:$0x0] =	wrdreg $0xFFFFFFFF;
	(pc) =	sbr.abs _section_cstart, $3  }
0xc4: {  	[dreg:$0x1] =	wrdreg $0xFFFFFFFF  }
0xc5: {  	_ =	task.clear_ibuf [dreg:s8], $0x2FFFF;
	_ =	strace $0x9FFFFFFF  }
0xc6: {  	(tm) =	ssettm $0x7FFFFFFF  }
0xc7: {  	_ =	shalt  }
tec
execute0_lowered:
.L_overlay_start_1:
0x0: {  	(tag) =	ssettag $0x1  }
0x1: {  	s1 =	rddreg [dreg:$0x0]  }
0x2: {  	s0 =	rddreg [dreg:$0x1]  }
0x3: {  	s2 =	rddreg [dreg:$0x2]  }
0x4: {  	s10 =	rddreg [dreg:$0x3]  }
0x5: {  	s11 =	rddreg [dreg:$0x4];
	s5 =	simm.s32 $0x0  }
0x6: {  	s9 =	stileid.u32;
	s16 =	simm.s32 $0x200;
	[smem:$0x7FF] =	sst s5  }
0x7: {  	s17 =	simm.s32 $0xCC00;
	_ =	strace $0x80000047;
	[dreg:$0x10] =	wrdreg s16  }
0x8: {  	s4 =	srdreg.scid;
	s18 =	simm.s32 $0xD400;
	[dreg:$0x11] =	wrdreg s17  }
0x9: {  	s19 =	simm.s32 $0xDC00;
	s21 =	simm.s32 $0xE400;
	[dreg:$0x12] =	wrdreg s18  }
0xa: {  	s23 =	simm.s32 $0xEC00;
	s28 =	simm.s32 $0x3C00;
	[dreg:$0x13] =	wrdreg s19  }
0xb: {  	s29 =	simm.s32 $0x4400;
	s30 =	simm.s32 $0x4C00;
	[dreg:$0x14] =	wrdreg s21  }
0xc: {  	s31 =	simm.s32 $0x5400;
	[dreg:$0x15] =	wrdreg s23;
	s18 =	simm.s32 $0x13C00  }
0xd: {  	s3 =	sshll.u32 s9, $0x4;
	s19 =	simm.s32 $0x14400;
	[dreg:$0x1f] =	wrdreg s18  }
0xe: {  	s4 =	sand.u32 $0x1, s4;
	s21 =	simm.s32 $0x15400;
	[smem:$0x7F6] =	sst s19  }
0xf: {  	s3 =	sadd.s32 s3, s0;
	s23 =	simm.s32 $0x16400;
	[smem:$0x7F8] =	sst s21  }
0x10: {  	s6 =	sshll.u32 s9, $0x1;
	s7 =	sadd.s32 $0x200, s3;
	[smem:$0x7FA] =	sst s23  }
0x11: {  	s6 =	sor.u32 s4, s6;
	s24 =	sadd.s32 $0x400, s3;
	[dreg:$0x6] =	wrdreg s7  }
0x12: {  	s20 =	ssub.s32 $0x2, s4;
	s25 =	sadd.s32 $0x600, s3;
	[dreg:$0x7] =	wrdreg s24  }
0x13: {  	s6 =	smul.u32 $0xC0, s6;
	s3 =	sadd.s32 $0x800, s3;
	[dreg:$0x8] =	wrdreg s25  }
0x14: {  	s22 =	sshrl.u32 s20, $0x1;
	[dreg:$0x9] =	wrdreg s3;
	s24 =	simm.s32 $0xF400  }
0x15: {  	s21 =	simm.s32 $0xC00;
	s25 =	simm.s32 $0xFC00;
	[dreg:$0x16] =	wrdreg s24  }
0x16: {  	s23 =	simm.s32 $0x1C00;
	s7 =	simm.s32 $0x10C00;
	[dreg:$0x17] =	wrdreg s25  }
0x17: {  	s4 =	ssub.s32 s20, s22;
	s20 =	simm.s32 $0x14C00;
	[dreg:$0x19] =	wrdreg s7  }
0x18: {  	s18 =	simm.s32 $0x9C00;
	s22 =	simm.s32 $0x15C00;
	[smem:$0x7F7] =	sst s20  }
0x19: {  	s8 =	sshrl.u32 s6, $0x3;
	s12 =	sadd.s32 s6, s10;
	[smem:$0x7F9] =	sst s22  }
0x1a: {  	s13 =	sadd.s32 s6, s11;
	s10 =	simm.s32 $0x12400;
	[dreg:$0xa] =	wrdreg s12  }
0x1b: {  	s6 =	sadd.s32 $0x100, s1;
	s7 =	sadd.s32 $0x200, s1;
	[dreg:$0xb] =	wrdreg s13  }
0x1c: {  	s24 =	simm.s32 $0x16C00;
	s25 =	simm.s32 $0x17400;
	[dreg:$0x1c] =	wrdreg s10  }
0x1d: {  	s22 =	simm.s32 $0x1400;
	s26 =	smul.u32 $0x300, s8;
	[smem:$0x7FB] =	sst s24  }
0x1e: {  	s2 =	sadd.s32 s2, s8;
	s8 =	simm.s32 $0x11400;
	[smem:$0x7FC] =	sst s25  }
0x1f: {  	s12 =	simm.s32 $0x12C00;
	s10 =	simm.s32 $0x400;
	[dreg:$0xc] =	wrdreg s2  }
0x20: {  	s24 =	simm.s32 $0x2400;
	s25 =	simm.s32 $0x2C00;
	[dreg:$0x1a] =	wrdreg s8  }
0x21: {  	s2 =	sshll.u32 s9, $0x7;
	s9 =	simm.s32 $0x11C00;
	[dreg:$0x1d] =	wrdreg s12  }
0x22: {  	s8 =	smax.u32 s4, $0x1;
	s4 =	simm.s32 $0x7400;
	s12 =	simm.s32 $0xA400  }
0x23: {  	s0 =	sadd.s32 s26, s0;
	s26 =	simm.s32 $0x10400;
	s3 =	sor.u32 $0x20, s2  }
0x24: {  	s11 =	sor.u32 $0x30, s2;
	s13 =	sor.u32 $0x40, s2;
	[dreg:$0x1b] =	wrdreg s9  }
0x25: {  	s16 =	sor.u32 $0x60, s2;
	s17 =	sor.u32 $0x70, s2;
	s9 =	simm.s32 $0x3  }
0x26: {  	v10 =	vlaneseq.u32;
	s14 =	sadd.s32 $0xA00, s0;
	s15 =	sadd.s32 $0x2200, s0;
	s0 =	sadd.s32 $0x3A00, s0  }
0x27: {  	[dreg:$0x18] =	wrdreg s26;
	s26 =	simm.s32 $0x17C00;
	v2 =	vor.u32 s3, v10;
	s3 =	simm.s32 $0x6C00  }
0x28: {  	v3 =	vor.u32 s11, v10;
	v4 =	vor.u32 s13, v10;
	s11 =	simm.s32 $0x7C00;
	s13 =	simm.s32 $0x8400;
	[dreg:$0xd] =	wrdreg s14  }
0x29: {  	v6 =	vor.u32 s16, v10;
	v7 =	vor.u32 s17, v10;
	s16 =	simm.s32 $0x9400;
	s17 =	simm.s32 $0xB400;
	[dreg:$0xe] =	wrdreg s15  }
0x2a: {  	vm0 =	vmmov $0xffff;
	v9 =	vshrl.u32 v10, $0x3;
	[dreg:$0xf] =	wrdreg s0;
	s0 =	sor.u32 $0x10, s2;
	s15 =	sor.u32 $0x50, s2  }
0x2b: {  	v8 =	vand.u32 $0x7, v10;
	v9 =	vmul.u32 $0x8, v9;
	v0 =	vor.u32 s2, v10;
	s14 =	simm.s32 $0x13400;
	[smem:$0x7FD] =	sst s26;
	s26 =	simm.s32 $0x3400  }
0x2c: {  	[dreg:$0x1e] =	wrdreg s14;
	v1 =	vor.u32 s0, v10;
	v5 =	vor.u32 s15, v10;
	v10 =	vor.u32 $0x8, v10;
	s15 =	simm.s32 $0x8C00;
	s14 =	simm.s32 $0xAC00  }
.LBB2_1:
0x2d: {  	s19 =	rddreg [dreg:$0x6]  }
0x2e: {  	[tilespmem:s5], [sflag:$0x3] =	stream.linear.gather [hbm4b:s19+s5], $0x80, $0x38;
	[tilespmem:$0x18700] =	vst v63  }
0x2f: {  	_ =	swait.ge [sflag:s9], $0x80  }
0x30: {  	[sflag:s9] =	ssyncset.done $0x0  }
0x31: {  	s2 =	simm.s32 $0x80;
	s20 =	rddreg [dreg:$0x7];
	[sflag:s9] =	ssyncadd.s32 $0xFFFFFF80  }
0x32: {  	[tilespmem:s2], [sflag:$0x3] =	stream.linear.gather [hbm4b:s20+s5], $0x80, $0x38;
	[tilespmem:$0x18700] =	vst v63  }
0x33: {  	_ =	swait.ge [sflag:s9], $0x80  }
0x34: {  	[sflag:s9] =	ssyncset.done $0x0  }
0x35: {  	[sflag:s9] =	ssyncadd.s32 $0xFFFFFF80  }
0x36: {  	[tilespmem:$0x100] =	vst v0  }
0x37: {  	[tilespmem:$0x110] =	vst v1  }
0x38: {  	[tilespmem:$0x120] =	vst v2  }
0x39: {  	[tilespmem:$0x130] =	vst v3  }
0x3a: {  	[tilespmem:$0x140] =	vst v4  }
0x3b: {  	[tilespmem:$0x150] =	vst v5  }
0x3c: {  	[tilespmem:$0x160] =	vst v6  }
0x3d: {  	s20 =	simm.s32 $0x100;
	[tilespmem:$0x170] =	vst v7;
	s0 =	rddreg [dreg:$0x3]  }
0x3e: {  	[spmem:s0] =	stream.indirect.scatter [tilespmem:s20], [sflag:$0x3], $0x1, s5, s2, $0xb8;
	[tilespmem:$0x18700] =	vst v63  }
0x3f: {  	_ =	swait.ge [sflag:s9], $0x80  }
0x40: {  	[sflag:s9] =	ssyncset.done $0x0  }
0x41: {  	[sflag:s9] =	ssyncadd.s32 $0xFFFFFF80  }
0x42: {  	[spmem:s0] =	stream.indirect.scatter [tilespmem:s20], [sflag:$0x3], $0x1, s2, s2, $0xb8;
	[tilespmem:$0x18700] =	vst v63  }
0x43: {  	_ =	swait.ge [sflag:s9], $0x80  }
0x44: {  	[sflag:s9] =	ssyncset.done $0x0  }
0x45: {  	s0 =	simm.s32 $0x180;
	s20 =	rddreg [dreg:$0x8];
	[sflag:s9] =	ssyncadd.s32 $0xFFFFFF80  }
0x46: {  	[tilespmem:s0], [sflag:$0x3] =	stream.linear.gather [hbm4b:s20+s5], $0x80, $0x38;
	[tilespmem:$0x18700] =	vst v63  }
0x47: {  	_ =	swait.ge [sflag:s9], $0x80  }
0x48: {  	[sflag:s9] =	ssyncset.done $0x0  }
0x49: {  	[sflag:s9] =	ssyncadd.s32 $0xFFFFFF80  }
0x4a: {  	s20 =	rddreg [dreg:$0x4]  }
0x4b: {  	[spmem:s20] =	stream.indirect.scatter [tilespmem:s0], [sflag:$0x3], $0x1, s5, s2, $0xb8;
	[tilespmem:$0x18700] =	vst v63  }
0x4c: {  	_ =	swait.ge [sflag:s9], $0x80  }
0x4d: {  	[sflag:s9] =	ssyncset.done $0x0  }
0x4e: {  	s19 =	rddreg [dreg:$0x9];
	[sflag:s9] =	ssyncadd.s32 $0xFFFFFF80  }
0x4f: {  	[tilespmem:s0], [sflag:$0x3] =	stream.linear.gather [hbm4b:s19+s5], $0x80, $0x38;
	[tilespmem:$0x18700] =	vst v63  }
0x50: {  	_ =	swait.ge [sflag:s9], $0x80  }
0x51: {  	[sflag:s9] =	ssyncset.done $0x0  }
0x52: {  	[sflag:s9] =	ssyncadd.s32 $0xFFFFFF80  }
0x53: {  	[spmem:s20] =	stream.indirect.scatter [tilespmem:s0], [sflag:$0x3], $0x1, s2, s2, $0xb8;
	[tilespmem:$0x18700] =	vst v63  }
0x54: {  	_ =	swait.ge [sflag:s9], $0x80  }
0x55: {  	[sflag:s9] =	ssyncset.done $0x0  }
0x56: {  	[sflag:s9] =	ssyncadd.s32 $0xFFFFFF80  }
0x57: {  	[bflag:$0x0] =	sbarrier.arrive $0xFFFF  }
0x58: {  	s0 =	rddreg [dreg:$0xa]  }
0x59: {  	s2 =	rddreg [dreg:$0x10]  }
0x5a: {  	[tilespmem:s2], [sflag:$0x3] =	stream.linear.gather [spmem:s0], $0xC0, $0x38;
	[tilespmem:$0x18700] =	vst v63  }
0x5b: {  	_ =	swait.ge [sflag:s9], $0xC0  }
0x5c: {  	[sflag:s9] =	ssyncset.done $0x0  }
0x5d: {  	s0 =	simm.s32 $0x300;
	s20 =	rddreg [dreg:$0xb];
	[sflag:s9] =	ssyncadd.s32 $0xFFFFFF40  }
0x5e: {  	[tilespmem:s0], [sflag:$0x3] =	stream.linear.gather [spmem:s20], $0xC0, $0x38;
	[tilespmem:$0x18700] =	vst v63  }
0x5f: {  	_ =	swait.ge [sflag:s9], $0xC0  }
0x60: {  	[sflag:s9] =	ssyncset.done $0x0  }
0x61: {  	s2 =	rddreg [dreg:$0xc];
	[sflag:s9] =	ssyncadd.s32 $0xFFFFFF40  }
0x62: {  	[hbm4b:s2+s5] =	stream.linear.scatter [tilespmem:s0], [sflag:$0x3], $0xC0, $0x38;
	[tilespmem:$0x18700] =	vst v63  }
0x63: {  	_ =	swait.ge [sflag:s9], $0xC0  }
0x64: {  	[sflag:s9] =	ssyncset.done $0x0  }
0x65: {  	[sflag:s9] =	ssyncadd.s32 $0xFFFFFF40  }
0x66: {  	v11 =	vld [tilespmem:$0x200]  }
0x67: {  	v12 =	vld [tilespmem:$0x210]  }
0x68: {  	v13 =	vld [tilespmem:$0x220]  }
0x69: {  	v14 =	vld [tilespmem:$0x230]  }
0x6a: {  	v15 =	vld [tilespmem:$0x240]  }
0x6b: {  	v17 =	vld [tilespmem:$0x250];
	v16 =	vand.u32 $0x7FF, v11  }
0x6c: {  	v18 =	vld [tilespmem:$0x260];
	v12 =	vand.u32 $0x7FF, v12;
	[tilespmem:$0x200] =	vst v16  }
0x6d: {  	v37 =	vld [tilespmem:$0x270];
	v36 =	vand.u32 $0x7FF, v13;
	[tilespmem:$0x210] =	vst v12;
	v16 =	vshrl.u32 v16, $0x3  }
0x6e: {  	v39 =	vld [tilespmem:$0x280];
	v38 =	vand.u32 $0x7FF, v14;
	[tilespmem:$0x220] =	vst v36;
	v16 =	vmul.u32 $0x30, v16  }
0x6f: {  	v41 =	vld [tilespmem:$0x290];
	v40 =	vand.u32 $0x7FF, v15;
	v11 =	vand.u32 $0x7, v11;
	[tilespmem:$0x230] =	vst v38  }
0x70: {  	v43 =	vld [tilespmem:$0x2A0];
	v42 =	vand.u32 $0x7FF, v17;
	[tilespmem:$0x240] =	vst v40;
	v11 =	vor.u32 v11, v16  }
0x71: {  	v45 =	vld [tilespmem:$0x2B0];
	v44 =	vand.u32 $0x7FF, v18;
	[tilespmem:$0x250] =	vst v42;
	v46 =	vperm.xlane v11, v8  }
0x72: {  	v47 =	vand.u32 $0x7FF, v37;
	[tilespmem:$0x260] =	vst v44  }
0x73: {  	v48 =	vand.u32 $0x7FF, v39;
	[tilespmem:$0x270] =	vst v47;
	v49 =	vadd.s32 v9, v46  }
0x74: {  	v50 =	vand.u32 $0x7FF, v41;
	[tilespmem:$0x280] =	vst v48  }
0x75: {  	v51 =	vand.u32 $0x7FF, v43;
	[tilespmem:$0x290] =	vst v50  }
0x76: {  	v52 =	vand.u32 $0x7FF, v45;
	[tilespmem:$0x2A0] =	vst v51  }
0x77: {  	[tilespmem:$0x2B0] =	vst v52;
	v11 =	vperm.xlane v11, v10  }
0x78: {  	[tilespmem:s10], [sflag:$0x1] =	stream.indirect_vreg.gather [hbm4b:s1+s5], $0x80, v49, vm0, $0xb8;
	[tilespmem:$0x18700] =	vst v63  }
0x79: {  	v11 =	vadd.s32 v9, v11  }
0x7a: {  	[tilespmem:s21], [sflag:$0x1] =	stream.indirect_vreg.gather [hbm4b:s6+s5], $0x80, v49, vm0, $0xb8;
	[tilespmem:$0x18700] =	vst v63  }
0x7b: {  	_ = 	snop  }
0x7c: {  	[tilespmem:s22], [sflag:$0x1] =	stream.indirect_vreg.gather [hbm4b:s7+s5], $0x80, v49, vm0, $0xb8;
	[tilespmem:$0x18700] =	vst v63  }
0x7d: {  	_ = 	snop  }
0x7e: {  	[tilespmem:s23], [sflag:$0x1] =	stream.indirect_vreg.gather [hbm4b:s1+s5], $0x80, v11, vm0, $0xb8;
	[tilespmem:$0x18700] =	vst v63  }
0x7f: {  	_ = 	snop  }
0x80: {  	[tilespmem:s24], [sflag:$0x1] =	stream.indirect_vreg.gather [hbm4b:s6+s5], $0x80, v11, vm0, $0xb8;
	[tilespmem:$0x18700] =	vst v63  }
0x81: {  	_ = 	snop  }
0x82: {  	[tilespmem:s25], [sflag:$0x1] =	stream.indirect_vreg.gather [hbm4b:s7+s5], $0x80, v11, vm0, $0xb8;
	[tilespmem:$0x18700] =	vst v63  }
0x83: {  	v11 =	vld [tilespmem:$0x210];
	_ =	sdelay $0x4  }
0x84: {  	v53 =	vshrl.u32 v11, $0x3  }
0x85: {  	v12 =	vmul.u32 $0x30, v53  }
0x86: {  	v11 =	vand.u32 $0x7, v11  }
0x87: {  	v11 =	vor.u32 v11, v12  }
0x88: {  	v12 =	vperm.xlane v11, v8;
	_ =	sdelay $0x1  }
0x89: {  	v12 =	vadd.s32 v9, v12;
	_ =	sdelay $0x3  }
0x8a: {  	v11 =	vperm.xlane v11, v10  }
0x8b: {  	[tilespmem:s26], [sflag:$0x1] =	stream.indirect_vreg.gather [hbm4b:s1+s5], $0x80, v12, vm0, $0xb8;
	[tilespmem:$0x18700] =	vst v63  }
0x8c: {  	v11 =	vadd.s32 v9, v11  }
0x8d: {  	[tilespmem:s28], [sflag:$0x1] =	stream.indirect_vreg.gather [hbm4b:s6+s5], $0x80, v12, vm0, $0xb8;
	[tilespmem:$0x18700] =	vst v63  }
0x8e: {  	_ = 	snop  }
0x8f: {  	[tilespmem:s29], [sflag:$0x1] =	stream.indirect_vreg.gather [hbm4b:s7+s5], $0x80, v12, vm0, $0xb8;
	[tilespmem:$0x18700] =	vst v63  }
0x90: {  	_ = 	snop  }
0x91: {  	[tilespmem:s30], [sflag:$0x1] =	stream.indirect_vreg.gather [hbm4b:s1+s5], $0x80, v11, vm0, $0xb8;
	[tilespmem:$0x18700] =	vst v63  }
0x92: {  	_ = 	snop  }
0x93: {  	[tilespmem:s31], [sflag:$0x1] =	stream.indirect_vreg.gather [hbm4b:s6+s5], $0x80, v11, vm0, $0xb8;
	[tilespmem:$0x18700] =	vst v63  }
0x94: {  	s19 =	simm.s32 $0x5C00  }
0x95: {  	[tilespmem:s19], [sflag:$0x1] =	stream.indirect_vreg.gather [hbm4b:s7+s5], $0x80, v11, vm0, $0xb8;
	[tilespmem:$0x18700] =	vst v63  }
0x96: {  	v11 =	vld [tilespmem:$0x220];
	_ =	sdelay $0x4  }
0x97: {  	v54 =	vshrl.u32 v11, $0x3  }
0x98: {  	v12 =	vmul.u32 $0x30, v54  }
0x99: {  	v11 =	vand.u32 $0x7, v11  }
0x9a: {  	v11 =	vor.u32 v11, v12  }
0x9b: {  	v12 =	vperm.xlane v11, v8;
	_ =	sdelay $0x1  }
0x9c: {  	v12 =	vadd.s32 v9, v12;
	_ =	sdelay $0x3  }
0x9d: {  	s2 =	simm.s32 $0x6400;
	v11 =	vperm.xlane v11, v10  }
0x9e: {  	[tilespmem:s2], [sflag:$0x1] =	stream.indirect_vreg.gather [hbm4b:s1+s5], $0x80, v12, vm0, $0xb8;
	[tilespmem:$0x18700] =	vst v63  }
0x9f: {  	v11 =	vadd.s32 v9, v11  }
0xa0: {  	[tilespmem:s3], [sflag:$0x1] =	stream.indirect_vreg.gather [hbm4b:s6+s5], $0x80, v12, vm0, $0xb8;
	[tilespmem:$0x18700] =	vst v63  }
0xa1: {  	_ = 	snop  }
0xa2: {  	[tilespmem:s4], [sflag:$0x1] =	stream.indirect_vreg.gather [hbm4b:s7+s5], $0x80, v12, vm0, $0xb8;
	[tilespmem:$0x18700] =	vst v63  }
0xa3: {  	_ = 	snop  }
0xa4: {  	[tilespmem:s11], [sflag:$0x1] =	stream.indirect_vreg.gather [hbm4b:s1+s5], $0x80, v11, vm0, $0xb8;
	[tilespmem:$0x18700] =	vst v63  }
0xa5: {  	_ = 	snop  }
0xa6: {  	[tilespmem:s13], [sflag:$0x1] =	stream.indirect_vreg.gather [hbm4b:s6+s5], $0x80, v11, vm0, $0xb8;
	[tilespmem:$0x18700] =	vst v63  }
0xa7: {  	_ = 	snop  }
0xa8: {  	[tilespmem:s15], [sflag:$0x1] =	stream.indirect_vreg.gather [hbm4b:s7+s5], $0x80, v11, vm0, $0xb8;
	[tilespmem:$0x18700] =	vst v63  }
0xa9: {  	v11 =	vld [tilespmem:$0x230];
	_ =	sdelay $0x4  }
0xaa: {  	v55 =	vshrl.u32 v11, $0x3  }
0xab: {  	v12 =	vmul.u32 $0x30, v55  }
0xac: {  	v11 =	vand.u32 $0x7, v11  }
0xad: {  	v11 =	vor.u32 v11, v12  }
0xae: {  	v12 =	vperm.xlane v11, v8;
	_ =	sdelay $0x1  }
0xaf: {  	v12 =	vadd.s32 v9, v12;
	_ =	sdelay $0x3  }
0xb0: {  	v11 =	vperm.xlane v11, v10  }
0xb1: {  	[tilespmem:s16], [sflag:$0x1] =	stream.indirect_vreg.gather [hbm4b:s1+s5], $0x80, v12, vm0, $0xb8;
	[tilespmem:$0x18700] =	vst v63  }
0xb2: {  	v11 =	vadd.s32 v9, v11  }
0xb3: {  	[tilespmem:s18], [sflag:$0x1] =	stream.indirect_vreg.gather [hbm4b:s6+s5], $0x80, v12, vm0, $0xb8;
	[tilespmem:$0x18700] =	vst v63  }
0xb4: {  	_ = 	snop  }
0xb5: {  	[tilespmem:s12], [sflag:$0x1] =	stream.indirect_vreg.gather [hbm4b:s7+s5], $0x80, v12, vm0, $0xb8;
	[tilespmem:$0x18700] =	vst v63  }
0xb6: {  	_ = 	snop  }
0xb7: {  	[tilespmem:s14], [sflag:$0x1] =	stream.indirect_vreg.gather [hbm4b:s1+s5], $0x80, v11, vm0, $0xb8;
	[tilespmem:$0x18700] =	vst v63  }
0xb8: {  	_ = 	snop  }
0xb9: {  	[tilespmem:s17], [sflag:$0x1] =	stream.indirect_vreg.gather [hbm4b:s6+s5], $0x80, v11, vm0, $0xb8;
	[tilespmem:$0x18700] =	vst v63  }
0xba: {  	s20 =	simm.s32 $0xBC00  }
0xbb: {  	[tilespmem:s20], [sflag:$0x1] =	stream.indirect_vreg.gather [hbm4b:s7+s5], $0x80, v11, vm0, $0xb8;
	[tilespmem:$0x18700] =	vst v63  }
0xbc: {  	v11 =	vld [tilespmem:$0x240];
	_ =	sdelay $0x4  }
0xbd: {  	v56 =	vshrl.u32 v11, $0x3  }
0xbe: {  	v12 =	vmul.u32 $0x30, v56  }
0xbf: {  	v11 =	vand.u32 $0x7, v11  }
0xc0: {  	v11 =	vor.u32 v11, v12  }
0xc1: {  	v12 =	vperm.xlane v11, v8;
	_ =	sdelay $0x1  }
0xc2: {  	v12 =	vadd.s32 v9, v12;
	_ =	sdelay $0x3  }
0xc3: {  	s0 =	simm.s32 $0xC400;
	v11 =	vperm.xlane v11, v10  }
0xc4: {  	[tilespmem:s0], [sflag:$0x2] =	stream.indirect_vreg.gather [hbm4b:s1+s5], $0x80, v12, vm0, $0xb8;
	[tilespmem:$0x18700] =	vst v63  }
0xc5: {  	s19 =	rddreg [dreg:$0x11];
	v11 =	vadd.s32 v9, v11  }
0xc6: {  	[tilespmem:s19], [sflag:$0x2] =	stream.indirect_vreg.gather [hbm4b:s6+s5], $0x80, v12, vm0, $0xb8;
	[tilespmem:$0x18700] =	vst v63  }
0xc7: {  	s20 =	rddreg [dreg:$0x12]  }
0xc8: {  	[tilespmem:s20], [sflag:$0x2] =	stream.indirect_vreg.gather [hbm4b:s7+s5], $0x80, v12, vm0, $0xb8;
	[tilespmem:$0x18700] =	vst v63  }
0xc9: {  	s19 =	rddreg [dreg:$0x13]  }
0xca: {  	[tilespmem:s19], [sflag:$0x2] =	stream.indirect_vreg.gather [hbm4b:s1+s5], $0x80, v11, vm0, $0xb8;
	[tilespmem:$0x18700] =	vst v63  }
0xcb: {  	s20 =	rddreg [dreg:$0x14]  }
0xcc: {  	[tilespmem:s20], [sflag:$0x2] =	stream.indirect_vreg.gather [hbm4b:s6+s5], $0x80, v11, vm0, $0xb8;
	[tilespmem:$0x18700] =	vst v63  }
0xcd: {  	s19 =	rddreg [dreg:$0x15]  }
0xce: {  	[tilespmem:s19], [sflag:$0x2] =	stream.indirect_vreg.gather [hbm4b:s7+s5], $0x80, v11, vm0, $0xb8;
	[tilespmem:$0x18700] =	vst v63  }
0xcf: {  	v11 =	vld [tilespmem:$0x250];
	_ =	sdelay $0x4  }
0xd0: {  	v57 =	vshrl.u32 v11, $0x3  }
0xd1: {  	v12 =	vmul.u32 $0x30, v57  }
0xd2: {  	v11 =	vand.u32 $0x7, v11  }
0xd3: {  	v11 =	vor.u32 v11, v12  }
0xd4: {  	v12 =	vperm.xlane v11, v8;
	_ =	sdelay $0x1  }
0xd5: {  	v12 =	vadd.s32 v9, v12;
	_ =	sdelay $0x3  }
0xd6: {  	s19 =	rddreg [dreg:$0x16];
	v11 =	vperm.xlane v11, v10  }
0xd7: {  	[tilespmem:s19], [sflag:$0x2] =	stream.indirect_vreg.gather [hbm4b:s1+s5], $0x80, v12, vm0, $0xb8;
	[tilespmem:$0x18700] =	vst v63  }
0xd8: {  	s20 =	rddreg [dreg:$0x17];
	v11 =	vadd.s32 v9, v11  }
0xd9: {  	[tilespmem:s20], [sflag:$0x2] =	stream.indirect_vreg.gather [hbm4b:s6+s5], $0x80, v12, vm0, $0xb8;
	[tilespmem:$0x18700] =	vst v63  }
0xda: {  	s19 =	rddreg [dreg:$0x18]  }
0xdb: {  	[tilespmem:s19], [sflag:$0x2] =	stream.indirect_vreg.gather [hbm4b:s7+s5], $0x80, v12, vm0, $0xb8;
	[tilespmem:$0x18700] =	vst v63  }
0xdc: {  	s20 =	rddreg [dreg:$0x19]  }
0xdd: {  	[tilespmem:s20], [sflag:$0x2] =	stream.indirect_vreg.gather [hbm4b:s1+s5], $0x80, v11, vm0, $0xb8;
	[tilespmem:$0x18700] =	vst v63  }
0xde: {  	s19 =	rddreg [dreg:$0x1a]  }
0xdf: {  	[tilespmem:s19], [sflag:$0x2] =	stream.indirect_vreg.gather [hbm4b:s6+s5], $0x80, v11, vm0, $0xb8;
	[tilespmem:$0x18700] =	vst v63  }
0xe0: {  	s20 =	rddreg [dreg:$0x1b]  }
0xe1: {  	[tilespmem:s20], [sflag:$0x2] =	stream.indirect_vreg.gather [hbm4b:s7+s5], $0x80, v11, vm0, $0xb8;
	[tilespmem:$0x18700] =	vst v63  }
0xe2: {  	v11 =	vld [tilespmem:$0x260];
	_ =	sdelay $0x4  }
0xe3: {  	v58 =	vshrl.u32 v11, $0x3  }
0xe4: {  	v12 =	vmul.u32 $0x30, v58  }
0xe5: {  	v11 =	vand.u32 $0x7, v11  }
0xe6: {  	v11 =	vor.u32 v11, v12  }
0xe7: {  	v12 =	vperm.xlane v11, v8;
	_ =	sdelay $0x1  }
0xe8: {  	v12 =	vadd.s32 v9, v12;
	_ =	sdelay $0x2  }
0xe9: {  	s19 =	rddreg [dreg:$0x1c]  }
0xea: {  	s20 =	rddreg [dreg:$0x1d];
	v11 =	vperm.xlane v11, v10  }
0xeb: {  	[tilespmem:s19], [sflag:$0x2] =	stream.indirect_vreg.gather [hbm4b:s1+s5], $0x80, v12, vm0, $0xb8;
	[tilespmem:$0x18700] =	vst v63  }
0xec: {  	v11 =	vadd.s32 v9, v11;
	s19 =	rddreg [dreg:$0x1e]  }
0xed: {  	[tilespmem:s20], [sflag:$0x2] =	stream.indirect_vreg.gather [hbm4b:s6+s5], $0x80, v12, vm0, $0xb8;
	[tilespmem:$0x18700] =	vst v63  }
0xee: {  	s20 =	rddreg [dreg:$0x1f]  }
0xef: {  	[tilespmem:s19], [sflag:$0x2] =	stream.indirect_vreg.gather [hbm4b:s7+s5], $0x80, v12, vm0, $0xb8;
	[tilespmem:$0x18700] =	vst v63  }
0xf0: {  	s19 =	sld [smem:$0x7F6]  }
0xf1: {  	[tilespmem:s20], [sflag:$0x2] =	stream.indirect_vreg.gather [hbm4b:s1+s5], $0x80, v11, vm0, $0xb8;
	[tilespmem:$0x18700] =	vst v63  }
0xf2: {  	s20 =	sld [smem:$0x7F7]  }
0xf3: {  	[tilespmem:s19], [sflag:$0x2] =	stream.indirect_vreg.gather [hbm4b:s6+s5], $0x80, v11, vm0, $0xb8;
	[tilespmem:$0x18700] =	vst v63  }
0xf4: {  	_ = 	snop  }
0xf5: {  	[tilespmem:s20], [sflag:$0x2] =	stream.indirect_vreg.gather [hbm4b:s7+s5], $0x80, v11, vm0, $0xb8;
	[tilespmem:$0x18700] =	vst v63  }
0xf6: {  	v11 =	vld [tilespmem:$0x270];
	_ =	sdelay $0x4  }
0xf7: {  	v59 =	vshrl.u32 v11, $0x3  }
0xf8: {  	v12 =	vmul.u32 $0x30, v59  }
0xf9: {  	v11 =	vand.u32 $0x7, v11  }
0xfa: {  	v11 =	vor.u32 v11, v12  }
0xfb: {  	v12 =	vperm.xlane v11, v8;
	_ =	sdelay $0x1  }
0xfc: {  	v12 =	vadd.s32 v9, v12;
	_ =	sdelay $0x1  }
0xfd: {  	s19 =	sld [smem:$0x7F8];
	_ =	sdelay $0x1  }
0xfe: {  	s20 =	sld [smem:$0x7F9];
	v11 =	vperm.xlane v11, v10  }
0xff: {  	[tilespmem:s19], [sflag:$0x2] =	stream.indirect_vreg.gather [hbm4b:s1+s5], $0x80, v12, vm0, $0xb8;
	[tilespmem:$0x18700] =	vst v63  }
0x100: {  	v11 =	vadd.s32 v9, v11;
	s19 =	sld [smem:$0x7FA]  }
0x101: {  	[tilespmem:s20], [sflag:$0x2] =	stream.indirect_vreg.gather [hbm4b:s6+s5], $0x80, v12, vm0, $0xb8;
	[tilespmem:$0x18700] =	vst v63  }
0x102: {  	s20 =	sld [smem:$0x7FB]  }
0x103: {  	[tilespmem:s19], [sflag:$0x2] =	stream.indirect_vreg.gather [hbm4b:s7+s5], $0x80, v12, vm0, $0xb8;
	[tilespmem:$0x18700] =	vst v63  }
0x104: {  	s19 =	sld [smem:$0x7FC]  }
0x105: {  	[tilespmem:s20], [sflag:$0x2] =	stream.indirect_vreg.gather [hbm4b:s1+s5], $0x80, v11, vm0, $0xb8;
	[tilespmem:$0x18700] =	vst v63  }
0x106: {  	s20 =	sld [smem:$0x7FD]  }
0x107: {  	[tilespmem:s19], [sflag:$0x2] =	stream.indirect_vreg.gather [hbm4b:s6+s5], $0x80, v11, vm0, $0xb8;
	[tilespmem:$0x18700] =	vst v63  }
0x108: {  	_ = 	snop  }
0x109: {  	[tilespmem:s20], [sflag:$0x2] =	stream.indirect_vreg.gather [hbm4b:s7+s5], $0x80, v11, vm0, $0xb8;
	[tilespmem:$0x18700] =	vst v63  }
0x10a: {  	s20 =	simm.s32 $0x1  }
0x10b: {  	_ =	swait.ge [sflag:s20], $0xC000  }
0x10c: {  	[sflag:s20] =	ssyncset.done $0x0  }
0x10d: {  	s19 =	rddreg [dreg:$0xd];
	[sflag:s20] =	ssyncadd.s32 $0xFFFF4000  }
0x10e: {  	[hbm4b:s19+s5] =	stream.linear.scatter [tilespmem:s10], [sflag:$0x3], $0xC000, $0x38;
	[tilespmem:$0x18700] =	vst v63  }
0x10f: {  	_ =	swait.ge [sflag:s9], $0xC000  }
0x110: {  	[sflag:s9] =	ssyncset.done $0x0  }
0x111: {  	[sflag:s9] =	ssyncadd.s32 $0xFFFF4000  }
0x112: {  	v11 =	vld [tilespmem:$0x280];
	_ =	sdelay $0x4  }
0x113: {  	v60 =	vshrl.u32 v11, $0x3  }
0x114: {  	v12 =	vmul.u32 $0x30, v60  }
0x115: {  	v11 =	vand.u32 $0x7, v11  }
0x116: {  	v11 =	vor.u32 v11, v12  }
0x117: {  	v12 =	vperm.xlane v11, v8;
	_ =	sdelay $0x1  }
0x118: {  	v12 =	vadd.s32 v9, v12;
	_ =	sdelay $0x3  }
0x119: {  	v11 =	vperm.xlane v11, v10  }
0x11a: {  	[tilespmem:s10], [sflag:$0x1] =	stream.indirect_vreg.gather [hbm4b:s1+s5], $0x80, v12, vm0, $0xb8;
	[tilespmem:$0x18700] =	vst v63  }
0x11b: {  	v11 =	vadd.s32 v9, v11  }
0x11c: {  	[tilespmem:s21], [sflag:$0x1] =	stream.indirect_vreg.gather [hbm4b:s6+s5], $0x80, v12, vm0, $0xb8;
	[tilespmem:$0x18700] =	vst v63  }
0x11d: {  	_ = 	snop  }
0x11e: {  	[tilespmem:s22], [sflag:$0x1] =	stream.indirect_vreg.gather [hbm4b:s7+s5], $0x80, v12, vm0, $0xb8;
	[tilespmem:$0x18700] =	vst v63  }
0x11f: {  	_ = 	snop  }
0x120: {  	[tilespmem:s23], [sflag:$0x1] =	stream.indirect_vreg.gather [hbm4b:s1+s5], $0x80, v11, vm0, $0xb8;
	[tilespmem:$0x18700] =	vst v63  }
0x121: {  	_ = 	snop  }
0x122: {  	[tilespmem:s24], [sflag:$0x1] =	stream.indirect_vreg.gather [hbm4b:s6+s5], $0x80, v11, vm0, $0xb8;
	[tilespmem:$0x18700] =	vst v63  }
0x123: {  	_ = 	snop  }
0x124: {  	[tilespmem:s25], [sflag:$0x1] =	stream.indirect_vreg.gather [hbm4b:s7+s5], $0x80, v11, vm0, $0xb8;
	[tilespmem:$0x18700] =	vst v63  }
0x125: {  	v11 =	vld [tilespmem:$0x290];
	_ =	sdelay $0x4  }
0x126: {  	v61 =	vshrl.u32 v11, $0x3  }
0x127: {  	v12 =	vmul.u32 $0x30, v61  }
0x128: {  	v11 =	vand.u32 $0x7, v11  }
0x129: {  	v11 =	vor.u32 v11, v12  }
0x12a: {  	v12 =	vperm.xlane v11, v8;
	_ =	sdelay $0x1  }
0x12b: {  	v12 =	vadd.s32 v9, v12;
	_ =	sdelay $0x3  }
0x12c: {  	v11 =	vperm.xlane v11, v10  }
0x12d: {  	[tilespmem:s26], [sflag:$0x1] =	stream.indirect_vreg.gather [hbm4b:s1+s5], $0x80, v12, vm0, $0xb8;
	[tilespmem:$0x18700] =	vst v63  }
0x12e: {  	v11 =	vadd.s32 v9, v11  }
0x12f: {  	[tilespmem:s28], [sflag:$0x1] =	stream.indirect_vreg.gather [hbm4b:s6+s5], $0x80, v12, vm0, $0xb8;
	[tilespmem:$0x18700] =	vst v63  }
0x130: {  	_ = 	snop  }
0x131: {  	[tilespmem:s29], [sflag:$0x1] =	stream.indirect_vreg.gather [hbm4b:s7+s5], $0x80, v12, vm0, $0xb8;
	[tilespmem:$0x18700] =	vst v63  }
0x132: {  	_ = 	snop  }
0x133: {  	[tilespmem:s30], [sflag:$0x1] =	stream.indirect_vreg.gather [hbm4b:s1+s5], $0x80, v11, vm0, $0xb8;
	[tilespmem:$0x18700] =	vst v63  }
0x134: {  	_ = 	snop  }
0x135: {  	[tilespmem:s31], [sflag:$0x1] =	stream.indirect_vreg.gather [hbm4b:s6+s5], $0x80, v11, vm0, $0xb8;
	[tilespmem:$0x18700] =	vst v63  }
0x136: {  	s19 =	simm.s32 $0x5C00  }
0x137: {  	[tilespmem:s19], [sflag:$0x1] =	stream.indirect_vreg.gather [hbm4b:s7+s5], $0x80, v11, vm0, $0xb8;
	[tilespmem:$0x18700] =	vst v63  }
0x138: {  	v11 =	vld [tilespmem:$0x2A0];
	_ =	sdelay $0x4  }
0x139: {  	v62 =	vshrl.u32 v11, $0x3  }
0x13a: {  	v12 =	vmul.u32 $0x30, v62  }
0x13b: {  	v11 =	vand.u32 $0x7, v11  }
0x13c: {  	v11 =	vor.u32 v11, v12  }
0x13d: {  	v12 =	vperm.xlane v11, v8;
	_ =	sdelay $0x1  }
0x13e: {  	v12 =	vadd.s32 v9, v12;
	_ =	sdelay $0x3  }
0x13f: {  	v11 =	vperm.xlane v11, v10  }
0x140: {  	[tilespmem:s2], [sflag:$0x1] =	stream.indirect_vreg.gather [hbm4b:s1+s5], $0x80, v12, vm0, $0xb8;
	[tilespmem:$0x18700] =	vst v63  }
0x141: {  	v11 =	vadd.s32 v9, v11  }
0x142: {  	[tilespmem:s3], [sflag:$0x1] =	stream.indirect_vreg.gather [hbm4b:s6+s5], $0x80, v12, vm0, $0xb8;
	[tilespmem:$0x18700] =	vst v63  }
0x143: {  	_ = 	snop  }
0x144: {  	[tilespmem:s4], [sflag:$0x1] =	stream.indirect_vreg.gather [hbm4b:s7+s5], $0x80, v12, vm0, $0xb8;
	[tilespmem:$0x18700] =	vst v63  }
0x145: {  	_ = 	snop  }
0x146: {  	[tilespmem:s11], [sflag:$0x1] =	stream.indirect_vreg.gather [hbm4b:s1+s5], $0x80, v11, vm0, $0xb8;
	[tilespmem:$0x18700] =	vst v63  }
0x147: {  	_ = 	snop  }
0x148: {  	[tilespmem:s13], [sflag:$0x1] =	stream.indirect_vreg.gather [hbm4b:s6+s5], $0x80, v11, vm0, $0xb8;
	[tilespmem:$0x18700] =	vst v63  }
0x149: {  	_ = 	snop  }
0x14a: {  	[tilespmem:s15], [sflag:$0x1] =	stream.indirect_vreg.gather [hbm4b:s7+s5], $0x80, v11, vm0, $0xb8;
	[tilespmem:$0x18700] =	vst v63  }
0x14b: {  	v11 =	vld [tilespmem:$0x2B0];
	_ =	sdelay $0x4  }
0x14c: {  	v63 =	vshrl.u32 v11, $0x3  }
0x14d: {  	v12 =	vmul.u32 $0x30, v63  }
0x14e: {  	v11 =	vand.u32 $0x7, v11  }
0x14f: {  	v11 =	vor.u32 v11, v12  }
0x150: {  	v12 =	vperm.xlane v11, v8;
	_ =	sdelay $0x1  }
0x151: {  	v12 =	vadd.s32 v9, v12;
	_ =	sdelay $0x3  }
0x152: {  	v11 =	vperm.xlane v11, v10  }
0x153: {  	[tilespmem:s16], [sflag:$0x1] =	stream.indirect_vreg.gather [hbm4b:s1+s5], $0x80, v12, vm0, $0xb8;
	[tilespmem:$0x18700] =	vst v63  }
0x154: {  	v11 =	vadd.s32 v9, v11  }
0x155: {  	[tilespmem:s18], [sflag:$0x1] =	stream.indirect_vreg.gather [hbm4b:s6+s5], $0x80, v12, vm0, $0xb8;
	[tilespmem:$0x18700] =	vst v63  }
0x156: {  	_ = 	snop  }
0x157: {  	[tilespmem:s12], [sflag:$0x1] =	stream.indirect_vreg.gather [hbm4b:s7+s5], $0x80, v12, vm0, $0xb8;
	[tilespmem:$0x18700] =	vst v63  }
0x158: {  	_ = 	snop  }
0x159: {  	[tilespmem:s14], [sflag:$0x1] =	stream.indirect_vreg.gather [hbm4b:s1+s5], $0x80, v11, vm0, $0xb8;
	[tilespmem:$0x18700] =	vst v63  }
0x15a: {  	_ = 	snop  }
0x15b: {  	[tilespmem:s17], [sflag:$0x1] =	stream.indirect_vreg.gather [hbm4b:s6+s5], $0x80, v11, vm0, $0xb8;
	[tilespmem:$0x18700] =	vst v63  }
0x15c: {  	s19 =	simm.s32 $0xBC00;
	s2 =	simm.s32 $0x2  }
0x15d: {  	[tilespmem:s19], [sflag:$0x1] =	stream.indirect_vreg.gather [hbm4b:s7+s5], $0x80, v11, vm0, $0xb8;
	[tilespmem:$0x18700] =	vst v63  }
0x15e: {  	_ =	swait.ge [sflag:s2], $0xC000  }
0x15f: {  	[sflag:s2] =	ssyncset.done $0x0  }
0x160: {  	s19 =	rddreg [dreg:$0xe];
	[sflag:s2] =	ssyncadd.s32 $0xFFFF4000  }
0x161: {  	[hbm4b:s19+s5] =	stream.linear.scatter [tilespmem:s0], [sflag:$0x3], $0xC000, $0x38;
	[tilespmem:$0x18700] =	vst v63  }
0x162: {  	_ =	swait.ge [sflag:s9], $0xC000  }
0x163: {  	[sflag:s9] =	ssyncset.done $0x0  }
0x164: {  	[sflag:s9] =	ssyncadd.s32 $0xFFFF4000  }
0x165: {  	_ =	swait.ge [sflag:s20], $0xC000  }
0x166: {  	p0 =	sne.s32 s8, $0x1;
	[sflag:s20] =	ssyncset.done $0x0  }
.Ltmp0:
0x167: {  	s2 =	rddreg [dreg:$0xf];
	[sflag:s20] =	ssyncadd.s32 $0xFFFF4000;
	(pc) =	sbr.rel @p0 .LBB2_1-.Ltmp0, $4  }
0x168: {  	[hbm4b:s2+s5] =	stream.linear.scatter [tilespmem:s10], [sflag:$0x3], $0xC000, $0x38;
	[tilespmem:$0x18700] =	vst v63  }
0x169: {  	_ =	swait.ge [sflag:s9], $0xC000  }
0x16a: {  	[sflag:s9] =	ssyncset.done $0x0  }
0x16b: {  	s8 =	sadd.s32 $0xFFFFFFFF, s8;
	[sflag:s9] =	ssyncadd.s32 $0xFFFF4000  }
0x16c: {  	_ =	sfence.sel $0x180000  }
0x16d: {  	[bflag:$0x0] =	sbarrier.arrive $0xFFFF  }
0x16e: {  	_ =	strace $0x90000047  }
0x16f: {  	s0 =	stileid.u32;
	[bflag:$0x2] =	sbarrier.arrive $0xFFFF  }
0x170: {  	p0 =	sne.s32 s0, $0x0;
	s0 =	rddreg [dreg:$0x5]  }
0x171: {  	s0 =	sadd.s32 @!p0 $0x100000, s0  }
0x172: {  	[sflag:s0] =	ssyncadd.tile.s32 @!p0 $0x1;
	_ =	shalt  }
.Lfunc_end2:
_tile_overlayer_lowered:
.L_overlay_start_2:
0x173: {  	(tag) =	ssettag $0x2  }
0x174: {  	s0 =	rddreg [dreg:$0x0];
	s2 =	stileid.u32  }
0x175: {  	s1 =	rddreg [dreg:$0x1];
	p0 =	sne.s32 s2, $0x0  }
0x176: {  	s3 =	rddreg [dreg:$0x2];
	[bflag:$0x3] =	sbarrier.arrive $0xFFFF;
	s2 =	simm.s32 @!p0 $0x1C03  }
0x177: {  	[timem:s3], [sflag:s2] =	dma.local @!p0 [hbm:s0], s1  }
0x178: {  	s0 =	simm.s32 @!p0 $0x3  }
0x179: {  	_ =	swait.ge @!p0 [sflag:s0], s1  }
0x17a: {  	s1 =	ssub.s32 @!p0 $0x0, s1;
	[sflag:s0] =	ssyncset.done @!p0 $0x0  }
0x17b: {  	[sflag:s0] =	ssyncadd.s32 @!p0 s1  }
0x17c: {  	[bflag:$0x3] =	sbarrier.arrive $0xFFFF  }
0x17d: {  	_ =	shalt  }

// kernel: kernel.9.cloned.1.call-start
scs
__scs_entry_jumppad:
0x0: {  	(pc) =	sbr.rel $0x88, $3  }
0x1: {  	(tag) =	ssettag $0x0;
	lr =	simm.s32 $0x1  }
0x2: {  	[smem:$0x3F98] =	sst lr;
	_ =	strace $0xD0000000  }
0x3: {  	_ = 	snop  }
0x4: {  	_ = 	snop  }
0x5: {  	_ = 	snop  }
0x6: {  	_ = 	snop  }
0x7: {  	_ = 	snop  }
__scs_overlays_trampoline_lowered:
0x8: {  	[smem:$0x3FA7] =	sst s0  }
0x9: {  	[smem:$0x3FA8] =	sst s1  }
0xa: {  	[smem:$0x3FA9] =	sst s2  }
0xb: {  	[smem:$0x3FAA] =	sst s3  }
0xc: {  	[smem:$0x3FAB] =	sst s4  }
0xd: {  	[smem:$0x3FAC] =	sst s5  }
0xe: {  	[smem:$0x3FAD] =	sst s6  }
0xf: {  	[smem:$0x3FAE] =	sst s7  }
0x10: {  	[smem:$0x3FAF] =	sst s8  }
0x11: {  	[smem:$0x3FB0] =	sst s9;
	s0 =	simm.s32 @!p0 $0x0  }
0x12: {  	s1 =	sld [smem:$0x3F96];
	s0 =	simm.s32 @p0 $0x1  }
0x13: {  	[smem:$0x3FB1] =	sst s0;
	s0 =	simm.s32 @!p1 $0x0  }
0x14: {  	s2 =	sld [smem:$0x3F95];
	s0 =	simm.s32 @p1 $0x1  }
0x15: {  	[smem:$0x3FB2] =	sst s0;
	s0 =	simm.s32 @!p2 $0x0  }
0x16: {  	s3 =	sld [smem:$0x3FDB];
	s0 =	simm.s32 @p2 $0x1  }
0x17: {  	s4 =	simm.s32 $0x1BF5;
	[smem:$0x3FB4] =	sst s0  }
0x18: {  	s0 =	sld [smem:$0x3F97];
	_ =	swait.ge [sflag:s4], $0x0  }
0x19: {  	s7 =	sld [smem:$0x3F98]  }
0x1a: {  	s8 =	sadd.s32 $0xFFFFE003, lr  }
0x1b: {  	s9 =	sadd.s32 $0xFFFFFEF7, lr;
	s5 =	simm.s32 $0xFFFFFFFF;
	p2 =	slt.u32 s8, $0xFFFFF086  }
0x1c: {  	p1 =	slt.u32 s9, $0xF7A;
	s5 =	simm.s32 @!p2 $0x0  }
0x1d: {  	s5 =	simm.s32 @p1 $0x1;
	p0 =	seq.s32 s7, s2  }
0x1e: {  	s7 =	smul.u32 @!p0 $0xF7A, s2;
	p2 =	seq.s32 @!p0 s5, $0x0  }
0x1f: {  	s9 =	smul.u32 $0xF7A, s1;
	s8 =	simm.s32 @!p0 $0x1BF5;
	p2 =	por !p2, p0  }
0x20: {  	[sflag:s8] =	ssyncset.s32 @!p0 $0xFFFFF086;
	s6 =	sadd.s32 @!p0 s3, s7;
	s7 =	simm.s32 @!p0 $0x108  }
0x21: {  	s3 =	sadd.s32 s3, s9;
	s6 =	sadd.s32 @!p0 $0x88, s6;
	s7 =	simm.s32 @p2 $0x1082  }
0x22: {  	[simem:s7], [sflag:s8] =	dma.local @!p0 [hbm:s6], $0xF7A  }
0x23: {  	s9 =	sor.u32 $0xD0000000, s2;
	s6 =	simm.s32 $0x108;
	_ =	swait.ge @!p0 [sflag:s8], $0x0  }
0x24: {  	s3 =	sadd.s32 $0x88, s3;
	s6 =	simm.s32 @!p1 $0x1082;
	[sflag:s4] =	ssyncset.s32 $0xFFFFF086  }
0x25: {  	[simem:s6], [sflag:s4] =	dma.local [hbm:s3], $0xF7A  }
0x26: {  	[smem:$0x3F98] =	sst s1;
	(tag) =	ssettag s2;
	_ =	strace s9  }
0x27: {  	s1 =	sld [smem:$0x3FA8]  }
0x28: {  	s2 =	sld [smem:$0x3FA9]  }
0x29: {  	s4 =	sld [smem:$0x3FAB]  }
0x2a: {  	p0 =	seq.s32 s5, $0x0;
	s5 =	sld [smem:$0x3FAC]  }
0x2b: {  	s6 =	sld [smem:$0x3FAD]  }
0x2c: {  	s7 =	sld [smem:$0x3FAE]  }
0x2d: {  	s3 =	simm.s32 $0x108;
	s8 =	sld [smem:$0x3FAF]  }
0x2e: {  	s3 =	simm.s32 @!p0 $0x1082;
	s9 =	sld [smem:$0x3FB0]  }
0x2f: {  	lr =	sadd.s32 s0, s3;
	s0 =	sld [smem:$0x3FA7]  }
0x30: {  	s3 =	sld [smem:$0x3FAA]  }
0x31: {  	[smem:$0x3FB3] =	sst s10  }
0x32: {  	s10 =	sld [smem:$0x3FB1];
	_ =	sdelay $0x3  }
0x33: {  	p0 =	seq.s32 s10, $0x1;
	s10 =	sld [smem:$0x3FB3];
	_ =	sdelay $0x3  }
0x34: {  	[smem:$0x3FB3] =	sst s10  }
0x35: {  	s10 =	sld [smem:$0x3FB2];
	_ =	sdelay $0x3  }
0x36: {  	p1 =	seq.s32 s10, $0x1;
	s10 =	sld [smem:$0x3FB3];
	_ =	sdelay $0x3  }
0x37: {  	[smem:$0x3FB3] =	sst s10  }
0x38: {  	s10 =	sld [smem:$0x3FB4]  }
0x39: {  	_ = 	snop;
	(pc) =	sbr.ind lr, $3  }
0x3a: {  	_ = 	snop  }
0x3b: {  	_ = 	snop  }
0x3c: {  	p2 =	seq.s32 s10, $0x1;
	s10 =	sld [smem:$0x3FB3]  }
0x3d: {  	_ =	shalt  }
0x3e: {  	_ =	shalt  }
0x3f: {  	_ =	shalt  }
0x40: {  	_ =	shalt  }
0x41: {  	_ =	shalt  }
0x42: {  	_ =	shalt  }
0x43: {  	_ =	shalt  }
0x44: {  	_ =	shalt  }
0x45: {  	_ =	shalt  }
0x46: {  	_ =	shalt  }
0x47: {  	_ =	shalt  }
0x48: {  	_ =	shalt  }
0x49: {  	_ =	shalt  }
0x4a: {  	_ =	shalt  }
0x4b: {  	_ =	shalt  }
0x4c: {  	_ =	shalt  }
0x4d: {  	_ =	shalt  }
0x4e: {  	_ =	shalt  }
0x4f: {  	_ =	shalt  }
0x50: {  	_ =	shalt  }
0x51: {  	_ =	shalt  }
0x52: {  	_ =	shalt  }
0x53: {  	_ =	shalt  }
0x54: {  	_ =	shalt  }
0x55: {  	_ =	shalt  }
0x56: {  	_ =	shalt  }
0x57: {  	_ =	shalt  }
0x58: {  	_ =	shalt  }
0x59: {  	_ =	shalt  }
0x5a: {  	_ =	shalt  }
0x5b: {  	_ =	shalt  }
0x5c: {  	_ =	shalt  }
0x5d: {  	_ =	shalt  }
0x5e: {  	_ =	shalt  }
0x5f: {  	_ =	shalt  }
0x60: {  	_ =	shalt  }
0x61: {  	_ =	shalt  }
0x62: {  	_ =	shalt  }
0x63: {  	_ =	shalt  }
0x64: {  	_ =	shalt  }
0x65: {  	_ =	shalt  }
0x66: {  	_ =	shalt  }
0x67: {  	_ =	shalt  }
0x68: {  	_ =	shalt  }
0x69: {  	_ =	shalt  }
0x6a: {  	_ =	shalt  }
0x6b: {  	_ =	shalt  }
0x6c: {  	_ =	shalt  }
0x6d: {  	_ =	shalt  }
0x6e: {  	_ =	shalt  }
0x6f: {  	_ =	shalt  }
0x70: {  	_ =	shalt  }
0x71: {  	_ =	shalt  }
0x72: {  	_ =	shalt  }
0x73: {  	_ =	shalt  }
0x74: {  	_ =	shalt  }
0x75: {  	_ =	shalt  }
0x76: {  	_ =	shalt  }
0x77: {  	_ =	shalt  }
0x78: {  	_ =	shalt  }
0x79: {  	_ =	shalt  }
0x7a: {  	_ =	shalt  }
0x7b: {  	_ =	shalt  }
0x7c: {  	_ =	shalt  }
0x7d: {  	_ =	shalt  }
0x7e: {  	_ =	shalt  }
0x7f: {  	_ =	shalt  }
0x80: {  	_ =	shalt  }
0x81: {  	_ =	shalt  }
0x82: {  	_ =	shalt  }
0x83: {  	_ =	shalt  }
0x84: {  	_ =	shalt  }
0x85: {  	_ =	shalt  }
0x86: {  	_ =	shalt  }
0x87: {  	_ =	shalt  }
.Lfunc_end0:
.L_simem_size_0:
called_computation.1_lowered:
.L_overlay_start_0:
0x88: {  	s2 =	sld [smem:$0x3FD9]  }
0x89: {  	s3 =	sld [smem:$0x3FFE];
	_ =	sdelay $0x1  }
0x8a: {  	s1 =	srdreg.scid  }
0x8b: {  	s0 =	sand.u32 $0x1, s1  }
0x8c: {  	s17 =	sshll.u32 s0, $0xA;
	s2 =	sadd.s32 s3, s2  }
0x8d: {  	s2 =	sadd.s32 s2, s17  }
0x8e: {  	[smem:$0x3FBF] =	sst s2  }
0x8f: {  	_ = 	snop  }
0x90: {  	s2 =	sld [smem:$0x3FD0];
	(tm) =	ssettm $0x1  }
0x91: {  	s18 =	sld [smem:$0x3FFB];
	_ =	sdelay $0x3  }
0x92: {  	_ =	strace s18  }
0x93: {  	s3 =	sld [smem:$0x3FFC];
	_ =	sdelay $0x3  }
0x94: {  	_ =	strace s3  }
0x95: {  	s3 =	sld [smem:$0x3FFD];
	_ =	sdelay $0x3  }
0x96: {  	_ =	strace s3  }
0x97: {  	_ =	strace $0x8FFFFFFF  }
0x98: {  	s19 =	sld [smem:$0x3FDB];
	_ =	sdelay $0x1  }
0x99: {  	s4 =	simm.s32 $_scs_section_size  }
0x9a: {  	s5 =	simm.s32 $_size__tile_overlayer_lowered;
	s6 =	simm.s32 $_tile_overlayer_lowered  }
0x9b: {  	s22 =	simm.s32 $0x1BFF;
	s21 =	sshll.u32 s6, $0x1;
	s3 =	sadd.s32 s4, s19  }
0x9c: {  	s7 =	simm.s32 $0x0;
	s20 =	sshll.u32 s5, $0x1;
	s5 =	sadd.s32 s21, s3  }
0x9d: {  	[timem:s7], [sflag:s22] =	dma.local [hbm:s5], s20  }
0x9e: {  	_ =	swait.ge [sflag:s22], s20  }
0x9f: {  	s4 =	ssub.s32 $0x0, s20;
	[sflag:s22] =	ssyncset.done $0x0  }
0xa0: {  	[sflag:s22] =	ssyncadd.s32 s4;
	_ =	sdelay $0x1  }
0xa1: {  	s23 =	simm.s32 $0x1B8B  }
0xa2: {  	_ =	swait.ge [sflag:s23], $0x1  }
0xa3: {  	[sflag:s23] =	ssyncset.done $0x0  }
0xa4: {  	s25 =	simm.s32 $0x1B8E;
	s24 =	sld [smem:$0x3FFE];
	[sflag:s23] =	ssyncadd.s32 $0xFFFFFFFF  }
0xa5: {  	s26 =	simm.s32 $execute0_lowered;
	[smem:$0x3FD2] =	sst s25  }
0xa6: {  	s5 =	sshll.u32 s26, $0x1;
	_ =	strace $0x80000049;
	[dreg:$0x1] =	wrdreg $0xFFFFFFFF  }
0xa7: {  	s28 =	simm.s32 $_size_execute0_lowered;
	s3 =	sadd.s32 s3, s5;
	[dreg:$0x0] =	wrdreg $0x0  }
0xa8: {  	s5 =	sshll.u32 s28, $0x1;
	[dreg:$0x2] =	wrdreg s3  }
0xa9: {  	[dreg:$0x3] =	wrdreg s5  }
0xaa: {  	[dreg:$0x4] =	wrdreg $0xC0  }
0xab: {  	_ =	task [dreg:s7], $0x5FFFF  }
0xac: {  	[dreg:$0x1] =	wrdreg $0xFFFFFFFF  }
0xad: {  	[dreg:$0x0] =	wrdreg $0x60  }
0xae: {  	[dreg:$0x2] =	wrdreg s24  }
0xaf: {  	[dreg:$0x3] =	wrdreg s2  }
0xb0: {  	[dreg:$0x4] =	wrdreg $0x9  }
0xb1: {  	_ =	task.clear_ibuf [dreg:s7], $0x5FFFF;
	_ =	strace $0x90000049  }
0xb2: {  	s29 =	simm.s32 $0x9;
	_ =	strace $0x8000004B  }
0xb3: {  	_ =	swait.ge [sflag:s29], $0x1  }
0xb4: {  	[sflag:s29] =	ssyncadd.s32 $0xFFFFFFFF  }
0xb5: {  	_ =	strace $0x9000004B  }
0xb6: {  	_ =	sfence  }
0xb7: {  	s30 =	sld [smem:$0x0];
	_ =	sdelay $0x2  }
0xb8: {  	s31 =	sshll.u32 s1, $0xD;
	s1 =	sshrl.u32 s1, $0x2  }
0xb9: {  	s3 =	sand.u32 $0x4000, s31;
	s1 =	sadd.s32 s1, s30  }
0xba: {  	s0 =	sor.u32 s3, s0;
	s1 =	sshll.u32 s1, $0x11  }
0xbb: {  	s0 =	sor.u32 s1, s0  }
0xbc: {  	s0 =	sadd.s32 $0x8F2B, s0  }
0xbd: {  	[sflag:s0] =	ssyncadd.remote.s32 $0x1  }
0xbe: {  	_ =	sfence.sel $0xFFFF  }
0xbf: {  	[dreg:$0x0] =	wrdreg $0xFFFFFFFF;
	(pc) =	sbr.abs _section_cstart, $3  }
0xc0: {  	[dreg:$0x1] =	wrdreg $0xFFFFFFFF  }
0xc1: {  	_ =	task.clear_ibuf [dreg:s7], $0x2FFFF;
	_ =	strace $0x9FFFFFFF  }
0xc2: {  	(tm) =	ssettm $0x7FFFFFFF  }
0xc3: {  	_ =	shalt  }
tec
execute0_lowered:
.L_overlay_start_1:
0x0: {  	(tag) =	ssettag $0x1  }
0x1: {  	s0 =	rddreg [dreg:$0x0]  }
0x2: {  	s1 =	rddreg [dreg:$0x1]  }
0x3: {  	s2 =	simm.s32 $0x0;
	s3 =	srdreg.scid;
	s5 =	stileid.u32  }
0x4: {  	s10 =	simm.s32 $0x3;
	s18 =	simm.s32 $0x100;
	s21 =	simm.s32 $0xF100  }
0x5: {  	s22 =	simm.s32 $0xF900;
	s23 =	simm.s32 $0x10100;
	s28 =	simm.s32 $0x12100  }
0x6: {  	s29 =	simm.s32 $0x12900;
	s30 =	simm.s32 $0x13100;
	s31 =	simm.s32 $0x13900  }
0x7: {  	s11 =	simm.s32 $0x15100;
	s13 =	simm.s32 $0x15900;
	s14 =	simm.s32 $0x16100  }
0x8: {  	s12 =	simm.s32 $0x16900;
	s8 =	simm.s32 $0x1;
	s9 =	simm.s32 $0x2  }
0x9: {  	s15 =	simm.s32 $0x0;
	[smem:$0x7FF] =	sst s2;
	s4 =	sand.u32 $0x1, s3  }
0xa: {  	s5 =	sshll.u32 s5, $0x4;
	s3 =	sadd.s32 $0x600, s0;
	s6 =	sshll.u32 s4, $0x3  }
0xb: {  	_ =	strace $0x8000004A;
	s4 =	ssub.s32 $0x2, s4;
	s5 =	sor.u32 s6, s5  }
0xc: {  	s7 =	sshrl.u32 s4, $0x1;
	s6 =	sadd.s32 s5, s0;
	s5 =	smul.u32 $0x300, s5  }
0xd: {  	s4 =	ssub.s32 s4, s7;
	s7 =	sadd.s32 $0x800, s0;
	s24 =	sadd.s32 $0x200, s6  }
0xe: {  	s6 =	sadd.s32 $0x400, s6;
	s26 =	smax.u32 s4, $0x1;
	[dreg:$0x3] =	wrdreg s24  }
0xf: {  	s4 =	simm.s32 $0x17100;
	[dreg:$0x4] =	wrdreg s6;
	s6 =	sadd.s32 $0x700, s0  }
0x10: {  	v2 =	vlaneseq.u32;
	s25 =	sadd.s32 s1, s5;
	[dreg:$0x6] =	wrdreg s26;
	s24 =	simm.s32 $0x10900  }
0x11: {  	vm0 =	vmmov $0xffff;
	v1 =	vshrl.u32 v2, $0x3;
	s26 =	simm.s32 $0x11900;
	s0 =	simm.s32 $0x14100;
	s1 =	simm.s32 $0x14900  }
0x12: {  	v0 =	vand.u32 $0x7, v2;
	v2 =	vor.u32 $0x8, v2;
	v1 =	vmul.u32 $0x8, v1;
	s5 =	simm.s32 $0x17900;
	[dreg:$0x5] =	wrdreg s25;
	s25 =	simm.s32 $0x11100  }
.LBB2_1:
0x13: {  	s16 =	rddreg [dreg:$0x3]  }
0x14: {  	[tilespmem:s2], [sflag:$0x3] =	stream.linear.gather [hbm4b:s16+s2], $0x40, $0x38;
	[tilespmem:$0x18100] =	vst v63  }
0x15: {  	_ =	swait.ge [sflag:s10], $0x40  }
0x16: {  	[sflag:s10] =	ssyncset.done $0x0  }
0x17: {  	s17 =	simm.s32 $0x80;
	s20 =	rddreg [dreg:$0x4];
	[sflag:s10] =	ssyncadd.s32 $0xFFFFFFC0  }
0x18: {  	[tilespmem:s17], [sflag:$0x3] =	stream.linear.gather [hbm4b:s20+s2], $0x40, $0x38;
	[tilespmem:$0x18100] =	vst v63  }
0x19: {  	_ =	swait.ge [sflag:s10], $0x40  }
0x1a: {  	[sflag:s10] =	ssyncset.done $0x0  }
0x1b: {  	[sflag:s10] =	ssyncadd.s32 $0xFFFFFFC0  }
0x1c: {  	v3 =	vld [tilespmem:$0x0];
	_ =	sdelay $0x4  }
0x1d: {  	v4 =	vshrl.u32 v3, $0x3  }
0x1e: {  	v4 =	vmul.u32 $0x30, v4  }
0x1f: {  	v3 =	vand.u32 $0x7, v3  }
0x20: {  	v3 =	vor.u32 v3, v4  }
0x21: {  	v4 =	vperm.xlane v3, v0;
	_ =	sdelay $0x1  }
0x22: {  	v4 =	vadd.s32 v1, v4;
	_ =	sdelay $0x3  }
0x23: {  	v3 =	vperm.xlane v3, v2  }
0x24: {  	[tilespmem:s18], [sflag:$0x1] =	stream.indirect_vreg.gather [hbm4b:s3+s2], $0x80, v4, vm0, $0xb8;
	[tilespmem:$0x18100] =	vst v63  }
0x25: {  	v3 =	vadd.s32 v1, v3;
	s18 =	simm.s32 $0x900  }
0x26: {  	[tilespmem:s18], [sflag:$0x1] =	stream.indirect_vreg.gather [hbm4b:s6+s2], $0x80, v4, vm0, $0xb8;
	[tilespmem:$0x18100] =	vst v63  }
0x27: {  	s19 =	simm.s32 $0x1100  }
0x28: {  	[tilespmem:s19], [sflag:$0x1] =	stream.indirect_vreg.gather [hbm4b:s7+s2], $0x80, v4, vm0, $0xb8;
	[tilespmem:$0x18100] =	vst v63  }
0x29: {  	s20 =	simm.s32 $0x1900  }
0x2a: {  	[tilespmem:s20], [sflag:$0x1] =	stream.indirect_vreg.gather [hbm4b:s3+s2], $0x80, v3, vm0, $0xb8;
	[tilespmem:$0x18100] =	vst v63  }
0x2b: {  	s17 =	simm.s32 $0x2100  }
0x2c: {  	[tilespmem:s17], [sflag:$0x1] =	stream.indirect_vreg.gather [hbm4b:s6+s2], $0x80, v3, vm0, $0xb8;
	[tilespmem:$0x18100] =	vst v63  }
0x2d: {  	s18 =	simm.s32 $0x2900  }
0x2e: {  	[tilespmem:s18], [sflag:$0x1] =	stream.indirect_vreg.gather [hbm4b:s7+s2], $0x80, v3, vm0, $0xb8;
	[tilespmem:$0x18100] =	vst v63  }
0x2f: {  	v3 =	vld [tilespmem:$0x10];
	_ =	sdelay $0x4  }
0x30: {  	v4 =	vshrl.u32 v3, $0x3  }
0x31: {  	v4 =	vmul.u32 $0x30, v4  }
0x32: {  	v3 =	vand.u32 $0x7, v3  }
0x33: {  	v3 =	vor.u32 v3, v4  }
0x34: {  	v4 =	vperm.xlane v3, v0;
	_ =	sdelay $0x1  }
0x35: {  	v4 =	vadd.s32 v1, v4;
	_ =	sdelay $0x3  }
0x36: {  	s19 =	simm.s32 $0x3100;
	v3 =	vperm.xlane v3, v2  }
0x37: {  	[tilespmem:s19], [sflag:$0x1] =	stream.indirect_vreg.gather [hbm4b:s3+s2], $0x80, v4, vm0, $0xb8;
	[tilespmem:$0x18100] =	vst v63  }
0x38: {  	s20 =	simm.s32 $0x3900;
	v3 =	vadd.s32 v1, v3  }
0x39: {  	[tilespmem:s20], [sflag:$0x1] =	stream.indirect_vreg.gather [hbm4b:s6+s2], $0x80, v4, vm0, $0xb8;
	[tilespmem:$0x18100] =	vst v63  }
0x3a: {  	s17 =	simm.s32 $0x4100  }
0x3b: {  	[tilespmem:s17], [sflag:$0x1] =	stream.indirect_vreg.gather [hbm4b:s7+s2], $0x80, v4, vm0, $0xb8;
	[tilespmem:$0x18100] =	vst v63  }
0x3c: {  	s18 =	simm.s32 $0x4900  }
0x3d: {  	[tilespmem:s18], [sflag:$0x1] =	stream.indirect_vreg.gather [hbm4b:s3+s2], $0x80, v3, vm0, $0xb8;
	[tilespmem:$0x18100] =	vst v63  }
0x3e: {  	s19 =	simm.s32 $0x5100  }
0x3f: {  	[tilespmem:s19], [sflag:$0x1] =	stream.indirect_vreg.gather [hbm4b:s6+s2], $0x80, v3, vm0, $0xb8;
	[tilespmem:$0x18100] =	vst v63  }
0x40: {  	s20 =	simm.s32 $0x5900  }
0x41: {  	[tilespmem:s20], [sflag:$0x1] =	stream.indirect_vreg.gather [hbm4b:s7+s2], $0x80, v3, vm0, $0xb8;
	[tilespmem:$0x18100] =	vst v63  }
0x42: {  	v3 =	vld [tilespmem:$0x20];
	_ =	sdelay $0x4  }
0x43: {  	v4 =	vshrl.u32 v3, $0x3  }
0x44: {  	v4 =	vmul.u32 $0x30, v4  }
0x45: {  	v3 =	vand.u32 $0x7, v3  }
0x46: {  	v3 =	vor.u32 v3, v4  }
0x47: {  	v4 =	vperm.xlane v3, v0;
	_ =	sdelay $0x1  }
0x48: {  	v4 =	vadd.s32 v1, v4;
	_ =	sdelay $0x3  }
0x49: {  	s17 =	simm.s32 $0x6100;
	v3 =	vperm.xlane v3, v2  }
0x4a: {  	[tilespmem:s17], [sflag:$0x1] =	stream.indirect_vreg.gather [hbm4b:s3+s2], $0x80, v4, vm0, $0xb8;
	[tilespmem:$0x18100] =	vst v63  }
0x4b: {  	s18 =	simm.s32 $0x6900;
	v3 =	vadd.s32 v1, v3  }
0x4c: {  	[tilespmem:s18], [sflag:$0x1] =	stream.indirect_vreg.gather [hbm4b:s6+s2], $0x80, v4, vm0, $0xb8;
	[tilespmem:$0x18100] =	vst v63  }
0x4d: {  	s19 =	simm.s32 $0x7100  }
0x4e: {  	[tilespmem:s19], [sflag:$0x1] =	stream.indirect_vreg.gather [hbm4b:s7+s2], $0x80, v4, vm0, $0xb8;
	[tilespmem:$0x18100] =	vst v63  }
0x4f: {  	s20 =	simm.s32 $0x7900  }
0x50: {  	[tilespmem:s20], [sflag:$0x1] =	stream.indirect_vreg.gather [hbm4b:s3+s2], $0x80, v3, vm0, $0xb8;
	[tilespmem:$0x18100] =	vst v63  }
0x51: {  	s17 =	simm.s32 $0x8100  }
0x52: {  	[tilespmem:s17], [sflag:$0x1] =	stream.indirect_vreg.gather [hbm4b:s6+s2], $0x80, v3, vm0, $0xb8;
	[tilespmem:$0x18100] =	vst v63  }
0x53: {  	s18 =	simm.s32 $0x8900  }
0x54: {  	[tilespmem:s18], [sflag:$0x1] =	stream.indirect_vreg.gather [hbm4b:s7+s2], $0x80, v3, vm0, $0xb8;
	[tilespmem:$0x18100] =	vst v63  }
0x55: {  	v3 =	vld [tilespmem:$0x30];
	_ =	sdelay $0x4  }
0x56: {  	v4 =	vshrl.u32 v3, $0x3  }
0x57: {  	v4 =	vmul.u32 $0x30, v4  }
0x58: {  	v3 =	vand.u32 $0x7, v3  }
0x59: {  	v3 =	vor.u32 v3, v4  }
0x5a: {  	v4 =	vperm.xlane v3, v0;
	_ =	sdelay $0x1  }
0x5b: {  	v4 =	vadd.s32 v1, v4;
	_ =	sdelay $0x3  }
0x5c: {  	s19 =	simm.s32 $0x9100;
	v3 =	vperm.xlane v3, v2  }
0x5d: {  	[tilespmem:s19], [sflag:$0x1] =	stream.indirect_vreg.gather [hbm4b:s3+s2], $0x80, v4, vm0, $0xb8;
	[tilespmem:$0x18100] =	vst v63  }
0x5e: {  	s20 =	simm.s32 $0x9900;
	v3 =	vadd.s32 v1, v3  }
0x5f: {  	[tilespmem:s20], [sflag:$0x1] =	stream.indirect_vreg.gather [hbm4b:s6+s2], $0x80, v4, vm0, $0xb8;
	[tilespmem:$0x18100] =	vst v63  }
0x60: {  	s17 =	simm.s32 $0xA100  }
0x61: {  	[tilespmem:s17], [sflag:$0x1] =	stream.indirect_vreg.gather [hbm4b:s7+s2], $0x80, v4, vm0, $0xb8;
	[tilespmem:$0x18100] =	vst v63  }
0x62: {  	s18 =	simm.s32 $0xA900  }
0x63: {  	[tilespmem:s18], [sflag:$0x1] =	stream.indirect_vreg.gather [hbm4b:s3+s2], $0x80, v3, vm0, $0xb8;
	[tilespmem:$0x18100] =	vst v63  }
0x64: {  	s19 =	simm.s32 $0xB100  }
0x65: {  	[tilespmem:s19], [sflag:$0x1] =	stream.indirect_vreg.gather [hbm4b:s6+s2], $0x80, v3, vm0, $0xb8;
	[tilespmem:$0x18100] =	vst v63  }
0x66: {  	s20 =	simm.s32 $0xB900  }
0x67: {  	[tilespmem:s20], [sflag:$0x1] =	stream.indirect_vreg.gather [hbm4b:s7+s2], $0x80, v3, vm0, $0xb8;
	[tilespmem:$0x18100] =	vst v63  }
0x68: {  	v3 =	vld [tilespmem:$0x80];
	_ =	sdelay $0x4  }
0x69: {  	v4 =	vshrl.u32 v3, $0x3  }
0x6a: {  	v4 =	vmul.u32 $0x30, v4  }
0x6b: {  	v3 =	vand.u32 $0x7, v3  }
0x6c: {  	v3 =	vor.u32 v3, v4  }
0x6d: {  	v4 =	vperm.xlane v3, v0;
	_ =	sdelay $0x1  }
0x6e: {  	v4 =	vadd.s32 v1, v4;
	_ =	sdelay $0x3  }
0x6f: {  	s17 =	simm.s32 $0xC100;
	v3 =	vperm.xlane v3, v2  }
0x70: {  	[tilespmem:s17], [sflag:$0x2] =	stream.indirect_vreg.gather [hbm4b:s3+s2], $0x80, v4, vm0, $0xb8;
	[tilespmem:$0x18100] =	vst v63  }
0x71: {  	s18 =	simm.s32 $0xC900;
	v3 =	vadd.s32 v1, v3  }
0x72: {  	[tilespmem:s18], [sflag:$0x2] =	stream.indirect_vreg.gather [hbm4b:s6+s2], $0x80, v4, vm0, $0xb8;
	[tilespmem:$0x18100] =	vst v63  }
0x73: {  	s19 =	simm.s32 $0xD100  }
0x74: {  	[tilespmem:s19], [sflag:$0x2] =	stream.indirect_vreg.gather [hbm4b:s7+s2], $0x80, v4, vm0, $0xb8;
	[tilespmem:$0x18100] =	vst v63  }
0x75: {  	s20 =	simm.s32 $0xD900  }
0x76: {  	[tilespmem:s20], [sflag:$0x2] =	stream.indirect_vreg.gather [hbm4b:s3+s2], $0x80, v3, vm0, $0xb8;
	[tilespmem:$0x18100] =	vst v63  }
0x77: {  	s17 =	simm.s32 $0xE100  }
0x78: {  	[tilespmem:s17], [sflag:$0x2] =	stream.indirect_vreg.gather [hbm4b:s6+s2], $0x80, v3, vm0, $0xb8;
	[tilespmem:$0x18100] =	vst v63  }
0x79: {  	s18 =	simm.s32 $0xE900  }
0x7a: {  	[tilespmem:s18], [sflag:$0x2] =	stream.indirect_vreg.gather [hbm4b:s7+s2], $0x80, v3, vm0, $0xb8;
	[tilespmem:$0x18100] =	vst v63  }
0x7b: {  	v3 =	vld [tilespmem:$0x90];
	_ =	sdelay $0x4  }
0x7c: {  	v4 =	vshrl.u32 v3, $0x3  }
0x7d: {  	v4 =	vmul.u32 $0x30, v4  }
0x7e: {  	v3 =	vand.u32 $0x7, v3  }
0x7f: {  	v3 =	vor.u32 v3, v4  }
0x80: {  	v4 =	vperm.xlane v3, v0;
	_ =	sdelay $0x1  }
0x81: {  	v4 =	vadd.s32 v1, v4;
	_ =	sdelay $0x3  }
0x82: {  	v3 =	vperm.xlane v3, v2  }
0x83: {  	[tilespmem:s21], [sflag:$0x2] =	stream.indirect_vreg.gather [hbm4b:s3+s2], $0x80, v4, vm0, $0xb8;
	[tilespmem:$0x18100] =	vst v63  }
0x84: {  	v3 =	vadd.s32 v1, v3  }
0x85: {  	[tilespmem:s22], [sflag:$0x2] =	stream.indirect_vreg.gather [hbm4b:s6+s2], $0x80, v4, vm0, $0xb8;
	[tilespmem:$0x18100] =	vst v63  }
0x86: {  	_ = 	snop  }
0x87: {  	[tilespmem:s23], [sflag:$0x2] =	stream.indirect_vreg.gather [hbm4b:s7+s2], $0x80, v4, vm0, $0xb8;
	[tilespmem:$0x18100] =	vst v63  }
0x88: {  	_ = 	snop  }
0x89: {  	[tilespmem:s24], [sflag:$0x2] =	stream.indirect_vreg.gather [hbm4b:s3+s2], $0x80, v3, vm0, $0xb8;
	[tilespmem:$0x18100] =	vst v63  }
0x8a: {  	_ = 	snop  }
0x8b: {  	[tilespmem:s25], [sflag:$0x2] =	stream.indirect_vreg.gather [hbm4b:s6+s2], $0x80, v3, vm0, $0xb8;
	[tilespmem:$0x18100] =	vst v63  }
0x8c: {  	_ = 	snop  }
0x8d: {  	[tilespmem:s26], [sflag:$0x2] =	stream.indirect_vreg.gather [hbm4b:s7+s2], $0x80, v3, vm0, $0xb8;
	[tilespmem:$0x18100] =	vst v63  }
0x8e: {  	v3 =	vld [tilespmem:$0xA0];
	_ =	sdelay $0x4  }
0x8f: {  	v4 =	vshrl.u32 v3, $0x3  }
0x90: {  	v4 =	vmul.u32 $0x30, v4  }
0x91: {  	v3 =	vand.u32 $0x7, v3  }
0x92: {  	v3 =	vor.u32 v3, v4  }
0x93: {  	v4 =	vperm.xlane v3, v0;
	_ =	sdelay $0x1  }
0x94: {  	v4 =	vadd.s32 v1, v4;
	_ =	sdelay $0x3  }
0x95: {  	v3 =	vperm.xlane v3, v2  }
0x96: {  	[tilespmem:s28], [sflag:$0x2] =	stream.indirect_vreg.gather [hbm4b:s3+s2], $0x80, v4, vm0, $0xb8;
	[tilespmem:$0x18100] =	vst v63  }
0x97: {  	v3 =	vadd.s32 v1, v3  }
0x98: {  	[tilespmem:s29], [sflag:$0x2] =	stream.indirect_vreg.gather [hbm4b:s6+s2], $0x80, v4, vm0, $0xb8;
	[tilespmem:$0x18100] =	vst v63  }
0x99: {  	_ = 	snop  }
0x9a: {  	[tilespmem:s30], [sflag:$0x2] =	stream.indirect_vreg.gather [hbm4b:s7+s2], $0x80, v4, vm0, $0xb8;
	[tilespmem:$0x18100] =	vst v63  }
0x9b: {  	_ = 	snop  }
0x9c: {  	[tilespmem:s31], [sflag:$0x2] =	stream.indirect_vreg.gather [hbm4b:s3+s2], $0x80, v3, vm0, $0xb8;
	[tilespmem:$0x18100] =	vst v63  }
0x9d: {  	_ = 	snop  }
0x9e: {  	[tilespmem:s0], [sflag:$0x2] =	stream.indirect_vreg.gather [hbm4b:s6+s2], $0x80, v3, vm0, $0xb8;
	[tilespmem:$0x18100] =	vst v63  }
0x9f: {  	_ = 	snop  }
0xa0: {  	[tilespmem:s1], [sflag:$0x2] =	stream.indirect_vreg.gather [hbm4b:s7+s2], $0x80, v3, vm0, $0xb8;
	[tilespmem:$0x18100] =	vst v63  }
0xa1: {  	v3 =	vld [tilespmem:$0xB0];
	_ =	sdelay $0x4  }
0xa2: {  	v4 =	vshrl.u32 v3, $0x3  }
0xa3: {  	v4 =	vmul.u32 $0x30, v4  }
0xa4: {  	v3 =	vand.u32 $0x7, v3  }
0xa5: {  	v3 =	vor.u32 v3, v4  }
0xa6: {  	v4 =	vperm.xlane v3, v0;
	_ =	sdelay $0x1  }
0xa7: {  	v4 =	vadd.s32 v1, v4;
	_ =	sdelay $0x3  }
0xa8: {  	v3 =	vperm.xlane v3, v2  }
0xa9: {  	[tilespmem:s11], [sflag:$0x2] =	stream.indirect_vreg.gather [hbm4b:s3+s2], $0x80, v4, vm0, $0xb8;
	[tilespmem:$0x18100] =	vst v63  }
0xaa: {  	v3 =	vadd.s32 v1, v3  }
0xab: {  	[tilespmem:s13], [sflag:$0x2] =	stream.indirect_vreg.gather [hbm4b:s6+s2], $0x80, v4, vm0, $0xb8;
	[tilespmem:$0x18100] =	vst v63  }
0xac: {  	_ = 	snop  }
0xad: {  	[tilespmem:s14], [sflag:$0x2] =	stream.indirect_vreg.gather [hbm4b:s7+s2], $0x80, v4, vm0, $0xb8;
	[tilespmem:$0x18100] =	vst v63  }
0xae: {  	_ = 	snop  }
0xaf: {  	[tilespmem:s12], [sflag:$0x2] =	stream.indirect_vreg.gather [hbm4b:s3+s2], $0x80, v3, vm0, $0xb8;
	[tilespmem:$0x18100] =	vst v63  }
0xb0: {  	_ = 	snop  }
0xb1: {  	[tilespmem:s4], [sflag:$0x2] =	stream.indirect_vreg.gather [hbm4b:s6+s2], $0x80, v3, vm0, $0xb8;
	[tilespmem:$0x18100] =	vst v63  }
0xb2: {  	_ = 	snop  }
0xb3: {  	[tilespmem:s5], [sflag:$0x2] =	stream.indirect_vreg.gather [hbm4b:s7+s2], $0x80, v3, vm0, $0xb8;
	[tilespmem:$0x18100] =	vst v63  }
0xb4: {  	_ =	swait.ge [sflag:s8], $0xC000  }
0xb5: {  	[sflag:s8] =	ssyncset.done $0x0  }
0xb6: {  	s19 =	simm.s32 $0x0;
	[sflag:s8] =	ssyncadd.s32 $0xFFFF4000  }
0xb7: {  	s16 =	smul.u32 $0x1800, s19;
	_ =	swait.ge [sflag:s9], $0xC000  }
0xb8: {  	s20 =	sand.u32 $0x380, s2;
	[sflag:s9] =	ssyncset.done $0x0  }
0xb9: {  	s16 =	sor.u32 s20, s16;
	[sflag:s9] =	ssyncadd.s32 $0xFFFF4000  }
0xba: {  	v12 =	vld [tilespmem:s16+$0xC100]  }
0xbb: {  	v13 =	vld [tilespmem:s16+$0xC110]  }
0xbc: {  	v14 =	vld [tilespmem:s16+$0xC120]  }
0xbd: {  	v15 =	vld [tilespmem:s16+$0xC130]  }
0xbe: {  	v16 =	vld [tilespmem:s16+$0xC140]  }
0xbf: {  	v17 =	vld [tilespmem:s16+$0xC150]  }
0xc0: {  	v18 =	vld [tilespmem:s16+$0xC160]  }
0xc1: {  	v19 =	vld [tilespmem:s16+$0xC170]  }
0xc2: {  	v20 =	vld [tilespmem:s16+$0xC500]  }
0xc3: {  	v21 =	vld [tilespmem:s16+$0xC510]  }
0xc4: {  	v22 =	vld [tilespmem:s16+$0xC520]  }
0xc5: {  	v23 =	vld [tilespmem:s16+$0xC530]  }
0xc6: {  	v24 =	vld [tilespmem:s16+$0xC540]  }
0xc7: {  	v25 =	vld [tilespmem:s16+$0xC550]  }
0xc8: {  	v26 =	vld [tilespmem:s16+$0xC560]  }
0xc9: {  	v27 =	vld [tilespmem:s16+$0xC570]  }
0xca: {  	v28 =	vld [tilespmem:s16+$0xC900]  }
0xcb: {  	v29 =	vld [tilespmem:s16+$0xC910]  }
0xcc: {  	v30 =	vld [tilespmem:s16+$0xC920]  }
0xcd: {  	v31 =	vld [tilespmem:s16+$0xC930]  }
0xce: {  	v32 =	vld [tilespmem:s16+$0xC940]  }
0xcf: {  	v33 =	vld [tilespmem:s16+$0xC950]  }
0xd0: {  	v34 =	vld [tilespmem:s16+$0xC960]  }
0xd1: {  	v35 =	vld [tilespmem:s16+$0xC970]  }
0xd2: {  	v36 =	vld [tilespmem:s16+$0xCD00]  }
0xd3: {  	v37 =	vld [tilespmem:s16+$0xCD10]  }
0xd4: {  	v38 =	vld [tilespmem:s16+$0xCD20]  }
0xd5: {  	v39 =	vld [tilespmem:s16+$0xCD30]  }
0xd6: {  	v40 =	vld [tilespmem:s16+$0xCD40]  }
0xd7: {  	v41 =	vld [tilespmem:s16+$0xCD50]  }
0xd8: {  	v42 =	vld [tilespmem:s16+$0xCD60]  }
0xd9: {  	v43 =	vld [tilespmem:s16+$0xCD70]  }
0xda: {  	v44 =	vld [tilespmem:s16+$0xD100]  }
0xdb: {  	v45 =	vld [tilespmem:s16+$0xD110]  }
0xdc: {  	v46 =	vld [tilespmem:s16+$0xD120]  }
0xdd: {  	v47 =	vld [tilespmem:s16+$0xD130]  }
0xde: {  	v48 =	vld [tilespmem:s16+$0xD140]  }
0xdf: {  	v49 =	vld [tilespmem:s16+$0xD150]  }
0xe0: {  	v50 =	vld [tilespmem:s16+$0xD160]  }
0xe1: {  	v11 =	vld [tilespmem:s16+$0xD170]  }
0xe2: {  	v10 =	vld [tilespmem:s16+$0xD500]  }
0xe3: {  	v9 =	vld [tilespmem:s16+$0xD510]  }
0xe4: {  	v8 =	vld [tilespmem:s16+$0xD520]  }
0xe5: {  	v7 =	vld [tilespmem:s16+$0xD530]  }
0xe6: {  	v6 =	vld [tilespmem:s16+$0xD540]  }
0xe7: {  	v51 =	vld [tilespmem:s16+$0x100]  }
0xe8: {  	v52 =	vld [tilespmem:s16+$0x110]  }
0xe9: {  	v53 =	vld [tilespmem:s16+$0x120]  }
0xea: {  	v54 =	vld [tilespmem:s16+$0x130]  }
0xeb: {  	v55 =	vld [tilespmem:s16+$0x140]  }
0xec: {  	v62 =	vld [tilespmem:s16+$0x150];
	v12 =	vadd.f32 v12, v51  }
0xed: {  	v63 =	vld [tilespmem:s16+$0x160];
	v13 =	vadd.f32 v13, v52  }
0xee: {  	[tilespmem:s16+$0x100] =	vst v12;
	v12 =	vadd.f32 v14, v53;
	v14 =	vld [tilespmem:s16+$0x170]  }
0xef: {  	[tilespmem:s16+$0x110] =	vst v13;
	v13 =	vadd.f32 v15, v54;
	v15 =	vld [tilespmem:s16+$0x500]  }
0xf0: {  	[tilespmem:s16+$0x120] =	vst v12;
	v12 =	vadd.f32 v16, v55;
	v16 =	vld [tilespmem:s16+$0x510]  }
0xf1: {  	[tilespmem:s16+$0x130] =	vst v13;
	v13 =	vadd.f32 v17, v62;
	v17 =	vld [tilespmem:s16+$0x520]  }
0xf2: {  	v5 =	vld [tilespmem:s16+$0xD550]  }
0xf3: {  	[tilespmem:s16+$0x140] =	vst v12;
	v12 =	vadd.f32 v18, v63;
	v18 =	vld [tilespmem:s16+$0x570]  }
0xf4: {  	[tilespmem:s16+$0x150] =	vst v13;
	v13 =	vadd.f32 v19, v14;
	v14 =	vld [tilespmem:s16+$0x530]  }
0xf5: {  	[tilespmem:s16+$0x160] =	vst v12;
	v12 =	vadd.f32 v20, v15;
	v15 =	vld [tilespmem:s16+$0x540]  }
0xf6: {  	[tilespmem:s16+$0x170] =	vst v13;
	v13 =	vadd.f32 v21, v16;
	v16 =	vadd.f32 v22, v17;
	v17 =	vld [tilespmem:s16+$0x560]  }
0xf7: {  	[tilespmem:s16+$0x500] =	vst v12;
	v12 =	vld [tilespmem:s16+$0x550]  }
0xf8: {  	[tilespmem:s16+$0x510] =	vst v13;
	v13 =	vld [tilespmem:s16+$0x900];
	v18 =	vadd.f32 v27, v18  }
0xf9: {  	[tilespmem:s16+$0x520] =	vst v16;
	v16 =	vld [tilespmem:s16+$0x910];
	v14 =	vadd.f32 v23, v14  }
0xfa: {  	v4 =	vld [tilespmem:s16+$0xD560];
	v15 =	vadd.f32 v24, v15;
	[tilespmem:s16+$0x570] =	vst v18  }
0xfb: {  	[tilespmem:s16+$0x530] =	vst v14;
	v14 =	vld [tilespmem:s16+$0x920];
	v17 =	vadd.f32 v26, v17  }
0xfc: {  	v12 =	vadd.f32 v25, v12;
	[tilespmem:s16+$0x540] =	vst v15;
	v15 =	vld [tilespmem:s16+$0x930]  }
0xfd: {  	v18 =	vld [tilespmem:s16+$0x970];
	[tilespmem:s16+$0x560] =	vst v17;
	v13 =	vadd.f32 v28, v13  }
0xfe: {  	v16 =	vadd.f32 v29, v16;
	[tilespmem:s16+$0x550] =	vst v12;
	v12 =	vld [tilespmem:s16+$0x940]  }
0xff: {  	v17 =	vld [tilespmem:s16+$0x950];
	[tilespmem:s16+$0x900] =	vst v13  }
0x100: {  	[tilespmem:s16+$0x910] =	vst v16;
	v16 =	vld [tilespmem:s16+$0x960];
	v13 =	vadd.f32 v30, v14  }
0x101: {  	v14 =	vld [tilespmem:s16+$0xD00];
	v15 =	vadd.f32 v31, v15  }
0x102: {  	[tilespmem:s16+$0x920] =	vst v13;
	v13 =	vld [tilespmem:s16+$0xD10]  }
0x103: {  	v12 =	vadd.f32 v32, v12;
	[tilespmem:s16+$0x930] =	vst v15;
	v15 =	vld [tilespmem:s16+$0xD20]  }
0x104: {  	v3 =	vld [tilespmem:s16+$0xD570];
	v17 =	vadd.f32 v33, v17  }
0x105: {  	v16 =	vadd.f32 v34, v16;
	[tilespmem:s16+$0x940] =	vst v12;
	v12 =	vld [tilespmem:s16+$0xD30]  }
0x106: {  	[tilespmem:s16+$0x950] =	vst v17;
	v17 =	vld [tilespmem:s16+$0xD40];
	v14 =	vadd.f32 v36, v14  }
0x107: {  	v18 =	vadd.f32 v35, v18;
	[tilespmem:s16+$0x960] =	vst v16;
	v16 =	vld [tilespmem:s16+$0xD50]  }
0x108: {  	v13 =	vadd.f32 v37, v13;
	[tilespmem:s16+$0xD00] =	vst v14;
	v14 =	vadd.f32 v38, v15;
	v15 =	vld [tilespmem:s16+$0xD60]  }
0x109: {  	[tilespmem:s16+$0x970] =	vst v18;
	v18 =	vld [tilespmem:s16+$0xD70]  }
0x10a: {  	[tilespmem:s16+$0xD10] =	vst v13;
	v13 =	vld [tilespmem:s16+$0x1100];
	v12 =	vadd.f32 v39, v12  }
0x10b: {  	v17 =	vadd.f32 v40, v17;
	[tilespmem:s16+$0xD20] =	vst v14;
	v14 =	vld [tilespmem:s16+$0x1110]  }
0x10c: {  	v16 =	vadd.f32 v41, v16;
	[tilespmem:s16+$0xD30] =	vst v12;
	v12 =	vld [tilespmem:s16+$0x1120]  }
0x10d: {  	[tilespmem:s16+$0xD40] =	vst v17;
	v17 =	vld [tilespmem:s16+$0x1130];
	v15 =	vadd.f32 v42, v15  }
0x10e: {  	v19 =	vld [tilespmem:s16+$0x1140];
	[tilespmem:s16+$0xD50] =	vst v16;
	v16 =	vadd.f32 v43, v18  }
0x10f: {  	v18 =	vld [tilespmem:s16+$0x1150];
	v13 =	vadd.f32 v44, v13;
	[tilespmem:s16+$0xD60] =	vst v15  }
0x110: {  	v20 =	vld [tilespmem:s16+$0x1160];
	[tilespmem:s16+$0xD70] =	vst v16;
	v14 =	vadd.f32 v45, v14  }
0x111: {  	v16 =	vld [tilespmem:s16+$0x1170];
	[tilespmem:s16+$0x1100] =	vst v13;
	v12 =	vadd.f32 v46, v12  }
0x112: {  	v15 =	vld [tilespmem:s16+$0x1500];
	v13 =	vadd.f32 v47, v17;
	[tilespmem:s16+$0x1110] =	vst v14  }
0x113: {  	v14 =	vld [tilespmem:s16+$0x1510];
	[tilespmem:s16+$0x1120] =	vst v12;
	v12 =	vadd.f32 v48, v19  }
0x114: {  	[tilespmem:s16+$0x1130] =	vst v13;
	v13 =	vld [tilespmem:s16+$0x1520];
	v18 =	vadd.f32 v49, v18  }
0x115: {  	s17 =	simm.s32 $0x1;
	s18 =	simm.s32 $0x0;
	v17 =	vadd.f32 v50, v20;
	[tilespmem:s16+$0x1140] =	vst v12;
	v12 =	vld [tilespmem:s16+$0x1530]  }
.LBB2_2:
0x116: {  	s19 =	sshrl.u32 s17, $0x3;
	p0 =	sne.s32 s17, $0x3F;
	[tilespmem:s16+$0x1150] =	vst v18;
	v11 =	vadd.f32 v11, v16;
	v16 =	vld [tilespmem:s16+$0x1540]  }
0x117: {  	s18 =	sadd.s32 $0x80, s18;
	s19 =	smul.u32 $0x1800, s19;
	[tilespmem:s16+$0x1160] =	vst v17;
	v10 =	vadd.f32 v10, v15;
	v15 =	vld [tilespmem:s16+$0x1550]  }
0x118: {  	s20 =	sand.u32 $0x380, s18;
	[tilespmem:s16+$0x1170] =	vst v11;
	v9 =	vadd.f32 v9, v14;
	v11 =	vld [tilespmem:s16+$0x1560]  }
0x119: {  	s19 =	sor.u32 s20, s19;
	[tilespmem:s16+$0x1500] =	vst v10;
	v8 =	vadd.f32 v8, v13;
	v10 =	vld [tilespmem:s16+$0x1570]  }
0x11a: {  	v39 =	vld [tilespmem:s19+$0xC100];
	[tilespmem:s16+$0x1510] =	vst v9;
	v7 =	vadd.f32 v7, v12  }
0x11b: {  	v40 =	vld [tilespmem:s19+$0xC110];
	[tilespmem:s16+$0x1520] =	vst v8;
	v6 =	vadd.f32 v6, v16  }
0x11c: {  	v41 =	vld [tilespmem:s19+$0xC120];
	[tilespmem:s16+$0x1530] =	vst v7;
	v5 =	vadd.f32 v5, v15  }
0x11d: {  	v42 =	vld [tilespmem:s19+$0xC130];
	[tilespmem:s16+$0x1540] =	vst v6;
	v4 =	vadd.f32 v4, v11  }
0x11e: {  	v43 =	vld [tilespmem:s19+$0xC140];
	[tilespmem:s16+$0x1550] =	vst v5;
	v3 =	vadd.f32 v3, v10  }
0x11f: {  	v44 =	vld [tilespmem:s19+$0xC150];
	[tilespmem:s16+$0x1560] =	vst v4  }
0x120: {  	v45 =	vld [tilespmem:s19+$0xC160];
	[tilespmem:s16+$0x1570] =	vst v3;
	s16 =	smov.u32 s19  }
0x121: {  	v46 =	vld [tilespmem:s16+$0xC170]  }
0x122: {  	v47 =	vld [tilespmem:s16+$0xC500]  }
0x123: {  	v48 =	vld [tilespmem:s16+$0xC510]  }
0x124: {  	v49 =	vld [tilespmem:s16+$0xC520]  }
0x125: {  	v50 =	vld [tilespmem:s16+$0xC530]  }
0x126: {  	v38 =	vld [tilespmem:s16+$0xC540]  }
0x127: {  	v37 =	vld [tilespmem:s16+$0xC550]  }
0x128: {  	v36 =	vld [tilespmem:s16+$0xC560]  }
0x129: {  	v35 =	vld [tilespmem:s16+$0xC570]  }
0x12a: {  	v34 =	vld [tilespmem:s16+$0xC900]  }
0x12b: {  	v33 =	vld [tilespmem:s16+$0xC910]  }
0x12c: {  	v32 =	vld [tilespmem:s16+$0xC920]  }
0x12d: {  	v31 =	vld [tilespmem:s16+$0xC930]  }
0x12e: {  	v30 =	vld [tilespmem:s16+$0xC940]  }
0x12f: {  	v29 =	vld [tilespmem:s16+$0xC950]  }
0x130: {  	v28 =	vld [tilespmem:s16+$0xC960]  }
0x131: {  	v27 =	vld [tilespmem:s16+$0xC970]  }
0x132: {  	v26 =	vld [tilespmem:s16+$0xCD00]  }
0x133: {  	v25 =	vld [tilespmem:s16+$0xCD10]  }
0x134: {  	v24 =	vld [tilespmem:s16+$0xCD20]  }
0x135: {  	v23 =	vld [tilespmem:s16+$0xCD30]  }
0x136: {  	v22 =	vld [tilespmem:s16+$0xCD40]  }
0x137: {  	v21 =	vld [tilespmem:s16+$0xCD50]  }
0x138: {  	v20 =	vld [tilespmem:s16+$0xCD60]  }
0x139: {  	v19 =	vld [tilespmem:s16+$0xCD70]  }
0x13a: {  	v18 =	vld [tilespmem:s16+$0xD100]  }
0x13b: {  	v17 =	vld [tilespmem:s16+$0xD110]  }
0x13c: {  	v16 =	vld [tilespmem:s16+$0xD120]  }
0x13d: {  	v15 =	vld [tilespmem:s16+$0xD130]  }
0x13e: {  	v14 =	vld [tilespmem:s16+$0xD140]  }
0x13f: {  	v13 =	vld [tilespmem:s16+$0xD150]  }
0x140: {  	v12 =	vld [tilespmem:s16+$0xD160]  }
0x141: {  	v11 =	vld [tilespmem:s16+$0xD170]  }
0x142: {  	v10 =	vld [tilespmem:s16+$0xD500]  }
0x143: {  	v9 =	vld [tilespmem:s16+$0xD510]  }
0x144: {  	v8 =	vld [tilespmem:s16+$0xD520]  }
0x145: {  	v7 =	vld [tilespmem:s16+$0xD530]  }
0x146: {  	v6 =	vld [tilespmem:s16+$0xD540]  }
0x147: {  	v5 =	vld [tilespmem:s16+$0xD550]  }
0x148: {  	v4 =	vld [tilespmem:s16+$0xD560]  }
0x149: {  	v3 =	vld [tilespmem:s16+$0xD570]  }
0x14a: {  	v51 =	vld [tilespmem:s16+$0x100]  }
0x14b: {  	v52 =	vld [tilespmem:s16+$0x110]  }
0x14c: {  	v53 =	vld [tilespmem:s16+$0x120]  }
0x14d: {  	v54 =	vld [tilespmem:s16+$0x130]  }
0x14e: {  	v55 =	vld [tilespmem:s16+$0x140]  }
0x14f: {  	v39 =	vadd.f32 v39, v51;
	v51 =	vld [tilespmem:s16+$0x150]  }
0x150: {  	v40 =	vadd.f32 v40, v52;
	v52 =	vld [tilespmem:s16+$0x160]  }
0x151: {  	[tilespmem:s16+$0x100] =	vst v39;
	v39 =	vadd.f32 v41, v53;
	v41 =	vld [tilespmem:s16+$0x170]  }
0x152: {  	[tilespmem:s16+$0x110] =	vst v40;
	v40 =	vadd.f32 v42, v54;
	v42 =	vld [tilespmem:s16+$0x500]  }
0x153: {  	[tilespmem:s16+$0x120] =	vst v39;
	v39 =	vadd.f32 v43, v55;
	v43 =	vld [tilespmem:s16+$0x510]  }
0x154: {  	[tilespmem:s16+$0x130] =	vst v40;
	v40 =	vadd.f32 v44, v51;
	v44 =	vld [tilespmem:s16+$0x520]  }
0x155: {  	[tilespmem:s16+$0x140] =	vst v39;
	v39 =	vadd.f32 v45, v52;
	v45 =	vld [tilespmem:s16+$0x530]  }
0x156: {  	[tilespmem:s16+$0x150] =	vst v40;
	v40 =	vadd.f32 v46, v41;
	v41 =	vld [tilespmem:s16+$0x540]  }
0x157: {  	[tilespmem:s16+$0x160] =	vst v39;
	v39 =	vadd.f32 v47, v42;
	v42 =	vld [tilespmem:s16+$0x550]  }
0x158: {  	[tilespmem:s16+$0x170] =	vst v40;
	v40 =	vadd.f32 v48, v43;
	v43 =	vld [tilespmem:s16+$0x560]  }
0x159: {  	[tilespmem:s16+$0x500] =	vst v39;
	v39 =	vadd.f32 v49, v44;
	v44 =	vld [tilespmem:s16+$0x570]  }
0x15a: {  	[tilespmem:s16+$0x510] =	vst v40;
	v40 =	vadd.f32 v50, v45;
	v45 =	vld [tilespmem:s16+$0x900]  }
0x15b: {  	[tilespmem:s16+$0x520] =	vst v39;
	v38 =	vadd.f32 v38, v41;
	v39 =	vld [tilespmem:s16+$0x910]  }
0x15c: {  	[tilespmem:s16+$0x530] =	vst v40;
	v37 =	vadd.f32 v37, v42;
	v40 =	vld [tilespmem:s16+$0x920]  }
0x15d: {  	[tilespmem:s16+$0x540] =	vst v38;
	v36 =	vadd.f32 v36, v43;
	v38 =	vld [tilespmem:s16+$0x930]  }
0x15e: {  	[tilespmem:s16+$0x550] =	vst v37;
	v35 =	vadd.f32 v35, v44;
	v37 =	vld [tilespmem:s16+$0x940]  }
0x15f: {  	[tilespmem:s16+$0x560] =	vst v36;
	v34 =	vadd.f32 v34, v45;
	v36 =	vld [tilespmem:s16+$0x950]  }
0x160: {  	[tilespmem:s16+$0x570] =	vst v35;
	v33 =	vadd.f32 v33, v39;
	v35 =	vld [tilespmem:s16+$0x960]  }
0x161: {  	[tilespmem:s16+$0x900] =	vst v34;
	v32 =	vadd.f32 v32, v40;
	v34 =	vld [tilespmem:s16+$0x970]  }
0x162: {  	[tilespmem:s16+$0x910] =	vst v33;
	v31 =	vadd.f32 v31, v38;
	v33 =	vld [tilespmem:s16+$0xD00]  }
0x163: {  	[tilespmem:s16+$0x920] =	vst v32;
	v30 =	vadd.f32 v30, v37;
	v32 =	vld [tilespmem:s16+$0xD10]  }
0x164: {  	[tilespmem:s16+$0x930] =	vst v31;
	v29 =	vadd.f32 v29, v36;
	v31 =	vld [tilespmem:s16+$0xD20]  }
0x165: {  	[tilespmem:s16+$0x940] =	vst v30;
	v28 =	vadd.f32 v28, v35;
	v30 =	vld [tilespmem:s16+$0xD30]  }
0x166: {  	[tilespmem:s16+$0x950] =	vst v29;
	v27 =	vadd.f32 v27, v34;
	v29 =	vld [tilespmem:s16+$0xD40]  }
0x167: {  	[tilespmem:s16+$0x960] =	vst v28;
	v26 =	vadd.f32 v26, v33;
	v28 =	vld [tilespmem:s16+$0xD50]  }
0x168: {  	[tilespmem:s16+$0x970] =	vst v27;
	v25 =	vadd.f32 v25, v32;
	v27 =	vld [tilespmem:s16+$0xD60]  }
0x169: {  	[tilespmem:s16+$0xD00] =	vst v26;
	v24 =	vadd.f32 v24, v31;
	v26 =	vld [tilespmem:s16+$0xD70]  }
0x16a: {  	[tilespmem:s16+$0xD10] =	vst v25;
	v23 =	vadd.f32 v23, v30;
	v25 =	vld [tilespmem:s16+$0x1100]  }
0x16b: {  	[tilespmem:s16+$0xD20] =	vst v24;
	v22 =	vadd.f32 v22, v29;
	v24 =	vld [tilespmem:s16+$0x1110]  }
0x16c: {  	[tilespmem:s16+$0xD30] =	vst v23;
	v21 =	vadd.f32 v21, v28;
	v23 =	vld [tilespmem:s16+$0x1120]  }
0x16d: {  	[tilespmem:s16+$0xD40] =	vst v22;
	v20 =	vadd.f32 v20, v27;
	v22 =	vld [tilespmem:s16+$0x1130]  }
0x16e: {  	[tilespmem:s16+$0xD50] =	vst v21;
	v19 =	vadd.f32 v19, v26;
	v21 =	vld [tilespmem:s16+$0x1140]  }
0x16f: {  	[tilespmem:s16+$0xD60] =	vst v20;
	v18 =	vadd.f32 v18, v25;
	v20 =	vld [tilespmem:s16+$0x1150]  }
0x170: {  	[tilespmem:s16+$0xD70] =	vst v19;
	v17 =	vadd.f32 v17, v24;
	v19 =	vld [tilespmem:s16+$0x1160]  }
.Ltmp0:
0x171: {  	[tilespmem:s16+$0x1100] =	vst v18;
	v18 =	vadd.f32 v16, v23;
	v16 =	vld [tilespmem:s16+$0x1170];
	(pc) =	sbr.rel @p0 .LBB2_2-.Ltmp0, $4  }
0x172: {  	[tilespmem:s16+$0x1110] =	vst v17;
	v17 =	vadd.f32 v15, v22;
	v15 =	vld [tilespmem:s16+$0x1500]  }
0x173: {  	[tilespmem:s16+$0x1120] =	vst v18;
	v21 =	vadd.f32 v14, v21;
	v14 =	vld [tilespmem:s16+$0x1510]  }
0x174: {  	[tilespmem:s16+$0x1130] =	vst v17;
	v18 =	vadd.f32 v13, v20;
	v13 =	vld [tilespmem:s16+$0x1520]  }
0x175: {  	s17 =	sadd.s32 $0x1, s17;
	[tilespmem:s16+$0x1140] =	vst v21;
	v17 =	vadd.f32 v12, v19;
	v12 =	vld [tilespmem:s16+$0x1530]  }
0x176: {  	[tilespmem:s16+$0x1150] =	vst v18;
	v18 =	vld [tilespmem:s16+$0x1540];
	v11 =	vadd.f32 v11, v16  }
0x177: {  	v16 =	vld [tilespmem:s16+$0x1550];
	[tilespmem:s16+$0x1160] =	vst v17;
	v10 =	vadd.f32 v10, v15  }
0x178: {  	[tilespmem:s16+$0x1170] =	vst v11;
	v9 =	vadd.f32 v9, v14;
	v11 =	vld [tilespmem:s16+$0x1560]  }
0x179: {  	[tilespmem:s16+$0x1500] =	vst v10;
	v8 =	vadd.f32 v8, v13;
	v10 =	vld [tilespmem:s16+$0x1570]  }
0x17a: {  	[tilespmem:s16+$0x1510] =	vst v9;
	v7 =	vadd.f32 v7, v12  }
0x17b: {  	[tilespmem:s16+$0x1520] =	vst v8;
	v6 =	vadd.f32 v6, v18  }
0x17c: {  	v5 =	vadd.f32 v5, v16;
	[tilespmem:s16+$0x1530] =	vst v7  }
0x17d: {  	[tilespmem:s16+$0x1540] =	vst v6;
	v4 =	vadd.f32 v4, v11  }
0x17e: {  	[tilespmem:s16+$0x1550] =	vst v5;
	v3 =	vadd.f32 v3, v10  }
0x17f: {  	[tilespmem:s16+$0x1560] =	vst v4  }
0x180: {  	[tilespmem:s16+$0x1570] =	vst v3  }
0x181: {  	v3 =	vld [tilespmem:$0x0];
	_ =	sdelay $0x4  }
0x182: {  	v3 =	vadd.s32 $0x1800, v3  }
0x183: {  	[tilespmem:$0x0] =	vst v3  }
0x184: {  	v3 =	vld [tilespmem:$0x0];
	_ =	sdelay $0x2  }
0x185: {  	v4 =	vld [tilespmem:$0x80]  }
0x186: {  	v5 =	vld [tilespmem:$0x10]  }
0x187: {  	v6 =	vld [tilespmem:$0x90];
	v7 =	vshrl.u32 v3, $0x3  }
0x188: {  	v8 =	vld [tilespmem:$0x20];
	v7 =	vmul.u32 $0x30, v7  }
0x189: {  	v9 =	vld [tilespmem:$0xA0];
	v3 =	vand.u32 $0x7, v3  }
0x18a: {  	v10 =	vld [tilespmem:$0x30];
	v4 =	vadd.s32 $0x1800, v4;
	v3 =	vor.u32 v3, v7  }
0x18b: {  	[tilespmem:$0x80] =	vst v4;
	v4 =	vadd.s32 $0x1800, v5;
	v5 =	vld [tilespmem:$0xB0];
	v7 =	vperm.xlane v3, v0  }
0x18c: {  	[tilespmem:$0x10] =	vst v4;
	v4 =	vadd.s32 $0x1800, v6  }
0x18d: {  	[tilespmem:$0x90] =	vst v4;
	v4 =	vadd.s32 $0x1800, v8;
	v6 =	vadd.s32 v1, v7  }
0x18e: {  	[tilespmem:$0x20] =	vst v4;
	v4 =	vadd.s32 $0x1800, v9  }
0x18f: {  	[tilespmem:$0xA0] =	vst v4;
	v4 =	vadd.s32 $0x1800, v10  }
0x190: {  	[tilespmem:$0x30] =	vst v4;
	v4 =	vadd.s32 $0x1800, v5  }
0x191: {  	s17 =	simm.s32 $0xC100;
	s16 =	simm.s32 $0x0;
	[tilespmem:$0xB0] =	vst v4;
	v3 =	vperm.xlane v3, v2  }
0x192: {  	[tilespmem:s17], [sflag:$0x1] =	stream.indirect_vreg.gather [hbm4b:s3+s16], $0x80, v6, vm0, $0xb8;
	[tilespmem:$0x18100] =	vst v63  }
0x193: {  	s18 =	simm.s32 $0xC900;
	v3 =	vadd.s32 v1, v3  }
0x194: {  	[tilespmem:s18], [sflag:$0x1] =	stream.indirect_vreg.gather [hbm4b:s6+s16], $0x80, v6, vm0, $0xb8;
	[tilespmem:$0x18100] =	vst v63  }
0x195: {  	s19 =	simm.s32 $0xD100  }
0x196: {  	[tilespmem:s19], [sflag:$0x1] =	stream.indirect_vreg.gather [hbm4b:s7+s16], $0x80, v6, vm0, $0xb8;
	[tilespmem:$0x18100] =	vst v63  }
0x197: {  	s20 =	simm.s32 $0xD900  }
0x198: {  	[tilespmem:s20], [sflag:$0x1] =	stream.indirect_vreg.gather [hbm4b:s3+s16], $0x80, v3, vm0, $0xb8;
	[tilespmem:$0x18100] =	vst v63  }
0x199: {  	s18 =	simm.s32 $0xE100  }
0x19a: {  	[tilespmem:s18], [sflag:$0x1] =	stream.indirect_vreg.gather [hbm4b:s6+s16], $0x80, v3, vm0, $0xb8;
	[tilespmem:$0x18100] =	vst v63  }
0x19b: {  	s19 =	simm.s32 $0xE900  }
0x19c: {  	[tilespmem:s19], [sflag:$0x1] =	stream.indirect_vreg.gather [hbm4b:s7+s16], $0x80, v3, vm0, $0xb8;
	[tilespmem:$0x18100] =	vst v63  }
0x19d: {  	v3 =	vld [tilespmem:$0x10];
	_ =	sdelay $0x4  }
0x19e: {  	v4 =	vshrl.u32 v3, $0x3  }
0x19f: {  	v4 =	vmul.u32 $0x30, v4  }
0x1a0: {  	v3 =	vand.u32 $0x7, v3  }
0x1a1: {  	v3 =	vor.u32 v3, v4  }
0x1a2: {  	v4 =	vperm.xlane v3, v0;
	_ =	sdelay $0x1  }
0x1a3: {  	v4 =	vadd.s32 v1, v4;
	_ =	sdelay $0x3  }
0x1a4: {  	v3 =	vperm.xlane v3, v2  }
0x1a5: {  	[tilespmem:s21], [sflag:$0x1] =	stream.indirect_vreg.gather [hbm4b:s3+s16], $0x80, v4, vm0, $0xb8;
	[tilespmem:$0x18100] =	vst v63  }
0x1a6: {  	v3 =	vadd.s32 v1, v3  }
0x1a7: {  	[tilespmem:s22], [sflag:$0x1] =	stream.indirect_vreg.gather [hbm4b:s6+s16], $0x80, v4, vm0, $0xb8;
	[tilespmem:$0x18100] =	vst v63  }
0x1a8: {  	_ = 	snop  }
0x1a9: {  	[tilespmem:s23], [sflag:$0x1] =	stream.indirect_vreg.gather [hbm4b:s7+s16], $0x80, v4, vm0, $0xb8;
	[tilespmem:$0x18100] =	vst v63  }
0x1aa: {  	_ = 	snop  }
0x1ab: {  	[tilespmem:s24], [sflag:$0x1] =	stream.indirect_vreg.gather [hbm4b:s3+s16], $0x80, v3, vm0, $0xb8;
	[tilespmem:$0x18100] =	vst v63  }
0x1ac: {  	_ = 	snop  }
0x1ad: {  	[tilespmem:s25], [sflag:$0x1] =	stream.indirect_vreg.gather [hbm4b:s6+s16], $0x80, v3, vm0, $0xb8;
	[tilespmem:$0x18100] =	vst v63  }
0x1ae: {  	_ = 	snop  }
0x1af: {  	[tilespmem:s26], [sflag:$0x1] =	stream.indirect_vreg.gather [hbm4b:s7+s16], $0x80, v3, vm0, $0xb8;
	[tilespmem:$0x18100] =	vst v63  }
0x1b0: {  	v3 =	vld [tilespmem:$0x20];
	_ =	sdelay $0x4  }
0x1b1: {  	v4 =	vshrl.u32 v3, $0x3  }
0x1b2: {  	v4 =	vmul.u32 $0x30, v4  }
0x1b3: {  	v3 =	vand.u32 $0x7, v3  }
0x1b4: {  	v3 =	vor.u32 v3, v4  }
0x1b5: {  	v4 =	vperm.xlane v3, v0;
	_ =	sdelay $0x1  }
0x1b6: {  	v4 =	vadd.s32 v1, v4;
	_ =	sdelay $0x3  }
0x1b7: {  	v3 =	vperm.xlane v3, v2  }
0x1b8: {  	[tilespmem:s28], [sflag:$0x1] =	stream.indirect_vreg.gather [hbm4b:s3+s16], $0x80, v4, vm0, $0xb8;
	[tilespmem:$0x18100] =	vst v63  }
0x1b9: {  	v3 =	vadd.s32 v1, v3  }
0x1ba: {  	[tilespmem:s29], [sflag:$0x1] =	stream.indirect_vreg.gather [hbm4b:s6+s16], $0x80, v4, vm0, $0xb8;
	[tilespmem:$0x18100] =	vst v63  }
0x1bb: {  	_ = 	snop  }
0x1bc: {  	[tilespmem:s30], [sflag:$0x1] =	stream.indirect_vreg.gather [hbm4b:s7+s16], $0x80, v4, vm0, $0xb8;
	[tilespmem:$0x18100] =	vst v63  }
0x1bd: {  	_ = 	snop  }
0x1be: {  	[tilespmem:s31], [sflag:$0x1] =	stream.indirect_vreg.gather [hbm4b:s3+s16], $0x80, v3, vm0, $0xb8;
	[tilespmem:$0x18100] =	vst v63  }
0x1bf: {  	_ = 	snop  }
0x1c0: {  	[tilespmem:s0], [sflag:$0x1] =	stream.indirect_vreg.gather [hbm4b:s6+s16], $0x80, v3, vm0, $0xb8;
	[tilespmem:$0x18100] =	vst v63  }
0x1c1: {  	_ = 	snop  }
0x1c2: {  	[tilespmem:s1], [sflag:$0x1] =	stream.indirect_vreg.gather [hbm4b:s7+s16], $0x80, v3, vm0, $0xb8;
	[tilespmem:$0x18100] =	vst v63  }
0x1c3: {  	v3 =	vld [tilespmem:$0x30];
	_ =	sdelay $0x4  }
0x1c4: {  	v4 =	vshrl.u32 v3, $0x3  }
0x1c5: {  	v4 =	vmul.u32 $0x30, v4  }
0x1c6: {  	v3 =	vand.u32 $0x7, v3  }
0x1c7: {  	v3 =	vor.u32 v3, v4  }
0x1c8: {  	v4 =	vperm.xlane v3, v0;
	_ =	sdelay $0x1  }
0x1c9: {  	v4 =	vadd.s32 v1, v4;
	_ =	sdelay $0x3  }
0x1ca: {  	v3 =	vperm.xlane v3, v2  }
0x1cb: {  	[tilespmem:s11], [sflag:$0x1] =	stream.indirect_vreg.gather [hbm4b:s3+s16], $0x80, v4, vm0, $0xb8;
	[tilespmem:$0x18100] =	vst v63  }
0x1cc: {  	v3 =	vadd.s32 v1, v3  }
0x1cd: {  	[tilespmem:s13], [sflag:$0x1] =	stream.indirect_vreg.gather [hbm4b:s6+s16], $0x80, v4, vm0, $0xb8;
	[tilespmem:$0x18100] =	vst v63  }
0x1ce: {  	_ = 	snop  }
0x1cf: {  	[tilespmem:s14], [sflag:$0x1] =	stream.indirect_vreg.gather [hbm4b:s7+s16], $0x80, v4, vm0, $0xb8;
	[tilespmem:$0x18100] =	vst v63  }
0x1d0: {  	_ = 	snop  }
0x1d1: {  	[tilespmem:s12], [sflag:$0x1] =	stream.indirect_vreg.gather [hbm4b:s3+s16], $0x80, v3, vm0, $0xb8;
	[tilespmem:$0x18100] =	vst v63  }
0x1d2: {  	_ = 	snop  }
0x1d3: {  	[tilespmem:s4], [sflag:$0x1] =	stream.indirect_vreg.gather [hbm4b:s6+s16], $0x80, v3, vm0, $0xb8;
	[tilespmem:$0x18100] =	vst v63  }
0x1d4: {  	s20 =	simm.s32 $0x0  }
0x1d5: {  	[tilespmem:s5], [sflag:$0x1] =	stream.indirect_vreg.gather [hbm4b:s7+s16], $0x80, v3, vm0, $0xb8;
	[tilespmem:$0x18100] =	vst v63  }
0x1d6: {  	s17 =	smul.u32 $0x1800, s20;
	_ =	swait.ge [sflag:s8], $0xC000  }
0x1d7: {  	s18 =	sand.u32 $0x380, s16;
	[sflag:s8] =	ssyncset.done $0x0  }
0x1d8: {  	s17 =	sor.u32 s18, s17;
	[sflag:s8] =	ssyncadd.s32 $0xFFFF4000  }
0x1d9: {  	v12 =	vld [tilespmem:s17+$0xC100]  }
0x1da: {  	v13 =	vld [tilespmem:s17+$0xC110]  }
0x1db: {  	v14 =	vld [tilespmem:s17+$0xC120]  }
0x1dc: {  	v15 =	vld [tilespmem:s17+$0xC130]  }
0x1dd: {  	v16 =	vld [tilespmem:s17+$0xC140]  }
0x1de: {  	v17 =	vld [tilespmem:s17+$0xC150]  }
0x1df: {  	v18 =	vld [tilespmem:s17+$0xC160]  }
0x1e0: {  	v19 =	vld [tilespmem:s17+$0xC170]  }
0x1e1: {  	v20 =	vld [tilespmem:s17+$0xC500]  }
0x1e2: {  	v21 =	vld [tilespmem:s17+$0xC510]  }
0x1e3: {  	v22 =	vld [tilespmem:s17+$0xC520]  }
0x1e4: {  	v23 =	vld [tilespmem:s17+$0xC530]  }
0x1e5: {  	v24 =	vld [tilespmem:s17+$0xC540]  }
0x1e6: {  	v25 =	vld [tilespmem:s17+$0xC550]  }
0x1e7: {  	v26 =	vld [tilespmem:s17+$0xC560]  }
0x1e8: {  	v27 =	vld [tilespmem:s17+$0xC570]  }
0x1e9: {  	v28 =	vld [tilespmem:s17+$0xC900]  }
0x1ea: {  	v29 =	vld [tilespmem:s17+$0xC910]  }
0x1eb: {  	v30 =	vld [tilespmem:s17+$0xC920]  }
0x1ec: {  	v31 =	vld [tilespmem:s17+$0xC930]  }
0x1ed: {  	v32 =	vld [tilespmem:s17+$0xC940]  }
0x1ee: {  	v33 =	vld [tilespmem:s17+$0xC950]  }
0x1ef: {  	v34 =	vld [tilespmem:s17+$0xC960]  }
0x1f0: {  	v35 =	vld [tilespmem:s17+$0xC970]  }
0x1f1: {  	v36 =	vld [tilespmem:s17+$0xCD00]  }
0x1f2: {  	v37 =	vld [tilespmem:s17+$0xCD10]  }
0x1f3: {  	v38 =	vld [tilespmem:s17+$0xCD20]  }
0x1f4: {  	v39 =	vld [tilespmem:s17+$0xCD30]  }
0x1f5: {  	v40 =	vld [tilespmem:s17+$0xCD40]  }
0x1f6: {  	v41 =	vld [tilespmem:s17+$0xCD50]  }
0x1f7: {  	v42 =	vld [tilespmem:s17+$0xCD60]  }
0x1f8: {  	v43 =	vld [tilespmem:s17+$0xCD70]  }
0x1f9: {  	v44 =	vld [tilespmem:s17+$0xD100]  }
0x1fa: {  	v45 =	vld [tilespmem:s17+$0xD110]  }
0x1fb: {  	v46 =	vld [tilespmem:s17+$0xD120]  }
0x1fc: {  	v47 =	vld [tilespmem:s17+$0xD130]  }
0x1fd: {  	v48 =	vld [tilespmem:s17+$0xD140]  }
0x1fe: {  	v49 =	vld [tilespmem:s17+$0xD150]  }
0x1ff: {  	v50 =	vld [tilespmem:s17+$0xD160]  }
0x200: {  	v11 =	vld [tilespmem:s17+$0xD170]  }
0x201: {  	v10 =	vld [tilespmem:s17+$0xD500]  }
0x202: {  	v9 =	vld [tilespmem:s17+$0xD510]  }
0x203: {  	v8 =	vld [tilespmem:s17+$0xD520]  }
0x204: {  	v7 =	vld [tilespmem:s17+$0xD530]  }
0x205: {  	v6 =	vld [tilespmem:s17+$0xD540]  }
0x206: {  	v51 =	vld [tilespmem:s17+$0x100]  }
0x207: {  	v52 =	vld [tilespmem:s17+$0x110]  }
0x208: {  	v53 =	vld [tilespmem:s17+$0x120]  }
0x209: {  	v54 =	vld [tilespmem:s17+$0x130]  }
0x20a: {  	v55 =	vld [tilespmem:s17+$0x140]  }
0x20b: {  	v62 =	vld [tilespmem:s17+$0x150];
	v12 =	vadd.f32 v12, v51  }
0x20c: {  	v63 =	vld [tilespmem:s17+$0x160];
	v13 =	vadd.f32 v13, v52  }
0x20d: {  	[tilespmem:s17+$0x100] =	vst v12;
	v12 =	vadd.f32 v14, v53;
	v14 =	vld [tilespmem:s17+$0x170]  }
0x20e: {  	[tilespmem:s17+$0x110] =	vst v13;
	v13 =	vadd.f32 v15, v54;
	v15 =	vld [tilespmem:s17+$0x500]  }
0x20f: {  	[tilespmem:s17+$0x120] =	vst v12;
	v12 =	vadd.f32 v16, v55;
	v16 =	vld [tilespmem:s17+$0x510]  }
0x210: {  	[tilespmem:s17+$0x130] =	vst v13;
	v13 =	vadd.f32 v17, v62;
	v17 =	vld [tilespmem:s17+$0x520]  }
0x211: {  	v5 =	vld [tilespmem:s17+$0xD550]  }
0x212: {  	[tilespmem:s17+$0x140] =	vst v12;
	v12 =	vadd.f32 v18, v63;
	v18 =	vld [tilespmem:s17+$0x570]  }
0x213: {  	[tilespmem:s17+$0x150] =	vst v13;
	v13 =	vadd.f32 v19, v14;
	v14 =	vld [tilespmem:s17+$0x530]  }
0x214: {  	[tilespmem:s17+$0x160] =	vst v12;
	v12 =	vadd.f32 v20, v15;
	v15 =	vld [tilespmem:s17+$0x540]  }
0x215: {  	[tilespmem:s17+$0x170] =	vst v13;
	v13 =	vadd.f32 v21, v16;
	v16 =	vadd.f32 v22, v17;
	v17 =	vld [tilespmem:s17+$0x560]  }
0x216: {  	[tilespmem:s17+$0x500] =	vst v12;
	v12 =	vld [tilespmem:s17+$0x550]  }
0x217: {  	[tilespmem:s17+$0x510] =	vst v13;
	v13 =	vld [tilespmem:s17+$0x900];
	v18 =	vadd.f32 v27, v18  }
0x218: {  	[tilespmem:s17+$0x520] =	vst v16;
	v16 =	vld [tilespmem:s17+$0x910];
	v14 =	vadd.f32 v23, v14  }
0x219: {  	v4 =	vld [tilespmem:s17+$0xD560];
	v15 =	vadd.f32 v24, v15;
	[tilespmem:s17+$0x570] =	vst v18  }
0x21a: {  	[tilespmem:s17+$0x530] =	vst v14;
	v14 =	vld [tilespmem:s17+$0x920];
	v17 =	vadd.f32 v26, v17  }
0x21b: {  	v12 =	vadd.f32 v25, v12;
	[tilespmem:s17+$0x540] =	vst v15;
	v15 =	vld [tilespmem:s17+$0x930]  }
0x21c: {  	v18 =	vld [tilespmem:s17+$0x970];
	[tilespmem:s17+$0x560] =	vst v17;
	v13 =	vadd.f32 v28, v13  }
0x21d: {  	v16 =	vadd.f32 v29, v16;
	[tilespmem:s17+$0x550] =	vst v12;
	v12 =	vld [tilespmem:s17+$0x940]  }
0x21e: {  	v17 =	vld [tilespmem:s17+$0x950];
	[tilespmem:s17+$0x900] =	vst v13  }
0x21f: {  	[tilespmem:s17+$0x910] =	vst v16;
	v16 =	vld [tilespmem:s17+$0x960];
	v13 =	vadd.f32 v30, v14  }
0x220: {  	v14 =	vld [tilespmem:s17+$0xD00];
	v15 =	vadd.f32 v31, v15  }
0x221: {  	[tilespmem:s17+$0x920] =	vst v13;
	v13 =	vld [tilespmem:s17+$0xD10]  }
0x222: {  	v12 =	vadd.f32 v32, v12;
	[tilespmem:s17+$0x930] =	vst v15;
	v15 =	vld [tilespmem:s17+$0xD20]  }
0x223: {  	v3 =	vld [tilespmem:s17+$0xD570];
	v17 =	vadd.f32 v33, v17  }
0x224: {  	v16 =	vadd.f32 v34, v16;
	[tilespmem:s17+$0x940] =	vst v12;
	v12 =	vld [tilespmem:s17+$0xD30]  }
0x225: {  	[tilespmem:s17+$0x950] =	vst v17;
	v17 =	vld [tilespmem:s17+$0xD40];
	v14 =	vadd.f32 v36, v14  }
0x226: {  	v18 =	vadd.f32 v35, v18;
	[tilespmem:s17+$0x960] =	vst v16;
	v16 =	vld [tilespmem:s17+$0xD50]  }
0x227: {  	v13 =	vadd.f32 v37, v13;
	[tilespmem:s17+$0xD00] =	vst v14;
	v14 =	vadd.f32 v38, v15;
	v15 =	vld [tilespmem:s17+$0xD60]  }
0x228: {  	[tilespmem:s17+$0x970] =	vst v18;
	v18 =	vld [tilespmem:s17+$0xD70]  }
0x229: {  	[tilespmem:s17+$0xD10] =	vst v13;
	v13 =	vld [tilespmem:s17+$0x1100];
	v12 =	vadd.f32 v39, v12  }
0x22a: {  	v17 =	vadd.f32 v40, v17;
	[tilespmem:s17+$0xD20] =	vst v14;
	v14 =	vld [tilespmem:s17+$0x1110]  }
0x22b: {  	v16 =	vadd.f32 v41, v16;
	[tilespmem:s17+$0xD30] =	vst v12;
	v12 =	vld [tilespmem:s17+$0x1120]  }
0x22c: {  	[tilespmem:s17+$0xD40] =	vst v17;
	v17 =	vld [tilespmem:s17+$0x1130];
	v15 =	vadd.f32 v42, v15  }
0x22d: {  	v19 =	vld [tilespmem:s17+$0x1140];
	[tilespmem:s17+$0xD50] =	vst v16;
	v16 =	vadd.f32 v43, v18  }
0x22e: {  	v18 =	vld [tilespmem:s17+$0x1150];
	v13 =	vadd.f32 v44, v13;
	[tilespmem:s17+$0xD60] =	vst v15  }
0x22f: {  	v20 =	vld [tilespmem:s17+$0x1160];
	[tilespmem:s17+$0xD70] =	vst v16;
	v14 =	vadd.f32 v45, v14  }
0x230: {  	v16 =	vld [tilespmem:s17+$0x1170];
	[tilespmem:s17+$0x1100] =	vst v13;
	v12 =	vadd.f32 v46, v12  }
0x231: {  	v15 =	vld [tilespmem:s17+$0x1500];
	v13 =	vadd.f32 v47, v17;
	[tilespmem:s17+$0x1110] =	vst v14  }
0x232: {  	v14 =	vld [tilespmem:s17+$0x1510];
	[tilespmem:s17+$0x1120] =	vst v12;
	v12 =	vadd.f32 v48, v19  }
0x233: {  	[tilespmem:s17+$0x1130] =	vst v13;
	v13 =	vld [tilespmem:s17+$0x1520];
	v18 =	vadd.f32 v49, v18  }
0x234: {  	s18 =	simm.s32 $0x1;
	v17 =	vadd.f32 v50, v20;
	[tilespmem:s17+$0x1140] =	vst v12;
	v12 =	vld [tilespmem:s17+$0x1530]  }
.LBB2_4:
0x235: {  	s19 =	sshrl.u32 s18, $0x3;
	p0 =	sne.s32 s18, $0x3F;
	[tilespmem:s17+$0x1150] =	vst v18;
	v11 =	vadd.f32 v11, v16;
	v16 =	vld [tilespmem:s17+$0x1540]  }
0x236: {  	s16 =	sadd.s32 $0x80, s16;
	s19 =	smul.u32 $0x1800, s19;
	[tilespmem:s17+$0x1160] =	vst v17;
	v10 =	vadd.f32 v10, v15;
	v15 =	vld [tilespmem:s17+$0x1550]  }
0x237: {  	s20 =	sand.u32 $0x380, s16;
	[tilespmem:s17+$0x1170] =	vst v11;
	v9 =	vadd.f32 v9, v14;
	v11 =	vld [tilespmem:s17+$0x1560]  }
0x238: {  	s19 =	sor.u32 s20, s19;
	[tilespmem:s17+$0x1500] =	vst v10;
	v8 =	vadd.f32 v8, v13;
	v10 =	vld [tilespmem:s17+$0x1570]  }
0x239: {  	v39 =	vld [tilespmem:s19+$0xC100];
	[tilespmem:s17+$0x1510] =	vst v9;
	v7 =	vadd.f32 v7, v12  }
0x23a: {  	v40 =	vld [tilespmem:s19+$0xC110];
	[tilespmem:s17+$0x1520] =	vst v8;
	v6 =	vadd.f32 v6, v16  }
0x23b: {  	v41 =	vld [tilespmem:s19+$0xC120];
	[tilespmem:s17+$0x1530] =	vst v7;
	v5 =	vadd.f32 v5, v15  }
0x23c: {  	v42 =	vld [tilespmem:s19+$0xC130];
	[tilespmem:s17+$0x1540] =	vst v6;
	v4 =	vadd.f32 v4, v11  }
0x23d: {  	v43 =	vld [tilespmem:s19+$0xC140];
	[tilespmem:s17+$0x1550] =	vst v5;
	v3 =	vadd.f32 v3, v10  }
0x23e: {  	v44 =	vld [tilespmem:s19+$0xC150];
	[tilespmem:s17+$0x1560] =	vst v4  }
0x23f: {  	v45 =	vld [tilespmem:s19+$0xC160];
	[tilespmem:s17+$0x1570] =	vst v3;
	s17 =	smov.u32 s19  }
0x240: {  	v46 =	vld [tilespmem:s17+$0xC170]  }
0x241: {  	v47 =	vld [tilespmem:s17+$0xC500]  }
0x242: {  	v48 =	vld [tilespmem:s17+$0xC510]  }
0x243: {  	v49 =	vld [tilespmem:s17+$0xC520]  }
0x244: {  	v50 =	vld [tilespmem:s17+$0xC530]  }
0x245: {  	v38 =	vld [tilespmem:s17+$0xC540]  }
0x246: {  	v37 =	vld [tilespmem:s17+$0xC550]  }
0x247: {  	v36 =	vld [tilespmem:s17+$0xC560]  }
0x248: {  	v35 =	vld [tilespmem:s17+$0xC570]  }
0x249: {  	v34 =	vld [tilespmem:s17+$0xC900]  }
0x24a: {  	v33 =	vld [tilespmem:s17+$0xC910]  }
0x24b: {  	v32 =	vld [tilespmem:s17+$0xC920]  }
0x24c: {  	v31 =	vld [tilespmem:s17+$0xC930]  }
0x24d: {  	v30 =	vld [tilespmem:s17+$0xC940]  }
0x24e: {  	v29 =	vld [tilespmem:s17+$0xC950]  }
0x24f: {  	v28 =	vld [tilespmem:s17+$0xC960]  }
0x250: {  	v27 =	vld [tilespmem:s17+$0xC970]  }
0x251: {  	v26 =	vld [tilespmem:s17+$0xCD00]  }
0x252: {  	v25 =	vld [tilespmem:s17+$0xCD10]  }
0x253: {  	v24 =	vld [tilespmem:s17+$0xCD20]  }
0x254: {  	v23 =	vld [tilespmem:s17+$0xCD30]  }
0x255: {  	v22 =	vld [tilespmem:s17+$0xCD40]  }
0x256: {  	v21 =	vld [tilespmem:s17+$0xCD50]  }
0x257: {  	v20 =	vld [tilespmem:s17+$0xCD60]  }
0x258: {  	v19 =	vld [tilespmem:s17+$0xCD70]  }
0x259: {  	v18 =	vld [tilespmem:s17+$0xD100]  }
0x25a: {  	v17 =	vld [tilespmem:s17+$0xD110]  }
0x25b: {  	v16 =	vld [tilespmem:s17+$0xD120]  }
0x25c: {  	v15 =	vld [tilespmem:s17+$0xD130]  }
0x25d: {  	v14 =	vld [tilespmem:s17+$0xD140]  }
0x25e: {  	v13 =	vld [tilespmem:s17+$0xD150]  }
0x25f: {  	v12 =	vld [tilespmem:s17+$0xD160]  }
0x260: {  	v11 =	vld [tilespmem:s17+$0xD170]  }
0x261: {  	v10 =	vld [tilespmem:s17+$0xD500]  }
0x262: {  	v9 =	vld [tilespmem:s17+$0xD510]  }
0x263: {  	v8 =	vld [tilespmem:s17+$0xD520]  }
0x264: {  	v7 =	vld [tilespmem:s17+$0xD530]  }
0x265: {  	v6 =	vld [tilespmem:s17+$0xD540]  }
0x266: {  	v5 =	vld [tilespmem:s17+$0xD550]  }
0x267: {  	v4 =	vld [tilespmem:s17+$0xD560]  }
0x268: {  	v3 =	vld [tilespmem:s17+$0xD570]  }
0x269: {  	v51 =	vld [tilespmem:s17+$0x100]  }
0x26a: {  	v52 =	vld [tilespmem:s17+$0x110]  }
0x26b: {  	v53 =	vld [tilespmem:s17+$0x120]  }
0x26c: {  	v54 =	vld [tilespmem:s17+$0x130]  }
0x26d: {  	v55 =	vld [tilespmem:s17+$0x140]  }
0x26e: {  	v39 =	vadd.f32 v39, v51;
	v51 =	vld [tilespmem:s17+$0x150]  }
0x26f: {  	v40 =	vadd.f32 v40, v52;
	v52 =	vld [tilespmem:s17+$0x160]  }
0x270: {  	[tilespmem:s17+$0x100] =	vst v39;
	v39 =	vadd.f32 v41, v53;
	v41 =	vld [tilespmem:s17+$0x170]  }
0x271: {  	[tilespmem:s17+$0x110] =	vst v40;
	v40 =	vadd.f32 v42, v54;
	v42 =	vld [tilespmem:s17+$0x500]  }
0x272: {  	[tilespmem:s17+$0x120] =	vst v39;
	v39 =	vadd.f32 v43, v55;
	v43 =	vld [tilespmem:s17+$0x510]  }
0x273: {  	[tilespmem:s17+$0x130] =	vst v40;
	v40 =	vadd.f32 v44, v51;
	v44 =	vld [tilespmem:s17+$0x520]  }
0x274: {  	[tilespmem:s17+$0x140] =	vst v39;
	v39 =	vadd.f32 v45, v52;
	v45 =	vld [tilespmem:s17+$0x530]  }
0x275: {  	[tilespmem:s17+$0x150] =	vst v40;
	v40 =	vadd.f32 v46, v41;
	v41 =	vld [tilespmem:s17+$0x540]  }
0x276: {  	[tilespmem:s17+$0x160] =	vst v39;
	v39 =	vadd.f32 v47, v42;
	v42 =	vld [tilespmem:s17+$0x550]  }
0x277: {  	[tilespmem:s17+$0x170] =	vst v40;
	v40 =	vadd.f32 v48, v43;
	v43 =	vld [tilespmem:s17+$0x560]  }
0x278: {  	[tilespmem:s17+$0x500] =	vst v39;
	v39 =	vadd.f32 v49, v44;
	v44 =	vld [tilespmem:s17+$0x570]  }
0x279: {  	[tilespmem:s17+$0x510] =	vst v40;
	v40 =	vadd.f32 v50, v45;
	v45 =	vld [tilespmem:s17+$0x900]  }
0x27a: {  	[tilespmem:s17+$0x520] =	vst v39;
	v38 =	vadd.f32 v38, v41;
	v39 =	vld [tilespmem:s17+$0x910]  }
0x27b: {  	[tilespmem:s17+$0x530] =	vst v40;
	v37 =	vadd.f32 v37, v42;
	v40 =	vld [tilespmem:s17+$0x920]  }
0x27c: {  	[tilespmem:s17+$0x540] =	vst v38;
	v36 =	vadd.f32 v36, v43;
	v38 =	vld [tilespmem:s17+$0x930]  }
0x27d: {  	[tilespmem:s17+$0x550] =	vst v37;
	v35 =	vadd.f32 v35, v44;
	v37 =	vld [tilespmem:s17+$0x940]  }
0x27e: {  	[tilespmem:s17+$0x560] =	vst v36;
	v34 =	vadd.f32 v34, v45;
	v36 =	vld [tilespmem:s17+$0x950]  }
0x27f: {  	[tilespmem:s17+$0x570] =	vst v35;
	v33 =	vadd.f32 v33, v39;
	v35 =	vld [tilespmem:s17+$0x960]  }
0x280: {  	[tilespmem:s17+$0x900] =	vst v34;
	v32 =	vadd.f32 v32, v40;
	v34 =	vld [tilespmem:s17+$0x970]  }
0x281: {  	[tilespmem:s17+$0x910] =	vst v33;
	v31 =	vadd.f32 v31, v38;
	v33 =	vld [tilespmem:s17+$0xD00]  }
0x282: {  	[tilespmem:s17+$0x920] =	vst v32;
	v30 =	vadd.f32 v30, v37;
	v32 =	vld [tilespmem:s17+$0xD10]  }
0x283: {  	[tilespmem:s17+$0x930] =	vst v31;
	v29 =	vadd.f32 v29, v36;
	v31 =	vld [tilespmem:s17+$0xD20]  }
0x284: {  	[tilespmem:s17+$0x940] =	vst v30;
	v28 =	vadd.f32 v28, v35;
	v30 =	vld [tilespmem:s17+$0xD30]  }
0x285: {  	[tilespmem:s17+$0x950] =	vst v29;
	v27 =	vadd.f32 v27, v34;
	v29 =	vld [tilespmem:s17+$0xD40]  }
0x286: {  	[tilespmem:s17+$0x960] =	vst v28;
	v26 =	vadd.f32 v26, v33;
	v28 =	vld [tilespmem:s17+$0xD50]  }
0x287: {  	[tilespmem:s17+$0x970] =	vst v27;
	v25 =	vadd.f32 v25, v32;
	v27 =	vld [tilespmem:s17+$0xD60]  }
0x288: {  	[tilespmem:s17+$0xD00] =	vst v26;
	v24 =	vadd.f32 v24, v31;
	v26 =	vld [tilespmem:s17+$0xD70]  }
0x289: {  	[tilespmem:s17+$0xD10] =	vst v25;
	v23 =	vadd.f32 v23, v30;
	v25 =	vld [tilespmem:s17+$0x1100]  }
0x28a: {  	[tilespmem:s17+$0xD20] =	vst v24;
	v22 =	vadd.f32 v22, v29;
	v24 =	vld [tilespmem:s17+$0x1110]  }
0x28b: {  	[tilespmem:s17+$0xD30] =	vst v23;
	v21 =	vadd.f32 v21, v28;
	v23 =	vld [tilespmem:s17+$0x1120]  }
0x28c: {  	[tilespmem:s17+$0xD40] =	vst v22;
	v20 =	vadd.f32 v20, v27;
	v22 =	vld [tilespmem:s17+$0x1130]  }
0x28d: {  	[tilespmem:s17+$0xD50] =	vst v21;
	v19 =	vadd.f32 v19, v26;
	v21 =	vld [tilespmem:s17+$0x1140]  }
0x28e: {  	[tilespmem:s17+$0xD60] =	vst v20;
	v18 =	vadd.f32 v18, v25;
	v20 =	vld [tilespmem:s17+$0x1150]  }
0x28f: {  	[tilespmem:s17+$0xD70] =	vst v19;
	v17 =	vadd.f32 v17, v24;
	v19 =	vld [tilespmem:s17+$0x1160]  }
.Ltmp1:
0x290: {  	[tilespmem:s17+$0x1100] =	vst v18;
	v18 =	vadd.f32 v16, v23;
	v16 =	vld [tilespmem:s17+$0x1170];
	(pc) =	sbr.rel @p0 .LBB2_4-.Ltmp1, $4  }
0x291: {  	[tilespmem:s17+$0x1110] =	vst v17;
	v17 =	vadd.f32 v15, v22;
	v15 =	vld [tilespmem:s17+$0x1500]  }
0x292: {  	[tilespmem:s17+$0x1120] =	vst v18;
	v21 =	vadd.f32 v14, v21;
	v14 =	vld [tilespmem:s17+$0x1510]  }
0x293: {  	[tilespmem:s17+$0x1130] =	vst v17;
	v18 =	vadd.f32 v13, v20;
	v13 =	vld [tilespmem:s17+$0x1520]  }
0x294: {  	s18 =	sadd.s32 $0x1, s18;
	[tilespmem:s17+$0x1140] =	vst v21;
	v17 =	vadd.f32 v12, v19;
	v12 =	vld [tilespmem:s17+$0x1530]  }
0x295: {  	[tilespmem:s17+$0x1150] =	vst v18;
	v18 =	vld [tilespmem:s17+$0x1540];
	v11 =	vadd.f32 v11, v16  }
0x296: {  	v16 =	vld [tilespmem:s17+$0x1550];
	[tilespmem:s17+$0x1160] =	vst v17;
	v10 =	vadd.f32 v10, v15  }
0x297: {  	[tilespmem:s17+$0x1170] =	vst v11;
	v9 =	vadd.f32 v9, v14;
	v11 =	vld [tilespmem:s17+$0x1560]  }
0x298: {  	[tilespmem:s17+$0x1500] =	vst v10;
	v8 =	vadd.f32 v8, v13;
	v10 =	vld [tilespmem:s17+$0x1570]  }
0x299: {  	[tilespmem:s17+$0x1510] =	vst v9;
	v7 =	vadd.f32 v7, v12  }
0x29a: {  	[tilespmem:s17+$0x1520] =	vst v8;
	v6 =	vadd.f32 v6, v18  }
0x29b: {  	v5 =	vadd.f32 v5, v16;
	[tilespmem:s17+$0x1530] =	vst v7  }
0x29c: {  	[tilespmem:s17+$0x1540] =	vst v6;
	v4 =	vadd.f32 v4, v11  }
0x29d: {  	[tilespmem:s17+$0x1550] =	vst v5;
	v3 =	vadd.f32 v3, v10  }
0x29e: {  	[tilespmem:s17+$0x1560] =	vst v4  }
0x29f: {  	[tilespmem:s17+$0x1570] =	vst v3  }
0x2a0: {  	v3 =	vld [tilespmem:$0x80];
	_ =	sdelay $0x4  }
0x2a1: {  	v4 =	vshrl.u32 v3, $0x3  }
0x2a2: {  	v4 =	vmul.u32 $0x30, v4  }
0x2a3: {  	v3 =	vand.u32 $0x7, v3  }
0x2a4: {  	v3 =	vor.u32 v3, v4  }
0x2a5: {  	v4 =	vperm.xlane v3, v0;
	_ =	sdelay $0x1  }
0x2a6: {  	v4 =	vadd.s32 v1, v4;
	_ =	sdelay $0x3  }
0x2a7: {  	s16 =	simm.s32 $0x0;
	s20 =	simm.s32 $0xC100;
	v3 =	vperm.xlane v3, v2  }
0x2a8: {  	[tilespmem:s20], [sflag:$0x2] =	stream.indirect_vreg.gather [hbm4b:s3+s16], $0x80, v4, vm0, $0xb8;
	[tilespmem:$0x18100] =	vst v63  }
0x2a9: {  	s18 =	simm.s32 $0xC900;
	v3 =	vadd.s32 v1, v3  }
0x2aa: {  	[tilespmem:s18], [sflag:$0x2] =	stream.indirect_vreg.gather [hbm4b:s6+s16], $0x80, v4, vm0, $0xb8;
	[tilespmem:$0x18100] =	vst v63  }
0x2ab: {  	s19 =	simm.s32 $0xD100  }
0x2ac: {  	[tilespmem:s19], [sflag:$0x2] =	stream.indirect_vreg.gather [hbm4b:s7+s16], $0x80, v4, vm0, $0xb8;
	[tilespmem:$0x18100] =	vst v63  }
0x2ad: {  	s20 =	simm.s32 $0xD900  }
0x2ae: {  	[tilespmem:s20], [sflag:$0x2] =	stream.indirect_vreg.gather [hbm4b:s3+s16], $0x80, v3, vm0, $0xb8;
	[tilespmem:$0x18100] =	vst v63  }
0x2af: {  	s18 =	simm.s32 $0xE100  }
0x2b0: {  	[tilespmem:s18], [sflag:$0x2] =	stream.indirect_vreg.gather [hbm4b:s6+s16], $0x80, v3, vm0, $0xb8;
	[tilespmem:$0x18100] =	vst v63  }
0x2b1: {  	s19 =	simm.s32 $0xE900  }
0x2b2: {  	[tilespmem:s19], [sflag:$0x2] =	stream.indirect_vreg.gather [hbm4b:s7+s16], $0x80, v3, vm0, $0xb8;
	[tilespmem:$0x18100] =	vst v63  }
0x2b3: {  	v3 =	vld [tilespmem:$0x90];
	_ =	sdelay $0x4  }
0x2b4: {  	v4 =	vshrl.u32 v3, $0x3  }
0x2b5: {  	v4 =	vmul.u32 $0x30, v4  }
0x2b6: {  	v3 =	vand.u32 $0x7, v3  }
0x2b7: {  	v3 =	vor.u32 v3, v4  }
0x2b8: {  	v4 =	vperm.xlane v3, v0;
	_ =	sdelay $0x1  }
0x2b9: {  	v4 =	vadd.s32 v1, v4;
	_ =	sdelay $0x3  }
0x2ba: {  	v3 =	vperm.xlane v3, v2  }
0x2bb: {  	[tilespmem:s21], [sflag:$0x2] =	stream.indirect_vreg.gather [hbm4b:s3+s16], $0x80, v4, vm0, $0xb8;
	[tilespmem:$0x18100] =	vst v63  }
0x2bc: {  	v3 =	vadd.s32 v1, v3  }
0x2bd: {  	[tilespmem:s22], [sflag:$0x2] =	stream.indirect_vreg.gather [hbm4b:s6+s16], $0x80, v4, vm0, $0xb8;
	[tilespmem:$0x18100] =	vst v63  }
0x2be: {  	_ = 	snop  }
0x2bf: {  	[tilespmem:s23], [sflag:$0x2] =	stream.indirect_vreg.gather [hbm4b:s7+s16], $0x80, v4, vm0, $0xb8;
	[tilespmem:$0x18100] =	vst v63  }
0x2c0: {  	_ = 	snop  }
0x2c1: {  	[tilespmem:s24], [sflag:$0x2] =	stream.indirect_vreg.gather [hbm4b:s3+s16], $0x80, v3, vm0, $0xb8;
	[tilespmem:$0x18100] =	vst v63  }
0x2c2: {  	_ = 	snop  }
0x2c3: {  	[tilespmem:s25], [sflag:$0x2] =	stream.indirect_vreg.gather [hbm4b:s6+s16], $0x80, v3, vm0, $0xb8;
	[tilespmem:$0x18100] =	vst v63  }
0x2c4: {  	_ = 	snop  }
0x2c5: {  	[tilespmem:s26], [sflag:$0x2] =	stream.indirect_vreg.gather [hbm4b:s7+s16], $0x80, v3, vm0, $0xb8;
	[tilespmem:$0x18100] =	vst v63  }
0x2c6: {  	v3 =	vld [tilespmem:$0xA0];
	_ =	sdelay $0x4  }
0x2c7: {  	v4 =	vshrl.u32 v3, $0x3  }
0x2c8: {  	v4 =	vmul.u32 $0x30, v4  }
0x2c9: {  	v3 =	vand.u32 $0x7, v3  }
0x2ca: {  	v3 =	vor.u32 v3, v4  }
0x2cb: {  	v4 =	vperm.xlane v3, v0;
	_ =	sdelay $0x1  }
0x2cc: {  	v4 =	vadd.s32 v1, v4;
	_ =	sdelay $0x3  }
0x2cd: {  	v3 =	vperm.xlane v3, v2  }
0x2ce: {  	[tilespmem:s28], [sflag:$0x2] =	stream.indirect_vreg.gather [hbm4b:s3+s16], $0x80, v4, vm0, $0xb8;
	[tilespmem:$0x18100] =	vst v63  }
0x2cf: {  	v3 =	vadd.s32 v1, v3  }
0x2d0: {  	[tilespmem:s29], [sflag:$0x2] =	stream.indirect_vreg.gather [hbm4b:s6+s16], $0x80, v4, vm0, $0xb8;
	[tilespmem:$0x18100] =	vst v63  }
0x2d1: {  	_ = 	snop  }
0x2d2: {  	[tilespmem:s30], [sflag:$0x2] =	stream.indirect_vreg.gather [hbm4b:s7+s16], $0x80, v4, vm0, $0xb8;
	[tilespmem:$0x18100] =	vst v63  }
0x2d3: {  	_ = 	snop  }
0x2d4: {  	[tilespmem:s31], [sflag:$0x2] =	stream.indirect_vreg.gather [hbm4b:s3+s16], $0x80, v3, vm0, $0xb8;
	[tilespmem:$0x18100] =	vst v63  }
0x2d5: {  	_ = 	snop  }
0x2d6: {  	[tilespmem:s0], [sflag:$0x2] =	stream.indirect_vreg.gather [hbm4b:s6+s16], $0x80, v3, vm0, $0xb8;
	[tilespmem:$0x18100] =	vst v63  }
0x2d7: {  	_ = 	snop  }
0x2d8: {  	[tilespmem:s1], [sflag:$0x2] =	stream.indirect_vreg.gather [hbm4b:s7+s16], $0x80, v3, vm0, $0xb8;
	[tilespmem:$0x18100] =	vst v63  }
0x2d9: {  	v3 =	vld [tilespmem:$0xB0];
	_ =	sdelay $0x4  }
0x2da: {  	v4 =	vshrl.u32 v3, $0x3  }
0x2db: {  	v4 =	vmul.u32 $0x30, v4  }
0x2dc: {  	v3 =	vand.u32 $0x7, v3  }
0x2dd: {  	v3 =	vor.u32 v3, v4  }
0x2de: {  	v4 =	vperm.xlane v3, v0;
	_ =	sdelay $0x1  }
0x2df: {  	v4 =	vadd.s32 v1, v4;
	_ =	sdelay $0x3  }
0x2e0: {  	v3 =	vperm.xlane v3, v2  }
0x2e1: {  	[tilespmem:s11], [sflag:$0x2] =	stream.indirect_vreg.gather [hbm4b:s3+s16], $0x80, v4, vm0, $0xb8;
	[tilespmem:$0x18100] =	vst v63  }
0x2e2: {  	v3 =	vadd.s32 v1, v3  }
0x2e3: {  	[tilespmem:s13], [sflag:$0x2] =	stream.indirect_vreg.gather [hbm4b:s6+s16], $0x80, v4, vm0, $0xb8;
	[tilespmem:$0x18100] =	vst v63  }
0x2e4: {  	_ = 	snop  }
0x2e5: {  	[tilespmem:s14], [sflag:$0x2] =	stream.indirect_vreg.gather [hbm4b:s7+s16], $0x80, v4, vm0, $0xb8;
	[tilespmem:$0x18100] =	vst v63  }
0x2e6: {  	_ = 	snop  }
0x2e7: {  	[tilespmem:s12], [sflag:$0x2] =	stream.indirect_vreg.gather [hbm4b:s3+s16], $0x80, v3, vm0, $0xb8;
	[tilespmem:$0x18100] =	vst v63  }
0x2e8: {  	_ = 	snop  }
0x2e9: {  	[tilespmem:s4], [sflag:$0x2] =	stream.indirect_vreg.gather [hbm4b:s6+s16], $0x80, v3, vm0, $0xb8;
	[tilespmem:$0x18100] =	vst v63  }
0x2ea: {  	s20 =	simm.s32 $0x0  }
0x2eb: {  	[tilespmem:s5], [sflag:$0x2] =	stream.indirect_vreg.gather [hbm4b:s7+s16], $0x80, v3, vm0, $0xb8;
	[tilespmem:$0x18100] =	vst v63  }
0x2ec: {  	s17 =	smul.u32 $0x1800, s20;
	_ =	swait.ge [sflag:s9], $0xC000  }
0x2ed: {  	s18 =	sand.u32 $0x380, s16;
	[sflag:s9] =	ssyncset.done $0x0  }
0x2ee: {  	s17 =	sor.u32 s18, s17;
	[sflag:s9] =	ssyncadd.s32 $0xFFFF4000  }
0x2ef: {  	v12 =	vld [tilespmem:s17+$0xC100]  }
0x2f0: {  	v13 =	vld [tilespmem:s17+$0xC110]  }
0x2f1: {  	v14 =	vld [tilespmem:s17+$0xC120]  }
0x2f2: {  	v15 =	vld [tilespmem:s17+$0xC130]  }
0x2f3: {  	v16 =	vld [tilespmem:s17+$0xC140]  }
0x2f4: {  	v17 =	vld [tilespmem:s17+$0xC150]  }
0x2f5: {  	v18 =	vld [tilespmem:s17+$0xC160]  }
0x2f6: {  	v19 =	vld [tilespmem:s17+$0xC170]  }
0x2f7: {  	v20 =	vld [tilespmem:s17+$0xC500]  }
0x2f8: {  	v21 =	vld [tilespmem:s17+$0xC510]  }
0x2f9: {  	v22 =	vld [tilespmem:s17+$0xC520]  }
0x2fa: {  	v23 =	vld [tilespmem:s17+$0xC530]  }
0x2fb: {  	v24 =	vld [tilespmem:s17+$0xC540]  }
0x2fc: {  	v25 =	vld [tilespmem:s17+$0xC550]  }
0x2fd: {  	v26 =	vld [tilespmem:s17+$0xC560]  }
0x2fe: {  	v27 =	vld [tilespmem:s17+$0xC570]  }
0x2ff: {  	v28 =	vld [tilespmem:s17+$0xC900]  }
0x300: {  	v29 =	vld [tilespmem:s17+$0xC910]  }
0x301: {  	v30 =	vld [tilespmem:s17+$0xC920]  }
0x302: {  	v31 =	vld [tilespmem:s17+$0xC930]  }
0x303: {  	v32 =	vld [tilespmem:s17+$0xC940]  }
0x304: {  	v33 =	vld [tilespmem:s17+$0xC950]  }
0x305: {  	v34 =	vld [tilespmem:s17+$0xC960]  }
0x306: {  	v35 =	vld [tilespmem:s17+$0xC970]  }
0x307: {  	v36 =	vld [tilespmem:s17+$0xCD00]  }
0x308: {  	v37 =	vld [tilespmem:s17+$0xCD10]  }
0x309: {  	v38 =	vld [tilespmem:s17+$0xCD20]  }
0x30a: {  	v39 =	vld [tilespmem:s17+$0xCD30]  }
0x30b: {  	v40 =	vld [tilespmem:s17+$0xCD40]  }
0x30c: {  	v41 =	vld [tilespmem:s17+$0xCD50]  }
0x30d: {  	v42 =	vld [tilespmem:s17+$0xCD60]  }
0x30e: {  	v43 =	vld [tilespmem:s17+$0xCD70]  }
0x30f: {  	v44 =	vld [tilespmem:s17+$0xD100]  }
0x310: {  	v45 =	vld [tilespmem:s17+$0xD110]  }
0x311: {  	v46 =	vld [tilespmem:s17+$0xD120]  }
0x312: {  	v47 =	vld [tilespmem:s17+$0xD130]  }
0x313: {  	v48 =	vld [tilespmem:s17+$0xD140]  }
0x314: {  	v49 =	vld [tilespmem:s17+$0xD150]  }
0x315: {  	v50 =	vld [tilespmem:s17+$0xD160]  }
0x316: {  	v11 =	vld [tilespmem:s17+$0xD170]  }
0x317: {  	v10 =	vld [tilespmem:s17+$0xD500]  }
0x318: {  	v9 =	vld [tilespmem:s17+$0xD510]  }
0x319: {  	v8 =	vld [tilespmem:s17+$0xD520]  }
0x31a: {  	v7 =	vld [tilespmem:s17+$0xD530]  }
0x31b: {  	v6 =	vld [tilespmem:s17+$0xD540]  }
0x31c: {  	v51 =	vld [tilespmem:s17+$0x100]  }
0x31d: {  	v52 =	vld [tilespmem:s17+$0x110]  }
0x31e: {  	v53 =	vld [tilespmem:s17+$0x120]  }
0x31f: {  	v54 =	vld [tilespmem:s17+$0x130]  }
0x320: {  	v55 =	vld [tilespmem:s17+$0x140]  }
0x321: {  	v62 =	vld [tilespmem:s17+$0x150];
	v12 =	vadd.f32 v12, v51  }
0x322: {  	v63 =	vld [tilespmem:s17+$0x160];
	v13 =	vadd.f32 v13, v52  }
0x323: {  	[tilespmem:s17+$0x100] =	vst v12;
	v12 =	vadd.f32 v14, v53;
	v14 =	vld [tilespmem:s17+$0x170]  }
0x324: {  	[tilespmem:s17+$0x110] =	vst v13;
	v13 =	vadd.f32 v15, v54;
	v15 =	vld [tilespmem:s17+$0x500]  }
0x325: {  	[tilespmem:s17+$0x120] =	vst v12;
	v12 =	vadd.f32 v16, v55;
	v16 =	vld [tilespmem:s17+$0x510]  }
0x326: {  	[tilespmem:s17+$0x130] =	vst v13;
	v13 =	vadd.f32 v17, v62;
	v17 =	vld [tilespmem:s17+$0x520]  }
0x327: {  	v5 =	vld [tilespmem:s17+$0xD550]  }
0x328: {  	[tilespmem:s17+$0x140] =	vst v12;
	v12 =	vadd.f32 v18, v63;
	v18 =	vld [tilespmem:s17+$0x570]  }
0x329: {  	[tilespmem:s17+$0x150] =	vst v13;
	v13 =	vadd.f32 v19, v14;
	v14 =	vld [tilespmem:s17+$0x530]  }
0x32a: {  	[tilespmem:s17+$0x160] =	vst v12;
	v12 =	vadd.f32 v20, v15;
	v15 =	vld [tilespmem:s17+$0x540]  }
0x32b: {  	[tilespmem:s17+$0x170] =	vst v13;
	v13 =	vadd.f32 v21, v16;
	v16 =	vadd.f32 v22, v17;
	v17 =	vld [tilespmem:s17+$0x560]  }
0x32c: {  	[tilespmem:s17+$0x500] =	vst v12;
	v12 =	vld [tilespmem:s17+$0x550]  }
0x32d: {  	[tilespmem:s17+$0x510] =	vst v13;
	v13 =	vld [tilespmem:s17+$0x900];
	v18 =	vadd.f32 v27, v18  }
0x32e: {  	[tilespmem:s17+$0x520] =	vst v16;
	v16 =	vld [tilespmem:s17+$0x910];
	v14 =	vadd.f32 v23, v14  }
0x32f: {  	v4 =	vld [tilespmem:s17+$0xD560];
	v15 =	vadd.f32 v24, v15;
	[tilespmem:s17+$0x570] =	vst v18  }
0x330: {  	[tilespmem:s17+$0x530] =	vst v14;
	v14 =	vld [tilespmem:s17+$0x920];
	v17 =	vadd.f32 v26, v17  }
0x331: {  	v12 =	vadd.f32 v25, v12;
	[tilespmem:s17+$0x540] =	vst v15;
	v15 =	vld [tilespmem:s17+$0x930]  }
0x332: {  	v18 =	vld [tilespmem:s17+$0x970];
	[tilespmem:s17+$0x560] =	vst v17;
	v13 =	vadd.f32 v28, v13  }
0x333: {  	v16 =	vadd.f32 v29, v16;
	[tilespmem:s17+$0x550] =	vst v12;
	v12 =	vld [tilespmem:s17+$0x940]  }
0x334: {  	v17 =	vld [tilespmem:s17+$0x950];
	[tilespmem:s17+$0x900] =	vst v13  }
0x335: {  	[tilespmem:s17+$0x910] =	vst v16;
	v16 =	vld [tilespmem:s17+$0x960];
	v13 =	vadd.f32 v30, v14  }
0x336: {  	v14 =	vld [tilespmem:s17+$0xD00];
	v15 =	vadd.f32 v31, v15  }
0x337: {  	[tilespmem:s17+$0x920] =	vst v13;
	v13 =	vld [tilespmem:s17+$0xD10]  }
0x338: {  	v12 =	vadd.f32 v32, v12;
	[tilespmem:s17+$0x930] =	vst v15;
	v15 =	vld [tilespmem:s17+$0xD20]  }
0x339: {  	v3 =	vld [tilespmem:s17+$0xD570];
	v17 =	vadd.f32 v33, v17  }
0x33a: {  	v16 =	vadd.f32 v34, v16;
	[tilespmem:s17+$0x940] =	vst v12;
	v12 =	vld [tilespmem:s17+$0xD30]  }
0x33b: {  	[tilespmem:s17+$0x950] =	vst v17;
	v17 =	vld [tilespmem:s17+$0xD40];
	v14 =	vadd.f32 v36, v14  }
0x33c: {  	v18 =	vadd.f32 v35, v18;
	[tilespmem:s17+$0x960] =	vst v16;
	v16 =	vld [tilespmem:s17+$0xD50]  }
0x33d: {  	v13 =	vadd.f32 v37, v13;
	[tilespmem:s17+$0xD00] =	vst v14;
	v14 =	vadd.f32 v38, v15;
	v15 =	vld [tilespmem:s17+$0xD60]  }
0x33e: {  	[tilespmem:s17+$0x970] =	vst v18;
	v18 =	vld [tilespmem:s17+$0xD70]  }
0x33f: {  	[tilespmem:s17+$0xD10] =	vst v13;
	v13 =	vld [tilespmem:s17+$0x1100];
	v12 =	vadd.f32 v39, v12  }
0x340: {  	v17 =	vadd.f32 v40, v17;
	[tilespmem:s17+$0xD20] =	vst v14;
	v14 =	vld [tilespmem:s17+$0x1110]  }
0x341: {  	v16 =	vadd.f32 v41, v16;
	[tilespmem:s17+$0xD30] =	vst v12;
	v12 =	vld [tilespmem:s17+$0x1120]  }
0x342: {  	[tilespmem:s17+$0xD40] =	vst v17;
	v17 =	vld [tilespmem:s17+$0x1130];
	v15 =	vadd.f32 v42, v15  }
0x343: {  	v19 =	vld [tilespmem:s17+$0x1140];
	[tilespmem:s17+$0xD50] =	vst v16;
	v16 =	vadd.f32 v43, v18  }
0x344: {  	v18 =	vld [tilespmem:s17+$0x1150];
	v13 =	vadd.f32 v44, v13;
	[tilespmem:s17+$0xD60] =	vst v15  }
0x345: {  	v20 =	vld [tilespmem:s17+$0x1160];
	[tilespmem:s17+$0xD70] =	vst v16;
	v14 =	vadd.f32 v45, v14  }
0x346: {  	v16 =	vld [tilespmem:s17+$0x1170];
	[tilespmem:s17+$0x1100] =	vst v13;
	v12 =	vadd.f32 v46, v12  }
0x347: {  	v15 =	vld [tilespmem:s17+$0x1500];
	v13 =	vadd.f32 v47, v17;
	[tilespmem:s17+$0x1110] =	vst v14  }
0x348: {  	v14 =	vld [tilespmem:s17+$0x1510];
	[tilespmem:s17+$0x1120] =	vst v12;
	v12 =	vadd.f32 v48, v19  }
0x349: {  	[tilespmem:s17+$0x1130] =	vst v13;
	v13 =	vld [tilespmem:s17+$0x1520];
	v18 =	vadd.f32 v49, v18  }
0x34a: {  	s18 =	simm.s32 $0x1;
	v17 =	vadd.f32 v50, v20;
	[tilespmem:s17+$0x1140] =	vst v12;
	v12 =	vld [tilespmem:s17+$0x1530]  }
.LBB2_6:
0x34b: {  	s19 =	sshrl.u32 s18, $0x3;
	p0 =	sne.s32 s18, $0x3F;
	[tilespmem:s17+$0x1150] =	vst v18;
	v11 =	vadd.f32 v11, v16;
	v16 =	vld [tilespmem:s17+$0x1540]  }
0x34c: {  	s16 =	sadd.s32 $0x80, s16;
	s19 =	smul.u32 $0x1800, s19;
	[tilespmem:s17+$0x1160] =	vst v17;
	v10 =	vadd.f32 v10, v15;
	v15 =	vld [tilespmem:s17+$0x1550]  }
0x34d: {  	s20 =	sand.u32 $0x380, s16;
	[tilespmem:s17+$0x1170] =	vst v11;
	v9 =	vadd.f32 v9, v14;
	v11 =	vld [tilespmem:s17+$0x1560]  }
0x34e: {  	s19 =	sor.u32 s20, s19;
	[tilespmem:s17+$0x1500] =	vst v10;
	v8 =	vadd.f32 v8, v13;
	v10 =	vld [tilespmem:s17+$0x1570]  }
0x34f: {  	v39 =	vld [tilespmem:s19+$0xC100];
	[tilespmem:s17+$0x1510] =	vst v9;
	v7 =	vadd.f32 v7, v12  }
0x350: {  	v40 =	vld [tilespmem:s19+$0xC110];
	[tilespmem:s17+$0x1520] =	vst v8;
	v6 =	vadd.f32 v6, v16  }
0x351: {  	v41 =	vld [tilespmem:s19+$0xC120];
	[tilespmem:s17+$0x1530] =	vst v7;
	v5 =	vadd.f32 v5, v15  }
0x352: {  	v42 =	vld [tilespmem:s19+$0xC130];
	[tilespmem:s17+$0x1540] =	vst v6;
	v4 =	vadd.f32 v4, v11  }
0x353: {  	v43 =	vld [tilespmem:s19+$0xC140];
	[tilespmem:s17+$0x1550] =	vst v5;
	v3 =	vadd.f32 v3, v10  }
0x354: {  	v44 =	vld [tilespmem:s19+$0xC150];
	[tilespmem:s17+$0x1560] =	vst v4  }
0x355: {  	v45 =	vld [tilespmem:s19+$0xC160];
	[tilespmem:s17+$0x1570] =	vst v3;
	s17 =	smov.u32 s19  }
0x356: {  	v46 =	vld [tilespmem:s17+$0xC170]  }
0x357: {  	v47 =	vld [tilespmem:s17+$0xC500]  }
0x358: {  	v48 =	vld [tilespmem:s17+$0xC510]  }
0x359: {  	v49 =	vld [tilespmem:s17+$0xC520]  }
0x35a: {  	v50 =	vld [tilespmem:s17+$0xC530]  }
0x35b: {  	v38 =	vld [tilespmem:s17+$0xC540]  }
0x35c: {  	v37 =	vld [tilespmem:s17+$0xC550]  }
0x35d: {  	v36 =	vld [tilespmem:s17+$0xC560]  }
0x35e: {  	v35 =	vld [tilespmem:s17+$0xC570]  }
0x35f: {  	v34 =	vld [tilespmem:s17+$0xC900]  }
0x360: {  	v33 =	vld [tilespmem:s17+$0xC910]  }
0x361: {  	v32 =	vld [tilespmem:s17+$0xC920]  }
0x362: {  	v31 =	vld [tilespmem:s17+$0xC930]  }
0x363: {  	v30 =	vld [tilespmem:s17+$0xC940]  }
0x364: {  	v29 =	vld [tilespmem:s17+$0xC950]  }
0x365: {  	v28 =	vld [tilespmem:s17+$0xC960]  }
0x366: {  	v27 =	vld [tilespmem:s17+$0xC970]  }
0x367: {  	v26 =	vld [tilespmem:s17+$0xCD00]  }
0x368: {  	v25 =	vld [tilespmem:s17+$0xCD10]  }
0x369: {  	v24 =	vld [tilespmem:s17+$0xCD20]  }
0x36a: {  	v23 =	vld [tilespmem:s17+$0xCD30]  }
0x36b: {  	v22 =	vld [tilespmem:s17+$0xCD40]  }
0x36c: {  	v21 =	vld [tilespmem:s17+$0xCD50]  }
0x36d: {  	v20 =	vld [tilespmem:s17+$0xCD60]  }
0x36e: {  	v19 =	vld [tilespmem:s17+$0xCD70]  }
0x36f: {  	v18 =	vld [tilespmem:s17+$0xD100]  }
0x370: {  	v17 =	vld [tilespmem:s17+$0xD110]  }
0x371: {  	v16 =	vld [tilespmem:s17+$0xD120]  }
0x372: {  	v15 =	vld [tilespmem:s17+$0xD130]  }
0x373: {  	v14 =	vld [tilespmem:s17+$0xD140]  }
0x374: {  	v13 =	vld [tilespmem:s17+$0xD150]  }
0x375: {  	v12 =	vld [tilespmem:s17+$0xD160]  }
0x376: {  	v11 =	vld [tilespmem:s17+$0xD170]  }
0x377: {  	v10 =	vld [tilespmem:s17+$0xD500]  }
0x378: {  	v9 =	vld [tilespmem:s17+$0xD510]  }
0x379: {  	v8 =	vld [tilespmem:s17+$0xD520]  }
0x37a: {  	v7 =	vld [tilespmem:s17+$0xD530]  }
0x37b: {  	v6 =	vld [tilespmem:s17+$0xD540]  }
0x37c: {  	v5 =	vld [tilespmem:s17+$0xD550]  }
0x37d: {  	v4 =	vld [tilespmem:s17+$0xD560]  }
0x37e: {  	v3 =	vld [tilespmem:s17+$0xD570]  }
0x37f: {  	v51 =	vld [tilespmem:s17+$0x100]  }
0x380: {  	v52 =	vld [tilespmem:s17+$0x110]  }
0x381: {  	v53 =	vld [tilespmem:s17+$0x120]  }
0x382: {  	v54 =	vld [tilespmem:s17+$0x130]  }
0x383: {  	v55 =	vld [tilespmem:s17+$0x140]  }
0x384: {  	v39 =	vadd.f32 v39, v51;
	v51 =	vld [tilespmem:s17+$0x150]  }
0x385: {  	v40 =	vadd.f32 v40, v52;
	v52 =	vld [tilespmem:s17+$0x160]  }
0x386: {  	[tilespmem:s17+$0x100] =	vst v39;
	v39 =	vadd.f32 v41, v53;
	v41 =	vld [tilespmem:s17+$0x170]  }
0x387: {  	[tilespmem:s17+$0x110] =	vst v40;
	v40 =	vadd.f32 v42, v54;
	v42 =	vld [tilespmem:s17+$0x500]  }
0x388: {  	[tilespmem:s17+$0x120] =	vst v39;
	v39 =	vadd.f32 v43, v55;
	v43 =	vld [tilespmem:s17+$0x510]  }
0x389: {  	[tilespmem:s17+$0x130] =	vst v40;
	v40 =	vadd.f32 v44, v51;
	v44 =	vld [tilespmem:s17+$0x520]  }
0x38a: {  	[tilespmem:s17+$0x140] =	vst v39;
	v39 =	vadd.f32 v45, v52;
	v45 =	vld [tilespmem:s17+$0x530]  }
0x38b: {  	[tilespmem:s17+$0x150] =	vst v40;
	v40 =	vadd.f32 v46, v41;
	v41 =	vld [tilespmem:s17+$0x540]  }
0x38c: {  	[tilespmem:s17+$0x160] =	vst v39;
	v39 =	vadd.f32 v47, v42;
	v42 =	vld [tilespmem:s17+$0x550]  }
0x38d: {  	[tilespmem:s17+$0x170] =	vst v40;
	v40 =	vadd.f32 v48, v43;
	v43 =	vld [tilespmem:s17+$0x560]  }
0x38e: {  	[tilespmem:s17+$0x500] =	vst v39;
	v39 =	vadd.f32 v49, v44;
	v44 =	vld [tilespmem:s17+$0x570]  }
0x38f: {  	[tilespmem:s17+$0x510] =	vst v40;
	v40 =	vadd.f32 v50, v45;
	v45 =	vld [tilespmem:s17+$0x900]  }
0x390: {  	[tilespmem:s17+$0x520] =	vst v39;
	v38 =	vadd.f32 v38, v41;
	v39 =	vld [tilespmem:s17+$0x910]  }
0x391: {  	[tilespmem:s17+$0x530] =	vst v40;
	v37 =	vadd.f32 v37, v42;
	v40 =	vld [tilespmem:s17+$0x920]  }
0x392: {  	[tilespmem:s17+$0x540] =	vst v38;
	v36 =	vadd.f32 v36, v43;
	v38 =	vld [tilespmem:s17+$0x930]  }
0x393: {  	[tilespmem:s17+$0x550] =	vst v37;
	v35 =	vadd.f32 v35, v44;
	v37 =	vld [tilespmem:s17+$0x940]  }
0x394: {  	[tilespmem:s17+$0x560] =	vst v36;
	v34 =	vadd.f32 v34, v45;
	v36 =	vld [tilespmem:s17+$0x950]  }
0x395: {  	[tilespmem:s17+$0x570] =	vst v35;
	v33 =	vadd.f32 v33, v39;
	v35 =	vld [tilespmem:s17+$0x960]  }
0x396: {  	[tilespmem:s17+$0x900] =	vst v34;
	v32 =	vadd.f32 v32, v40;
	v34 =	vld [tilespmem:s17+$0x970]  }
0x397: {  	[tilespmem:s17+$0x910] =	vst v33;
	v31 =	vadd.f32 v31, v38;
	v33 =	vld [tilespmem:s17+$0xD00]  }
0x398: {  	[tilespmem:s17+$0x920] =	vst v32;
	v30 =	vadd.f32 v30, v37;
	v32 =	vld [tilespmem:s17+$0xD10]  }
0x399: {  	[tilespmem:s17+$0x930] =	vst v31;
	v29 =	vadd.f32 v29, v36;
	v31 =	vld [tilespmem:s17+$0xD20]  }
0x39a: {  	[tilespmem:s17+$0x940] =	vst v30;
	v28 =	vadd.f32 v28, v35;
	v30 =	vld [tilespmem:s17+$0xD30]  }
0x39b: {  	[tilespmem:s17+$0x950] =	vst v29;
	v27 =	vadd.f32 v27, v34;
	v29 =	vld [tilespmem:s17+$0xD40]  }
0x39c: {  	[tilespmem:s17+$0x960] =	vst v28;
	v26 =	vadd.f32 v26, v33;
	v28 =	vld [tilespmem:s17+$0xD50]  }
0x39d: {  	[tilespmem:s17+$0x970] =	vst v27;
	v25 =	vadd.f32 v25, v32;
	v27 =	vld [tilespmem:s17+$0xD60]  }
0x39e: {  	[tilespmem:s17+$0xD00] =	vst v26;
	v24 =	vadd.f32 v24, v31;
	v26 =	vld [tilespmem:s17+$0xD70]  }
0x39f: {  	[tilespmem:s17+$0xD10] =	vst v25;
	v23 =	vadd.f32 v23, v30;
	v25 =	vld [tilespmem:s17+$0x1100]  }
0x3a0: {  	[tilespmem:s17+$0xD20] =	vst v24;
	v22 =	vadd.f32 v22, v29;
	v24 =	vld [tilespmem:s17+$0x1110]  }
0x3a1: {  	[tilespmem:s17+$0xD30] =	vst v23;
	v21 =	vadd.f32 v21, v28;
	v23 =	vld [tilespmem:s17+$0x1120]  }
0x3a2: {  	[tilespmem:s17+$0xD40] =	vst v22;
	v20 =	vadd.f32 v20, v27;
	v22 =	vld [tilespmem:s17+$0x1130]  }
0x3a3: {  	[tilespmem:s17+$0xD50] =	vst v21;
	v19 =	vadd.f32 v19, v26;
	v21 =	vld [tilespmem:s17+$0x1140]  }
0x3a4: {  	[tilespmem:s17+$0xD60] =	vst v20;
	v18 =	vadd.f32 v18, v25;
	v20 =	vld [tilespmem:s17+$0x1150]  }
0x3a5: {  	[tilespmem:s17+$0xD70] =	vst v19;
	v17 =	vadd.f32 v17, v24;
	v19 =	vld [tilespmem:s17+$0x1160]  }
.Ltmp2:
0x3a6: {  	[tilespmem:s17+$0x1100] =	vst v18;
	v18 =	vadd.f32 v16, v23;
	v16 =	vld [tilespmem:s17+$0x1170];
	(pc) =	sbr.rel @p0 .LBB2_6-.Ltmp2, $4  }
0x3a7: {  	[tilespmem:s17+$0x1110] =	vst v17;
	v17 =	vadd.f32 v15, v22;
	v15 =	vld [tilespmem:s17+$0x1500]  }
0x3a8: {  	[tilespmem:s17+$0x1120] =	vst v18;
	v21 =	vadd.f32 v14, v21;
	v14 =	vld [tilespmem:s17+$0x1510]  }
0x3a9: {  	[tilespmem:s17+$0x1130] =	vst v17;
	v18 =	vadd.f32 v13, v20;
	v13 =	vld [tilespmem:s17+$0x1520]  }
0x3aa: {  	s18 =	sadd.s32 $0x1, s18;
	[tilespmem:s17+$0x1140] =	vst v21;
	v17 =	vadd.f32 v12, v19;
	v12 =	vld [tilespmem:s17+$0x1530]  }
0x3ab: {  	[tilespmem:s17+$0x1150] =	vst v18;
	v60 =	vld [tilespmem:s17+$0x1540];
	v11 =	vadd.f32 v11, v16  }
0x3ac: {  	v61 =	vld [tilespmem:s17+$0x1550];
	[tilespmem:s17+$0x1160] =	vst v17;
	v10 =	vadd.f32 v10, v15  }
0x3ad: {  	v62 =	vld [tilespmem:s17+$0x1560];
	[tilespmem:s17+$0x1170] =	vst v11;
	v9 =	vadd.f32 v9, v14  }
0x3ae: {  	v63 =	vld [tilespmem:s17+$0x1570];
	[tilespmem:s17+$0x1500] =	vst v10;
	v8 =	vadd.f32 v8, v13  }
0x3af: {  	[tilespmem:s17+$0x1510] =	vst v9;
	v7 =	vadd.f32 v7, v12  }
0x3b0: {  	[tilespmem:s17+$0x1520] =	vst v8;
	v6 =	vadd.f32 v6, v60  }
0x3b1: {  	v5 =	vadd.f32 v5, v61;
	[tilespmem:s17+$0x1530] =	vst v7  }
0x3b2: {  	v4 =	vadd.f32 v4, v62;
	[tilespmem:s17+$0x1540] =	vst v6  }
0x3b3: {  	v3 =	vadd.f32 v3, v63;
	[tilespmem:s17+$0x1550] =	vst v5  }
0x3b4: {  	[tilespmem:s17+$0x1560] =	vst v4  }
0x3b5: {  	s16 =	rddreg [dreg:$0x5];
	s18 =	simm.s32 $0x100;
	[tilespmem:s17+$0x1570] =	vst v3  }
0x3b6: {  	[hbm4b:s16+s2] =	stream.linear.scatter [tilespmem:s18], [sflag:$0x3], $0xC000, $0x38;
	[tilespmem:$0x18100] =	vst v63  }
0x3b7: {  	_ =	swait.ge [sflag:s10], $0xC000  }
0x3b8: {  	s15 =	sadd.s32 $0x1, s15;
	s20 =	rddreg [dreg:$0x6]  }
0x3b9: {  	p0 =	sne.s32 s15, s20  }
.Ltmp3:
0x3ba: {  	_ = 	snop;
	(pc) =	sbr.rel @p0 .LBB2_1-.Ltmp3, $3  }
0x3bb: {  	_ =	sdelay $0x1  }
0x3bc: {  	[sflag:s10] =	ssyncset.done $0x0  }
0x3bd: {  	[sflag:s10] =	ssyncadd.s32 $0xFFFF4000  }
0x3be: {  	_ =	sfence.sel $0x180000  }
0x3bf: {  	[bflag:$0x0] =	sbarrier.arrive $0xFFFF  }
0x3c0: {  	_ =	strace $0x9000004A  }
0x3c1: {  	s0 =	stileid.u32;
	[bflag:$0x2] =	sbarrier.arrive $0xFFFF  }
0x3c2: {  	p0 =	sne.s32 s0, $0x0;
	s0 =	rddreg [dreg:$0x2]  }
0x3c3: {  	s0 =	sadd.s32 @!p0 $0x100000, s0  }
0x3c4: {  	[sflag:s0] =	ssyncadd.tile.s32 @!p0 $0x1;
	_ =	shalt  }
.Lfunc_end2:
_tile_overlayer_lowered:
.L_overlay_start_2:
0x3c5: {  	(tag) =	ssettag $0x2  }
0x3c6: {  	s0 =	rddreg [dreg:$0x0];
	s2 =	stileid.u32  }
0x3c7: {  	s1 =	rddreg [dreg:$0x1];
	p0 =	sne.s32 s2, $0x0  }
0x3c8: {  	s3 =	rddreg [dreg:$0x2];
	[bflag:$0x3] =	sbarrier.arrive $0xFFFF;
	s2 =	simm.s32 @!p0 $0x1C03  }
0x3c9: {  	[timem:s3], [sflag:s2] =	dma.local @!p0 [hbm:s0], s1  }
0x3ca: {  	s0 =	simm.s32 @!p0 $0x3  }
0x3cb: {  	_ =	swait.ge @!p0 [sflag:s0], s1  }
0x3cc: {  	s1 =	ssub.s32 @!p0 $0x0, s1;
	[sflag:s0] =	ssyncset.done @!p0 $0x0  }
0x3cd: {  	[sflag:s0] =	ssyncadd.s32 @!p0 s1  }
0x3ce: {  	[bflag:$0x3] =	sbarrier.arrive $0xFFFF  }
0x3cf: {  	_ =	shalt  }

</sc_bundles>
